<compile_context>
chip_gen: v7x
topology: tpu7x:2x2x1
jax: 0.10.2.dev20260603
libtpu: 0.0.44.dev20260713+nightly
codegen_flags: <defaults>
</compile_context>

<pallas_src>
import functools

import jax
import jax.numpy as jnp
from jax import lax
from jax.experimental import pallas as pl
from jax.experimental.pallas import tpu as pltpu
from jax.experimental.pallas import tpu_sc as plsc

N = 10000
E = 320000
D = 128
L = 3
C = 512

NC = 2
NS = 16
NW = NC * NS
EPW = E // NW
CH = 80
NCHUNK = EPW // CH
ROWS_PER_TILE = 632
NPAD = NS * ROWS_PER_TILE

G = 1280
GPW = G // NW

RB = 400
NB = N // RB

_HI = lax.Precision.HIGHEST


def _build_seg_sum():
    mesh = plsc.VectorSubcoreMesh(core_axis_name="c", subcore_axis_name="s", num_cores=NC, num_subcores=NS)

    @functools.partial(
        pl.kernel,
        out_type=jax.ShapeDtypeStruct((NC, NPAD, D), jnp.float32),
        mesh=mesh,
        scratch_types=[
            pltpu.VMEM_SHARED((NPAD, D), jnp.float32),
            pltpu.VMEM((2, CH), jnp.int32),
            pltpu.VMEM((2, CH), jnp.int32),
            pltpu.VMEM((CH, D), jnp.float32),
            pltpu.VMEM((CH, D), jnp.float32),
            pltpu.VMEM((32, D), jnp.float32),
            pltpu.SemaphoreType.DMA,
            pltpu.SemaphoreType.DMA,
            pltpu.SemaphoreType.DMA,
            pltpu.SemaphoreType.DMA,
        ],
    )
    def seg_sum(h_hbm, eidx_hbm, out_hbm,
                acc, ib0, ib1, rows0, rows1, zbuf, is0, is1, gs0, gs1):
        c = lax.axis_index("c")
        s = lax.axis_index("s")
        w = s * NC + c

        zero16 = jnp.zeros((16,), jnp.float32)

        def zb_body(k, carry):
            zbuf[k // 8, pl.ds((k % 8) * 16, 16)] = zero16
            return carry

        lax.fori_loop(0, 32 * 8, zb_body, 0)
        r0 = s * ROWS_PER_TILE
        for tblk in range(ROWS_PER_TILE // 32 - 1):
            pltpu.sync_copy(zbuf, acc.at[pl.ds(r0 + tblk * 32, 32), :])
        pltpu.sync_copy(zbuf.at[pl.ds(0, ROWS_PER_TILE % 32 or 32), :],
                        acc.at[pl.ds(r0 + (ROWS_PER_TILE // 32 - 1) * 32,
                                     ROWS_PER_TILE % 32 or 32), :])
        plsc.subcore_barrier()

        pltpu.sync_copy(eidx_hbm.at[w, 0], ib0)
        pltpu.async_copy(eidx_hbm.at[w, 1], ib1, is1)
        pltpu.async_copy(h_hbm.at[ib0.at[0]], rows0, gs0)

        def body(k, carry):
            j0 = 2 * k
            pltpu.make_async_copy(h_hbm.at[ib0.at[0]], rows0, gs0).wait()
            pltpu.make_async_copy(eidx_hbm.at[w, j0 + 1], ib1, is1).wait()
            pltpu.async_copy(h_hbm.at[ib1.at[0]], rows1, gs1)
            pltpu.sync_copy(rows0, acc.at[ib0.at[1]], add=True)
            pltpu.async_copy(eidx_hbm.at[w, j0 + 2], ib0, is0)
            pltpu.make_async_copy(h_hbm.at[ib1.at[0]], rows1, gs1).wait()
            pltpu.make_async_copy(eidx_hbm.at[w, j0 + 2], ib0, is0).wait()
            pltpu.async_copy(h_hbm.at[ib0.at[0]], rows0, gs0)
            pltpu.sync_copy(rows1, acc.at[ib1.at[1]], add=True)
            pltpu.async_copy(eidx_hbm.at[w, j0 + 3], ib1, is1)
            return carry

        lax.fori_loop(0, (NCHUNK - 1) // 2, body, 0)
        pltpu.make_async_copy(h_hbm.at[ib0.at[0]], rows0, gs0).wait()
        pltpu.make_async_copy(eidx_hbm.at[w, NCHUNK], ib1, is1).wait()
        pltpu.sync_copy(rows0, acc.at[ib0.at[1]], add=True)

        plsc.subcore_barrier()

        pltpu.sync_copy(acc.at[pl.ds(r0, ROWS_PER_TILE), :],
                        out_hbm.at[c, pl.ds(r0, ROWS_PER_TILE), :])

    return seg_sum


_seg_sum = _build_seg_sum()


def _build_gather():
    mesh = plsc.VectorSubcoreMesh(core_axis_name="c", subcore_axis_name="s", num_cores=NC, num_subcores=NS)

    @functools.partial(
        pl.kernel,
        out_type=jax.ShapeDtypeStruct((G, D), jnp.float32),
        mesh=mesh,
        scratch_types=[
            pltpu.VMEM((GPW,), jnp.int32),
            pltpu.VMEM((GPW, D), jnp.float32),
            pltpu.SemaphoreType.DMA,
        ],
    )
    def gather_rows(h_hbm, idx_hbm, out_hbm, idxv, rowsv, sem):
        c = lax.axis_index("c")
        s = lax.axis_index("s")
        w = s * NC + c
        base = w * GPW
        pltpu.sync_copy(idx_hbm.at[pl.ds(base, GPW)], idxv)
        pltpu.async_copy(h_hbm.at[idxv], rowsv, sem).wait()
        pltpu.sync_copy(rowsv, out_hbm.at[pl.ds(base, GPW), :])

    return gather_rows


_gather_rows = _build_gather()


def _mlp_body(eps_ref, h_ref, agg_ref, w1_ref, b1_ref, w2_ref, b2_ref,
              z_ref, st_ref, acc_ref):
    i = pl.program_id(0)
    u = eps_ref[0] * h_ref[...] + agg_ref[0] + agg_ref[1]
    a1 = jnp.maximum(
        jnp.dot(u, w1_ref[...], preferred_element_type=jnp.float32,
                precision=_HI) + b1_ref[...], 0.0)
    z = jnp.dot(a1, w2_ref[...], preferred_element_type=jnp.float32,
                precision=_HI) + b2_ref[...]
    z_ref[...] = z
    ps = jnp.sum(z, axis=0, keepdims=True)
    pq = jnp.sum(z * z, axis=0, keepdims=True)
    stk = jnp.concatenate([ps, pq], axis=0)

    @pl.when(i == 0)
    def _():
        acc_ref[...] = stk

    @pl.when(i > 0)
    def _():
        acc_ref[...] = acc_ref[...] + stk

    @pl.when(i == NB - 1)
    def _():
        st_ref[...] = acc_ref[...]


def _mlp(h, agg, w1, b1, w2, b2, eps1):
    return pl.pallas_call(
        _mlp_body,
        grid=(NB,),
        in_specs=[
            pl.BlockSpec(memory_space=pltpu.SMEM),
            pl.BlockSpec((RB, D), lambda i: (i, 0)),
            pl.BlockSpec((NC, RB, D), lambda i: (0, i, 0)),
            pl.BlockSpec((D, D), lambda i: (0, 0)),
            pl.BlockSpec((1, D), lambda i: (0, 0)),
            pl.BlockSpec((D, D), lambda i: (0, 0)),
            pl.BlockSpec((1, D), lambda i: (0, 0)),
        ],
        out_specs=[
            pl.BlockSpec((RB, D), lambda i: (i, 0)),
            pl.BlockSpec((2, D), lambda i: (0, 0)),
        ],
        out_shape=[
            jax.ShapeDtypeStruct((N, D), jnp.float32),
            jax.ShapeDtypeStruct((2, D), jnp.float32),
        ],
        scratch_shapes=[pltpu.VMEM((2, D), jnp.float32)],
    )(eps1, h, agg, w1, b1, w2, b2)


def _bn_body(z_ref, h_ref, st_ref, g_ref, b_ref, o_ref):
    mean = st_ref[0:1, :] * (1.0 / N)
    ex2 = st_ref[1:2, :] * (1.0 / N)
    var = ex2 - mean * mean
    inv = lax.rsqrt(var + 1e-5)
    o_ref[...] = (z_ref[...] - mean) * (inv * g_ref[...]) + b_ref[...] + h_ref[...]


def _bnres(z, h, st, gamma, beta):
    return pl.pallas_call(
        _bn_body,
        grid=(NB,),
        in_specs=[
            pl.BlockSpec((RB, D), lambda i: (i, 0)),
            pl.BlockSpec((RB, D), lambda i: (i, 0)),
            pl.BlockSpec((2, D), lambda i: (0, 0)),
            pl.BlockSpec((1, D), lambda i: (0, 0)),
            pl.BlockSpec((1, D), lambda i: (0, 0)),
        ],
        out_specs=pl.BlockSpec((RB, D), lambda i: (i, 0)),
        out_shape=jax.ShapeDtypeStruct((N, D), jnp.float32),
    )(z, h, st, gamma, beta)


def _score_body(t_ref, rows_ref, tw_ref, tp_ref, taw_ref, tab_ref,
                epw1_ref, epb1_ref, epw2_ref, epb2_ref,
                ohw1_ref, ohb1_ref, ohw2_ref, ohb2_ref,
                pl_ref, ol_ref):
    tf = t_ref[0]
    ang = tw_ref[...] * tf + tp_ref[...]
    aff = taw_ref[...] * tf + tab_ref[...]
    temb = jnp.concatenate([jnp.sin(ang), jnp.cos(ang), aff], axis=1)
    ha = rows_ref[0:1, :]
    hb = rows_ref[1:2, :]
    uv = jnp.concatenate([ha + hb, jnp.abs(ha - hb)], axis=1)
    a_rows = rows_ref[8:8 + C, :]
    b_rows = rows_ref[520:520 + C, :]
    s_xy = a_rows + b_rows
    d_xy = jnp.abs(a_rows - b_rows)

    def head(w1_ref, b1_ref):
        const = (jnp.dot(uv, w1_ref[0:256, :], preferred_element_type=jnp.float32,
                         precision=_HI)
                 + jnp.dot(temb, w1_ref[512:704, :],
                           preferred_element_type=jnp.float32, precision=_HI)
                 + b1_ref[...])
        act = (jnp.dot(s_xy, w1_ref[256:384, :], preferred_element_type=jnp.float32,
                       precision=_HI)
               + jnp.dot(d_xy, w1_ref[384:512, :],
                         preferred_element_type=jnp.float32, precision=_HI)
               + const)
        return jnp.maximum(act, 0.0)

    hp = head(epw1_ref, epb1_ref)
    pl_ref[...] = jnp.dot(hp, epw2_ref[...], preferred_element_type=jnp.float32,
                          precision=_HI) + epb2_ref[...]
    ho = head(ohw1_ref, ohb1_ref)
    ol_ref[...] = jnp.dot(ho, ohw2_ref[...], preferred_element_type=jnp.float32,
                          precision=_HI) + ohb2_ref[...]


def _score(tf, rows, t_w, t_p, t_aw, t_ab, epw1, epb1, epw2, epb2,
           ohw1, ohb1, ohw2, ohb2):
    return pl.pallas_call(
        _score_body,
        in_specs=[pl.BlockSpec(memory_space=pltpu.SMEM)] + [pl.BlockSpec()] * 13,
        out_specs=[pl.BlockSpec(), pl.BlockSpec()],
        out_shape=[
            jax.ShapeDtypeStruct((C, 1), jnp.float32),
            jax.ShapeDtypeStruct((C, 2), jnp.float32),
        ],
    )(tf, rows, t_w, t_p, t_aw, t_ab, epw1, epb1, epw2, epb2,
      ohw1, ohb1, ohw2, ohb2)


def kernel(x, edge_index, first_edge, candidate_edges, t,
           gin_W1, gin_b1, gin_W2, gin_b2, gin_eps, bn_gamma, bn_beta,
           t_W, t_P, t_aff_w, t_aff_b,
           ep_W1, ep_b1, ep_W2, ep_b2, oh_W1, oh_b1, oh_W2, oh_b2):
    eidx = jnp.stack([edge_index[0].reshape(NW, NCHUNK, CH),
                      edge_index[1].reshape(NW, NCHUNK, CH)], axis=2)
    eidx = jnp.pad(eidx, ((0, 0), (0, 1), (0, 0), (0, 0)))

    h = x
    for l in range(L):
        agg = _seg_sum(h, eidx)
        eps1 = (1.0 + gin_eps[l]).reshape(1)
        z, st = _mlp(h, agg, gin_W1[l], gin_b1[l].reshape(1, D),
                     gin_W2[l], gin_b2[l].reshape(1, D), eps1)
        h = _bnres(z, h, st, bn_gamma[l].reshape(1, D), bn_beta[l].reshape(1, D))

    pad1 = (jnp.arange(6, dtype=jnp.int32) * 131) % N
    pad2 = (jnp.arange(G - 1032, dtype=jnp.int32) * 131) % N
    idx = jnp.concatenate([
        first_edge.astype(jnp.int32), pad1,
        candidate_edges[:, 0].astype(jnp.int32),
        candidate_edges[:, 1].astype(jnp.int32), pad2,
    ])
    rows = _gather_rows(h, idx)

    tf = jnp.asarray(t, dtype=jnp.float32).reshape(1)
    partner, orient = _score(
        tf, rows,
        t_W.reshape(1, -1), t_P.reshape(1, -1),
        t_aff_w.reshape(1, -1), t_aff_b.reshape(1, -1),
        ep_W1, ep_b1.reshape(1, D), ep_W2.reshape(D, 1),
        ep_b2.reshape(1, 1), oh_W1, oh_b1.reshape(1, D),
        oh_W2, oh_b2.reshape(1, 2))
    return (partner.reshape(C), orient)

# --- scband reference (transcript-rebuilt; emitter-appended) ---
"""Pipeline reference for scband-graph-er-26242250178932 (READ-ONLY COPY).

The authoritative reference and input builder live on the scoring server;
editing this copy changes nothing except your own understanding.
"""

import jax, jax.numpy as jnp
import numpy as np

N = 10000
E = 320000
D = 128
L = 3
C = 512
H2 = D // 2
IN_FEAT = D * 4 + D + (D - H2)  # 704: actual concat dim (uv 2D + xy 2D + t_emb 1.5D)


def setup_inputs(seed: int = 0) -> dict:
    key = jax.random.key(seed)
    ks = jax.random.split(key, 32)
    x = jax.random.normal(ks[0], (N, D), dtype=jnp.float32)
    edge_index = jax.random.randint(ks[1], (2, E), 0, N, dtype=jnp.int32)
    first_edge = jax.random.randint(ks[2], (2,), 0, N, dtype=jnp.int32)
    candidate_edges = jax.random.randint(ks[3], (C, 2), 0, N, dtype=jnp.int32)
    s = 1.0 / np.sqrt(D)
    gin_W1 = jax.random.normal(ks[4], (L, D, D), dtype=jnp.float32) * s
    gin_b1 = jnp.zeros((L, D), dtype=jnp.float32)
    gin_W2 = jax.random.normal(ks[5], (L, D, D), dtype=jnp.float32) * s
    gin_b2 = jnp.zeros((L, D), dtype=jnp.float32)
    gin_eps = jnp.zeros((L,), dtype=jnp.float32)
    bn_gamma = jnp.ones((L, D), dtype=jnp.float32)
    bn_beta = jnp.zeros((L, D), dtype=jnp.float32)
    t_W = jax.random.normal(ks[6], (H2,), dtype=jnp.float32)
    t_P = jnp.zeros((H2,), dtype=jnp.float32)
    t_aff_w = jax.random.normal(ks[7], (D - H2,), dtype=jnp.float32)
    t_aff_b = jnp.zeros((D - H2,), dtype=jnp.float32)
    sf = 1.0 / np.sqrt(IN_FEAT)
    ep_W1 = jax.random.normal(ks[8], (IN_FEAT, D), dtype=jnp.float32) * sf
    ep_b1 = jnp.zeros((D,), dtype=jnp.float32)
    ep_W2 = jax.random.normal(ks[9], (D,), dtype=jnp.float32) * s
    ep_b2 = jnp.zeros((), dtype=jnp.float32)
    oh_W1 = jax.random.normal(ks[10], (IN_FEAT, D), dtype=jnp.float32) * sf
    oh_b1 = jnp.zeros((D,), dtype=jnp.float32)
    oh_W2 = jax.random.normal(ks[11], (D, 2), dtype=jnp.float32) * s
    oh_b2 = jnp.zeros((2,), dtype=jnp.float32)
    return {"x": x, "edge_index": edge_index, "first_edge": first_edge,
            "candidate_edges": candidate_edges, "t": 100,
            "gin_W1": gin_W1, "gin_b1": gin_b1, "gin_W2": gin_W2, "gin_b2": gin_b2,
            "gin_eps": gin_eps, "bn_gamma": bn_gamma, "bn_beta": bn_beta,
            "t_W": t_W, "t_P": t_P, "t_aff_w": t_aff_w, "t_aff_b": t_aff_b,
            "ep_W1": ep_W1, "ep_b1": ep_b1, "ep_W2": ep_W2, "ep_b2": ep_b2,
            "oh_W1": oh_W1, "oh_b1": oh_b1, "oh_W2": oh_W2, "oh_b2": oh_b2}


def _edge_rep(h, a, b):
    ha = h[a]
    hb = h[b]
    return jnp.concatenate([ha + hb, jnp.abs(ha - hb)], axis=-1)


def reference(x, edge_index, first_edge, candidate_edges, t,
              gin_W1, gin_b1, gin_W2, gin_b2, gin_eps, bn_gamma, bn_beta,
              t_W, t_P, t_aff_w, t_aff_b,
              ep_W1, ep_b1, ep_W2, ep_b2, oh_W1, oh_b1, oh_W2, oh_b2):
    src = edge_index[0]
    dst = edge_index[1]
    h = x
    for l in range(gin_W1.shape[0]):
        # GINConv: nn1((1+eps)*h + sum_{j in N(i)} h_j)  (scatter-add aggregation)
        agg = jax.ops.segment_sum(h[src], dst, num_segments=h.shape[0])
        z = (1.0 + gin_eps[l]) * h + agg
        z = jnp.maximum(z @ gin_W1[l] + gin_b1[l], 0.0) @ gin_W2[l] + gin_b2[l]
        # BatchNorm1d (batch statistics); dropout is identity (eval)
        mean = jnp.mean(z, axis=0)
        var = jnp.var(z, axis=0)
        z = (z - mean) / jnp.sqrt(var + 1e-5) * bn_gamma[l] + bn_beta[l]
        h = z + h  # residual (proj = Identity since in_dim == out_dim)
    u = first_edge[0]
    v = first_edge[1]
    uv_repr = _edge_rep(h, u, v)
    a = candidate_edges[:, 0]
    b = candidate_edges[:, 1]
    xy_repr = _edge_rep(h, a, b)
    tf = jnp.asarray(t, dtype=jnp.float32)
    ang = t_W * tf + t_P
    t_emb = jnp.concatenate([jnp.sin(ang), jnp.cos(ang), t_aff_w * tf + t_aff_b], axis=-1)
    Cn = xy_repr.shape[0]
    Fmat = jnp.concatenate([
        jnp.broadcast_to(uv_repr, (Cn, uv_repr.shape[0])),
        xy_repr,
        jnp.broadcast_to(t_emb, (Cn, t_emb.shape[0]))], axis=1)
    hp = jnp.maximum(Fmat @ ep_W1 + ep_b1, 0.0)
    partner_logits = hp @ ep_W2 + ep_b2
    ho = jnp.maximum(Fmat @ oh_W1 + oh_b1, 0.0)
    orient_logits = ho @ oh_W2 + oh_b2
    return (partner_logits, orient_logits)

if __name__ == "__main__":
    import jax
    _d = setup_inputs()
    print(jax.jit(kernel)(*tuple(_d.values())))

</pallas_src>

<mosaic_0001>
#map = affine_map<(d0, d1) -> (0, 0)>
#map1 = affine_map<(d0, d1) -> (0, 0, 0, 0)>
#map2 = affine_map<(d0, d1) -> (0, 0, 0)>
module attributes {stable_mosaic.version = 14 : i64} {
  func.func @seg_sum(%arg0: i32, %arg1: i32, %arg2: memref<10000x128xf32, #tpu.memory_space<hbm>>, %arg3: memref<32x126x2x80xi32, #tpu.memory_space<hbm>>, %arg4: memref<2x10112x128xf32, #tpu.memory_space<hbm>>, %arg5: memref<10112x128xf32, #tpu.memory_space<vmem_shared>>, %arg6: memref<2x80xi32, #tpu.memory_space<vmem>>, %arg7: memref<2x80xi32, #tpu.memory_space<vmem>>, %arg8: memref<80x128xf32, #tpu.memory_space<vmem>>, %arg9: memref<80x128xf32, #tpu.memory_space<vmem>>, %arg10: memref<32x128xf32, #tpu.memory_space<vmem>>, %arg11: memref<!tpu.dma_semaphore, #tpu.memory_space<semaphore_mem>>, %arg12: memref<!tpu.dma_semaphore, #tpu.memory_space<semaphore_mem>>, %arg13: memref<!tpu.dma_semaphore, #tpu.memory_space<semaphore_mem>>, %arg14: memref<!tpu.dma_semaphore, #tpu.memory_space<semaphore_mem>>) attributes {dimension_semantics = [#tpu.dimension_semantics<core_parallel>, #tpu.dimension_semantics<subcore_parallel>], iteration_bounds = array<i64: 2, 16>, scalar_prefetch = 0 : i64, scratch_operands = 10 : i64, tpu.core_type = #tpu.core_type<sc_vector_subcore>, window_params = [{transform_indices = #map}, {transform_indices = #map1}, {transform_indices = #map2}]} {
    %mul3A = arith.constant 2 : i32
    %mul3A_0 = arith.muli %arg1, %mul3A : i32
    %add3A = arith.addi %mul3A_0, %arg0 : i32
    %broadcast_in_dim3A = arith.constant 0.000000e+00 : f32
    %broadcast_in_dim3A_1 = vector.broadcast %broadcast_in_dim3A : f32 to vector<16xf32>
    %scan3A = arith.constant 0 : i32
    %scan3A_2 = arith.constant 0 : i32
    %scan3A_3 = arith.constant 256 : i32
    %scan3A_4 = arith.addi %scan3A_2, %scan3A_3 : i32
    %scan3A_5 = arith.constant 1 : i32
    scf.for %scan3A_85 = %scan3A_2 to %scan3A_4 step %scan3A_5  : i32 {
      %jit3A = arith.constant 8 : i32
      %div3A = arith.divsi %scan3A_85, %jit3A : i32
      %sign3A = arith.constant 0 : i32
      %sign3A_86 = arith.cmpi sgt, %scan3A_85, %sign3A : i32
      %sign3A_87 = arith.extui %sign3A_86 : i1 to i32
      %sign3A_88 = arith.constant 0 : i32
      %sign3A_89 = arith.cmpi slt, %scan3A_85, %sign3A_88 : i32
      %sign3A_90 = arith.extui %sign3A_89 : i1 to i32
      %sign3A_91 = arith.subi %sign3A_87, %sign3A_90 : i32
      %sign3A_92 = arith.constant 0 : i32
      %sign3A_93 = arith.cmpi sgt, %jit3A, %sign3A_92 : i32
      %sign3A_94 = arith.extui %sign3A_93 : i1 to i32
      %sign3A_95 = arith.constant 0 : i32
      %sign3A_96 = arith.cmpi slt, %jit3A, %sign3A_95 : i32
      %sign3A_97 = arith.extui %sign3A_96 : i1 to i32
      %sign3A_98 = arith.subi %sign3A_94, %sign3A_97 : i32
      %ne3A = arith.cmpi ne, %sign3A_91, %sign3A_98 : i32
      %rem3A = arith.remsi %scan3A_85, %jit3A : i32
      %ne3A_99 = arith.constant 0 : i32
      %ne3A_100 = arith.cmpi ne, %rem3A, %ne3A_99 : i32
      %and3A = arith.andi %ne3A, %ne3A_100 : i1
      %sub3A = arith.constant 1 : i32
      %sub3A_101 = arith.subi %div3A, %sub3A : i32
      %select_n3A = arith.select %and3A, %sub3A_101, %div3A : i32
      %jit3A_102 = arith.constant 8 : i32
      %eq3A = arith.constant 0 : i32
      %eq3A_103 = arith.cmpi eq, %jit3A_102, %eq3A : i32
      %jit3A_104 = arith.constant 1 : i32
      %select_n3A_105 = arith.select %eq3A_103, %jit3A_104, %jit3A_102 : i32
      %rem3A_106 = arith.remsi %scan3A_85, %select_n3A_105 : i32
      %ne3A_107 = arith.constant 0 : i32
      %ne3A_108 = arith.cmpi ne, %rem3A_106, %ne3A_107 : i32
      %lt3A = arith.constant 0 : i32
      %lt3A_109 = arith.cmpi slt, %rem3A_106, %lt3A : i32
      %lt3A_110 = arith.constant 0 : i32
      %lt3A_111 = arith.cmpi slt, %select_n3A_105, %lt3A_110 : i32
      %ne3A_112 = arith.xori %lt3A_109, %lt3A_111 : i1
      %and3A_113 = arith.andi %ne3A_112, %ne3A_108 : i1
      %add3A_114 = arith.addi %rem3A_106, %select_n3A_105 : i32
      %select_n3A_115 = arith.select %and3A_113, %add3A_114, %rem3A_106 : i32
      %mul3A_116 = arith.constant 16 : i32
      %mul3A_117 = arith.muli %select_n3A_115, %mul3A_116 : i32
      %swap3A = arith.index_cast %select_n3A : i32 to index
      %swap3A_118 = arith.index_cast %mul3A_117 : i32 to index
      %swap3A_119 = tpu.vector_load %arg10[%swap3A, %swap3A_118] {strides = array<i32>} : memref<32x128xf32, #tpu.memory_space<vmem>>, vector<1x16xf32>,
      %swap3A_120 = vector.shape_cast %swap3A_119 : vector<1x16xf32> to vector<16xf32>
      %swap3A_121 = vector.shape_cast %broadcast_in_dim3A_1 : vector<16xf32> to vector<1x16xf32>
      tpu.vector_store %arg10[%swap3A, %swap3A_118], %swap3A_121 {strides = array<i32>} : memref<32x128xf32, #tpu.memory_space<vmem>>, vector<1x16xf32>,
    }
    %scan3A_6 = arith.constant 256 : i32
    %mul3A_7 = arith.constant 632 : i32
    %mul3A_8 = arith.muli %arg1, %mul3A_7 : i32
    %add3A_9 = arith.constant 0 : i32
    %add3A_10 = arith.addi %mul3A_8, %add3A_9 : i32
    "tpu.region"() ({
      %run_scoped3A_85 = tpu.sem_alloc : memref<!tpu.dma_semaphore, #tpu.memory_space<semaphore_mem>>
      %dma_start3A_86 = arith.constant 0 : i32
      %dma_start3A_87 = tpu.memref_slice %arg5[%add3A_10, %dma_start3A_86] : memref<10112x128xf32, #tpu.memory_space<vmem_shared>> -> memref<32x128xf32, #tpu.memory_space<vmem_shared>>
      %dma_start3A_88 = arith.constant 0 : i32
      %dma_start3A_89 = tpu.memref_slice %arg5[%add3A_10, %dma_start3A_88] : memref<10112x128xf32, #tpu.memory_space<vmem_shared>> -> memref<32x128xf32, #tpu.memory_space<vmem_shared>>
      tpu.enqueue_dma source(%arg10 : memref<32x128xf32, #tpu.memory_space<vmem>>) target(%dma_start3A_89 : memref<32x128xf32, #tpu.memory_space<vmem_shared>>) target_semaphore(%run_scoped3A_85 : memref<!tpu.dma_semaphore, #tpu.memory_space<semaphore_mem>>)
      %dma_wait3A_90 = arith.constant 0 : i32
      %dma_wait3A_91 = tpu.memref_slice %arg5[%add3A_10, %dma_wait3A_90] : memref<10112x128xf32, #tpu.memory_space<vmem_shared>> -> memref<32x128xf32, #tpu.memory_space<vmem_shared>>
      %dma_wait3A_92 = arith.constant 0 : i32
      %dma_wait3A_93 = tpu.memref_slice %arg5[%add3A_10, %dma_wait3A_92] : memref<10112x128xf32, #tpu.memory_space<vmem_shared>> -> memref<32x128xf32, #tpu.memory_space<vmem_shared>>
      tpu.wait_dma2 semaphore(%run_scoped3A_85 : memref<!tpu.dma_semaphore, #tpu.memory_space<semaphore_mem>>) src(%arg10 : memref<32x128xf32, #tpu.memory_space<vmem>>) dst(%dma_wait3A_93 : memref<32x128xf32, #tpu.memory_space<vmem_shared>>)
      tpu.yield
    }) : () -> ()
    %add3A_11 = arith.constant 32 : i32
    %add3A_12 = arith.addi %mul3A_8, %add3A_11 : i32
    "tpu.region"() ({
      %run_scoped3A_85 = tpu.sem_alloc : memref<!tpu.dma_semaphore, #tpu.memory_space<semaphore_mem>>
      %dma_start3A_86 = arith.constant 0 : i32
      %dma_start3A_87 = tpu.memref_slice %arg5[%add3A_12, %dma_start3A_86] : memref<10112x128xf32, #tpu.memory_space<vmem_shared>> -> memref<32x128xf32, #tpu.memory_space<vmem_shared>>
      %dma_start3A_88 = arith.constant 0 : i32
      %dma_start3A_89 = tpu.memref_slice %arg5[%add3A_12, %dma_start3A_88] : memref<10112x128xf32, #tpu.memory_space<vmem_shared>> -> memref<32x128xf32, #tpu.memory_space<vmem_shared>>
      tpu.enqueue_dma source(%arg10 : memref<32x128xf32, #tpu.memory_space<vmem>>) target(%dma_start3A_89 : memref<32x128xf32, #tpu.memory_space<vmem_shared>>) target_semaphore(%run_scoped3A_85 : memref<!tpu.dma_semaphore, #tpu.memory_space<semaphore_mem>>)
      %dma_wait3A_90 = arith.constant 0 : i32
      %dma_wait3A_91 = tpu.memref_slice %arg5[%add3A_12, %dma_wait3A_90] : memref<10112x128xf32, #tpu.memory_space<vmem_shared>> -> memref<32x128xf32, #tpu.memory_space<vmem_shared>>
      %dma_wait3A_92 = arith.constant 0 : i32
      %dma_wait3A_93 = tpu.memref_slice %arg5[%add3A_12, %dma_wait3A_92] : memref<10112x128xf32, #tpu.memory_space<vmem_shared>> -> memref<32x128xf32, #tpu.memory_space<vmem_shared>>
      tpu.wait_dma2 semaphore(%run_scoped3A_85 : memref<!tpu.dma_semaphore, #tpu.memory_space<semaphore_mem>>) src(%arg10 : memref<32x128xf32, #tpu.memory_space<vmem>>) dst(%dma_wait3A_93 : memref<32x128xf32, #tpu.memory_space<vmem_shared>>)
      tpu.yield
    }) : () -> ()
    %add3A_13 = arith.constant 64 : i32
    %add3A_14 = arith.addi %mul3A_8, %add3A_13 : i32
    "tpu.region"() ({
      %run_scoped3A_85 = tpu.sem_alloc : memref<!tpu.dma_semaphore, #tpu.memory_space<semaphore_mem>>
      %dma_start3A_86 = arith.constant 0 : i32
      %dma_start3A_87 = tpu.memref_slice %arg5[%add3A_14, %dma_start3A_86] : memref<10112x128xf32, #tpu.memory_space<vmem_shared>> -> memref<32x128xf32, #tpu.memory_space<vmem_shared>>
      %dma_start3A_88 = arith.constant 0 : i32
      %dma_start3A_89 = tpu.memref_slice %arg5[%add3A_14, %dma_start3A_88] : memref<10112x128xf32, #tpu.memory_space<vmem_shared>> -> memref<32x128xf32, #tpu.memory_space<vmem_shared>>
      tpu.enqueue_dma source(%arg10 : memref<32x128xf32, #tpu.memory_space<vmem>>) target(%dma_start3A_89 : memref<32x128xf32, #tpu.memory_space<vmem_shared>>) target_semaphore(%run_scoped3A_85 : memref<!tpu.dma_semaphore, #tpu.memory_space<semaphore_mem>>)
      %dma_wait3A_90 = arith.constant 0 : i32
      %dma_wait3A_91 = tpu.memref_slice %arg5[%add3A_14, %dma_wait3A_90] : memref<10112x128xf32, #tpu.memory_space<vmem_shared>> -> memref<32x128xf32, #tpu.memory_space<vmem_shared>>
      %dma_wait3A_92 = arith.constant 0 : i32
      %dma_wait3A_93 = tpu.memref_slice %arg5[%add3A_14, %dma_wait3A_92] : memref<10112x128xf32, #tpu.memory_space<vmem_shared>> -> memref<32x128xf32, #tpu.memory_space<vmem_shared>>
      tpu.wait_dma2 semaphore(%run_scoped3A_85 : memref<!tpu.dma_semaphore, #tpu.memory_space<semaphore_mem>>) src(%arg10 : memref<32x128xf32, #tpu.memory_space<vmem>>) dst(%dma_wait3A_93 : memref<32x128xf32, #tpu.memory_space<vmem_shared>>)
      tpu.yield
    }) : () -> ()
    %add3A_15 = arith.constant 96 : i32
    %add3A_16 = arith.addi %mul3A_8, %add3A_15 : i32
    "tpu.region"() ({
      %run_scoped3A_85 = tpu.sem_alloc : memref<!tpu.dma_semaphore, #tpu.memory_space<semaphore_mem>>
      %dma_start3A_86 = arith.constant 0 : i32
      %dma_start3A_87 = tpu.memref_slice %arg5[%add3A_16, %dma_start3A_86] : memref<10112x128xf32, #tpu.memory_space<vmem_shared>> -> memref<32x128xf32, #tpu.memory_space<vmem_shared>>
      %dma_start3A_88 = arith.constant 0 : i32
      %dma_start3A_89 = tpu.memref_slice %arg5[%add3A_16, %dma_start3A_88] : memref<10112x128xf32, #tpu.memory_space<vmem_shared>> -> memref<32x128xf32, #tpu.memory_space<vmem_shared>>
      tpu.enqueue_dma source(%arg10 : memref<32x128xf32, #tpu.memory_space<vmem>>) target(%dma_start3A_89 : memref<32x128xf32, #tpu.memory_space<vmem_shared>>) target_semaphore(%run_scoped3A_85 : memref<!tpu.dma_semaphore, #tpu.memory_space<semaphore_mem>>)
      %dma_wait3A_90 = arith.constant 0 : i32
      %dma_wait3A_91 = tpu.memref_slice %arg5[%add3A_16, %dma_wait3A_90] : memref<10112x128xf32, #tpu.memory_space<vmem_shared>> -> memref<32x128xf32, #tpu.memory_space<vmem_shared>>
      %dma_wait3A_92 = arith.constant 0 : i32
      %dma_wait3A_93 = tpu.memref_slice %arg5[%add3A_16, %dma_wait3A_92] : memref<10112x128xf32, #tpu.memory_space<vmem_shared>> -> memref<32x128xf32, #tpu.memory_space<vmem_shared>>
      tpu.wait_dma2 semaphore(%run_scoped3A_85 : memref<!tpu.dma_semaphore, #tpu.memory_space<semaphore_mem>>) src(%arg10 : memref<32x128xf32, #tpu.memory_space<vmem>>) dst(%dma_wait3A_93 : memref<32x128xf32, #tpu.memory_space<vmem_shared>>)
      tpu.yield
    }) : () -> ()
    %add3A_17 = arith.constant 128 : i32
    %add3A_18 = arith.addi %mul3A_8, %add3A_17 : i32
    "tpu.region"() ({
      %run_scoped3A_85 = tpu.sem_alloc : memref<!tpu.dma_semaphore, #tpu.memory_space<semaphore_mem>>
      %dma_start3A_86 = arith.constant 0 : i32
      %dma_start3A_87 = tpu.memref_slice %arg5[%add3A_18, %dma_start3A_86] : memref<10112x128xf32, #tpu.memory_space<vmem_shared>> -> memref<32x128xf32, #tpu.memory_space<vmem_shared>>
      %dma_start3A_88 = arith.constant 0 : i32
      %dma_start3A_89 = tpu.memref_slice %arg5[%add3A_18, %dma_start3A_88] : memref<10112x128xf32, #tpu.memory_space<vmem_shared>> -> memref<32x128xf32, #tpu.memory_space<vmem_shared>>
      tpu.enqueue_dma source(%arg10 : memref<32x128xf32, #tpu.memory_space<vmem>>) target(%dma_start3A_89 : memref<32x128xf32, #tpu.memory_space<vmem_shared>>) target_semaphore(%run_scoped3A_85 : memref<!tpu.dma_semaphore, #tpu.memory_space<semaphore_mem>>)
      %dma_wait3A_90 = arith.constant 0 : i32
      %dma_wait3A_91 = tpu.memref_slice %arg5[%add3A_18, %dma_wait3A_90] : memref<10112x128xf32, #tpu.memory_space<vmem_shared>> -> memref<32x128xf32, #tpu.memory_space<vmem_shared>>
      %dma_wait3A_92 = arith.constant 0 : i32
      %dma_wait3A_93 = tpu.memref_slice %arg5[%add3A_18, %dma_wait3A_92] : memref<10112x128xf32, #tpu.memory_space<vmem_shared>> -> memref<32x128xf32, #tpu.memory_space<vmem_shared>>
      tpu.wait_dma2 semaphore(%run_scoped3A_85 : memref<!tpu.dma_semaphore, #tpu.memory_space<semaphore_mem>>) src(%arg10 : memref<32x128xf32, #tpu.memory_space<vmem>>) dst(%dma_wait3A_93 : memref<32x128xf32, #tpu.memory_space<vmem_shared>>)
      tpu.yield
    }) : () -> ()
    %add3A_19 = arith.constant 160 : i32
    %add3A_20 = arith.addi %mul3A_8, %add3A_19 : i32
    "tpu.region"() ({
      %run_scoped3A_85 = tpu.sem_alloc : memref<!tpu.dma_semaphore, #tpu.memory_space<semaphore_mem>>
      %dma_start3A_86 = arith.constant 0 : i32
      %dma_start3A_87 = tpu.memref_slice %arg5[%add3A_20, %dma_start3A_86] : memref<10112x128xf32, #tpu.memory_space<vmem_shared>> -> memref<32x128xf32, #tpu.memory_space<vmem_shared>>
      %dma_start3A_88 = arith.constant 0 : i32
      %dma_start3A_89 = tpu.memref_slice %arg5[%add3A_20, %dma_start3A_88] : memref<10112x128xf32, #tpu.memory_space<vmem_shared>> -> memref<32x128xf32, #tpu.memory_space<vmem_shared>>
      tpu.enqueue_dma source(%arg10 : memref<32x128xf32, #tpu.memory_space<vmem>>) target(%dma_start3A_89 : memref<32x128xf32, #tpu.memory_space<vmem_shared>>) target_semaphore(%run_scoped3A_85 : memref<!tpu.dma_semaphore, #tpu.memory_space<semaphore_mem>>)
      %dma_wait3A_90 = arith.constant 0 : i32
      %dma_wait3A_91 = tpu.memref_slice %arg5[%add3A_20, %dma_wait3A_90] : memref<10112x128xf32, #tpu.memory_space<vmem_shared>> -> memref<32x128xf32, #tpu.memory_space<vmem_shared>>
      %dma_wait3A_92 = arith.constant 0 : i32
      %dma_wait3A_93 = tpu.memref_slice %arg5[%add3A_20, %dma_wait3A_92] : memref<10112x128xf32, #tpu.memory_space<vmem_shared>> -> memref<32x128xf32, #tpu.memory_space<vmem_shared>>
      tpu.wait_dma2 semaphore(%run_scoped3A_85 : memref<!tpu.dma_semaphore, #tpu.memory_space<semaphore_mem>>) src(%arg10 : memref<32x128xf32, #tpu.memory_space<vmem>>) dst(%dma_wait3A_93 : memref<32x128xf32, #tpu.memory_space<vmem_shared>>)
      tpu.yield
    }) : () -> ()
    %add3A_21 = arith.constant 192 : i32
    %add3A_22 = arith.addi %mul3A_8, %add3A_21 : i32
    "tpu.region"() ({
      %run_scoped3A_85 = tpu.sem_alloc : memref<!tpu.dma_semaphore, #tpu.memory_space<semaphore_mem>>
      %dma_start3A_86 = arith.constant 0 : i32
      %dma_start3A_87 = tpu.memref_slice %arg5[%add3A_22, %dma_start3A_86] : memref<10112x128xf32, #tpu.memory_space<vmem_shared>> -> memref<32x128xf32, #tpu.memory_space<vmem_shared>>
      %dma_start3A_88 = arith.constant 0 : i32
      %dma_start3A_89 = tpu.memref_slice %arg5[%add3A_22, %dma_start3A_88] : memref<10112x128xf32, #tpu.memory_space<vmem_shared>> -> memref<32x128xf32, #tpu.memory_space<vmem_shared>>
      tpu.enqueue_dma source(%arg10 : memref<32x128xf32, #tpu.memory_space<vmem>>) target(%dma_start3A_89 : memref<32x128xf32, #tpu.memory_space<vmem_shared>>) target_semaphore(%run_scoped3A_85 : memref<!tpu.dma_semaphore, #tpu.memory_space<semaphore_mem>>)
      %dma_wait3A_90 = arith.constant 0 : i32
      %dma_wait3A_91 = tpu.memref_slice %arg5[%add3A_22, %dma_wait3A_90] : memref<10112x128xf32, #tpu.memory_space<vmem_shared>> -> memref<32x128xf32, #tpu.memory_space<vmem_shared>>
      %dma_wait3A_92 = arith.constant 0 : i32
      %dma_wait3A_93 = tpu.memref_slice %arg5[%add3A_22, %dma_wait3A_92] : memref<10112x128xf32, #tpu.memory_space<vmem_shared>> -> memref<32x128xf32, #tpu.memory_space<vmem_shared>>
      tpu.wait_dma2 semaphore(%run_scoped3A_85 : memref<!tpu.dma_semaphore, #tpu.memory_space<semaphore_mem>>) src(%arg10 : memref<32x128xf32, #tpu.memory_space<vmem>>) dst(%dma_wait3A_93 : memref<32x128xf32, #tpu.memory_space<vmem_shared>>)
      tpu.yield
    }) : () -> ()
    %add3A_23 = arith.constant 224 : i32
    %add3A_24 = arith.addi %mul3A_8, %add3A_23 : i32
    "tpu.region"() ({
      %run_scoped3A_85 = tpu.sem_alloc : memref<!tpu.dma_semaphore, #tpu.memory_space<semaphore_mem>>
      %dma_start3A_86 = arith.constant 0 : i32
      %dma_start3A_87 = tpu.memref_slice %arg5[%add3A_24, %dma_start3A_86] : memref<10112x128xf32, #tpu.memory_space<vmem_shared>> -> memref<32x128xf32, #tpu.memory_space<vmem_shared>>
      %dma_start3A_88 = arith.constant 0 : i32
      %dma_start3A_89 = tpu.memref_slice %arg5[%add3A_24, %dma_start3A_88] : memref<10112x128xf32, #tpu.memory_space<vmem_shared>> -> memref<32x128xf32, #tpu.memory_space<vmem_shared>>
      tpu.enqueue_dma source(%arg10 : memref<32x128xf32, #tpu.memory_space<vmem>>) target(%dma_start3A_89 : memref<32x128xf32, #tpu.memory_space<vmem_shared>>) target_semaphore(%run_scoped3A_85 : memref<!tpu.dma_semaphore, #tpu.memory_space<semaphore_mem>>)
      %dma_wait3A_90 = arith.constant 0 : i32
      %dma_wait3A_91 = tpu.memref_slice %arg5[%add3A_24, %dma_wait3A_90] : memref<10112x128xf32, #tpu.memory_space<vmem_shared>> -> memref<32x128xf32, #tpu.memory_space<vmem_shared>>
      %dma_wait3A_92 = arith.constant 0 : i32
      %dma_wait3A_93 = tpu.memref_slice %arg5[%add3A_24, %dma_wait3A_92] : memref<10112x128xf32, #tpu.memory_space<vmem_shared>> -> memref<32x128xf32, #tpu.memory_space<vmem_shared>>
      tpu.wait_dma2 semaphore(%run_scoped3A_85 : memref<!tpu.dma_semaphore, #tpu.memory_space<semaphore_mem>>) src(%arg10 : memref<32x128xf32, #tpu.memory_space<vmem>>) dst(%dma_wait3A_93 : memref<32x128xf32, #tpu.memory_space<vmem_shared>>)
      tpu.yield
    }) : () -> ()
    %add3A_25 = arith.constant 256 : i32
    %add3A_26 = arith.addi %mul3A_8, %add3A_25 : i32
    "tpu.region"() ({
      %run_scoped3A_85 = tpu.sem_alloc : memref<!tpu.dma_semaphore, #tpu.memory_space<semaphore_mem>>
      %dma_start3A_86 = arith.constant 0 : i32
      %dma_start3A_87 = tpu.memref_slice %arg5[%add3A_26, %dma_start3A_86] : memref<10112x128xf32, #tpu.memory_space<vmem_shared>> -> memref<32x128xf32, #tpu.memory_space<vmem_shared>>
      %dma_start3A_88 = arith.constant 0 : i32
      %dma_start3A_89 = tpu.memref_slice %arg5[%add3A_26, %dma_start3A_88] : memref<10112x128xf32, #tpu.memory_space<vmem_shared>> -> memref<32x128xf32, #tpu.memory_space<vmem_shared>>
      tpu.enqueue_dma source(%arg10 : memref<32x128xf32, #tpu.memory_space<vmem>>) target(%dma_start3A_89 : memref<32x128xf32, #tpu.memory_space<vmem_shared>>) target_semaphore(%run_scoped3A_85 : memref<!tpu.dma_semaphore, #tpu.memory_space<semaphore_mem>>)
      %dma_wait3A_90 = arith.constant 0 : i32
      %dma_wait3A_91 = tpu.memref_slice %arg5[%add3A_26, %dma_wait3A_90] : memref<10112x128xf32, #tpu.memory_space<vmem_shared>> -> memref<32x128xf32, #tpu.memory_space<vmem_shared>>
      %dma_wait3A_92 = arith.constant 0 : i32
      %dma_wait3A_93 = tpu.memref_slice %arg5[%add3A_26, %dma_wait3A_92] : memref<10112x128xf32, #tpu.memory_space<vmem_shared>> -> memref<32x128xf32, #tpu.memory_space<vmem_shared>>
      tpu.wait_dma2 semaphore(%run_scoped3A_85 : memref<!tpu.dma_semaphore, #tpu.memory_space<semaphore_mem>>) src(%arg10 : memref<32x128xf32, #tpu.memory_space<vmem>>) dst(%dma_wait3A_93 : memref<32x128xf32, #tpu.memory_space<vmem_shared>>)
      tpu.yield
    }) : () -> ()
    %add3A_27 = arith.constant 288 : i32
    %add3A_28 = arith.addi %mul3A_8, %add3A_27 : i32
    "tpu.region"() ({
      %run_scoped3A_85 = tpu.sem_alloc : memref<!tpu.dma_semaphore, #tpu.memory_space<semaphore_mem>>
      %dma_start3A_86 = arith.constant 0 : i32
      %dma_start3A_87 = tpu.memref_slice %arg5[%add3A_28, %dma_start3A_86] : memref<10112x128xf32, #tpu.memory_space<vmem_shared>> -> memref<32x128xf32, #tpu.memory_space<vmem_shared>>
      %dma_start3A_88 = arith.constant 0 : i32
      %dma_start3A_89 = tpu.memref_slice %arg5[%add3A_28, %dma_start3A_88] : memref<10112x128xf32, #tpu.memory_space<vmem_shared>> -> memref<32x128xf32, #tpu.memory_space<vmem_shared>>
      tpu.enqueue_dma source(%arg10 : memref<32x128xf32, #tpu.memory_space<vmem>>) target(%dma_start3A_89 : memref<32x128xf32, #tpu.memory_space<vmem_shared>>) target_semaphore(%run_scoped3A_85 : memref<!tpu.dma_semaphore, #tpu.memory_space<semaphore_mem>>)
      %dma_wait3A_90 = arith.constant 0 : i32
      %dma_wait3A_91 = tpu.memref_slice %arg5[%add3A_28, %dma_wait3A_90] : memref<10112x128xf32, #tpu.memory_space<vmem_shared>> -> memref<32x128xf32, #tpu.memory_space<vmem_shared>>
      %dma_wait3A_92 = arith.constant 0 : i32
      %dma_wait3A_93 = tpu.memref_slice %arg5[%add3A_28, %dma_wait3A_92] : memref<10112x128xf32, #tpu.memory_space<vmem_shared>> -> memref<32x128xf32, #tpu.memory_space<vmem_shared>>
      tpu.wait_dma2 semaphore(%run_scoped3A_85 : memref<!tpu.dma_semaphore, #tpu.memory_space<semaphore_mem>>) src(%arg10 : memref<32x128xf32, #tpu.memory_space<vmem>>) dst(%dma_wait3A_93 : memref<32x128xf32, #tpu.memory_space<vmem_shared>>)
      tpu.yield
    }) : () -> ()
    %add3A_29 = arith.constant 320 : i32
    %add3A_30 = arith.addi %mul3A_8, %add3A_29 : i32
    "tpu.region"() ({
      %run_scoped3A_85 = tpu.sem_alloc : memref<!tpu.dma_semaphore, #tpu.memory_space<semaphore_mem>>
      %dma_start3A_86 = arith.constant 0 : i32
      %dma_start3A_87 = tpu.memref_slice %arg5[%add3A_30, %dma_start3A_86] : memref<10112x128xf32, #tpu.memory_space<vmem_shared>> -> memref<32x128xf32, #tpu.memory_space<vmem_shared>>
      %dma_start3A_88 = arith.constant 0 : i32
      %dma_start3A_89 = tpu.memref_slice %arg5[%add3A_30, %dma_start3A_88] : memref<10112x128xf32, #tpu.memory_space<vmem_shared>> -> memref<32x128xf32, #tpu.memory_space<vmem_shared>>
      tpu.enqueue_dma source(%arg10 : memref<32x128xf32, #tpu.memory_space<vmem>>) target(%dma_start3A_89 : memref<32x128xf32, #tpu.memory_space<vmem_shared>>) target_semaphore(%run_scoped3A_85 : memref<!tpu.dma_semaphore, #tpu.memory_space<semaphore_mem>>)
      %dma_wait3A_90 = arith.constant 0 : i32
      %dma_wait3A_91 = tpu.memref_slice %arg5[%add3A_30, %dma_wait3A_90] : memref<10112x128xf32, #tpu.memory_space<vmem_shared>> -> memref<32x128xf32, #tpu.memory_space<vmem_shared>>
      %dma_wait3A_92 = arith.constant 0 : i32
      %dma_wait3A_93 = tpu.memref_slice %arg5[%add3A_30, %dma_wait3A_92] : memref<10112x128xf32, #tpu.memory_space<vmem_shared>> -> memref<32x128xf32, #tpu.memory_space<vmem_shared>>
      tpu.wait_dma2 semaphore(%run_scoped3A_85 : memref<!tpu.dma_semaphore, #tpu.memory_space<semaphore_mem>>) src(%arg10 : memref<32x128xf32, #tpu.memory_space<vmem>>) dst(%dma_wait3A_93 : memref<32x128xf32, #tpu.memory_space<vmem_shared>>)
      tpu.yield
    }) : () -> ()
    %add3A_31 = arith.constant 352 : i32
    %add3A_32 = arith.addi %mul3A_8, %add3A_31 : i32
    "tpu.region"() ({
      %run_scoped3A_85 = tpu.sem_alloc : memref<!tpu.dma_semaphore, #tpu.memory_space<semaphore_mem>>
      %dma_start3A_86 = arith.constant 0 : i32
      %dma_start3A_87 = tpu.memref_slice %arg5[%add3A_32, %dma_start3A_86] : memref<10112x128xf32, #tpu.memory_space<vmem_shared>> -> memref<32x128xf32, #tpu.memory_space<vmem_shared>>
      %dma_start3A_88 = arith.constant 0 : i32
      %dma_start3A_89 = tpu.memref_slice %arg5[%add3A_32, %dma_start3A_88] : memref<10112x128xf32, #tpu.memory_space<vmem_shared>> -> memref<32x128xf32, #tpu.memory_space<vmem_shared>>
      tpu.enqueue_dma source(%arg10 : memref<32x128xf32, #tpu.memory_space<vmem>>) target(%dma_start3A_89 : memref<32x128xf32, #tpu.memory_space<vmem_shared>>) target_semaphore(%run_scoped3A_85 : memref<!tpu.dma_semaphore, #tpu.memory_space<semaphore_mem>>)
      %dma_wait3A_90 = arith.constant 0 : i32
      %dma_wait3A_91 = tpu.memref_slice %arg5[%add3A_32, %dma_wait3A_90] : memref<10112x128xf32, #tpu.memory_space<vmem_shared>> -> memref<32x128xf32, #tpu.memory_space<vmem_shared>>
      %dma_wait3A_92 = arith.constant 0 : i32
      %dma_wait3A_93 = tpu.memref_slice %arg5[%add3A_32, %dma_wait3A_92] : memref<10112x128xf32, #tpu.memory_space<vmem_shared>> -> memref<32x128xf32, #tpu.memory_space<vmem_shared>>
      tpu.wait_dma2 semaphore(%run_scoped3A_85 : memref<!tpu.dma_semaphore, #tpu.memory_space<semaphore_mem>>) src(%arg10 : memref<32x128xf32, #tpu.memory_space<vmem>>) dst(%dma_wait3A_93 : memref<32x128xf32, #tpu.memory_space<vmem_shared>>)
      tpu.yield
    }) : () -> ()
    %add3A_33 = arith.constant 384 : i32
    %add3A_34 = arith.addi %mul3A_8, %add3A_33 : i32
    "tpu.region"() ({
      %run_scoped3A_85 = tpu.sem_alloc : memref<!tpu.dma_semaphore, #tpu.memory_space<semaphore_mem>>
      %dma_start3A_86 = arith.constant 0 : i32
      %dma_start3A_87 = tpu.memref_slice %arg5[%add3A_34, %dma_start3A_86] : memref<10112x128xf32, #tpu.memory_space<vmem_shared>> -> memref<32x128xf32, #tpu.memory_space<vmem_shared>>
      %dma_start3A_88 = arith.constant 0 : i32
      %dma_start3A_89 = tpu.memref_slice %arg5[%add3A_34, %dma_start3A_88] : memref<10112x128xf32, #tpu.memory_space<vmem_shared>> -> memref<32x128xf32, #tpu.memory_space<vmem_shared>>
      tpu.enqueue_dma source(%arg10 : memref<32x128xf32, #tpu.memory_space<vmem>>) target(%dma_start3A_89 : memref<32x128xf32, #tpu.memory_space<vmem_shared>>) target_semaphore(%run_scoped3A_85 : memref<!tpu.dma_semaphore, #tpu.memory_space<semaphore_mem>>)
      %dma_wait3A_90 = arith.constant 0 : i32
      %dma_wait3A_91 = tpu.memref_slice %arg5[%add3A_34, %dma_wait3A_90] : memref<10112x128xf32, #tpu.memory_space<vmem_shared>> -> memref<32x128xf32, #tpu.memory_space<vmem_shared>>
      %dma_wait3A_92 = arith.constant 0 : i32
      %dma_wait3A_93 = tpu.memref_slice %arg5[%add3A_34, %dma_wait3A_92] : memref<10112x128xf32, #tpu.memory_space<vmem_shared>> -> memref<32x128xf32, #tpu.memory_space<vmem_shared>>
      tpu.wait_dma2 semaphore(%run_scoped3A_85 : memref<!tpu.dma_semaphore, #tpu.memory_space<semaphore_mem>>) src(%arg10 : memref<32x128xf32, #tpu.memory_space<vmem>>) dst(%dma_wait3A_93 : memref<32x128xf32, #tpu.memory_space<vmem_shared>>)
      tpu.yield
    }) : () -> ()
    %add3A_35 = arith.constant 416 : i32
    %add3A_36 = arith.addi %mul3A_8, %add3A_35 : i32
    "tpu.region"() ({
      %run_scoped3A_85 = tpu.sem_alloc : memref<!tpu.dma_semaphore, #tpu.memory_space<semaphore_mem>>
      %dma_start3A_86 = arith.constant 0 : i32
      %dma_start3A_87 = tpu.memref_slice %arg5[%add3A_36, %dma_start3A_86] : memref<10112x128xf32, #tpu.memory_space<vmem_shared>> -> memref<32x128xf32, #tpu.memory_space<vmem_shared>>
      %dma_start3A_88 = arith.constant 0 : i32
      %dma_start3A_89 = tpu.memref_slice %arg5[%add3A_36, %dma_start3A_88] : memref<10112x128xf32, #tpu.memory_space<vmem_shared>> -> memref<32x128xf32, #tpu.memory_space<vmem_shared>>
      tpu.enqueue_dma source(%arg10 : memref<32x128xf32, #tpu.memory_space<vmem>>) target(%dma_start3A_89 : memref<32x128xf32, #tpu.memory_space<vmem_shared>>) target_semaphore(%run_scoped3A_85 : memref<!tpu.dma_semaphore, #tpu.memory_space<semaphore_mem>>)
      %dma_wait3A_90 = arith.constant 0 : i32
      %dma_wait3A_91 = tpu.memref_slice %arg5[%add3A_36, %dma_wait3A_90] : memref<10112x128xf32, #tpu.memory_space<vmem_shared>> -> memref<32x128xf32, #tpu.memory_space<vmem_shared>>
      %dma_wait3A_92 = arith.constant 0 : i32
      %dma_wait3A_93 = tpu.memref_slice %arg5[%add3A_36, %dma_wait3A_92] : memref<10112x128xf32, #tpu.memory_space<vmem_shared>> -> memref<32x128xf32, #tpu.memory_space<vmem_shared>>
      tpu.wait_dma2 semaphore(%run_scoped3A_85 : memref<!tpu.dma_semaphore, #tpu.memory_space<semaphore_mem>>) src(%arg10 : memref<32x128xf32, #tpu.memory_space<vmem>>) dst(%dma_wait3A_93 : memref<32x128xf32, #tpu.memory_space<vmem_shared>>)
      tpu.yield
    }) : () -> ()
    %add3A_37 = arith.constant 448 : i32
    %add3A_38 = arith.addi %mul3A_8, %add3A_37 : i32
    "tpu.region"() ({
      %run_scoped3A_85 = tpu.sem_alloc : memref<!tpu.dma_semaphore, #tpu.memory_space<semaphore_mem>>
      %dma_start3A_86 = arith.constant 0 : i32
      %dma_start3A_87 = tpu.memref_slice %arg5[%add3A_38, %dma_start3A_86] : memref<10112x128xf32, #tpu.memory_space<vmem_shared>> -> memref<32x128xf32, #tpu.memory_space<vmem_shared>>
      %dma_start3A_88 = arith.constant 0 : i32
      %dma_start3A_89 = tpu.memref_slice %arg5[%add3A_38, %dma_start3A_88] : memref<10112x128xf32, #tpu.memory_space<vmem_shared>> -> memref<32x128xf32, #tpu.memory_space<vmem_shared>>
      tpu.enqueue_dma source(%arg10 : memref<32x128xf32, #tpu.memory_space<vmem>>) target(%dma_start3A_89 : memref<32x128xf32, #tpu.memory_space<vmem_shared>>) target_semaphore(%run_scoped3A_85 : memref<!tpu.dma_semaphore, #tpu.memory_space<semaphore_mem>>)
      %dma_wait3A_90 = arith.constant 0 : i32
      %dma_wait3A_91 = tpu.memref_slice %arg5[%add3A_38, %dma_wait3A_90] : memref<10112x128xf32, #tpu.memory_space<vmem_shared>> -> memref<32x128xf32, #tpu.memory_space<vmem_shared>>
      %dma_wait3A_92 = arith.constant 0 : i32
      %dma_wait3A_93 = tpu.memref_slice %arg5[%add3A_38, %dma_wait3A_92] : memref<10112x128xf32, #tpu.memory_space<vmem_shared>> -> memref<32x128xf32, #tpu.memory_space<vmem_shared>>
      tpu.wait_dma2 semaphore(%run_scoped3A_85 : memref<!tpu.dma_semaphore, #tpu.memory_space<semaphore_mem>>) src(%arg10 : memref<32x128xf32, #tpu.memory_space<vmem>>) dst(%dma_wait3A_93 : memref<32x128xf32, #tpu.memory_space<vmem_shared>>)
      tpu.yield
    }) : () -> ()
    %add3A_39 = arith.constant 480 : i32
    %add3A_40 = arith.addi %mul3A_8, %add3A_39 : i32
    "tpu.region"() ({
      %run_scoped3A_85 = tpu.sem_alloc : memref<!tpu.dma_semaphore, #tpu.memory_space<semaphore_mem>>
      %dma_start3A_86 = arith.constant 0 : i32
      %dma_start3A_87 = tpu.memref_slice %arg5[%add3A_40, %dma_start3A_86] : memref<10112x128xf32, #tpu.memory_space<vmem_shared>> -> memref<32x128xf32, #tpu.memory_space<vmem_shared>>
      %dma_start3A_88 = arith.constant 0 : i32
      %dma_start3A_89 = tpu.memref_slice %arg5[%add3A_40, %dma_start3A_88] : memref<10112x128xf32, #tpu.memory_space<vmem_shared>> -> memref<32x128xf32, #tpu.memory_space<vmem_shared>>
      tpu.enqueue_dma source(%arg10 : memref<32x128xf32, #tpu.memory_space<vmem>>) target(%dma_start3A_89 : memref<32x128xf32, #tpu.memory_space<vmem_shared>>) target_semaphore(%run_scoped3A_85 : memref<!tpu.dma_semaphore, #tpu.memory_space<semaphore_mem>>)
      %dma_wait3A_90 = arith.constant 0 : i32
      %dma_wait3A_91 = tpu.memref_slice %arg5[%add3A_40, %dma_wait3A_90] : memref<10112x128xf32, #tpu.memory_space<vmem_shared>> -> memref<32x128xf32, #tpu.memory_space<vmem_shared>>
      %dma_wait3A_92 = arith.constant 0 : i32
      %dma_wait3A_93 = tpu.memref_slice %arg5[%add3A_40, %dma_wait3A_92] : memref<10112x128xf32, #tpu.memory_space<vmem_shared>> -> memref<32x128xf32, #tpu.memory_space<vmem_shared>>
      tpu.wait_dma2 semaphore(%run_scoped3A_85 : memref<!tpu.dma_semaphore, #tpu.memory_space<semaphore_mem>>) src(%arg10 : memref<32x128xf32, #tpu.memory_space<vmem>>) dst(%dma_wait3A_93 : memref<32x128xf32, #tpu.memory_space<vmem_shared>>)
      tpu.yield
    }) : () -> ()
    %add3A_41 = arith.constant 512 : i32
    %add3A_42 = arith.addi %mul3A_8, %add3A_41 : i32
    "tpu.region"() ({
      %run_scoped3A_85 = tpu.sem_alloc : memref<!tpu.dma_semaphore, #tpu.memory_space<semaphore_mem>>
      %dma_start3A_86 = arith.constant 0 : i32
      %dma_start3A_87 = tpu.memref_slice %arg5[%add3A_42, %dma_start3A_86] : memref<10112x128xf32, #tpu.memory_space<vmem_shared>> -> memref<32x128xf32, #tpu.memory_space<vmem_shared>>
      %dma_start3A_88 = arith.constant 0 : i32
      %dma_start3A_89 = tpu.memref_slice %arg5[%add3A_42, %dma_start3A_88] : memref<10112x128xf32, #tpu.memory_space<vmem_shared>> -> memref<32x128xf32, #tpu.memory_space<vmem_shared>>
      tpu.enqueue_dma source(%arg10 : memref<32x128xf32, #tpu.memory_space<vmem>>) target(%dma_start3A_89 : memref<32x128xf32, #tpu.memory_space<vmem_shared>>) target_semaphore(%run_scoped3A_85 : memref<!tpu.dma_semaphore, #tpu.memory_space<semaphore_mem>>)
      %dma_wait3A_90 = arith.constant 0 : i32
      %dma_wait3A_91 = tpu.memref_slice %arg5[%add3A_42, %dma_wait3A_90] : memref<10112x128xf32, #tpu.memory_space<vmem_shared>> -> memref<32x128xf32, #tpu.memory_space<vmem_shared>>
      %dma_wait3A_92 = arith.constant 0 : i32
      %dma_wait3A_93 = tpu.memref_slice %arg5[%add3A_42, %dma_wait3A_92] : memref<10112x128xf32, #tpu.memory_space<vmem_shared>> -> memref<32x128xf32, #tpu.memory_space<vmem_shared>>
      tpu.wait_dma2 semaphore(%run_scoped3A_85 : memref<!tpu.dma_semaphore, #tpu.memory_space<semaphore_mem>>) src(%arg10 : memref<32x128xf32, #tpu.memory_space<vmem>>) dst(%dma_wait3A_93 : memref<32x128xf32, #tpu.memory_space<vmem_shared>>)
      tpu.yield
    }) : () -> ()
    %add3A_43 = arith.constant 544 : i32
    %add3A_44 = arith.addi %mul3A_8, %add3A_43 : i32
    "tpu.region"() ({
      %run_scoped3A_85 = tpu.sem_alloc : memref<!tpu.dma_semaphore, #tpu.memory_space<semaphore_mem>>
      %dma_start3A_86 = arith.constant 0 : i32
      %dma_start3A_87 = tpu.memref_slice %arg5[%add3A_44, %dma_start3A_86] : memref<10112x128xf32, #tpu.memory_space<vmem_shared>> -> memref<32x128xf32, #tpu.memory_space<vmem_shared>>
      %dma_start3A_88 = arith.constant 0 : i32
      %dma_start3A_89 = tpu.memref_slice %arg5[%add3A_44, %dma_start3A_88] : memref<10112x128xf32, #tpu.memory_space<vmem_shared>> -> memref<32x128xf32, #tpu.memory_space<vmem_shared>>
      tpu.enqueue_dma source(%arg10 : memref<32x128xf32, #tpu.memory_space<vmem>>) target(%dma_start3A_89 : memref<32x128xf32, #tpu.memory_space<vmem_shared>>) target_semaphore(%run_scoped3A_85 : memref<!tpu.dma_semaphore, #tpu.memory_space<semaphore_mem>>)
      %dma_wait3A_90 = arith.constant 0 : i32
      %dma_wait3A_91 = tpu.memref_slice %arg5[%add3A_44, %dma_wait3A_90] : memref<10112x128xf32, #tpu.memory_space<vmem_shared>> -> memref<32x128xf32, #tpu.memory_space<vmem_shared>>
      %dma_wait3A_92 = arith.constant 0 : i32
      %dma_wait3A_93 = tpu.memref_slice %arg5[%add3A_44, %dma_wait3A_92] : memref<10112x128xf32, #tpu.memory_space<vmem_shared>> -> memref<32x128xf32, #tpu.memory_space<vmem_shared>>
      tpu.wait_dma2 semaphore(%run_scoped3A_85 : memref<!tpu.dma_semaphore, #tpu.memory_space<semaphore_mem>>) src(%arg10 : memref<32x128xf32, #tpu.memory_space<vmem>>) dst(%dma_wait3A_93 : memref<32x128xf32, #tpu.memory_space<vmem_shared>>)
      tpu.yield
    }) : () -> ()
    %add3A_45 = arith.constant 576 : i32
    %add3A_46 = arith.addi %mul3A_8, %add3A_45 : i32
    "tpu.region"() ({
      %run_scoped3A_85 = tpu.sem_alloc : memref<!tpu.dma_semaphore, #tpu.memory_space<semaphore_mem>>
      %dma_start3A_86 = arith.constant 0 : i32
      %dma_start3A_87 = arith.constant 0 : i32
      %dma_start3A_88 = tpu.memref_slice %arg10[%dma_start3A_86, %dma_start3A_87] : memref<32x128xf32, #tpu.memory_space<vmem>> -> memref<24x128xf32, #tpu.memory_space<vmem>>
      %dma_start3A_89 = arith.constant 0 : i32
      %dma_start3A_90 = tpu.memref_slice %arg5[%add3A_46, %dma_start3A_89] : memref<10112x128xf32, #tpu.memory_space<vmem_shared>> -> memref<24x128xf32, #tpu.memory_space<vmem_shared>>
      %dma_start3A_91 = arith.constant 0 : i32
      %dma_start3A_92 = tpu.memref_slice %arg5[%add3A_46, %dma_start3A_91] : memref<10112x128xf32, #tpu.memory_space<vmem_shared>> -> memref<24x128xf32, #tpu.memory_space<vmem_shared>>
      %dma_start3A_93 = arith.constant 0 : i32
      %dma_start3A_94 = arith.constant 0 : i32
      %dma_start3A_95 = tpu.memref_slice %arg10[%dma_start3A_93, %dma_start3A_94] : memref<32x128xf32, #tpu.memory_space<vmem>> -> memref<24x128xf32, #tpu.memory_space<vmem>>
      tpu.enqueue_dma source(%dma_start3A_95 : memref<24x128xf32, #tpu.memory_space<vmem>>) target(%dma_start3A_92 : memref<24x128xf32, #tpu.memory_space<vmem_shared>>) target_semaphore(%run_scoped3A_85 : memref<!tpu.dma_semaphore, #tpu.memory_space<semaphore_mem>>)
      %dma_wait3A_96 = arith.constant 0 : i32
      %dma_wait3A_97 = arith.constant 0 : i32
      %dma_wait3A_98 = tpu.memref_slice %arg10[%dma_wait3A_96, %dma_wait3A_97] : memref<32x128xf32, #tpu.memory_space<vmem>> -> memref<24x128xf32, #tpu.memory_space<vmem>>
      %dma_wait3A_99 = arith.constant 0 : i32
      %dma_wait3A_100 = tpu.memref_slice %arg5[%add3A_46, %dma_wait3A_99] : memref<10112x128xf32, #tpu.memory_space<vmem_shared>> -> memref<24x128xf32, #tpu.memory_space<vmem_shared>>
      %dma_wait3A_101 = arith.constant 0 : i32
      %dma_wait3A_102 = tpu.memref_slice %arg5[%add3A_46, %dma_wait3A_101] : memref<10112x128xf32, #tpu.memory_space<vmem_shared>> -> memref<24x128xf32, #tpu.memory_space<vmem_shared>>
      %dma_wait3A_103 = arith.constant 0 : i32
      %dma_wait3A_104 = arith.constant 0 : i32
      %dma_wait3A_105 = tpu.memref_slice %arg10[%dma_wait3A_103, %dma_wait3A_104] : memref<32x128xf32, #tpu.memory_space<vmem>> -> memref<24x128xf32, #tpu.memory_space<vmem>>
      tpu.wait_dma2 semaphore(%run_scoped3A_85 : memref<!tpu.dma_semaphore, #tpu.memory_space<semaphore_mem>>) src(%dma_wait3A_105 : memref<24x128xf32, #tpu.memory_space<vmem>>) dst(%dma_wait3A_102 : memref<24x128xf32, #tpu.memory_space<vmem_shared>>)
      tpu.yield
    }) : () -> ()
    %barrier3A = arith.constant 0 : index
    tpu.barrier barrier_id(%barrier3A)
    %run_scoped3A = arith.constant 0 : i32
    "tpu.region"() ({
      %run_scoped3A_85 = tpu.sem_alloc : memref<!tpu.dma_semaphore, #tpu.memory_space<semaphore_mem>>
      %dma_start3A_86 = arith.constant 0 : i32
      %dma_start3A_87 = arith.constant 0 : i32
      %dma_start3A_88 = tpu.memref_slice %arg3[%add3A, %run_scoped3A, %dma_start3A_86, %dma_start3A_87] : memref<32x126x2x80xi32, #tpu.memory_space<hbm>> -> memref<1x1x2x80xi32, #tpu.memory_space<hbm>>
      %dma_start3A_89 = tpu.memref_squeeze %dma_start3A_88 : memref<1x1x2x80xi32, #tpu.memory_space<hbm>> -> memref<2x80xi32, #tpu.memory_space<hbm>>
      %dma_start3A_90 = arith.constant 0 : i32
      %dma_start3A_91 = arith.constant 0 : i32
      %dma_start3A_92 = tpu.memref_slice %arg3[%add3A, %run_scoped3A, %dma_start3A_90, %dma_start3A_91] : memref<32x126x2x80xi32, #tpu.memory_space<hbm>> -> memref<1x1x2x80xi32, #tpu.memory_space<hbm>>
      %dma_start3A_93 = tpu.memref_squeeze %dma_start3A_92 : memref<1x1x2x80xi32, #tpu.memory_space<hbm>> -> memref<2x80xi32, #tpu.memory_space<hbm>>
      tpu.enqueue_dma source(%dma_start3A_93 : memref<2x80xi32, #tpu.memory_space<hbm>>) target(%arg6 : memref<2x80xi32, #tpu.memory_space<vmem>>) target_semaphore(%run_scoped3A_85 : memref<!tpu.dma_semaphore, #tpu.memory_space<semaphore_mem>>)
      %dma_wait3A_94 = arith.constant 0 : i32
      %dma_wait3A_95 = arith.constant 0 : i32
      %dma_wait3A_96 = tpu.memref_slice %arg3[%add3A, %run_scoped3A, %dma_wait3A_94, %dma_wait3A_95] : memref<32x126x2x80xi32, #tpu.memory_space<hbm>> -> memref<1x1x2x80xi32, #tpu.memory_space<hbm>>
      %dma_wait3A_97 = tpu.memref_squeeze %dma_wait3A_96 : memref<1x1x2x80xi32, #tpu.memory_space<hbm>> -> memref<2x80xi32, #tpu.memory_space<hbm>>
      %dma_wait3A_98 = arith.constant 0 : i32
      %dma_wait3A_99 = arith.constant 0 : i32
      %dma_wait3A_100 = tpu.memref_slice %arg3[%add3A, %run_scoped3A, %dma_wait3A_98, %dma_wait3A_99] : memref<32x126x2x80xi32, #tpu.memory_space<hbm>> -> memref<1x1x2x80xi32, #tpu.memory_space<hbm>>
      %dma_wait3A_101 = tpu.memref_squeeze %dma_wait3A_100 : memref<1x1x2x80xi32, #tpu.memory_space<hbm>> -> memref<2x80xi32, #tpu.memory_space<hbm>>
      tpu.wait_dma2 semaphore(%run_scoped3A_85 : memref<!tpu.dma_semaphore, #tpu.memory_space<semaphore_mem>>) src(%dma_wait3A_101 : memref<2x80xi32, #tpu.memory_space<hbm>>) dst(%arg6 : memref<2x80xi32, #tpu.memory_space<vmem>>)
      tpu.yield
    }) : () -> ()
    %dma_start3A = arith.constant 1 : i32
    %dma_start3A_47 = arith.constant 0 : i32
    %dma_start3A_48 = arith.constant 0 : i32
    %dma_start3A_49 = tpu.memref_slice %arg3[%add3A, %dma_start3A, %dma_start3A_47, %dma_start3A_48] : memref<32x126x2x80xi32, #tpu.memory_space<hbm>> -> memref<1x1x2x80xi32, #tpu.memory_space<hbm>>
    %dma_start3A_50 = tpu.memref_squeeze %dma_start3A_49 : memref<1x1x2x80xi32, #tpu.memory_space<hbm>> -> memref<2x80xi32, #tpu.memory_space<hbm>>
    %dma_start3A_51 = arith.constant 0 : i32
    %dma_start3A_52 = arith.constant 0 : i32
    %dma_start3A_53 = tpu.memref_slice %arg3[%add3A, %dma_start3A, %dma_start3A_51, %dma_start3A_52] : memref<32x126x2x80xi32, #tpu.memory_space<hbm>> -> memref<1x1x2x80xi32, #tpu.memory_space<hbm>>
    %dma_start3A_54 = tpu.memref_squeeze %dma_start3A_53 : memref<1x1x2x80xi32, #tpu.memory_space<hbm>> -> memref<2x80xi32, #tpu.memory_space<hbm>>
    tpu.enqueue_dma source(%dma_start3A_54 : memref<2x80xi32, #tpu.memory_space<hbm>>) target(%arg7 : memref<2x80xi32, #tpu.memory_space<vmem>>) target_semaphore(%arg12 : memref<!tpu.dma_semaphore, #tpu.memory_space<semaphore_mem>>)
    %dma_start3A_55 = arith.constant 0 : i32
    %dma_start3A_56 = arith.constant 0 : i32
    %dma_start3A_57 = tpu.memref_slice %arg6[%dma_start3A_55, %dma_start3A_56] : memref<2x80xi32, #tpu.memory_space<vmem>> -> memref<1x80xi32, #tpu.memory_space<vmem>>
    %dma_start3A_58 = tpu.memref_squeeze %dma_start3A_57 : memref<1x80xi32, #tpu.memory_space<vmem>> -> memref<80xi32, #tpu.memory_space<vmem>>
    %dma_start3A_59 = arith.constant 0 : i32
    %dma_start3A_60 = arith.constant 0 : i32
    %dma_start3A_61 = tpu.memref_slice %arg2[%dma_start3A_59, %dma_start3A_60] : memref<10000x128xf32, #tpu.memory_space<hbm>> -> memref<10000x128xf32, #tpu.memory_space<hbm>>
    tpu.enqueue_indirect_dma source(%dma_start3A_61 : memref<10000x128xf32, #tpu.memory_space<hbm>>) target(%arg8 : memref<80x128xf32, #tpu.memory_space<vmem>>) offsets(%dma_start3A_58 : memref<80xi32, #tpu.memory_space<vmem>>) semaphore(%arg13 : memref<!tpu.dma_semaphore, #tpu.memory_space<semaphore_mem>>)
    %scan3A_62 = arith.constant 0 : i32
    %scan3A_63 = arith.constant 0 : i32
    %scan3A_64 = arith.constant 62 : i32
    %scan3A_65 = arith.addi %scan3A_63, %scan3A_64 : i32
    %scan3A_66 = arith.constant 1 : i32
    scf.for %scan3A_85 = %scan3A_63 to %scan3A_65 step %scan3A_66  : i32 {
      %mul3A_86 = arith.constant 2 : i32
      %mul3A_87 = arith.muli %mul3A_86, %scan3A_85 : i32
      %dma_wait3A_88 = arith.constant 0 : i32
      %dma_wait3A_89 = arith.constant 0 : i32
      %dma_wait3A_90 = tpu.memref_slice %arg6[%dma_wait3A_88, %dma_wait3A_89] : memref<2x80xi32, #tpu.memory_space<vmem>> -> memref<1x80xi32, #tpu.memory_space<vmem>>
      %dma_wait3A_91 = tpu.memref_squeeze %dma_wait3A_90 : memref<1x80xi32, #tpu.memory_space<vmem>> -> memref<80xi32, #tpu.memory_space<vmem>>
      %dma_wait3A_92 = arith.constant 0 : i32
      %dma_wait3A_93 = arith.constant 0 : i32
      %dma_wait3A_94 = tpu.memref_slice %arg2[%dma_wait3A_92, %dma_wait3A_93] : memref<10000x128xf32, #tpu.memory_space<hbm>> -> memref<10000x128xf32, #tpu.memory_space<hbm>>
      tpu.wait_indirect_dma semaphore(%arg13 : memref<!tpu.dma_semaphore, #tpu.memory_space<semaphore_mem>>) src(%dma_wait3A_94 : memref<10000x128xf32, #tpu.memory_space<hbm>>) dst(%arg8 : memref<80x128xf32, #tpu.memory_space<vmem>>)
      %add3A_95 = arith.constant 1 : i32
      %add3A_96 = arith.addi %mul3A_87, %add3A_95 : i32
      %dma_wait3A_97 = arith.constant 0 : i32
      %dma_wait3A_98 = arith.constant 0 : i32
      %dma_wait3A_99 = tpu.memref_slice %arg3[%add3A, %add3A_96, %dma_wait3A_97, %dma_wait3A_98] : memref<32x126x2x80xi32, #tpu.memory_space<hbm>> -> memref<1x1x2x80xi32, #tpu.memory_space<hbm>>
      %dma_wait3A_100 = tpu.memref_squeeze %dma_wait3A_99 : memref<1x1x2x80xi32, #tpu.memory_space<hbm>> -> memref<2x80xi32, #tpu.memory_space<hbm>>
      %dma_wait3A_101 = arith.constant 0 : i32
      %dma_wait3A_102 = arith.constant 0 : i32
      %dma_wait3A_103 = tpu.memref_slice %arg3[%add3A, %add3A_96, %dma_wait3A_101, %dma_wait3A_102] : memref<32x126x2x80xi32, #tpu.memory_space<hbm>> -> memref<1x1x2x80xi32, #tpu.memory_space<hbm>>
      %dma_wait3A_104 = tpu.memref_squeeze %dma_wait3A_103 : memref<1x1x2x80xi32, #tpu.memory_space<hbm>> -> memref<2x80xi32, #tpu.memory_space<hbm>>
      tpu.wait_dma2 semaphore(%arg12 : memref<!tpu.dma_semaphore, #tpu.memory_space<semaphore_mem>>) src(%dma_wait3A_104 : memref<2x80xi32, #tpu.memory_space<hbm>>) dst(%arg7 : memref<2x80xi32, #tpu.memory_space<vmem>>)
      %dma_start3A_105 = arith.constant 0 : i32
      %dma_start3A_106 = arith.constant 0 : i32
      %dma_start3A_107 = tpu.memref_slice %arg7[%dma_start3A_105, %dma_start3A_106] : memref<2x80xi32, #tpu.memory_space<vmem>> -> memref<1x80xi32, #tpu.memory_space<vmem>>
      %dma_start3A_108 = tpu.memref_squeeze %dma_start3A_107 : memref<1x80xi32, #tpu.memory_space<vmem>> -> memref<80xi32, #tpu.memory_space<vmem>>
      %dma_start3A_109 = arith.constant 0 : i32
      %dma_start3A_110 = arith.constant 0 : i32
      %dma_start3A_111 = tpu.memref_slice %arg2[%dma_start3A_109, %dma_start3A_110] : memref<10000x128xf32, #tpu.memory_space<hbm>> -> memref<10000x128xf32, #tpu.memory_space<hbm>>
      tpu.enqueue_indirect_dma source(%dma_start3A_111 : memref<10000x128xf32, #tpu.memory_space<hbm>>) target(%arg9 : memref<80x128xf32, #tpu.memory_space<vmem>>) offsets(%dma_start3A_108 : memref<80xi32, #tpu.memory_space<vmem>>) semaphore(%arg14 : memref<!tpu.dma_semaphore, #tpu.memory_space<semaphore_mem>>)
      %run_scoped3A_112 = arith.constant 1 : i32
      "tpu.region"() ({
        %run_scoped3A_158 = tpu.sem_alloc : memref<!tpu.dma_semaphore, #tpu.memory_space<semaphore_mem>>
        %dma_start3A_159 = arith.constant 0 : i32
        %dma_start3A_160 = tpu.memref_slice %arg6[%run_scoped3A_112, %dma_start3A_159] : memref<2x80xi32, #tpu.memory_space<vmem>> -> memref<1x80xi32, #tpu.memory_space<vmem>>
        %dma_start3A_161 = tpu.memref_squeeze %dma_start3A_160 : memref<1x80xi32, #tpu.memory_space<vmem>> -> memref<80xi32, #tpu.memory_space<vmem>>
        %dma_start3A_162 = arith.constant 0 : i32
        %dma_start3A_163 = arith.constant 0 : i32
        %dma_start3A_164 = tpu.memref_slice %arg5[%dma_start3A_162, %dma_start3A_163] : memref<10112x128xf32, #tpu.memory_space<vmem_shared>> -> memref<10112x128xf32, #tpu.memory_space<vmem_shared>>
        tpu.enqueue_indirect_dma source(%arg8 : memref<80x128xf32, #tpu.memory_space<vmem>>) target(%dma_start3A_164 : memref<10112x128xf32, #tpu.memory_space<vmem_shared>>) offsets(%dma_start3A_161 : memref<80xi32, #tpu.memory_space<vmem>>) semaphore(%run_scoped3A_158 : memref<!tpu.dma_semaphore, #tpu.memory_space<semaphore_mem>>) {add = true}
        %dma_wait3A_165 = arith.constant 0 : i32
        %dma_wait3A_166 = tpu.memref_slice %arg6[%run_scoped3A_112, %dma_wait3A_165] : memref<2x80xi32, #tpu.memory_space<vmem>> -> memref<1x80xi32, #tpu.memory_space<vmem>>
        %dma_wait3A_167 = tpu.memref_squeeze %dma_wait3A_166 : memref<1x80xi32, #tpu.memory_space<vmem>> -> memref<80xi32, #tpu.memory_space<vmem>>
        %dma_wait3A_168 = arith.constant 0 : i32
        %dma_wait3A_169 = arith.constant 0 : i32
        %dma_wait3A_170 = tpu.memref_slice %arg5[%dma_wait3A_168, %dma_wait3A_169] : memref<10112x128xf32, #tpu.memory_space<vmem_shared>> -> memref<10112x128xf32, #tpu.memory_space<vmem_shared>>
        tpu.wait_indirect_dma semaphore(%run_scoped3A_158 : memref<!tpu.dma_semaphore, #tpu.memory_space<semaphore_mem>>) src(%arg8 : memref<80x128xf32, #tpu.memory_space<vmem>>) dst(%dma_wait3A_170 : memref<10112x128xf32, #tpu.memory_space<vmem_shared>>)
        tpu.yield
      }) : () -> ()
      %add3A_113 = arith.constant 2 : i32
      %add3A_114 = arith.addi %mul3A_87, %add3A_113 : i32
      %dma_start3A_115 = arith.constant 0 : i32
      %dma_start3A_116 = arith.constant 0 : i32
      %dma_start3A_117 = tpu.memref_slice %arg3[%add3A, %add3A_114, %dma_start3A_115, %dma_start3A_116] : memref<32x126x2x80xi32, #tpu.memory_space<hbm>> -> memref<1x1x2x80xi32, #tpu.memory_space<hbm>>
      %dma_start3A_118 = tpu.memref_squeeze %dma_start3A_117 : memref<1x1x2x80xi32, #tpu.memory_space<hbm>> -> memref<2x80xi32, #tpu.memory_space<hbm>>
      %dma_start3A_119 = arith.constant 0 : i32
      %dma_start3A_120 = arith.constant 0 : i32
      %dma_start3A_121 = tpu.memref_slice %arg3[%add3A, %add3A_114, %dma_start3A_119, %dma_start3A_120] : memref<32x126x2x80xi32, #tpu.memory_space<hbm>> -> memref<1x1x2x80xi32, #tpu.memory_space<hbm>>
      %dma_start3A_122 = tpu.memref_squeeze %dma_start3A_121 : memref<1x1x2x80xi32, #tpu.memory_space<hbm>> -> memref<2x80xi32, #tpu.memory_space<hbm>>
      tpu.enqueue_dma source(%dma_start3A_122 : memref<2x80xi32, #tpu.memory_space<hbm>>) target(%arg6 : memref<2x80xi32, #tpu.memory_space<vmem>>) target_semaphore(%arg11 : memref<!tpu.dma_semaphore, #tpu.memory_space<semaphore_mem>>)
      %dma_wait3A_123 = arith.constant 0 : i32
      %dma_wait3A_124 = arith.constant 0 : i32
      %dma_wait3A_125 = tpu.memref_slice %arg7[%dma_wait3A_123, %dma_wait3A_124] : memref<2x80xi32, #tpu.memory_space<vmem>> -> memref<1x80xi32, #tpu.memory_space<vmem>>
      %dma_wait3A_126 = tpu.memref_squeeze %dma_wait3A_125 : memref<1x80xi32, #tpu.memory_space<vmem>> -> memref<80xi32, #tpu.memory_space<vmem>>
      %dma_wait3A_127 = arith.constant 0 : i32
      %dma_wait3A_128 = arith.constant 0 : i32
      %dma_wait3A_129 = tpu.memref_slice %arg2[%dma_wait3A_127, %dma_wait3A_128] : memref<10000x128xf32, #tpu.memory_space<hbm>> -> memref<10000x128xf32, #tpu.memory_space<hbm>>
      tpu.wait_indirect_dma semaphore(%arg14 : memref<!tpu.dma_semaphore, #tpu.memory_space<semaphore_mem>>) src(%dma_wait3A_129 : memref<10000x128xf32, #tpu.memory_space<hbm>>) dst(%arg9 : memref<80x128xf32, #tpu.memory_space<vmem>>)
      %add3A_130 = arith.constant 2 : i32
      %add3A_131 = arith.addi %mul3A_87, %add3A_130 : i32
      %dma_wait3A_132 = arith.constant 0 : i32
      %dma_wait3A_133 = arith.constant 0 : i32
      %dma_wait3A_134 = tpu.memref_slice %arg3[%add3A, %add3A_131, %dma_wait3A_132, %dma_wait3A_133] : memref<32x126x2x80xi32, #tpu.memory_space<hbm>> -> memref<1x1x2x80xi32, #tpu.memory_space<hbm>>
      %dma_wait3A_135 = tpu.memref_squeeze %dma_wait3A_134 : memref<1x1x2x80xi32, #tpu.memory_space<hbm>> -> memref<2x80xi32, #tpu.memory_space<hbm>>
      %dma_wait3A_136 = arith.constant 0 : i32
      %dma_wait3A_137 = arith.constant 0 : i32
      %dma_wait3A_138 = tpu.memref_slice %arg3[%add3A, %add3A_131, %dma_wait3A_136, %dma_wait3A_137] : memref<32x126x2x80xi32, #tpu.memory_space<hbm>> -> memref<1x1x2x80xi32, #tpu.memory_space<hbm>>
      %dma_wait3A_139 = tpu.memref_squeeze %dma_wait3A_138 : memref<1x1x2x80xi32, #tpu.memory_space<hbm>> -> memref<2x80xi32, #tpu.memory_space<hbm>>
      tpu.wait_dma2 semaphore(%arg11 : memref<!tpu.dma_semaphore, #tpu.memory_space<semaphore_mem>>) src(%dma_wait3A_139 : memref<2x80xi32, #tpu.memory_space<hbm>>) dst(%arg6 : memref<2x80xi32, #tpu.memory_space<vmem>>)
      %dma_start3A_140 = arith.constant 0 : i32
      %dma_start3A_141 = arith.constant 0 : i32
      %dma_start3A_142 = tpu.memref_slice %arg6[%dma_start3A_140, %dma_start3A_141] : memref<2x80xi32, #tpu.memory_space<vmem>> -> memref<1x80xi32, #tpu.memory_space<vmem>>
      %dma_start3A_143 = tpu.memref_squeeze %dma_start3A_142 : memref<1x80xi32, #tpu.memory_space<vmem>> -> memref<80xi32, #tpu.memory_space<vmem>>
      %dma_start3A_144 = arith.constant 0 : i32
      %dma_start3A_145 = arith.constant 0 : i32
      %dma_start3A_146 = tpu.memref_slice %arg2[%dma_start3A_144, %dma_start3A_145] : memref<10000x128xf32, #tpu.memory_space<hbm>> -> memref<10000x128xf32, #tpu.memory_space<hbm>>
      tpu.enqueue_indirect_dma source(%dma_start3A_146 : memref<10000x128xf32, #tpu.memory_space<hbm>>) target(%arg8 : memref<80x128xf32, #tpu.memory_space<vmem>>) offsets(%dma_start3A_143 : memref<80xi32, #tpu.memory_space<vmem>>) semaphore(%arg13 : memref<!tpu.dma_semaphore, #tpu.memory_space<semaphore_mem>>)
      %run_scoped3A_147 = arith.constant 1 : i32
      "tpu.region"() ({
        %run_scoped3A_158 = tpu.sem_alloc : memref<!tpu.dma_semaphore, #tpu.memory_space<semaphore_mem>>
        %dma_start3A_159 = arith.constant 0 : i32
        %dma_start3A_160 = tpu.memref_slice %arg7[%run_scoped3A_147, %dma_start3A_159] : memref<2x80xi32, #tpu.memory_space<vmem>> -> memref<1x80xi32, #tpu.memory_space<vmem>>
        %dma_start3A_161 = tpu.memref_squeeze %dma_start3A_160 : memref<1x80xi32, #tpu.memory_space<vmem>> -> memref<80xi32, #tpu.memory_space<vmem>>
        %dma_start3A_162 = arith.constant 0 : i32
        %dma_start3A_163 = arith.constant 0 : i32
        %dma_start3A_164 = tpu.memref_slice %arg5[%dma_start3A_162, %dma_start3A_163] : memref<10112x128xf32, #tpu.memory_space<vmem_shared>> -> memref<10112x128xf32, #tpu.memory_space<vmem_shared>>
        tpu.enqueue_indirect_dma source(%arg9 : memref<80x128xf32, #tpu.memory_space<vmem>>) target(%dma_start3A_164 : memref<10112x128xf32, #tpu.memory_space<vmem_shared>>) offsets(%dma_start3A_161 : memref<80xi32, #tpu.memory_space<vmem>>) semaphore(%run_scoped3A_158 : memref<!tpu.dma_semaphore, #tpu.memory_space<semaphore_mem>>) {add = true}
        %dma_wait3A_165 = arith.constant 0 : i32
        %dma_wait3A_166 = tpu.memref_slice %arg7[%run_scoped3A_147, %dma_wait3A_165] : memref<2x80xi32, #tpu.memory_space<vmem>> -> memref<1x80xi32, #tpu.memory_space<vmem>>
        %dma_wait3A_167 = tpu.memref_squeeze %dma_wait3A_166 : memref<1x80xi32, #tpu.memory_space<vmem>> -> memref<80xi32, #tpu.memory_space<vmem>>
        %dma_wait3A_168 = arith.constant 0 : i32
        %dma_wait3A_169 = arith.constant 0 : i32
        %dma_wait3A_170 = tpu.memref_slice %arg5[%dma_wait3A_168, %dma_wait3A_169] : memref<10112x128xf32, #tpu.memory_space<vmem_shared>> -> memref<10112x128xf32, #tpu.memory_space<vmem_shared>>
        tpu.wait_indirect_dma semaphore(%run_scoped3A_158 : memref<!tpu.dma_semaphore, #tpu.memory_space<semaphore_mem>>) src(%arg9 : memref<80x128xf32, #tpu.memory_space<vmem>>) dst(%dma_wait3A_170 : memref<10112x128xf32, #tpu.memory_space<vmem_shared>>)
        tpu.yield
      }) : () -> ()
      %add3A_148 = arith.constant 3 : i32
      %add3A_149 = arith.addi %mul3A_87, %add3A_148 : i32
      %dma_start3A_150 = arith.constant 0 : i32
      %dma_start3A_151 = arith.constant 0 : i32
      %dma_start3A_152 = tpu.memref_slice %arg3[%add3A, %add3A_149, %dma_start3A_150, %dma_start3A_151] : memref<32x126x2x80xi32, #tpu.memory_space<hbm>> -> memref<1x1x2x80xi32, #tpu.memory_space<hbm>>
      %dma_start3A_153 = tpu.memref_squeeze %dma_start3A_152 : memref<1x1x2x80xi32, #tpu.memory_space<hbm>> -> memref<2x80xi32, #tpu.memory_space<hbm>>
      %dma_start3A_154 = arith.constant 0 : i32
      %dma_start3A_155 = arith.constant 0 : i32
      %dma_start3A_156 = tpu.memref_slice %arg3[%add3A, %add3A_149, %dma_start3A_154, %dma_start3A_155] : memref<32x126x2x80xi32, #tpu.memory_space<hbm>> -> memref<1x1x2x80xi32, #tpu.memory_space<hbm>>
      %dma_start3A_157 = tpu.memref_squeeze %dma_start3A_156 : memref<1x1x2x80xi32, #tpu.memory_space<hbm>> -> memref<2x80xi32, #tpu.memory_space<hbm>>
      tpu.enqueue_dma source(%dma_start3A_157 : memref<2x80xi32, #tpu.memory_space<hbm>>) target(%arg7 : memref<2x80xi32, #tpu.memory_space<vmem>>) target_semaphore(%arg12 : memref<!tpu.dma_semaphore, #tpu.memory_space<semaphore_mem>>)
    }
    %scan3A_67 = arith.constant 62 : i32
    %dma_wait3A = arith.constant 0 : i32
    %dma_wait3A_68 = arith.constant 0 : i32
    %dma_wait3A_69 = tpu.memref_slice %arg6[%dma_wait3A, %dma_wait3A_68] : memref<2x80xi32, #tpu.memory_space<vmem>> -> memref<1x80xi32, #tpu.memory_space<vmem>>
    %dma_wait3A_70 = tpu.memref_squeeze %dma_wait3A_69 : memref<1x80xi32, #tpu.memory_space<vmem>> -> memref<80xi32, #tpu.memory_space<vmem>>
    %dma_wait3A_71 = arith.constant 0 : i32
    %dma_wait3A_72 = arith.constant 0 : i32
    %dma_wait3A_73 = tpu.memref_slice %arg2[%dma_wait3A_71, %dma_wait3A_72] : memref<10000x128xf32, #tpu.memory_space<hbm>> -> memref<10000x128xf32, #tpu.memory_space<hbm>>
    tpu.wait_indirect_dma semaphore(%arg13 : memref<!tpu.dma_semaphore, #tpu.memory_space<semaphore_mem>>) src(%dma_wait3A_73 : memref<10000x128xf32, #tpu.memory_space<hbm>>) dst(%arg8 : memref<80x128xf32, #tpu.memory_space<vmem>>)
    %dma_wait3A_74 = arith.constant 125 : i32
    %dma_wait3A_75 = arith.constant 0 : i32
    %dma_wait3A_76 = arith.constant 0 : i32
    %dma_wait3A_77 = tpu.memref_slice %arg3[%add3A, %dma_wait3A_74, %dma_wait3A_75, %dma_wait3A_76] : memref<32x126x2x80xi32, #tpu.memory_space<hbm>> -> memref<1x1x2x80xi32, #tpu.memory_space<hbm>>
    %dma_wait3A_78 = tpu.memref_squeeze %dma_wait3A_77 : memref<1x1x2x80xi32, #tpu.memory_space<hbm>> -> memref<2x80xi32, #tpu.memory_space<hbm>>
    %dma_wait3A_79 = arith.constant 0 : i32
    %dma_wait3A_80 = arith.constant 0 : i32
    %dma_wait3A_81 = tpu.memref_slice %arg3[%add3A, %dma_wait3A_74, %dma_wait3A_79, %dma_wait3A_80] : memref<32x126x2x80xi32, #tpu.memory_space<hbm>> -> memref<1x1x2x80xi32, #tpu.memory_space<hbm>>
    %dma_wait3A_82 = tpu.memref_squeeze %dma_wait3A_81 : memref<1x1x2x80xi32, #tpu.memory_space<hbm>> -> memref<2x80xi32, #tpu.memory_space<hbm>>
    tpu.wait_dma2 semaphore(%arg12 : memref<!tpu.dma_semaphore, #tpu.memory_space<semaphore_mem>>) src(%dma_wait3A_82 : memref<2x80xi32, #tpu.memory_space<hbm>>) dst(%arg7 : memref<2x80xi32, #tpu.memory_space<vmem>>)
    %run_scoped3A_83 = arith.constant 1 : i32
    "tpu.region"() ({
      %run_scoped3A_85 = tpu.sem_alloc : memref<!tpu.dma_semaphore, #tpu.memory_space<semaphore_mem>>
      %dma_start3A_86 = arith.constant 0 : i32
      %dma_start3A_87 = tpu.memref_slice %arg6[%run_scoped3A_83, %dma_start3A_86] : memref<2x80xi32, #tpu.memory_space<vmem>> -> memref<1x80xi32, #tpu.memory_space<vmem>>
      %dma_start3A_88 = tpu.memref_squeeze %dma_start3A_87 : memref<1x80xi32, #tpu.memory_space<vmem>> -> memref<80xi32, #tpu.memory_space<vmem>>
      %dma_start3A_89 = arith.constant 0 : i32
      %dma_start3A_90 = arith.constant 0 : i32
      %dma_start3A_91 = tpu.memref_slice %arg5[%dma_start3A_89, %dma_start3A_90] : memref<10112x128xf32, #tpu.memory_space<vmem_shared>> -> memref<10112x128xf32, #tpu.memory_space<vmem_shared>>
      tpu.enqueue_indirect_dma source(%arg8 : memref<80x128xf32, #tpu.memory_space<vmem>>) target(%dma_start3A_91 : memref<10112x128xf32, #tpu.memory_space<vmem_shared>>) offsets(%dma_start3A_88 : memref<80xi32, #tpu.memory_space<vmem>>) semaphore(%run_scoped3A_85 : memref<!tpu.dma_semaphore, #tpu.memory_space<semaphore_mem>>) {add = true}
      %dma_wait3A_92 = arith.constant 0 : i32
      %dma_wait3A_93 = tpu.memref_slice %arg6[%run_scoped3A_83, %dma_wait3A_92] : memref<2x80xi32, #tpu.memory_space<vmem>> -> memref<1x80xi32, #tpu.memory_space<vmem>>
      %dma_wait3A_94 = tpu.memref_squeeze %dma_wait3A_93 : memref<1x80xi32, #tpu.memory_space<vmem>> -> memref<80xi32, #tpu.memory_space<vmem>>
      %dma_wait3A_95 = arith.constant 0 : i32
      %dma_wait3A_96 = arith.constant 0 : i32
      %dma_wait3A_97 = tpu.memref_slice %arg5[%dma_wait3A_95, %dma_wait3A_96] : memref<10112x128xf32, #tpu.memory_space<vmem_shared>> -> memref<10112x128xf32, #tpu.memory_space<vmem_shared>>
      tpu.wait_indirect_dma semaphore(%run_scoped3A_85 : memref<!tpu.dma_semaphore, #tpu.memory_space<semaphore_mem>>) src(%arg8 : memref<80x128xf32, #tpu.memory_space<vmem>>) dst(%dma_wait3A_97 : memref<10112x128xf32, #tpu.memory_space<vmem_shared>>)
      tpu.yield
    }) : () -> ()
    %barrier3A_84 = arith.constant 0 : index
    tpu.barrier barrier_id(%barrier3A_84)
    "tpu.region"() ({
      %run_scoped3A_85 = tpu.sem_alloc : memref<!tpu.dma_semaphore, #tpu.memory_space<semaphore_mem>>
      %dma_start3A_86 = arith.constant 0 : i32
      %dma_start3A_87 = tpu.memref_slice %arg4[%arg0, %mul3A_8, %dma_start3A_86] : memref<2x10112x128xf32, #tpu.memory_space<hbm>> -> memref<1x632x128xf32, #tpu.memory_space<hbm>>
      %dma_start3A_88 = tpu.memref_squeeze %dma_start3A_87 : memref<1x632x128xf32, #tpu.memory_space<hbm>> -> memref<632x128xf32, #tpu.memory_space<hbm>>
      %dma_start3A_89 = arith.constant 0 : i32
      %dma_start3A_90 = tpu.memref_slice %arg5[%mul3A_8, %dma_start3A_89] : memref<10112x128xf32, #tpu.memory_space<vmem_shared>> -> memref<632x128xf32, #tpu.memory_space<vmem_shared>>
      tpu.enqueue_dma source(%dma_start3A_90 : memref<632x128xf32, #tpu.memory_space<vmem_shared>>) target(%dma_start3A_88 : memref<632x128xf32, #tpu.memory_space<hbm>>) target_semaphore(%run_scoped3A_85 : memref<!tpu.dma_semaphore, #tpu.memory_space<semaphore_mem>>)
      %dma_wait3A_91 = arith.constant 0 : i32
      %dma_wait3A_92 = tpu.memref_slice %arg4[%arg0, %mul3A_8, %dma_wait3A_91] : memref<2x10112x128xf32, #tpu.memory_space<hbm>> -> memref<1x632x128xf32, #tpu.memory_space<hbm>>
      %dma_wait3A_93 = tpu.memref_squeeze %dma_wait3A_92 : memref<1x632x128xf32, #tpu.memory_space<hbm>> -> memref<632x128xf32, #tpu.memory_space<hbm>>
      %dma_wait3A_94 = arith.constant 0 : i32
      %dma_wait3A_95 = tpu.memref_slice %arg5[%mul3A_8, %dma_wait3A_94] : memref<10112x128xf32, #tpu.memory_space<vmem_shared>> -> memref<632x128xf32, #tpu.memory_space<vmem_shared>>
      tpu.wait_dma2 semaphore(%run_scoped3A_85 : memref<!tpu.dma_semaphore, #tpu.memory_space<semaphore_mem>>) src(%dma_wait3A_95 : memref<632x128xf32, #tpu.memory_space<vmem_shared>>) dst(%dma_wait3A_93 : memref<632x128xf32, #tpu.memory_space<hbm>>)
      tpu.yield
    }) : () -> ()
    return
  }
}

#map = affine_map<(d0, d1) -> (0, 0)>
#map1 = affine_map<(d0, d1) -> (0, 0, 0, 0)>
#map2 = affine_map<(d0, d1) -> (0, 0, 0)>
module attributes {stable_mosaic.version = 14 : i64} {
  func.func @seg_sum(%arg0: i32, %arg1: i32, %arg2: memref<10000x128xf32, #tpu.memory_space<hbm>>, %arg3: memref<32x126x2x80xi32, #tpu.memory_space<hbm>>, %arg4: memref<2x10112x128xf32, #tpu.memory_space<hbm>>, %arg5: memref<10112x128xf32, #tpu.memory_space<vmem_shared>>, %arg6: memref<2x80xi32, #tpu.memory_space<vmem>>, %arg7: memref<2x80xi32, #tpu.memory_space<vmem>>, %arg8: memref<80x128xf32, #tpu.memory_space<vmem>>, %arg9: memref<80x128xf32, #tpu.memory_space<vmem>>, %arg10: memref<32x128xf32, #tpu.memory_space<vmem>>, %arg11: memref<!tpu.dma_semaphore, #tpu.memory_space<semaphore_mem>>, %arg12: memref<!tpu.dma_semaphore, #tpu.memory_space<semaphore_mem>>, %arg13: memref<!tpu.dma_semaphore, #tpu.memory_space<semaphore_mem>>, %arg14: memref<!tpu.dma_semaphore, #tpu.memory_space<semaphore_mem>>) attributes {dimension_semantics = [#tpu.dimension_semantics<core_parallel>, #tpu.dimension_semantics<subcore_parallel>], iteration_bounds = array<i64: 2, 16>, scalar_prefetch = 0 : i64, scratch_operands = 10 : i64, tpu.core_type = #tpu.core_type<sc_vector_subcore>, window_params = [{transform_indices = #map}, {transform_indices = #map1}, {transform_indices = #map2}]} {
    %mul3A = arith.constant 2 : i32
    %mul3A_0 = arith.muli %arg1, %mul3A : i32
    %add3A = arith.addi %mul3A_0, %arg0 : i32
    %broadcast_in_dim3A = arith.constant 0.000000e+00 : f32
    %broadcast_in_dim3A_1 = vector.broadcast %broadcast_in_dim3A : f32 to vector<16xf32>
    %scan3A = arith.constant 0 : i32
    %scan3A_2 = arith.constant 0 : i32
    %scan3A_3 = arith.constant 256 : i32
    %scan3A_4 = arith.addi %scan3A_2, %scan3A_3 : i32
    %scan3A_5 = arith.constant 1 : i32
    scf.for %scan3A_85 = %scan3A_2 to %scan3A_4 step %scan3A_5  : i32 {
      %jit3A = arith.constant 8 : i32
      %div3A = arith.divsi %scan3A_85, %jit3A : i32
      %sign3A = arith.constant 0 : i32
      %sign3A_86 = arith.cmpi sgt, %scan3A_85, %sign3A : i32
      %sign3A_87 = arith.extui %sign3A_86 : i1 to i32
      %sign3A_88 = arith.constant 0 : i32
      %sign3A_89 = arith.cmpi slt, %scan3A_85, %sign3A_88 : i32
      %sign3A_90 = arith.extui %sign3A_89 : i1 to i32
      %sign3A_91 = arith.subi %sign3A_87, %sign3A_90 : i32
      %sign3A_92 = arith.constant 0 : i32
      %sign3A_93 = arith.cmpi sgt, %jit3A, %sign3A_92 : i32
      %sign3A_94 = arith.extui %sign3A_93 : i1 to i32
      %sign3A_95 = arith.constant 0 : i32
      %sign3A_96 = arith.cmpi slt, %jit3A, %sign3A_95 : i32
      %sign3A_97 = arith.extui %sign3A_96 : i1 to i32
      %sign3A_98 = arith.subi %sign3A_94, %sign3A_97 : i32
      %ne3A = arith.cmpi ne, %sign3A_91, %sign3A_98 : i32
      %rem3A = arith.remsi %scan3A_85, %jit3A : i32
      %ne3A_99 = arith.constant 0 : i32
      %ne3A_100 = arith.cmpi ne, %rem3A, %ne3A_99 : i32
      %and3A = arith.andi %ne3A, %ne3A_100 : i1
      %sub3A = arith.constant 1 : i32
      %sub3A_101 = arith.subi %div3A, %sub3A : i32
      %select_n3A = arith.select %and3A, %sub3A_101, %div3A : i32
      %jit3A_102 = arith.constant 8 : i32
      %eq3A = arith.constant 0 : i32
      %eq3A_103 = arith.cmpi eq, %jit3A_102, %eq3A : i32
      %jit3A_104 = arith.constant 1 : i32
      %select_n3A_105 = arith.select %eq3A_103, %jit3A_104, %jit3A_102 : i32
      %rem3A_106 = arith.remsi %scan3A_85, %select_n3A_105 : i32
      %ne3A_107 = arith.constant 0 : i32
      %ne3A_108 = arith.cmpi ne, %rem3A_106, %ne3A_107 : i32
      %lt3A = arith.constant 0 : i32
      %lt3A_109 = arith.cmpi slt, %rem3A_106, %lt3A : i32
      %lt3A_110 = arith.constant 0 : i32
      %lt3A_111 = arith.cmpi slt, %select_n3A_105, %lt3A_110 : i32
      %ne3A_112 = arith.xori %lt3A_109, %lt3A_111 : i1
      %and3A_113 = arith.andi %ne3A_112, %ne3A_108 : i1
      %add3A_114 = arith.addi %rem3A_106, %select_n3A_105 : i32
      %select_n3A_115 = arith.select %and3A_113, %add3A_114, %rem3A_106 : i32
      %mul3A_116 = arith.constant 16 : i32
      %mul3A_117 = arith.muli %select_n3A_115, %mul3A_116 : i32
      %swap3A = arith.index_cast %select_n3A : i32 to index
      %swap3A_118 = arith.index_cast %mul3A_117 : i32 to index
      %swap3A_119 = tpu.vector_load %arg10[%swap3A, %swap3A_118] {strides = array<i32>} : memref<32x128xf32, #tpu.memory_space<vmem>>, vector<1x16xf32>,
      %swap3A_120 = vector.shape_cast %swap3A_119 : vector<1x16xf32> to vector<16xf32>
      %swap3A_121 = vector.shape_cast %broadcast_in_dim3A_1 : vector<16xf32> to vector<1x16xf32>
      tpu.vector_store %arg10[%swap3A, %swap3A_118], %swap3A_121 {strides = array<i32>} : memref<32x128xf32, #tpu.memory_space<vmem>>, vector<1x16xf32>,
    }
    %scan3A_6 = arith.constant 256 : i32
    %mul3A_7 = arith.constant 632 : i32
    %mul3A_8 = arith.muli %arg1, %mul3A_7 : i32
    %add3A_9 = arith.constant 0 : i32
    %add3A_10 = arith.addi %mul3A_8, %add3A_9 : i32
    "tpu.region"() ({
      %run_scoped3A_85 = tpu.sem_alloc : memref<!tpu.dma_semaphore, #tpu.memory_space<semaphore_mem>>
      %dma_start3A_86 = arith.constant 0 : i32
      %dma_start3A_87 = tpu.memref_slice %arg5[%add3A_10, %dma_start3A_86] : memref<10112x128xf32, #tpu.memory_space<vmem_shared>> -> memref<32x128xf32, #tpu.memory_space<vmem_shared>>
      %dma_start3A_88 = arith.constant 0 : i32
      %dma_start3A_89 = tpu.memref_slice %arg5[%add3A_10, %dma_start3A_88] : memref<10112x128xf32, #tpu.memory_space<vmem_shared>> -> memref<32x128xf32, #tpu.memory_space<vmem_shared>>
      tpu.enqueue_dma source(%arg10 : memref<32x128xf32, #tpu.memory_space<vmem>>) target(%dma_start3A_89 : memref<32x128xf32, #tpu.memory_space<vmem_shared>>) target_semaphore(%run_scoped3A_85 : memref<!tpu.dma_semaphore, #tpu.memory_space<semaphore_mem>>)
      %dma_wait3A_90 = arith.constant 0 : i32
      %dma_wait3A_91 = tpu.memref_slice %arg5[%add3A_10, %dma_wait3A_90] : memref<10112x128xf32, #tpu.memory_space<vmem_shared>> -> memref<32x128xf32, #tpu.memory_space<vmem_shared>>
      %dma_wait3A_92 = arith.constant 0 : i32
      %dma_wait3A_93 = tpu.memref_slice %arg5[%add3A_10, %dma_wait3A_92] : memref<10112x128xf32, #tpu.memory_space<vmem_shared>> -> memref<32x128xf32, #tpu.memory_space<vmem_shared>>
      tpu.wait_dma2 semaphore(%run_scoped3A_85 : memref<!tpu.dma_semaphore, #tpu.memory_space<semaphore_mem>>) src(%arg10 : memref<32x128xf32, #tpu.memory_space<vmem>>) dst(%dma_wait3A_93 : memref<32x128xf32, #tpu.memory_space<vmem_shared>>)
      tpu.yield
    }) : () -> ()
    %add3A_11 = arith.constant 32 : i32
    %add3A_12 = arith.addi %mul3A_8, %add3A_11 : i32
    "tpu.region"() ({
      %run_scoped3A_85 = tpu.sem_alloc : memref<!tpu.dma_semaphore, #tpu.memory_space<semaphore_mem>>
      %dma_start3A_86 = arith.constant 0 : i32
      %dma_start3A_87 = tpu.memref_slice %arg5[%add3A_12, %dma_start3A_86] : memref<10112x128xf32, #tpu.memory_space<vmem_shared>> -> memref<32x128xf32, #tpu.memory_space<vmem_shared>>
      %dma_start3A_88 = arith.constant 0 : i32
      %dma_start3A_89 = tpu.memref_slice %arg5[%add3A_12, %dma_start3A_88] : memref<10112x128xf32, #tpu.memory_space<vmem_shared>> -> memref<32x128xf32, #tpu.memory_space<vmem_shared>>
      tpu.enqueue_dma source(%arg10 : memref<32x128xf32, #tpu.memory_space<vmem>>) target(%dma_start3A_89 : memref<32x128xf32, #tpu.memory_space<vmem_shared>>) target_semaphore(%run_scoped3A_85 : memref<!tpu.dma_semaphore, #tpu.memory_space<semaphore_mem>>)
      %dma_wait3A_90 = arith.constant 0 : i32
      %dma_wait3A_91 = tpu.memref_slice %arg5[%add3A_12, %dma_wait3A_90] : memref<10112x128xf32, #tpu.memory_space<vmem_shared>> -> memref<32x128xf32, #tpu.memory_space<vmem_shared>>
      %dma_wait3A_92 = arith.constant 0 : i32
      %dma_wait3A_93 = tpu.memref_slice %arg5[%add3A_12, %dma_wait3A_92] : memref<10112x128xf32, #tpu.memory_space<vmem_shared>> -> memref<32x128xf32, #tpu.memory_space<vmem_shared>>
      tpu.wait_dma2 semaphore(%run_scoped3A_85 : memref<!tpu.dma_semaphore, #tpu.memory_space<semaphore_mem>>) src(%arg10 : memref<32x128xf32, #tpu.memory_space<vmem>>) dst(%dma_wait3A_93 : memref<32x128xf32, #tpu.memory_space<vmem_shared>>)
      tpu.yield
    }) : () -> ()
    %add3A_13 = arith.constant 64 : i32
    %add3A_14 = arith.addi %mul3A_8, %add3A_13 : i32
    "tpu.region"() ({
      %run_scoped3A_85 = tpu.sem_alloc : memref<!tpu.dma_semaphore, #tpu.memory_space<semaphore_mem>>
      %dma_start3A_86 = arith.constant 0 : i32
      %dma_start3A_87 = tpu.memref_slice %arg5[%add3A_14, %dma_start3A_86] : memref<10112x128xf32, #tpu.memory_space<vmem_shared>> -> memref<32x128xf32, #tpu.memory_space<vmem_shared>>
      %dma_start3A_88 = arith.constant 0 : i32
      %dma_start3A_89 = tpu.memref_slice %arg5[%add3A_14, %dma_start3A_88] : memref<10112x128xf32, #tpu.memory_space<vmem_shared>> -> memref<32x128xf32, #tpu.memory_space<vmem_shared>>
      tpu.enqueue_dma source(%arg10 : memref<32x128xf32, #tpu.memory_space<vmem>>) target(%dma_start3A_89 : memref<32x128xf32, #tpu.memory_space<vmem_shared>>) target_semaphore(%run_scoped3A_85 : memref<!tpu.dma_semaphore, #tpu.memory_space<semaphore_mem>>)
      %dma_wait3A_90 = arith.constant 0 : i32
      %dma_wait3A_91 = tpu.memref_slice %arg5[%add3A_14, %dma_wait3A_90] : memref<10112x128xf32, #tpu.memory_space<vmem_shared>> -> memref<32x128xf32, #tpu.memory_space<vmem_shared>>
      %dma_wait3A_92 = arith.constant 0 : i32
      %dma_wait3A_93 = tpu.memref_slice %arg5[%add3A_14, %dma_wait3A_92] : memref<10112x128xf32, #tpu.memory_space<vmem_shared>> -> memref<32x128xf32, #tpu.memory_space<vmem_shared>>
      tpu.wait_dma2 semaphore(%run_scoped3A_85 : memref<!tpu.dma_semaphore, #tpu.memory_space<semaphore_mem>>) src(%arg10 : memref<32x128xf32, #tpu.memory_space<vmem>>) dst(%dma_wait3A_93 : memref<32x128xf32, #tpu.memory_space<vmem_shared>>)
      tpu.yield
    }) : () -> ()
    %add3A_15 = arith.constant 96 : i32
    %add3A_16 = arith.addi %mul3A_8, %add3A_15 : i32
    "tpu.region"() ({
      %run_scoped3A_85 = tpu.sem_alloc : memref<!tpu.dma_semaphore, #tpu.memory_space<semaphore_mem>>
      %dma_start3A_86 = arith.constant 0 : i32
      %dma_start3A_87 = tpu.memref_slice %arg5[%add3A_16, %dma_start3A_86] : memref<10112x128xf32, #tpu.memory_space<vmem_shared>> -> memref<32x128xf32, #tpu.memory_space<vmem_shared>>
      %dma_start3A_88 = arith.constant 0 : i32
      %dma_start3A_89 = tpu.memref_slice %arg5[%add3A_16, %dma_start3A_88] : memref<10112x128xf32, #tpu.memory_space<vmem_shared>> -> memref<32x128xf32, #tpu.memory_space<vmem_shared>>
      tpu.enqueue_dma source(%arg10 : memref<32x128xf32, #tpu.memory_space<vmem>>) target(%dma_start3A_89 : memref<32x128xf32, #tpu.memory_space<vmem_shared>>) target_semaphore(%run_scoped3A_85 : memref<!tpu.dma_semaphore, #tpu.memory_space<semaphore_mem>>)
      %dma_wait3A_90 = arith.constant 0 : i32
      %dma_wait3A_91 = tpu.memref_slice %arg5[%add3A_16, %dma_wait3A_90] : memref<10112x128xf32, #tpu.memory_space<vmem_shared>> -> memref<32x128xf32, #tpu.memory_space<vmem_shared>>
      %dma_wait3A_92 = arith.constant 0 : i32
      %dma_wait3A_93 = tpu.memref_slice %arg5[%add3A_16, %dma_wait3A_92] : memref<10112x128xf32, #tpu.memory_space<vmem_shared>> -> memref<32x128xf32, #tpu.memory_space<vmem_shared>>
      tpu.wait_dma2 semaphore(%run_scoped3A_85 : memref<!tpu.dma_semaphore, #tpu.memory_space<semaphore_mem>>) src(%arg10 : memref<32x128xf32, #tpu.memory_space<vmem>>) dst(%dma_wait3A_93 : memref<32x128xf32, #tpu.memory_space<vmem_shared>>)
      tpu.yield
    }) : () -> ()
    %add3A_17 = arith.constant 128 : i32
    %add3A_18 = arith.addi %mul3A_8, %add3A_17 : i32
    "tpu.region"() ({
      %run_scoped3A_85 = tpu.sem_alloc : memref<!tpu.dma_semaphore, #tpu.memory_space<semaphore_mem>>
      %dma_start3A_86 = arith.constant 0 : i32
      %dma_start3A_87 = tpu.memref_slice %arg5[%add3A_18, %dma_start3A_86] : memref<10112x128xf32, #tpu.memory_space<vmem_shared>> -> memref<32x128xf32, #tpu.memory_space<vmem_shared>>
      %dma_start3A_88 = arith.constant 0 : i32
      %dma_start3A_89 = tpu.memref_slice %arg5[%add3A_18, %dma_start3A_88] : memref<10112x128xf32, #tpu.memory_space<vmem_shared>> -> memref<32x128xf32, #tpu.memory_space<vmem_shared>>
      tpu.enqueue_dma source(%arg10 : memref<32x128xf32, #tpu.memory_space<vmem>>) target(%dma_start3A_89 : memref<32x128xf32, #tpu.memory_space<vmem_shared>>) target_semaphore(%run_scoped3A_85 : memref<!tpu.dma_semaphore, #tpu.memory_space<semaphore_mem>>)
      %dma_wait3A_90 = arith.constant 0 : i32
      %dma_wait3A_91 = tpu.memref_slice %arg5[%add3A_18, %dma_wait3A_90] : memref<10112x128xf32, #tpu.memory_space<vmem_shared>> -> memref<32x128xf32, #tpu.memory_space<vmem_shared>>
      %dma_wait3A_92 = arith.constant 0 : i32
      %dma_wait3A_93 = tpu.memref_slice %arg5[%add3A_18, %dma_wait3A_92] : memref<10112x128xf32, #tpu.memory_space<vmem_shared>> -> memref<32x128xf32, #tpu.memory_space<vmem_shared>>
      tpu.wait_dma2 semaphore(%run_scoped3A_85 : memref<!tpu.dma_semaphore, #tpu.memory_space<semaphore_mem>>) src(%arg10 : memref<32x128xf32, #tpu.memory_space<vmem>>) dst(%dma_wait3A_93 : memref<32x128xf32, #tpu.memory_space<vmem_shared>>)
      tpu.yield
    }) : () -> ()
    %add3A_19 = arith.constant 160 : i32
    %add3A_20 = arith.addi %mul3A_8, %add3A_19 : i32
    "tpu.region"() ({
      %run_scoped3A_85 = tpu.sem_alloc : memref<!tpu.dma_semaphore, #tpu.memory_space<semaphore_mem>>
      %dma_start3A_86 = arith.constant 0 : i32
      %dma_start3A_87 = tpu.memref_slice %arg5[%add3A_20, %dma_start3A_86] : memref<10112x128xf32, #tpu.memory_space<vmem_shared>> -> memref<32x128xf32, #tpu.memory_space<vmem_shared>>
      %dma_start3A_88 = arith.constant 0 : i32
      %dma_start3A_89 = tpu.memref_slice %arg5[%add3A_20, %dma_start3A_88] : memref<10112x128xf32, #tpu.memory_space<vmem_shared>> -> memref<32x128xf32, #tpu.memory_space<vmem_shared>>
      tpu.enqueue_dma source(%arg10 : memref<32x128xf32, #tpu.memory_space<vmem>>) target(%dma_start3A_89 : memref<32x128xf32, #tpu.memory_space<vmem_shared>>) target_semaphore(%run_scoped3A_85 : memref<!tpu.dma_semaphore, #tpu.memory_space<semaphore_mem>>)
      %dma_wait3A_90 = arith.constant 0 : i32
      %dma_wait3A_91 = tpu.memref_slice %arg5[%add3A_20, %dma_wait3A_90] : memref<10112x128xf32, #tpu.memory_space<vmem_shared>> -> memref<32x128xf32, #tpu.memory_space<vmem_shared>>
      %dma_wait3A_92 = arith.constant 0 : i32
      %dma_wait3A_93 = tpu.memref_slice %arg5[%add3A_20, %dma_wait3A_92] : memref<10112x128xf32, #tpu.memory_space<vmem_shared>> -> memref<32x128xf32, #tpu.memory_space<vmem_shared>>
      tpu.wait_dma2 semaphore(%run_scoped3A_85 : memref<!tpu.dma_semaphore, #tpu.memory_space<semaphore_mem>>) src(%arg10 : memref<32x128xf32, #tpu.memory_space<vmem>>) dst(%dma_wait3A_93 : memref<32x128xf32, #tpu.memory_space<vmem_shared>>)
      tpu.yield
    }) : () -> ()
    %add3A_21 = arith.constant 192 : i32
    %add3A_22 = arith.addi %mul3A_8, %add3A_21 : i32
    "tpu.region"() ({
      %run_scoped3A_85 = tpu.sem_alloc : memref<!tpu.dma_semaphore, #tpu.memory_space<semaphore_mem>>
      %dma_start3A_86 = arith.constant 0 : i32
      %dma_start3A_87 = tpu.memref_slice %arg5[%add3A_22, %dma_start3A_86] : memref<10112x128xf32, #tpu.memory_space<vmem_shared>> -> memref<32x128xf32, #tpu.memory_space<vmem_shared>>
      %dma_start3A_88 = arith.constant 0 : i32
      %dma_start3A_89 = tpu.memref_slice %arg5[%add3A_22, %dma_start3A_88] : memref<10112x128xf32, #tpu.memory_space<vmem_shared>> -> memref<32x128xf32, #tpu.memory_space<vmem_shared>>
      tpu.enqueue_dma source(%arg10 : memref<32x128xf32, #tpu.memory_space<vmem>>) target(%dma_start3A_89 : memref<32x128xf32, #tpu.memory_space<vmem_shared>>) target_semaphore(%run_scoped3A_85 : memref<!tpu.dma_semaphore, #tpu.memory_space<semaphore_mem>>)
      %dma_wait3A_90 = arith.constant 0 : i32
      %dma_wait3A_91 = tpu.memref_slice %arg5[%add3A_22, %dma_wait3A_90] : memref<10112x128xf32, #tpu.memory_space<vmem_shared>> -> memref<32x128xf32, #tpu.memory_space<vmem_shared>>
      %dma_wait3A_92 = arith.constant 0 : i32
      %dma_wait3A_93 = tpu.memref_slice %arg5[%add3A_22, %dma_wait3A_92] : memref<10112x128xf32, #tpu.memory_space<vmem_shared>> -> memref<32x128xf32, #tpu.memory_space<vmem_shared>>
      tpu.wait_dma2 semaphore(%run_scoped3A_85 : memref<!tpu.dma_semaphore, #tpu.memory_space<semaphore_mem>>) src(%arg10 : memref<32x128xf32, #tpu.memory_space<vmem>>) dst(%dma_wait3A_93 : memref<32x128xf32, #tpu.memory_space<vmem_shared>>)
      tpu.yield
    }) : () -> ()
    %add3A_23 = arith.constant 224 : i32
    %add3A_24 = arith.addi %mul3A_8, %add3A_23 : i32
    "tpu.region"() ({
      %run_scoped3A_85 = tpu.sem_alloc : memref<!tpu.dma_semaphore, #tpu.memory_space<semaphore_mem>>
      %dma_start3A_86 = arith.constant 0 : i32
      %dma_start3A_87 = tpu.memref_slice %arg5[%add3A_24, %dma_start3A_86] : memref<10112x128xf32, #tpu.memory_space<vmem_shared>> -> memref<32x128xf32, #tpu.memory_space<vmem_shared>>
      %dma_start3A_88 = arith.constant 0 : i32
      %dma_start3A_89 = tpu.memref_slice %arg5[%add3A_24, %dma_start3A_88] : memref<10112x128xf32, #tpu.memory_space<vmem_shared>> -> memref<32x128xf32, #tpu.memory_space<vmem_shared>>
      tpu.enqueue_dma source(%arg10 : memref<32x128xf32, #tpu.memory_space<vmem>>) target(%dma_start3A_89 : memref<32x128xf32, #tpu.memory_space<vmem_shared>>) target_semaphore(%run_scoped3A_85 : memref<!tpu.dma_semaphore, #tpu.memory_space<semaphore_mem>>)
      %dma_wait3A_90 = arith.constant 0 : i32
      %dma_wait3A_91 = tpu.memref_slice %arg5[%add3A_24, %dma_wait3A_90] : memref<10112x128xf32, #tpu.memory_space<vmem_shared>> -> memref<32x128xf32, #tpu.memory_space<vmem_shared>>
      %dma_wait3A_92 = arith.constant 0 : i32
      %dma_wait3A_93 = tpu.memref_slice %arg5[%add3A_24, %dma_wait3A_92] : memref<10112x128xf32, #tpu.memory_space<vmem_shared>> -> memref<32x128xf32, #tpu.memory_space<vmem_shared>>
      tpu.wait_dma2 semaphore(%run_scoped3A_85 : memref<!tpu.dma_semaphore, #tpu.memory_space<semaphore_mem>>) src(%arg10 : memref<32x128xf32, #tpu.memory_space<vmem>>) dst(%dma_wait3A_93 : memref<32x128xf32, #tpu.memory_space<vmem_shared>>)
      tpu.yield
    }) : () -> ()
    %add3A_25 = arith.constant 256 : i32
    %add3A_26 = arith.addi %mul3A_8, %add3A_25 : i32
    "tpu.region"() ({
      %run_scoped3A_85 = tpu.sem_alloc : memref<!tpu.dma_semaphore, #tpu.memory_space<semaphore_mem>>
      %dma_start3A_86 = arith.constant 0 : i32
      %dma_start3A_87 = tpu.memref_slice %arg5[%add3A_26, %dma_start3A_86] : memref<10112x128xf32, #tpu.memory_space<vmem_shared>> -> memref<32x128xf32, #tpu.memory_space<vmem_shared>>
      %dma_start3A_88 = arith.constant 0 : i32
      %dma_start3A_89 = tpu.memref_slice %arg5[%add3A_26, %dma_start3A_88] : memref<10112x128xf32, #tpu.memory_space<vmem_shared>> -> memref<32x128xf32, #tpu.memory_space<vmem_shared>>
      tpu.enqueue_dma source(%arg10 : memref<32x128xf32, #tpu.memory_space<vmem>>) target(%dma_start3A_89 : memref<32x128xf32, #tpu.memory_space<vmem_shared>>) target_semaphore(%run_scoped3A_85 : memref<!tpu.dma_semaphore, #tpu.memory_space<semaphore_mem>>)
      %dma_wait3A_90 = arith.constant 0 : i32
      %dma_wait3A_91 = tpu.memref_slice %arg5[%add3A_26, %dma_wait3A_90] : memref<10112x128xf32, #tpu.memory_space<vmem_shared>> -> memref<32x128xf32, #tpu.memory_space<vmem_shared>>
      %dma_wait3A_92 = arith.constant 0 : i32
      %dma_wait3A_93 = tpu.memref_slice %arg5[%add3A_26, %dma_wait3A_92] : memref<10112x128xf32, #tpu.memory_space<vmem_shared>> -> memref<32x128xf32, #tpu.memory_space<vmem_shared>>
      tpu.wait_dma2 semaphore(%run_scoped3A_85 : memref<!tpu.dma_semaphore, #tpu.memory_space<semaphore_mem>>) src(%arg10 : memref<32x128xf32, #tpu.memory_space<vmem>>) dst(%dma_wait3A_93 : memref<32x128xf32, #tpu.memory_space<vmem_shared>>)
      tpu.yield
    }) : () -> ()
    %add3A_27 = arith.constant 288 : i32
    %add3A_28 = arith.addi %mul3A_8, %add3A_27 : i32
    "tpu.region"() ({
      %run_scoped3A_85 = tpu.sem_alloc : memref<!tpu.dma_semaphore, #tpu.memory_space<semaphore_mem>>
      %dma_start3A_86 = arith.constant 0 : i32
      %dma_start3A_87 = tpu.memref_slice %arg5[%add3A_28, %dma_start3A_86] : memref<10112x128xf32, #tpu.memory_space<vmem_shared>> -> memref<32x128xf32, #tpu.memory_space<vmem_shared>>
      %dma_start3A_88 = arith.constant 0 : i32
      %dma_start3A_89 = tpu.memref_slice %arg5[%add3A_28, %dma_start3A_88] : memref<10112x128xf32, #tpu.memory_space<vmem_shared>> -> memref<32x128xf32, #tpu.memory_space<vmem_shared>>
      tpu.enqueue_dma source(%arg10 : memref<32x128xf32, #tpu.memory_space<vmem>>) target(%dma_start3A_89 : memref<32x128xf32, #tpu.memory_space<vmem_shared>>) target_semaphore(%run_scoped3A_85 : memref<!tpu.dma_semaphore, #tpu.memory_space<semaphore_mem>>)
      %dma_wait3A_90 = arith.constant 0 : i32
      %dma_wait3A_91 = tpu.memref_slice %arg5[%add3A_28, %dma_wait3A_90] : memref<10112x128xf32, #tpu.memory_space<vmem_shared>> -> memref<32x128xf32, #tpu.memory_space<vmem_shared>>
      %dma_wait3A_92 = arith.constant 0 : i32
      %dma_wait3A_93 = tpu.memref_slice %arg5[%add3A_28, %dma_wait3A_92] : memref<10112x128xf32, #tpu.memory_space<vmem_shared>> -> memref<32x128xf32, #tpu.memory_space<vmem_shared>>
      tpu.wait_dma2 semaphore(%run_scoped3A_85 : memref<!tpu.dma_semaphore, #tpu.memory_space<semaphore_mem>>) src(%arg10 : memref<32x128xf32, #tpu.memory_space<vmem>>) dst(%dma_wait3A_93 : memref<32x128xf32, #tpu.memory_space<vmem_shared>>)
      tpu.yield
    }) : () -> ()
    %add3A_29 = arith.constant 320 : i32
    %add3A_30 = arith.addi %mul3A_8, %add3A_29 : i32
    "tpu.region"() ({
      %run_scoped3A_85 = tpu.sem_alloc : memref<!tpu.dma_semaphore, #tpu.memory_space<semaphore_mem>>
      %dma_start3A_86 = arith.constant 0 : i32
      %dma_start3A_87 = tpu.memref_slice %arg5[%add3A_30, %dma_start3A_86] : memref<10112x128xf32, #tpu.memory_space<vmem_shared>> -> memref<32x128xf32, #tpu.memory_space<vmem_shared>>
      %dma_start3A_88 = arith.constant 0 : i32
      %dma_start3A_89 = tpu.memref_slice %arg5[%add3A_30, %dma_start3A_88] : memref<10112x128xf32, #tpu.memory_space<vmem_shared>> -> memref<32x128xf32, #tpu.memory_space<vmem_shared>>
      tpu.enqueue_dma source(%arg10 : memref<32x128xf32, #tpu.memory_space<vmem>>) target(%dma_start3A_89 : memref<32x128xf32, #tpu.memory_space<vmem_shared>>) target_semaphore(%run_scoped3A_85 : memref<!tpu.dma_semaphore, #tpu.memory_space<semaphore_mem>>)
      %dma_wait3A_90 = arith.constant 0 : i32
      %dma_wait3A_91 = tpu.memref_slice %arg5[%add3A_30, %dma_wait3A_90] : memref<10112x128xf32, #tpu.memory_space<vmem_shared>> -> memref<32x128xf32, #tpu.memory_space<vmem_shared>>
      %dma_wait3A_92 = arith.constant 0 : i32
      %dma_wait3A_93 = tpu.memref_slice %arg5[%add3A_30, %dma_wait3A_92] : memref<10112x128xf32, #tpu.memory_space<vmem_shared>> -> memref<32x128xf32, #tpu.memory_space<vmem_shared>>
      tpu.wait_dma2 semaphore(%run_scoped3A_85 : memref<!tpu.dma_semaphore, #tpu.memory_space<semaphore_mem>>) src(%arg10 : memref<32x128xf32, #tpu.memory_space<vmem>>) dst(%dma_wait3A_93 : memref<32x128xf32, #tpu.memory_space<vmem_shared>>)
      tpu.yield
    }) : () -> ()
    %add3A_31 = arith.constant 352 : i32
    %add3A_32 = arith.addi %mul3A_8, %add3A_31 : i32
    "tpu.region"() ({
      %run_scoped3A_85 = tpu.sem_alloc : memref<!tpu.dma_semaphore, #tpu.memory_space<semaphore_mem>>
      %dma_start3A_86 = arith.constant 0 : i32
      %dma_start3A_87 = tpu.memref_slice %arg5[%add3A_32, %dma_start3A_86] : memref<10112x128xf32, #tpu.memory_space<vmem_shared>> -> memref<32x128xf32, #tpu.memory_space<vmem_shared>>
      %dma_start3A_88 = arith.constant 0 : i32
      %dma_start3A_89 = tpu.memref_slice %arg5[%add3A_32, %dma_start3A_88] : memref<10112x128xf32, #tpu.memory_space<vmem_shared>> -> memref<32x128xf32, #tpu.memory_space<vmem_shared>>
      tpu.enqueue_dma source(%arg10 : memref<32x128xf32, #tpu.memory_space<vmem>>) target(%dma_start3A_89 : memref<32x128xf32, #tpu.memory_space<vmem_shared>>) target_semaphore(%run_scoped3A_85 : memref<!tpu.dma_semaphore, #tpu.memory_space<semaphore_mem>>)
      %dma_wait3A_90 = arith.constant 0 : i32
      %dma_wait3A_91 = tpu.memref_slice %arg5[%add3A_32, %dma_wait3A_90] : memref<10112x128xf32, #tpu.memory_space<vmem_shared>> -> memref<32x128xf32, #tpu.memory_space<vmem_shared>>
      %dma_wait3A_92 = arith.constant 0 : i32
      %dma_wait3A_93 = tpu.memref_slice %arg5[%add3A_32, %dma_wait3A_92] : memref<10112x128xf32, #tpu.memory_space<vmem_shared>> -> memref<32x128xf32, #tpu.memory_space<vmem_shared>>
      tpu.wait_dma2 semaphore(%run_scoped3A_85 : memref<!tpu.dma_semaphore, #tpu.memory_space<semaphore_mem>>) src(%arg10 : memref<32x128xf32, #tpu.memory_space<vmem>>) dst(%dma_wait3A_93 : memref<32x128xf32, #tpu.memory_space<vmem_shared>>)
      tpu.yield
    }) : () -> ()
    %add3A_33 = arith.constant 384 : i32
    %add3A_34 = arith.addi %mul3A_8, %add3A_33 : i32
    "tpu.region"() ({
      %run_scoped3A_85 = tpu.sem_alloc : memref<!tpu.dma_semaphore, #tpu.memory_space<semaphore_mem>>
      %dma_start3A_86 = arith.constant 0 : i32
      %dma_start3A_87 = tpu.memref_slice %arg5[%add3A_34, %dma_start3A_86] : memref<10112x128xf32, #tpu.memory_space<vmem_shared>> -> memref<32x128xf32, #tpu.memory_space<vmem_shared>>
      %dma_start3A_88 = arith.constant 0 : i32
      %dma_start3A_89 = tpu.memref_slice %arg5[%add3A_34, %dma_start3A_88] : memref<10112x128xf32, #tpu.memory_space<vmem_shared>> -> memref<32x128xf32, #tpu.memory_space<vmem_shared>>
      tpu.enqueue_dma source(%arg10 : memref<32x128xf32, #tpu.memory_space<vmem>>) target(%dma_start3A_89 : memref<32x128xf32, #tpu.memory_space<vmem_shared>>) target_semaphore(%run_scoped3A_85 : memref<!tpu.dma_semaphore, #tpu.memory_space<semaphore_mem>>)
      %dma_wait3A_90 = arith.constant 0 : i32
      %dma_wait3A_91 = tpu.memref_slice %arg5[%add3A_34, %dma_wait3A_90] : memref<10112x128xf32, #tpu.memory_space<vmem_shared>> -> memref<32x128xf32, #tpu.memory_space<vmem_shared>>
      %dma_wait3A_92 = arith.constant 0 : i32
      %dma_wait3A_93 = tpu.memref_slice %arg5[%add3A_34, %dma_wait3A_92] : memref<10112x128xf32, #tpu.memory_space<vmem_shared>> -> memref<32x128xf32, #tpu.memory_space<vmem_shared>>
      tpu.wait_dma2 semaphore(%run_scoped3A_85 : memref<!tpu.dma_semaphore, #tpu.memory_space<semaphore_mem>>) src(%arg10 : memref<32x128xf32, #tpu.memory_space<vmem>>) dst(%dma_wait3A_93 : memref<32x128xf32, #tpu.memory_space<vmem_shared>>)
      tpu.yield
    }) : () -> ()
    %add3A_35 = arith.constant 416 : i32
    %add3A_36 = arith.addi %mul3A_8, %add3A_35 : i32
    "tpu.region"() ({
      %run_scoped3A_85 = tpu.sem_alloc : memref<!tpu.dma_semaphore, #tpu.memory_space<semaphore_mem>>
      %dma_start3A_86 = arith.constant 0 : i32
      %dma_start3A_87 = tpu.memref_slice %arg5[%add3A_36, %dma_start3A_86] : memref<10112x128xf32, #tpu.memory_space<vmem_shared>> -> memref<32x128xf32, #tpu.memory_space<vmem_shared>>
      %dma_start3A_88 = arith.constant 0 : i32
      %dma_start3A_89 = tpu.memref_slice %arg5[%add3A_36, %dma_start3A_88] : memref<10112x128xf32, #tpu.memory_space<vmem_shared>> -> memref<32x128xf32, #tpu.memory_space<vmem_shared>>
      tpu.enqueue_dma source(%arg10 : memref<32x128xf32, #tpu.memory_space<vmem>>) target(%dma_start3A_89 : memref<32x128xf32, #tpu.memory_space<vmem_shared>>) target_semaphore(%run_scoped3A_85 : memref<!tpu.dma_semaphore, #tpu.memory_space<semaphore_mem>>)
      %dma_wait3A_90 = arith.constant 0 : i32
      %dma_wait3A_91 = tpu.memref_slice %arg5[%add3A_36, %dma_wait3A_90] : memref<10112x128xf32, #tpu.memory_space<vmem_shared>> -> memref<32x128xf32, #tpu.memory_space<vmem_shared>>
      %dma_wait3A_92 = arith.constant 0 : i32
      %dma_wait3A_93 = tpu.memref_slice %arg5[%add3A_36, %dma_wait3A_92] : memref<10112x128xf32, #tpu.memory_space<vmem_shared>> -> memref<32x128xf32, #tpu.memory_space<vmem_shared>>
      tpu.wait_dma2 semaphore(%run_scoped3A_85 : memref<!tpu.dma_semaphore, #tpu.memory_space<semaphore_mem>>) src(%arg10 : memref<32x128xf32, #tpu.memory_space<vmem>>) dst(%dma_wait3A_93 : memref<32x128xf32, #tpu.memory_space<vmem_shared>>)
      tpu.yield
    }) : () -> ()
    %add3A_37 = arith.constant 448 : i32
    %add3A_38 = arith.addi %mul3A_8, %add3A_37 : i32
    "tpu.region"() ({
      %run_scoped3A_85 = tpu.sem_alloc : memref<!tpu.dma_semaphore, #tpu.memory_space<semaphore_mem>>
      %dma_start3A_86 = arith.constant 0 : i32
      %dma_start3A_87 = tpu.memref_slice %arg5[%add3A_38, %dma_start3A_86] : memref<10112x128xf32, #tpu.memory_space<vmem_shared>> -> memref<32x128xf32, #tpu.memory_space<vmem_shared>>
      %dma_start3A_88 = arith.constant 0 : i32
      %dma_start3A_89 = tpu.memref_slice %arg5[%add3A_38, %dma_start3A_88] : memref<10112x128xf32, #tpu.memory_space<vmem_shared>> -> memref<32x128xf32, #tpu.memory_space<vmem_shared>>
      tpu.enqueue_dma source(%arg10 : memref<32x128xf32, #tpu.memory_space<vmem>>) target(%dma_start3A_89 : memref<32x128xf32, #tpu.memory_space<vmem_shared>>) target_semaphore(%run_scoped3A_85 : memref<!tpu.dma_semaphore, #tpu.memory_space<semaphore_mem>>)
      %dma_wait3A_90 = arith.constant 0 : i32
      %dma_wait3A_91 = tpu.memref_slice %arg5[%add3A_38, %dma_wait3A_90] : memref<10112x128xf32, #tpu.memory_space<vmem_shared>> -> memref<32x128xf32, #tpu.memory_space<vmem_shared>>
      %dma_wait3A_92 = arith.constant 0 : i32
      %dma_wait3A_93 = tpu.memref_slice %arg5[%add3A_38, %dma_wait3A_92] : memref<10112x128xf32, #tpu.memory_space<vmem_shared>> -> memref<32x128xf32, #tpu.memory_space<vmem_shared>>
      tpu.wait_dma2 semaphore(%run_scoped3A_85 : memref<!tpu.dma_semaphore, #tpu.memory_space<semaphore_mem>>) src(%arg10 : memref<32x128xf32, #tpu.memory_space<vmem>>) dst(%dma_wait3A_93 : memref<32x128xf32, #tpu.memory_space<vmem_shared>>)
      tpu.yield
    }) : () -> ()
    %add3A_39 = arith.constant 480 : i32
    %add3A_40 = arith.addi %mul3A_8, %add3A_39 : i32
    "tpu.region"() ({
      %run_scoped3A_85 = tpu.sem_alloc : memref<!tpu.dma_semaphore, #tpu.memory_space<semaphore_mem>>
      %dma_start3A_86 = arith.constant 0 : i32
      %dma_start3A_87 = tpu.memref_slice %arg5[%add3A_40, %dma_start3A_86] : memref<10112x128xf32, #tpu.memory_space<vmem_shared>> -> memref<32x128xf32, #tpu.memory_space<vmem_shared>>
      %dma_start3A_88 = arith.constant 0 : i32
      %dma_start3A_89 = tpu.memref_slice %arg5[%add3A_40, %dma_start3A_88] : memref<10112x128xf32, #tpu.memory_space<vmem_shared>> -> memref<32x128xf32, #tpu.memory_space<vmem_shared>>
      tpu.enqueue_dma source(%arg10 : memref<32x128xf32, #tpu.memory_space<vmem>>) target(%dma_start3A_89 : memref<32x128xf32, #tpu.memory_space<vmem_shared>>) target_semaphore(%run_scoped3A_85 : memref<!tpu.dma_semaphore, #tpu.memory_space<semaphore_mem>>)
      %dma_wait3A_90 = arith.constant 0 : i32
      %dma_wait3A_91 = tpu.memref_slice %arg5[%add3A_40, %dma_wait3A_90] : memref<10112x128xf32, #tpu.memory_space<vmem_shared>> -> memref<32x128xf32, #tpu.memory_space<vmem_shared>>
      %dma_wait3A_92 = arith.constant 0 : i32
      %dma_wait3A_93 = tpu.memref_slice %arg5[%add3A_40, %dma_wait3A_92] : memref<10112x128xf32, #tpu.memory_space<vmem_shared>> -> memref<32x128xf32, #tpu.memory_space<vmem_shared>>
      tpu.wait_dma2 semaphore(%run_scoped3A_85 : memref<!tpu.dma_semaphore, #tpu.memory_space<semaphore_mem>>) src(%arg10 : memref<32x128xf32, #tpu.memory_space<vmem>>) dst(%dma_wait3A_93 : memref<32x128xf32, #tpu.memory_space<vmem_shared>>)
      tpu.yield
    }) : () -> ()
    %add3A_41 = arith.constant 512 : i32
    %add3A_42 = arith.addi %mul3A_8, %add3A_41 : i32
    "tpu.region"() ({
      %run_scoped3A_85 = tpu.sem_alloc : memref<!tpu.dma_semaphore, #tpu.memory_space<semaphore_mem>>
      %dma_start3A_86 = arith.constant 0 : i32
      %dma_start3A_87 = tpu.memref_slice %arg5[%add3A_42, %dma_start3A_86] : memref<10112x128xf32, #tpu.memory_space<vmem_shared>> -> memref<32x128xf32, #tpu.memory_space<vmem_shared>>
      %dma_start3A_88 = arith.constant 0 : i32
      %dma_start3A_89 = tpu.memref_slice %arg5[%add3A_42, %dma_start3A_88] : memref<10112x128xf32, #tpu.memory_space<vmem_shared>> -> memref<32x128xf32, #tpu.memory_space<vmem_shared>>
      tpu.enqueue_dma source(%arg10 : memref<32x128xf32, #tpu.memory_space<vmem>>) target(%dma_start3A_89 : memref<32x128xf32, #tpu.memory_space<vmem_shared>>) target_semaphore(%run_scoped3A_85 : memref<!tpu.dma_semaphore, #tpu.memory_space<semaphore_mem>>)
      %dma_wait3A_90 = arith.constant 0 : i32
      %dma_wait3A_91 = tpu.memref_slice %arg5[%add3A_42, %dma_wait3A_90] : memref<10112x128xf32, #tpu.memory_space<vmem_shared>> -> memref<32x128xf32, #tpu.memory_space<vmem_shared>>
      %dma_wait3A_92 = arith.constant 0 : i32
      %dma_wait3A_93 = tpu.memref_slice %arg5[%add3A_42, %dma_wait3A_92] : memref<10112x128xf32, #tpu.memory_space<vmem_shared>> -> memref<32x128xf32, #tpu.memory_space<vmem_shared>>
      tpu.wait_dma2 semaphore(%run_scoped3A_85 : memref<!tpu.dma_semaphore, #tpu.memory_space<semaphore_mem>>) src(%arg10 : memref<32x128xf32, #tpu.memory_space<vmem>>) dst(%dma_wait3A_93 : memref<32x128xf32, #tpu.memory_space<vmem_shared>>)
      tpu.yield
    }) : () -> ()
    %add3A_43 = arith.constant 544 : i32
    %add3A_44 = arith.addi %mul3A_8, %add3A_43 : i32
    "tpu.region"() ({
      %run_scoped3A_85 = tpu.sem_alloc : memref<!tpu.dma_semaphore, #tpu.memory_space<semaphore_mem>>
      %dma_start3A_86 = arith.constant 0 : i32
      %dma_start3A_87 = tpu.memref_slice %arg5[%add3A_44, %dma_start3A_86] : memref<10112x128xf32, #tpu.memory_space<vmem_shared>> -> memref<32x128xf32, #tpu.memory_space<vmem_shared>>
      %dma_start3A_88 = arith.constant 0 : i32
      %dma_start3A_89 = tpu.memref_slice %arg5[%add3A_44, %dma_start3A_88] : memref<10112x128xf32, #tpu.memory_space<vmem_shared>> -> memref<32x128xf32, #tpu.memory_space<vmem_shared>>
      tpu.enqueue_dma source(%arg10 : memref<32x128xf32, #tpu.memory_space<vmem>>) target(%dma_start3A_89 : memref<32x128xf32, #tpu.memory_space<vmem_shared>>) target_semaphore(%run_scoped3A_85 : memref<!tpu.dma_semaphore, #tpu.memory_space<semaphore_mem>>)
      %dma_wait3A_90 = arith.constant 0 : i32
      %dma_wait3A_91 = tpu.memref_slice %arg5[%add3A_44, %dma_wait3A_90] : memref<10112x128xf32, #tpu.memory_space<vmem_shared>> -> memref<32x128xf32, #tpu.memory_space<vmem_shared>>
      %dma_wait3A_92 = arith.constant 0 : i32
      %dma_wait3A_93 = tpu.memref_slice %arg5[%add3A_44, %dma_wait3A_92] : memref<10112x128xf32, #tpu.memory_space<vmem_shared>> -> memref<32x128xf32, #tpu.memory_space<vmem_shared>>
      tpu.wait_dma2 semaphore(%run_scoped3A_85 : memref<!tpu.dma_semaphore, #tpu.memory_space<semaphore_mem>>) src(%arg10 : memref<32x128xf32, #tpu.memory_space<vmem>>) dst(%dma_wait3A_93 : memref<32x128xf32, #tpu.memory_space<vmem_shared>>)
      tpu.yield
    }) : () -> ()
    %add3A_45 = arith.constant 576 : i32
    %add3A_46 = arith.addi %mul3A_8, %add3A_45 : i32
    "tpu.region"() ({
      %run_scoped3A_85 = tpu.sem_alloc : memref<!tpu.dma_semaphore, #tpu.memory_space<semaphore_mem>>
      %dma_start3A_86 = arith.constant 0 : i32
      %dma_start3A_87 = arith.constant 0 : i32
      %dma_start3A_88 = tpu.memref_slice %arg10[%dma_start3A_86, %dma_start3A_87] : memref<32x128xf32, #tpu.memory_space<vmem>> -> memref<24x128xf32, #tpu.memory_space<vmem>>
      %dma_start3A_89 = arith.constant 0 : i32
      %dma_start3A_90 = tpu.memref_slice %arg5[%add3A_46, %dma_start3A_89] : memref<10112x128xf32, #tpu.memory_space<vmem_shared>> -> memref<24x128xf32, #tpu.memory_space<vmem_shared>>
      %dma_start3A_91 = arith.constant 0 : i32
      %dma_start3A_92 = tpu.memref_slice %arg5[%add3A_46, %dma_start3A_91] : memref<10112x128xf32, #tpu.memory_space<vmem_shared>> -> memref<24x128xf32, #tpu.memory_space<vmem_shared>>
      %dma_start3A_93 = arith.constant 0 : i32
      %dma_start3A_94 = arith.constant 0 : i32
      %dma_start3A_95 = tpu.memref_slice %arg10[%dma_start3A_93, %dma_start3A_94] : memref<32x128xf32, #tpu.memory_space<vmem>> -> memref<24x128xf32, #tpu.memory_space<vmem>>
      tpu.enqueue_dma source(%dma_start3A_95 : memref<24x128xf32, #tpu.memory_space<vmem>>) target(%dma_start3A_92 : memref<24x128xf32, #tpu.memory_space<vmem_shared>>) target_semaphore(%run_scoped3A_85 : memref<!tpu.dma_semaphore, #tpu.memory_space<semaphore_mem>>)
      %dma_wait3A_96 = arith.constant 0 : i32
      %dma_wait3A_97 = arith.constant 0 : i32
      %dma_wait3A_98 = tpu.memref_slice %arg10[%dma_wait3A_96, %dma_wait3A_97] : memref<32x128xf32, #tpu.memory_space<vmem>> -> memref<24x128xf32, #tpu.memory_space<vmem>>
      %dma_wait3A_99 = arith.constant 0 : i32
      %dma_wait3A_100 = tpu.memref_slice %arg5[%add3A_46, %dma_wait3A_99] : memref<10112x128xf32, #tpu.memory_space<vmem_shared>> -> memref<24x128xf32, #tpu.memory_space<vmem_shared>>
      %dma_wait3A_101 = arith.constant 0 : i32
      %dma_wait3A_102 = tpu.memref_slice %arg5[%add3A_46, %dma_wait3A_101] : memref<10112x128xf32, #tpu.memory_space<vmem_shared>> -> memref<24x128xf32, #tpu.memory_space<vmem_shared>>
      %dma_wait3A_103 = arith.constant 0 : i32
      %dma_wait3A_104 = arith.constant 0 : i32
      %dma_wait3A_105 = tpu.memref_slice %arg10[%dma_wait3A_103, %dma_wait3A_104] : memref<32x128xf32, #tpu.memory_space<vmem>> -> memref<24x128xf32, #tpu.memory_space<vmem>>
      tpu.wait_dma2 semaphore(%run_scoped3A_85 : memref<!tpu.dma_semaphore, #tpu.memory_space<semaphore_mem>>) src(%dma_wait3A_105 : memref<24x128xf32, #tpu.memory_space<vmem>>) dst(%dma_wait3A_102 : memref<24x128xf32, #tpu.memory_space<vmem_shared>>)
      tpu.yield
    }) : () -> ()
    %barrier3A = arith.constant 0 : index
    tpu.barrier barrier_id(%barrier3A)
    %run_scoped3A = arith.constant 0 : i32
    "tpu.region"() ({
      %run_scoped3A_85 = tpu.sem_alloc : memref<!tpu.dma_semaphore, #tpu.memory_space<semaphore_mem>>
      %dma_start3A_86 = arith.constant 0 : i32
      %dma_start3A_87 = arith.constant 0 : i32
      %dma_start3A_88 = tpu.memref_slice %arg3[%add3A, %run_scoped3A, %dma_start3A_86, %dma_start3A_87] : memref<32x126x2x80xi32, #tpu.memory_space<hbm>> -> memref<1x1x2x80xi32, #tpu.memory_space<hbm>>
      %dma_start3A_89 = tpu.memref_squeeze %dma_start3A_88 : memref<1x1x2x80xi32, #tpu.memory_space<hbm>> -> memref<2x80xi32, #tpu.memory_space<hbm>>
      %dma_start3A_90 = arith.constant 0 : i32
      %dma_start3A_91 = arith.constant 0 : i32
      %dma_start3A_92 = tpu.memref_slice %arg3[%add3A, %run_scoped3A, %dma_start3A_90, %dma_start3A_91] : memref<32x126x2x80xi32, #tpu.memory_space<hbm>> -> memref<1x1x2x80xi32, #tpu.memory_space<hbm>>
      %dma_start3A_93 = tpu.memref_squeeze %dma_start3A_92 : memref<1x1x2x80xi32, #tpu.memory_space<hbm>> -> memref<2x80xi32, #tpu.memory_space<hbm>>
      tpu.enqueue_dma source(%dma_start3A_93 : memref<2x80xi32, #tpu.memory_space<hbm>>) target(%arg6 : memref<2x80xi32, #tpu.memory_space<vmem>>) target_semaphore(%run_scoped3A_85 : memref<!tpu.dma_semaphore, #tpu.memory_space<semaphore_mem>>)
      %dma_wait3A_94 = arith.constant 0 : i32
      %dma_wait3A_95 = arith.constant 0 : i32
      %dma_wait3A_96 = tpu.memref_slice %arg3[%add3A, %run_scoped3A, %dma_wait3A_94, %dma_wait3A_95] : memref<32x126x2x80xi32, #tpu.memory_space<hbm>> -> memref<1x1x2x80xi32, #tpu.memory_space<hbm>>
      %dma_wait3A_97 = tpu.memref_squeeze %dma_wait3A_96 : memref<1x1x2x80xi32, #tpu.memory_space<hbm>> -> memref<2x80xi32, #tpu.memory_space<hbm>>
      %dma_wait3A_98 = arith.constant 0 : i32
      %dma_wait3A_99 = arith.constant 0 : i32
      %dma_wait3A_100 = tpu.memref_slice %arg3[%add3A, %run_scoped3A, %dma_wait3A_98, %dma_wait3A_99] : memref<32x126x2x80xi32, #tpu.memory_space<hbm>> -> memref<1x1x2x80xi32, #tpu.memory_space<hbm>>
      %dma_wait3A_101 = tpu.memref_squeeze %dma_wait3A_100 : memref<1x1x2x80xi32, #tpu.memory_space<hbm>> -> memref<2x80xi32, #tpu.memory_space<hbm>>
      tpu.wait_dma2 semaphore(%run_scoped3A_85 : memref<!tpu.dma_semaphore, #tpu.memory_space<semaphore_mem>>) src(%dma_wait3A_101 : memref<2x80xi32, #tpu.memory_space<hbm>>) dst(%arg6 : memref<2x80xi32, #tpu.memory_space<vmem>>)
      tpu.yield
    }) : () -> ()
    %dma_start3A = arith.constant 1 : i32
    %dma_start3A_47 = arith.constant 0 : i32
    %dma_start3A_48 = arith.constant 0 : i32
    %dma_start3A_49 = tpu.memref_slice %arg3[%add3A, %dma_start3A, %dma_start3A_47, %dma_start3A_48] : memref<32x126x2x80xi32, #tpu.memory_space<hbm>> -> memref<1x1x2x80xi32, #tpu.memory_space<hbm>>
    %dma_start3A_50 = tpu.memref_squeeze %dma_start3A_49 : memref<1x1x2x80xi32, #tpu.memory_space<hbm>> -> memref<2x80xi32, #tpu.memory_space<hbm>>
    %dma_start3A_51 = arith.constant 0 : i32
    %dma_start3A_52 = arith.constant 0 : i32
    %dma_start3A_53 = tpu.memref_slice %arg3[%add3A, %dma_start3A, %dma_start3A_51, %dma_start3A_52] : memref<32x126x2x80xi32, #tpu.memory_space<hbm>> -> memref<1x1x2x80xi32, #tpu.memory_space<hbm>>
    %dma_start3A_54 = tpu.memref_squeeze %dma_start3A_53 : memref<1x1x2x80xi32, #tpu.memory_space<hbm>> -> memref<2x80xi32, #tpu.memory_space<hbm>>
    tpu.enqueue_dma source(%dma_start3A_54 : memref<2x80xi32, #tpu.memory_space<hbm>>) target(%arg7 : memref<2x80xi32, #tpu.memory_space<vmem>>) target_semaphore(%arg12 : memref<!tpu.dma_semaphore, #tpu.memory_space<semaphore_mem>>)
    %dma_start3A_55 = arith.constant 0 : i32
    %dma_start3A_56 = arith.constant 0 : i32
    %dma_start3A_57 = tpu.memref_slice %arg6[%dma_start3A_55, %dma_start3A_56] : memref<2x80xi32, #tpu.memory_space<vmem>> -> memref<1x80xi32, #tpu.memory_space<vmem>>
    %dma_start3A_58 = tpu.memref_squeeze %dma_start3A_57 : memref<1x80xi32, #tpu.memory_space<vmem>> -> memref<80xi32, #tpu.memory_space<vmem>>
    %dma_start3A_59 = arith.constant 0 : i32
    %dma_start3A_60 = arith.constant 0 : i32
    %dma_start3A_61 = tpu.memref_slice %arg2[%dma_start3A_59, %dma_start3A_60] : memref<10000x128xf32, #tpu.memory_space<hbm>> -> memref<10000x128xf32, #tpu.memory_space<hbm>>
    tpu.enqueue_indirect_dma source(%dma_start3A_61 : memref<10000x128xf32, #tpu.memory_space<hbm>>) target(%arg8 : memref<80x128xf32, #tpu.memory_space<vmem>>) offsets(%dma_start3A_58 : memref<80xi32, #tpu.memory_space<vmem>>) semaphore(%arg13 : memref<!tpu.dma_semaphore, #tpu.memory_space<semaphore_mem>>)
    %scan3A_62 = arith.constant 0 : i32
    %scan3A_63 = arith.constant 0 : i32
    %scan3A_64 = arith.constant 62 : i32
    %scan3A_65 = arith.addi %scan3A_63, %scan3A_64 : i32
    %scan3A_66 = arith.constant 1 : i32
    scf.for %scan3A_85 = %scan3A_63 to %scan3A_65 step %scan3A_66  : i32 {
      %mul3A_86 = arith.constant 2 : i32
      %mul3A_87 = arith.muli %mul3A_86, %scan3A_85 : i32
      %dma_wait3A_88 = arith.constant 0 : i32
      %dma_wait3A_89 = arith.constant 0 : i32
      %dma_wait3A_90 = tpu.memref_slice %arg6[%dma_wait3A_88, %dma_wait3A_89] : memref<2x80xi32, #tpu.memory_space<vmem>> -> memref<1x80xi32, #tpu.memory_space<vmem>>
      %dma_wait3A_91 = tpu.memref_squeeze %dma_wait3A_90 : memref<1x80xi32, #tpu.memory_space<vmem>> -> memref<80xi32, #tpu.memory_space<vmem>>
      %dma_wait3A_92 = arith.constant 0 : i32
      %dma_wait3A_93 = arith.constant 0 : i32
      %dma_wait3A_94 = tpu.memref_slice %arg2[%dma_wait3A_92, %dma_wait3A_93] : memref<10000x128xf32, #tpu.memory_space<hbm>> -> memref<10000x128xf32, #tpu.memory_space<hbm>>
      tpu.wait_indirect_dma semaphore(%arg13 : memref<!tpu.dma_semaphore, #tpu.memory_space<semaphore_mem>>) src(%dma_wait3A_94 : memref<10000x128xf32, #tpu.memory_space<hbm>>) dst(%arg8 : memref<80x128xf32, #tpu.memory_space<vmem>>)
      %add3A_95 = arith.constant 1 : i32
      %add3A_96 = arith.addi %mul3A_87, %add3A_95 : i32
      %dma_wait3A_97 = arith.constant 0 : i32
      %dma_wait3A_98 = arith.constant 0 : i32
      %dma_wait3A_99 = tpu.memref_slice %arg3[%add3A, %add3A_96, %dma_wait3A_97, %dma_wait3A_98] : memref<32x126x2x80xi32, #tpu.memory_space<hbm>> -> memref<1x1x2x80xi32, #tpu.memory_space<hbm>>
      %dma_wait3A_100 = tpu.memref_squeeze %dma_wait3A_99 : memref<1x1x2x80xi32, #tpu.memory_space<hbm>> -> memref<2x80xi32, #tpu.memory_space<hbm>>
      %dma_wait3A_101 = arith.constant 0 : i32
      %dma_wait3A_102 = arith.constant 0 : i32
      %dma_wait3A_103 = tpu.memref_slice %arg3[%add3A, %add3A_96, %dma_wait3A_101, %dma_wait3A_102] : memref<32x126x2x80xi32, #tpu.memory_space<hbm>> -> memref<1x1x2x80xi32, #tpu.memory_space<hbm>>
      %dma_wait3A_104 = tpu.memref_squeeze %dma_wait3A_103 : memref<1x1x2x80xi32, #tpu.memory_space<hbm>> -> memref<2x80xi32, #tpu.memory_space<hbm>>
      tpu.wait_dma2 semaphore(%arg12 : memref<!tpu.dma_semaphore, #tpu.memory_space<semaphore_mem>>) src(%dma_wait3A_104 : memref<2x80xi32, #tpu.memory_space<hbm>>) dst(%arg7 : memref<2x80xi32, #tpu.memory_space<vmem>>)
      %dma_start3A_105 = arith.constant 0 : i32
      %dma_start3A_106 = arith.constant 0 : i32
      %dma_start3A_107 = tpu.memref_slice %arg7[%dma_start3A_105, %dma_start3A_106] : memref<2x80xi32, #tpu.memory_space<vmem>> -> memref<1x80xi32, #tpu.memory_space<vmem>>
      %dma_start3A_108 = tpu.memref_squeeze %dma_start3A_107 : memref<1x80xi32, #tpu.memory_space<vmem>> -> memref<80xi32, #tpu.memory_space<vmem>>
      %dma_start3A_109 = arith.constant 0 : i32
      %dma_start3A_110 = arith.constant 0 : i32
      %dma_start3A_111 = tpu.memref_slice %arg2[%dma_start3A_109, %dma_start3A_110] : memref<10000x128xf32, #tpu.memory_space<hbm>> -> memref<10000x128xf32, #tpu.memory_space<hbm>>
      tpu.enqueue_indirect_dma source(%dma_start3A_111 : memref<10000x128xf32, #tpu.memory_space<hbm>>) target(%arg9 : memref<80x128xf32, #tpu.memory_space<vmem>>) offsets(%dma_start3A_108 : memref<80xi32, #tpu.memory_space<vmem>>) semaphore(%arg14 : memref<!tpu.dma_semaphore, #tpu.memory_space<semaphore_mem>>)
      %run_scoped3A_112 = arith.constant 1 : i32
      "tpu.region"() ({
        %run_scoped3A_158 = tpu.sem_alloc : memref<!tpu.dma_semaphore, #tpu.memory_space<semaphore_mem>>
        %dma_start3A_159 = arith.constant 0 : i32
        %dma_start3A_160 = tpu.memref_slice %arg6[%run_scoped3A_112, %dma_start3A_159] : memref<2x80xi32, #tpu.memory_space<vmem>> -> memref<1x80xi32, #tpu.memory_space<vmem>>
        %dma_start3A_161 = tpu.memref_squeeze %dma_start3A_160 : memref<1x80xi32, #tpu.memory_space<vmem>> -> memref<80xi32, #tpu.memory_space<vmem>>
        %dma_start3A_162 = arith.constant 0 : i32
        %dma_start3A_163 = arith.constant 0 : i32
        %dma_start3A_164 = tpu.memref_slice %arg5[%dma_start3A_162, %dma_start3A_163] : memref<10112x128xf32, #tpu.memory_space<vmem_shared>> -> memref<10112x128xf32, #tpu.memory_space<vmem_shared>>
        tpu.enqueue_indirect_dma source(%arg8 : memref<80x128xf32, #tpu.memory_space<vmem>>) target(%dma_start3A_164 : memref<10112x128xf32, #tpu.memory_space<vmem_shared>>) offsets(%dma_start3A_161 : memref<80xi32, #tpu.memory_space<vmem>>) semaphore(%run_scoped3A_158 : memref<!tpu.dma_semaphore, #tpu.memory_space<semaphore_mem>>) {add = true}
        %dma_wait3A_165 = arith.constant 0 : i32
        %dma_wait3A_166 = tpu.memref_slice %arg6[%run_scoped3A_112, %dma_wait3A_165] : memref<2x80xi32, #tpu.memory_space<vmem>> -> memref<1x80xi32, #tpu.memory_space<vmem>>
        %dma_wait3A_167 = tpu.memref_squeeze %dma_wait3A_166 : memref<1x80xi32, #tpu.memory_space<vmem>> -> memref<80xi32, #tpu.memory_space<vmem>>
        %dma_wait3A_168 = arith.constant 0 : i32
        %dma_wait3A_169 = arith.constant 0 : i32
        %dma_wait3A_170 = tpu.memref_slice %arg5[%dma_wait3A_168, %dma_wait3A_169] : memref<10112x128xf32, #tpu.memory_space<vmem_shared>> -> memref<10112x128xf32, #tpu.memory_space<vmem_shared>>
        tpu.wait_indirect_dma semaphore(%run_scoped3A_158 : memref<!tpu.dma_semaphore, #tpu.memory_space<semaphore_mem>>) src(%arg8 : memref<80x128xf32, #tpu.memory_space<vmem>>) dst(%dma_wait3A_170 : memref<10112x128xf32, #tpu.memory_space<vmem_shared>>)
        tpu.yield
      }) : () -> ()
      %add3A_113 = arith.constant 2 : i32
      %add3A_114 = arith.addi %mul3A_87, %add3A_113 : i32
      %dma_start3A_115 = arith.constant 0 : i32
      %dma_start3A_116 = arith.constant 0 : i32
      %dma_start3A_117 = tpu.memref_slice %arg3[%add3A, %add3A_114, %dma_start3A_115, %dma_start3A_116] : memref<32x126x2x80xi32, #tpu.memory_space<hbm>> -> memref<1x1x2x80xi32, #tpu.memory_space<hbm>>
      %dma_start3A_118 = tpu.memref_squeeze %dma_start3A_117 : memref<1x1x2x80xi32, #tpu.memory_space<hbm>> -> memref<2x80xi32, #tpu.memory_space<hbm>>
      %dma_start3A_119 = arith.constant 0 : i32
      %dma_start3A_120 = arith.constant 0 : i32
      %dma_start3A_121 = tpu.memref_slice %arg3[%add3A, %add3A_114, %dma_start3A_119, %dma_start3A_120] : memref<32x126x2x80xi32, #tpu.memory_space<hbm>> -> memref<1x1x2x80xi32, #tpu.memory_space<hbm>>
      %dma_start3A_122 = tpu.memref_squeeze %dma_start3A_121 : memref<1x1x2x80xi32, #tpu.memory_space<hbm>> -> memref<2x80xi32, #tpu.memory_space<hbm>>
      tpu.enqueue_dma source(%dma_start3A_122 : memref<2x80xi32, #tpu.memory_space<hbm>>) target(%arg6 : memref<2x80xi32, #tpu.memory_space<vmem>>) target_semaphore(%arg11 : memref<!tpu.dma_semaphore, #tpu.memory_space<semaphore_mem>>)
      %dma_wait3A_123 = arith.constant 0 : i32
      %dma_wait3A_124 = arith.constant 0 : i32
      %dma_wait3A_125 = tpu.memref_slice %arg7[%dma_wait3A_123, %dma_wait3A_124] : memref<2x80xi32, #tpu.memory_space<vmem>> -> memref<1x80xi32, #tpu.memory_space<vmem>>
      %dma_wait3A_126 = tpu.memref_squeeze %dma_wait3A_125 : memref<1x80xi32, #tpu.memory_space<vmem>> -> memref<80xi32, #tpu.memory_space<vmem>>
      %dma_wait3A_127 = arith.constant 0 : i32
      %dma_wait3A_128 = arith.constant 0 : i32
      %dma_wait3A_129 = tpu.memref_slice %arg2[%dma_wait3A_127, %dma_wait3A_128] : memref<10000x128xf32, #tpu.memory_space<hbm>> -> memref<10000x128xf32, #tpu.memory_space<hbm>>
      tpu.wait_indirect_dma semaphore(%arg14 : memref<!tpu.dma_semaphore, #tpu.memory_space<semaphore_mem>>) src(%dma_wait3A_129 : memref<10000x128xf32, #tpu.memory_space<hbm>>) dst(%arg9 : memref<80x128xf32, #tpu.memory_space<vmem>>)
      %add3A_130 = arith.constant 2 : i32
      %add3A_131 = arith.addi %mul3A_87, %add3A_130 : i32
      %dma_wait3A_132 = arith.constant 0 : i32
      %dma_wait3A_133 = arith.constant 0 : i32
      %dma_wait3A_134 = tpu.memref_slice %arg3[%add3A, %add3A_131, %dma_wait3A_132, %dma_wait3A_133] : memref<32x126x2x80xi32, #tpu.memory_space<hbm>> -> memref<1x1x2x80xi32, #tpu.memory_space<hbm>>
      %dma_wait3A_135 = tpu.memref_squeeze %dma_wait3A_134 : memref<1x1x2x80xi32, #tpu.memory_space<hbm>> -> memref<2x80xi32, #tpu.memory_space<hbm>>
      %dma_wait3A_136 = arith.constant 0 : i32
      %dma_wait3A_137 = arith.constant 0 : i32
      %dma_wait3A_138 = tpu.memref_slice %arg3[%add3A, %add3A_131, %dma_wait3A_136, %dma_wait3A_137] : memref<32x126x2x80xi32, #tpu.memory_space<hbm>> -> memref<1x1x2x80xi32, #tpu.memory_space<hbm>>
      %dma_wait3A_139 = tpu.memref_squeeze %dma_wait3A_138 : memref<1x1x2x80xi32, #tpu.memory_space<hbm>> -> memref<2x80xi32, #tpu.memory_space<hbm>>
      tpu.wait_dma2 semaphore(%arg11 : memref<!tpu.dma_semaphore, #tpu.memory_space<semaphore_mem>>) src(%dma_wait3A_139 : memref<2x80xi32, #tpu.memory_space<hbm>>) dst(%arg6 : memref<2x80xi32, #tpu.memory_space<vmem>>)
      %dma_start3A_140 = arith.constant 0 : i32
      %dma_start3A_141 = arith.constant 0 : i32
      %dma_start3A_142 = tpu.memref_slice %arg6[%dma_start3A_140, %dma_start3A_141] : memref<2x80xi32, #tpu.memory_space<vmem>> -> memref<1x80xi32, #tpu.memory_space<vmem>>
      %dma_start3A_143 = tpu.memref_squeeze %dma_start3A_142 : memref<1x80xi32, #tpu.memory_space<vmem>> -> memref<80xi32, #tpu.memory_space<vmem>>
      %dma_start3A_144 = arith.constant 0 : i32
      %dma_start3A_145 = arith.constant 0 : i32
      %dma_start3A_146 = tpu.memref_slice %arg2[%dma_start3A_144, %dma_start3A_145] : memref<10000x128xf32, #tpu.memory_space<hbm>> -> memref<10000x128xf32, #tpu.memory_space<hbm>>
      tpu.enqueue_indirect_dma source(%dma_start3A_146 : memref<10000x128xf32, #tpu.memory_space<hbm>>) target(%arg8 : memref<80x128xf32, #tpu.memory_space<vmem>>) offsets(%dma_start3A_143 : memref<80xi32, #tpu.memory_space<vmem>>) semaphore(%arg13 : memref<!tpu.dma_semaphore, #tpu.memory_space<semaphore_mem>>)
      %run_scoped3A_147 = arith.constant 1 : i32
      "tpu.region"() ({
        %run_scoped3A_158 = tpu.sem_alloc : memref<!tpu.dma_semaphore, #tpu.memory_space<semaphore_mem>>
        %dma_start3A_159 = arith.constant 0 : i32
        %dma_start3A_160 = tpu.memref_slice %arg7[%run_scoped3A_147, %dma_start3A_159] : memref<2x80xi32, #tpu.memory_space<vmem>> -> memref<1x80xi32, #tpu.memory_space<vmem>>
        %dma_start3A_161 = tpu.memref_squeeze %dma_start3A_160 : memref<1x80xi32, #tpu.memory_space<vmem>> -> memref<80xi32, #tpu.memory_space<vmem>>
        %dma_start3A_162 = arith.constant 0 : i32
        %dma_start3A_163 = arith.constant 0 : i32
        %dma_start3A_164 = tpu.memref_slice %arg5[%dma_start3A_162, %dma_start3A_163] : memref<10112x128xf32, #tpu.memory_space<vmem_shared>> -> memref<10112x128xf32, #tpu.memory_space<vmem_shared>>
        tpu.enqueue_indirect_dma source(%arg9 : memref<80x128xf32, #tpu.memory_space<vmem>>) target(%dma_start3A_164 : memref<10112x128xf32, #tpu.memory_space<vmem_shared>>) offsets(%dma_start3A_161 : memref<80xi32, #tpu.memory_space<vmem>>) semaphore(%run_scoped3A_158 : memref<!tpu.dma_semaphore, #tpu.memory_space<semaphore_mem>>) {add = true}
        %dma_wait3A_165 = arith.constant 0 : i32
        %dma_wait3A_166 = tpu.memref_slice %arg7[%run_scoped3A_147, %dma_wait3A_165] : memref<2x80xi32, #tpu.memory_space<vmem>> -> memref<1x80xi32, #tpu.memory_space<vmem>>
        %dma_wait3A_167 = tpu.memref_squeeze %dma_wait3A_166 : memref<1x80xi32, #tpu.memory_space<vmem>> -> memref<80xi32, #tpu.memory_space<vmem>>
        %dma_wait3A_168 = arith.constant 0 : i32
        %dma_wait3A_169 = arith.constant 0 : i32
        %dma_wait3A_170 = tpu.memref_slice %arg5[%dma_wait3A_168, %dma_wait3A_169] : memref<10112x128xf32, #tpu.memory_space<vmem_shared>> -> memref<10112x128xf32, #tpu.memory_space<vmem_shared>>
        tpu.wait_indirect_dma semaphore(%run_scoped3A_158 : memref<!tpu.dma_semaphore, #tpu.memory_space<semaphore_mem>>) src(%arg9 : memref<80x128xf32, #tpu.memory_space<vmem>>) dst(%dma_wait3A_170 : memref<10112x128xf32, #tpu.memory_space<vmem_shared>>)
        tpu.yield
      }) : () -> ()
      %add3A_148 = arith.constant 3 : i32
      %add3A_149 = arith.addi %mul3A_87, %add3A_148 : i32
      %dma_start3A_150 = arith.constant 0 : i32
      %dma_start3A_151 = arith.constant 0 : i32
      %dma_start3A_152 = tpu.memref_slice %arg3[%add3A, %add3A_149, %dma_start3A_150, %dma_start3A_151] : memref<32x126x2x80xi32, #tpu.memory_space<hbm>> -> memref<1x1x2x80xi32, #tpu.memory_space<hbm>>
      %dma_start3A_153 = tpu.memref_squeeze %dma_start3A_152 : memref<1x1x2x80xi32, #tpu.memory_space<hbm>> -> memref<2x80xi32, #tpu.memory_space<hbm>>
      %dma_start3A_154 = arith.constant 0 : i32
      %dma_start3A_155 = arith.constant 0 : i32
      %dma_start3A_156 = tpu.memref_slice %arg3[%add3A, %add3A_149, %dma_start3A_154, %dma_start3A_155] : memref<32x126x2x80xi32, #tpu.memory_space<hbm>> -> memref<1x1x2x80xi32, #tpu.memory_space<hbm>>
      %dma_start3A_157 = tpu.memref_squeeze %dma_start3A_156 : memref<1x1x2x80xi32, #tpu.memory_space<hbm>> -> memref<2x80xi32, #tpu.memory_space<hbm>>
      tpu.enqueue_dma source(%dma_start3A_157 : memref<2x80xi32, #tpu.memory_space<hbm>>) target(%arg7 : memref<2x80xi32, #tpu.memory_space<vmem>>) target_semaphore(%arg12 : memref<!tpu.dma_semaphore, #tpu.memory_space<semaphore_mem>>)
    }
    %scan3A_67 = arith.constant 62 : i32
    %dma_wait3A = arith.constant 0 : i32
    %dma_wait3A_68 = arith.constant 0 : i32
    %dma_wait3A_69 = tpu.memref_slice %arg6[%dma_wait3A, %dma_wait3A_68] : memref<2x80xi32, #tpu.memory_space<vmem>> -> memref<1x80xi32, #tpu.memory_space<vmem>>
    %dma_wait3A_70 = tpu.memref_squeeze %dma_wait3A_69 : memref<1x80xi32, #tpu.memory_space<vmem>> -> memref<80xi32, #tpu.memory_space<vmem>>
    %dma_wait3A_71 = arith.constant 0 : i32
    %dma_wait3A_72 = arith.constant 0 : i32
    %dma_wait3A_73 = tpu.memref_slice %arg2[%dma_wait3A_71, %dma_wait3A_72] : memref<10000x128xf32, #tpu.memory_space<hbm>> -> memref<10000x128xf32, #tpu.memory_space<hbm>>
    tpu.wait_indirect_dma semaphore(%arg13 : memref<!tpu.dma_semaphore, #tpu.memory_space<semaphore_mem>>) src(%dma_wait3A_73 : memref<10000x128xf32, #tpu.memory_space<hbm>>) dst(%arg8 : memref<80x128xf32, #tpu.memory_space<vmem>>)
    %dma_wait3A_74 = arith.constant 125 : i32
    %dma_wait3A_75 = arith.constant 0 : i32
    %dma_wait3A_76 = arith.constant 0 : i32
    %dma_wait3A_77 = tpu.memref_slice %arg3[%add3A, %dma_wait3A_74, %dma_wait3A_75, %dma_wait3A_76] : memref<32x126x2x80xi32, #tpu.memory_space<hbm>> -> memref<1x1x2x80xi32, #tpu.memory_space<hbm>>
    %dma_wait3A_78 = tpu.memref_squeeze %dma_wait3A_77 : memref<1x1x2x80xi32, #tpu.memory_space<hbm>> -> memref<2x80xi32, #tpu.memory_space<hbm>>
    %dma_wait3A_79 = arith.constant 0 : i32
    %dma_wait3A_80 = arith.constant 0 : i32
    %dma_wait3A_81 = tpu.memref_slice %arg3[%add3A, %dma_wait3A_74, %dma_wait3A_79, %dma_wait3A_80] : memref<32x126x2x80xi32, #tpu.memory_space<hbm>> -> memref<1x1x2x80xi32, #tpu.memory_space<hbm>>
    %dma_wait3A_82 = tpu.memref_squeeze %dma_wait3A_81 : memref<1x1x2x80xi32, #tpu.memory_space<hbm>> -> memref<2x80xi32, #tpu.memory_space<hbm>>
    tpu.wait_dma2 semaphore(%arg12 : memref<!tpu.dma_semaphore, #tpu.memory_space<semaphore_mem>>) src(%dma_wait3A_82 : memref<2x80xi32, #tpu.memory_space<hbm>>) dst(%arg7 : memref<2x80xi32, #tpu.memory_space<vmem>>)
    %run_scoped3A_83 = arith.constant 1 : i32
    "tpu.region"() ({
      %run_scoped3A_85 = tpu.sem_alloc : memref<!tpu.dma_semaphore, #tpu.memory_space<semaphore_mem>>
      %dma_start3A_86 = arith.constant 0 : i32
      %dma_start3A_87 = tpu.memref_slice %arg6[%run_scoped3A_83, %dma_start3A_86] : memref<2x80xi32, #tpu.memory_space<vmem>> -> memref<1x80xi32, #tpu.memory_space<vmem>>
      %dma_start3A_88 = tpu.memref_squeeze %dma_start3A_87 : memref<1x80xi32, #tpu.memory_space<vmem>> -> memref<80xi32, #tpu.memory_space<vmem>>
      %dma_start3A_89 = arith.constant 0 : i32
      %dma_start3A_90 = arith.constant 0 : i32
      %dma_start3A_91 = tpu.memref_slice %arg5[%dma_start3A_89, %dma_start3A_90] : memref<10112x128xf32, #tpu.memory_space<vmem_shared>> -> memref<10112x128xf32, #tpu.memory_space<vmem_shared>>
      tpu.enqueue_indirect_dma source(%arg8 : memref<80x128xf32, #tpu.memory_space<vmem>>) target(%dma_start3A_91 : memref<10112x128xf32, #tpu.memory_space<vmem_shared>>) offsets(%dma_start3A_88 : memref<80xi32, #tpu.memory_space<vmem>>) semaphore(%run_scoped3A_85 : memref<!tpu.dma_semaphore, #tpu.memory_space<semaphore_mem>>) {add = true}
      %dma_wait3A_92 = arith.constant 0 : i32
      %dma_wait3A_93 = tpu.memref_slice %arg6[%run_scoped3A_83, %dma_wait3A_92] : memref<2x80xi32, #tpu.memory_space<vmem>> -> memref<1x80xi32, #tpu.memory_space<vmem>>
      %dma_wait3A_94 = tpu.memref_squeeze %dma_wait3A_93 : memref<1x80xi32, #tpu.memory_space<vmem>> -> memref<80xi32, #tpu.memory_space<vmem>>
      %dma_wait3A_95 = arith.constant 0 : i32
      %dma_wait3A_96 = arith.constant 0 : i32
      %dma_wait3A_97 = tpu.memref_slice %arg5[%dma_wait3A_95, %dma_wait3A_96] : memref<10112x128xf32, #tpu.memory_space<vmem_shared>> -> memref<10112x128xf32, #tpu.memory_space<vmem_shared>>
      tpu.wait_indirect_dma semaphore(%run_scoped3A_85 : memref<!tpu.dma_semaphore, #tpu.memory_space<semaphore_mem>>) src(%arg8 : memref<80x128xf32, #tpu.memory_space<vmem>>) dst(%dma_wait3A_97 : memref<10112x128xf32, #tpu.memory_space<vmem_shared>>)
      tpu.yield
    }) : () -> ()
    %barrier3A_84 = arith.constant 0 : index
    tpu.barrier barrier_id(%barrier3A_84)
    "tpu.region"() ({
      %run_scoped3A_85 = tpu.sem_alloc : memref<!tpu.dma_semaphore, #tpu.memory_space<semaphore_mem>>
      %dma_start3A_86 = arith.constant 0 : i32
      %dma_start3A_87 = tpu.memref_slice %arg4[%arg0, %mul3A_8, %dma_start3A_86] : memref<2x10112x128xf32, #tpu.memory_space<hbm>> -> memref<1x632x128xf32, #tpu.memory_space<hbm>>
      %dma_start3A_88 = tpu.memref_squeeze %dma_start3A_87 : memref<1x632x128xf32, #tpu.memory_space<hbm>> -> memref<632x128xf32, #tpu.memory_space<hbm>>
      %dma_start3A_89 = arith.constant 0 : i32
      %dma_start3A_90 = tpu.memref_slice %arg5[%mul3A_8, %dma_start3A_89] : memref<10112x128xf32, #tpu.memory_space<vmem_shared>> -> memref<632x128xf32, #tpu.memory_space<vmem_shared>>
      tpu.enqueue_dma source(%dma_start3A_90 : memref<632x128xf32, #tpu.memory_space<vmem_shared>>) target(%dma_start3A_88 : memref<632x128xf32, #tpu.memory_space<hbm>>) target_semaphore(%run_scoped3A_85 : memref<!tpu.dma_semaphore, #tpu.memory_space<semaphore_mem>>)
      %dma_wait3A_91 = arith.constant 0 : i32
      %dma_wait3A_92 = tpu.memref_slice %arg4[%arg0, %mul3A_8, %dma_wait3A_91] : memref<2x10112x128xf32, #tpu.memory_space<hbm>> -> memref<1x632x128xf32, #tpu.memory_space<hbm>>
      %dma_wait3A_93 = tpu.memref_squeeze %dma_wait3A_92 : memref<1x632x128xf32, #tpu.memory_space<hbm>> -> memref<632x128xf32, #tpu.memory_space<hbm>>
      %dma_wait3A_94 = arith.constant 0 : i32
      %dma_wait3A_95 = tpu.memref_slice %arg5[%mul3A_8, %dma_wait3A_94] : memref<10112x128xf32, #tpu.memory_space<vmem_shared>> -> memref<632x128xf32, #tpu.memory_space<vmem_shared>>
      tpu.wait_dma2 semaphore(%run_scoped3A_85 : memref<!tpu.dma_semaphore, #tpu.memory_space<semaphore_mem>>) src(%dma_wait3A_95 : memref<632x128xf32, #tpu.memory_space<vmem_shared>>) dst(%dma_wait3A_93 : memref<632x128xf32, #tpu.memory_space<hbm>>)
      tpu.yield
    }) : () -> ()
    return
  }
}

#map = affine_map<(d0, d1) -> (0, 0)>
#map1 = affine_map<(d0, d1) -> (0)>
module attributes {stable_mosaic.version = 14 : i64} {
  func.func @gather_rows(%arg0: i32, %arg1: i32, %arg2: memref<10000x128xf32, #tpu.memory_space<hbm>>, %arg3: memref<1280xi32, #tpu.memory_space<hbm>>, %arg4: memref<1280x128xf32, #tpu.memory_space<hbm>>, %arg5: memref<40xi32, #tpu.memory_space<vmem>>, %arg6: memref<40x128xf32, #tpu.memory_space<vmem>>, %arg7: memref<!tpu.dma_semaphore, #tpu.memory_space<semaphore_mem>>) attributes {dimension_semantics = [#tpu.dimension_semantics<core_parallel>, #tpu.dimension_semantics<subcore_parallel>], iteration_bounds = array<i64: 2, 16>, scalar_prefetch = 0 : i64, scratch_operands = 3 : i64, tpu.core_type = #tpu.core_type<sc_vector_subcore>, window_params = [{transform_indices = #map}, {transform_indices = #map1}, {transform_indices = #map}]} {
    %mul3A = arith.constant 2 : i32
    %mul3A_0 = arith.muli %arg1, %mul3A : i32
    %add3A = arith.addi %mul3A_0, %arg0 : i32
    %mul3A_1 = arith.constant 40 : i32
    %mul3A_2 = arith.muli %add3A, %mul3A_1 : i32
    "tpu.region"() ({
      %run_scoped3A = tpu.sem_alloc : memref<!tpu.dma_semaphore, #tpu.memory_space<semaphore_mem>>
      %dma_start3A_7 = tpu.memref_slice %arg3[%mul3A_2] : memref<1280xi32, #tpu.memory_space<hbm>> -> memref<40xi32, #tpu.memory_space<hbm>>
      %dma_start3A_8 = tpu.memref_slice %arg3[%mul3A_2] : memref<1280xi32, #tpu.memory_space<hbm>> -> memref<40xi32, #tpu.memory_space<hbm>>
      tpu.enqueue_dma source(%dma_start3A_8 : memref<40xi32, #tpu.memory_space<hbm>>) target(%arg5 : memref<40xi32, #tpu.memory_space<vmem>>) target_semaphore(%run_scoped3A : memref<!tpu.dma_semaphore, #tpu.memory_space<semaphore_mem>>)
      %dma_wait3A_9 = tpu.memref_slice %arg3[%mul3A_2] : memref<1280xi32, #tpu.memory_space<hbm>> -> memref<40xi32, #tpu.memory_space<hbm>>
      %dma_wait3A_10 = tpu.memref_slice %arg3[%mul3A_2] : memref<1280xi32, #tpu.memory_space<hbm>> -> memref<40xi32, #tpu.memory_space<hbm>>
      tpu.wait_dma2 semaphore(%run_scoped3A : memref<!tpu.dma_semaphore, #tpu.memory_space<semaphore_mem>>) src(%dma_wait3A_10 : memref<40xi32, #tpu.memory_space<hbm>>) dst(%arg5 : memref<40xi32, #tpu.memory_space<vmem>>)
      tpu.yield
    }) : () -> ()
    %dma_start3A = arith.constant 0 : i32
    %dma_start3A_3 = arith.constant 0 : i32
    %dma_start3A_4 = tpu.memref_slice %arg2[%dma_start3A, %dma_start3A_3] : memref<10000x128xf32, #tpu.memory_space<hbm>> -> memref<10000x128xf32, #tpu.memory_space<hbm>>
    tpu.enqueue_indirect_dma source(%dma_start3A_4 : memref<10000x128xf32, #tpu.memory_space<hbm>>) target(%arg6 : memref<40x128xf32, #tpu.memory_space<vmem>>) offsets(%arg5 : memref<40xi32, #tpu.memory_space<vmem>>) semaphore(%arg7 : memref<!tpu.dma_semaphore, #tpu.memory_space<semaphore_mem>>)
    %dma_wait3A = arith.constant 0 : i32
    %dma_wait3A_5 = arith.constant 0 : i32
    %dma_wait3A_6 = tpu.memref_slice %arg2[%dma_wait3A, %dma_wait3A_5] : memref<10000x128xf32, #tpu.memory_space<hbm>> -> memref<10000x128xf32, #tpu.memory_space<hbm>>
    tpu.wait_indirect_dma semaphore(%arg7 : memref<!tpu.dma_semaphore, #tpu.memory_space<semaphore_mem>>) src(%dma_wait3A_6 : memref<10000x128xf32, #tpu.memory_space<hbm>>) dst(%arg6 : memref<40x128xf32, #tpu.memory_space<vmem>>)
    "tpu.region"() ({
      %run_scoped3A = tpu.sem_alloc : memref<!tpu.dma_semaphore, #tpu.memory_space<semaphore_mem>>
      %dma_start3A_7 = arith.constant 0 : i32
      %dma_start3A_8 = tpu.memref_slice %arg4[%mul3A_2, %dma_start3A_7] : memref<1280x128xf32, #tpu.memory_space<hbm>> -> memref<40x128xf32, #tpu.memory_space<hbm>>
      %dma_start3A_9 = arith.constant 0 : i32
      %dma_start3A_10 = tpu.memref_slice %arg4[%mul3A_2, %dma_start3A_9] : memref<1280x128xf32, #tpu.memory_space<hbm>> -> memref<40x128xf32, #tpu.memory_space<hbm>>
      tpu.enqueue_dma source(%arg6 : memref<40x128xf32, #tpu.memory_space<vmem>>) target(%dma_start3A_10 : memref<40x128xf32, #tpu.memory_space<hbm>>) target_semaphore(%run_scoped3A : memref<!tpu.dma_semaphore, #tpu.memory_space<semaphore_mem>>)
      %dma_wait3A_11 = arith.constant 0 : i32
      %dma_wait3A_12 = tpu.memref_slice %arg4[%mul3A_2, %dma_wait3A_11] : memref<1280x128xf32, #tpu.memory_space<hbm>> -> memref<40x128xf32, #tpu.memory_space<hbm>>
      %dma_wait3A_13 = arith.constant 0 : i32
      %dma_wait3A_14 = tpu.memref_slice %arg4[%mul3A_2, %dma_wait3A_13] : memref<1280x128xf32, #tpu.memory_space<hbm>> -> memref<40x128xf32, #tpu.memory_space<hbm>>
      tpu.wait_dma2 semaphore(%run_scoped3A : memref<!tpu.dma_semaphore, #tpu.memory_space<semaphore_mem>>) src(%arg6 : memref<40x128xf32, #tpu.memory_space<vmem>>) dst(%dma_wait3A_14 : memref<40x128xf32, #tpu.memory_space<hbm>>)
      tpu.yield
    }) : () -> ()
    return
  }
}

#map = affine_map<(d0, d1) -> (0, 0)>
#map1 = affine_map<(d0, d1) -> (0, 0, 0, 0)>
#map2 = affine_map<(d0, d1) -> (0, 0, 0)>
module attributes {stable_mosaic.version = 14 : i64} {
  func.func @seg_sum(%arg0: i32, %arg1: i32, %arg2: memref<10000x128xf32, #tpu.memory_space<hbm>>, %arg3: memref<32x126x2x80xi32, #tpu.memory_space<hbm>>, %arg4: memref<2x10112x128xf32, #tpu.memory_space<hbm>>, %arg5: memref<10112x128xf32, #tpu.memory_space<vmem_shared>>, %arg6: memref<2x80xi32, #tpu.memory_space<vmem>>, %arg7: memref<2x80xi32, #tpu.memory_space<vmem>>, %arg8: memref<80x128xf32, #tpu.memory_space<vmem>>, %arg9: memref<80x128xf32, #tpu.memory_space<vmem>>, %arg10: memref<32x128xf32, #tpu.memory_space<vmem>>, %arg11: memref<!tpu.dma_semaphore, #tpu.memory_space<semaphore_mem>>, %arg12: memref<!tpu.dma_semaphore, #tpu.memory_space<semaphore_mem>>, %arg13: memref<!tpu.dma_semaphore, #tpu.memory_space<semaphore_mem>>, %arg14: memref<!tpu.dma_semaphore, #tpu.memory_space<semaphore_mem>>) attributes {dimension_semantics = [#tpu.dimension_semantics<core_parallel>, #tpu.dimension_semantics<subcore_parallel>], iteration_bounds = array<i64: 2, 16>, scalar_prefetch = 0 : i64, scratch_operands = 10 : i64, tpu.core_type = #tpu.core_type<sc_vector_subcore>, window_params = [{transform_indices = #map}, {transform_indices = #map1}, {transform_indices = #map2}]} {
    %mul3A = arith.constant 2 : i32
    %mul3A_0 = arith.muli %arg1, %mul3A : i32
    %add3A = arith.addi %mul3A_0, %arg0 : i32
    %broadcast_in_dim3A = arith.constant 0.000000e+00 : f32
    %broadcast_in_dim3A_1 = vector.broadcast %broadcast_in_dim3A : f32 to vector<16xf32>
    %scan3A = arith.constant 0 : i32
    %scan3A_2 = arith.constant 0 : i32
    %scan3A_3 = arith.constant 256 : i32
    %scan3A_4 = arith.addi %scan3A_2, %scan3A_3 : i32
    %scan3A_5 = arith.constant 1 : i32
    scf.for %scan3A_85 = %scan3A_2 to %scan3A_4 step %scan3A_5  : i32 {
      %jit3A = arith.constant 8 : i32
      %div3A = arith.divsi %scan3A_85, %jit3A : i32
      %sign3A = arith.constant 0 : i32
      %sign3A_86 = arith.cmpi sgt, %scan3A_85, %sign3A : i32
      %sign3A_87 = arith.extui %sign3A_86 : i1 to i32
      %sign3A_88 = arith.constant 0 : i32
      %sign3A_89 = arith.cmpi slt, %scan3A_85, %sign3A_88 : i32
      %sign3A_90 = arith.extui %sign3A_89 : i1 to i32
      %sign3A_91 = arith.subi %sign3A_87, %sign3A_90 : i32
      %sign3A_92 = arith.constant 0 : i32
      %sign3A_93 = arith.cmpi sgt, %jit3A, %sign3A_92 : i32
      %sign3A_94 = arith.extui %sign3A_93 : i1 to i32
      %sign3A_95 = arith.constant 0 : i32
      %sign3A_96 = arith.cmpi slt, %jit3A, %sign3A_95 : i32
      %sign3A_97 = arith.extui %sign3A_96 : i1 to i32
      %sign3A_98 = arith.subi %sign3A_94, %sign3A_97 : i32
      %ne3A = arith.cmpi ne, %sign3A_91, %sign3A_98 : i32
      %rem3A = arith.remsi %scan3A_85, %jit3A : i32
      %ne3A_99 = arith.constant 0 : i32
      %ne3A_100 = arith.cmpi ne, %rem3A, %ne3A_99 : i32
      %and3A = arith.andi %ne3A, %ne3A_100 : i1
      %sub3A = arith.constant 1 : i32
      %sub3A_101 = arith.subi %div3A, %sub3A : i32
      %select_n3A = arith.select %and3A, %sub3A_101, %div3A : i32
      %jit3A_102 = arith.constant 8 : i32
      %eq3A = arith.constant 0 : i32
      %eq3A_103 = arith.cmpi eq, %jit3A_102, %eq3A : i32
      %jit3A_104 = arith.constant 1 : i32
      %select_n3A_105 = arith.select %eq3A_103, %jit3A_104, %jit3A_102 : i32
      %rem3A_106 = arith.remsi %scan3A_85, %select_n3A_105 : i32
      %ne3A_107 = arith.constant 0 : i32
      %ne3A_108 = arith.cmpi ne, %rem3A_106, %ne3A_107 : i32
      %lt3A = arith.constant 0 : i32
      %lt3A_109 = arith.cmpi slt, %rem3A_106, %lt3A : i32
      %lt3A_110 = arith.constant 0 : i32
      %lt3A_111 = arith.cmpi slt, %select_n3A_105, %lt3A_110 : i32
      %ne3A_112 = arith.xori %lt3A_109, %lt3A_111 : i1
      %and3A_113 = arith.andi %ne3A_112, %ne3A_108 : i1
      %add3A_114 = arith.addi %rem3A_106, %select_n3A_105 : i32
      %select_n3A_115 = arith.select %and3A_113, %add3A_114, %rem3A_106 : i32
      %mul3A_116 = arith.constant 16 : i32
      %mul3A_117 = arith.muli %select_n3A_115, %mul3A_116 : i32
      %swap3A = arith.index_cast %select_n3A : i32 to index
      %swap3A_118 = arith.index_cast %mul3A_117 : i32 to index
      %swap3A_119 = tpu.vector_load %arg10[%swap3A, %swap3A_118] {strides = array<i32>} : memref<32x128xf32, #tpu.memory_space<vmem>>, vector<1x16xf32>,
      %swap3A_120 = vector.shape_cast %swap3A_119 : vector<1x16xf32> to vector<16xf32>
      %swap3A_121 = vector.shape_cast %broadcast_in_dim3A_1 : vector<16xf32> to vector<1x16xf32>
      tpu.vector_store %arg10[%swap3A, %swap3A_118], %swap3A_121 {strides = array<i32>} : memref<32x128xf32, #tpu.memory_space<vmem>>, vector<1x16xf32>,
    }
    %scan3A_6 = arith.constant 256 : i32
    %mul3A_7 = arith.constant 632 : i32
    %mul3A_8 = arith.muli %arg1, %mul3A_7 : i32
    %add3A_9 = arith.constant 0 : i32
    %add3A_10 = arith.addi %mul3A_8, %add3A_9 : i32
    "tpu.region"() ({
      %run_scoped3A_85 = tpu.sem_alloc : memref<!tpu.dma_semaphore, #tpu.memory_space<semaphore_mem>>
      %dma_start3A_86 = arith.constant 0 : i32
      %dma_start3A_87 = tpu.memref_slice %arg5[%add3A_10, %dma_start3A_86] : memref<10112x128xf32, #tpu.memory_space<vmem_shared>> -> memref<32x128xf32, #tpu.memory_space<vmem_shared>>
      %dma_start3A_88 = arith.constant 0 : i32
      %dma_start3A_89 = tpu.memref_slice %arg5[%add3A_10, %dma_start3A_88] : memref<10112x128xf32, #tpu.memory_space<vmem_shared>> -> memref<32x128xf32, #tpu.memory_space<vmem_shared>>
      tpu.enqueue_dma source(%arg10 : memref<32x128xf32, #tpu.memory_space<vmem>>) target(%dma_start3A_89 : memref<32x128xf32, #tpu.memory_space<vmem_shared>>) target_semaphore(%run_scoped3A_85 : memref<!tpu.dma_semaphore, #tpu.memory_space<semaphore_mem>>)
      %dma_wait3A_90 = arith.constant 0 : i32
      %dma_wait3A_91 = tpu.memref_slice %arg5[%add3A_10, %dma_wait3A_90] : memref<10112x128xf32, #tpu.memory_space<vmem_shared>> -> memref<32x128xf32, #tpu.memory_space<vmem_shared>>
      %dma_wait3A_92 = arith.constant 0 : i32
      %dma_wait3A_93 = tpu.memref_slice %arg5[%add3A_10, %dma_wait3A_92] : memref<10112x128xf32, #tpu.memory_space<vmem_shared>> -> memref<32x128xf32, #tpu.memory_space<vmem_shared>>
      tpu.wait_dma2 semaphore(%run_scoped3A_85 : memref<!tpu.dma_semaphore, #tpu.memory_space<semaphore_mem>>) src(%arg10 : memref<32x128xf32, #tpu.memory_space<vmem>>) dst(%dma_wait3A_93 : memref<32x128xf32, #tpu.memory_space<vmem_shared>>)
      tpu.yield
    }) : () -> ()
    %add3A_11 = arith.constant 32 : i32
    %add3A_12 = arith.addi %mul3A_8, %add3A_11 : i32
    "tpu.region"() ({
      %run_scoped3A_85 = tpu.sem_alloc : memref<!tpu.dma_semaphore, #tpu.memory_space<semaphore_mem>>
      %dma_start3A_86 = arith.constant 0 : i32
      %dma_start3A_87 = tpu.memref_slice %arg5[%add3A_12, %dma_start3A_86] : memref<10112x128xf32, #tpu.memory_space<vmem_shared>> -> memref<32x128xf32, #tpu.memory_space<vmem_shared>>
      %dma_start3A_88 = arith.constant 0 : i32
      %dma_start3A_89 = tpu.memref_slice %arg5[%add3A_12, %dma_start3A_88] : memref<10112x128xf32, #tpu.memory_space<vmem_shared>> -> memref<32x128xf32, #tpu.memory_space<vmem_shared>>
      tpu.enqueue_dma source(%arg10 : memref<32x128xf32, #tpu.memory_space<vmem>>) target(%dma_start3A_89 : memref<32x128xf32, #tpu.memory_space<vmem_shared>>) target_semaphore(%run_scoped3A_85 : memref<!tpu.dma_semaphore, #tpu.memory_space<semaphore_mem>>)
      %dma_wait3A_90 = arith.constant 0 : i32
      %dma_wait3A_91 = tpu.memref_slice %arg5[%add3A_12, %dma_wait3A_90] : memref<10112x128xf32, #tpu.memory_space<vmem_shared>> -> memref<32x128xf32, #tpu.memory_space<vmem_shared>>
      %dma_wait3A_92 = arith.constant 0 : i32
      %dma_wait3A_93 = tpu.memref_slice %arg5[%add3A_12, %dma_wait3A_92] : memref<10112x128xf32, #tpu.memory_space<vmem_shared>> -> memref<32x128xf32, #tpu.memory_space<vmem_shared>>
      tpu.wait_dma2 semaphore(%run_scoped3A_85 : memref<!tpu.dma_semaphore, #tpu.memory_space<semaphore_mem>>) src(%arg10 : memref<32x128xf32, #tpu.memory_space<vmem>>) dst(%dma_wait3A_93 : memref<32x128xf32, #tpu.memory_space<vmem_shared>>)
      tpu.yield
    }) : () -> ()
    %add3A_13 = arith.constant 64 : i32
    %add3A_14 = arith.addi %mul3A_8, %add3A_13 : i32
    "tpu.region"() ({
      %run_scoped3A_85 = tpu.sem_alloc : memref<!tpu.dma_semaphore, #tpu.memory_space<semaphore_mem>>
      %dma_start3A_86 = arith.constant 0 : i32
      %dma_start3A_87 = tpu.memref_slice %arg5[%add3A_14, %dma_start3A_86] : memref<10112x128xf32, #tpu.memory_space<vmem_shared>> -> memref<32x128xf32, #tpu.memory_space<vmem_shared>>
      %dma_start3A_88 = arith.constant 0 : i32
      %dma_start3A_89 = tpu.memref_slice %arg5[%add3A_14, %dma_start3A_88] : memref<10112x128xf32, #tpu.memory_space<vmem_shared>> -> memref<32x128xf32, #tpu.memory_space<vmem_shared>>
      tpu.enqueue_dma source(%arg10 : memref<32x128xf32, #tpu.memory_space<vmem>>) target(%dma_start3A_89 : memref<32x128xf32, #tpu.memory_space<vmem_shared>>) target_semaphore(%run_scoped3A_85 : memref<!tpu.dma_semaphore, #tpu.memory_space<semaphore_mem>>)
      %dma_wait3A_90 = arith.constant 0 : i32
      %dma_wait3A_91 = tpu.memref_slice %arg5[%add3A_14, %dma_wait3A_90] : memref<10112x128xf32, #tpu.memory_space<vmem_shared>> -> memref<32x128xf32, #tpu.memory_space<vmem_shared>>
      %dma_wait3A_92 = arith.constant 0 : i32
      %dma_wait3A_93 = tpu.memref_slice %arg5[%add3A_14, %dma_wait3A_92] : memref<10112x128xf32, #tpu.memory_space<vmem_shared>> -> memref<32x128xf32, #tpu.memory_space<vmem_shared>>
      tpu.wait_dma2 semaphore(%run_scoped3A_85 : memref<!tpu.dma_semaphore, #tpu.memory_space<semaphore_mem>>) src(%arg10 : memref<32x128xf32, #tpu.memory_space<vmem>>) dst(%dma_wait3A_93 : memref<32x128xf32, #tpu.memory_space<vmem_shared>>)
      tpu.yield
    }) : () -> ()
    %add3A_15 = arith.constant 96 : i32
    %add3A_16 = arith.addi %mul3A_8, %add3A_15 : i32
    "tpu.region"() ({
      %run_scoped3A_85 = tpu.sem_alloc : memref<!tpu.dma_semaphore, #tpu.memory_space<semaphore_mem>>
      %dma_start3A_86 = arith.constant 0 : i32
      %dma_start3A_87 = tpu.memref_slice %arg5[%add3A_16, %dma_start3A_86] : memref<10112x128xf32, #tpu.memory_space<vmem_shared>> -> memref<32x128xf32, #tpu.memory_space<vmem_shared>>
      %dma_start3A_88 = arith.constant 0 : i32
      %dma_start3A_89 = tpu.memref_slice %arg5[%add3A_16, %dma_start3A_88] : memref<10112x128xf32, #tpu.memory_space<vmem_shared>> -> memref<32x128xf32, #tpu.memory_space<vmem_shared>>
      tpu.enqueue_dma source(%arg10 : memref<32x128xf32, #tpu.memory_space<vmem>>) target(%dma_start3A_89 : memref<32x128xf32, #tpu.memory_space<vmem_shared>>) target_semaphore(%run_scoped3A_85 : memref<!tpu.dma_semaphore, #tpu.memory_space<semaphore_mem>>)
      %dma_wait3A_90 = arith.constant 0 : i32
      %dma_wait3A_91 = tpu.memref_slice %arg5[%add3A_16, %dma_wait3A_90] : memref<10112x128xf32, #tpu.memory_space<vmem_shared>> -> memref<32x128xf32, #tpu.memory_space<vmem_shared>>
      %dma_wait3A_92 = arith.constant 0 : i32
      %dma_wait3A_93 = tpu.memref_slice %arg5[%add3A_16, %dma_wait3A_92] : memref<10112x128xf32, #tpu.memory_space<vmem_shared>> -> memref<32x128xf32, #tpu.memory_space<vmem_shared>>
      tpu.wait_dma2 semaphore(%run_scoped3A_85 : memref<!tpu.dma_semaphore, #tpu.memory_space<semaphore_mem>>) src(%arg10 : memref<32x128xf32, #tpu.memory_space<vmem>>) dst(%dma_wait3A_93 : memref<32x128xf32, #tpu.memory_space<vmem_shared>>)
      tpu.yield
    }) : () -> ()
    %add3A_17 = arith.constant 128 : i32
    %add3A_18 = arith.addi %mul3A_8, %add3A_17 : i32
    "tpu.region"() ({
      %run_scoped3A_85 = tpu.sem_alloc : memref<!tpu.dma_semaphore, #tpu.memory_space<semaphore_mem>>
      %dma_start3A_86 = arith.constant 0 : i32
      %dma_start3A_87 = tpu.memref_slice %arg5[%add3A_18, %dma_start3A_86] : memref<10112x128xf32, #tpu.memory_space<vmem_shared>> -> memref<32x128xf32, #tpu.memory_space<vmem_shared>>
      %dma_start3A_88 = arith.constant 0 : i32
      %dma_start3A_89 = tpu.memref_slice %arg5[%add3A_18, %dma_start3A_88] : memref<10112x128xf32, #tpu.memory_space<vmem_shared>> -> memref<32x128xf32, #tpu.memory_space<vmem_shared>>
      tpu.enqueue_dma source(%arg10 : memref<32x128xf32, #tpu.memory_space<vmem>>) target(%dma_start3A_89 : memref<32x128xf32, #tpu.memory_space<vmem_shared>>) target_semaphore(%run_scoped3A_85 : memref<!tpu.dma_semaphore, #tpu.memory_space<semaphore_mem>>)
      %dma_wait3A_90 = arith.constant 0 : i32
      %dma_wait3A_91 = tpu.memref_slice %arg5[%add3A_18, %dma_wait3A_90] : memref<10112x128xf32, #tpu.memory_space<vmem_shared>> -> memref<32x128xf32, #tpu.memory_space<vmem_shared>>
      %dma_wait3A_92 = arith.constant 0 : i32
      %dma_wait3A_93 = tpu.memref_slice %arg5[%add3A_18, %dma_wait3A_92] : memref<10112x128xf32, #tpu.memory_space<vmem_shared>> -> memref<32x128xf32, #tpu.memory_space<vmem_shared>>
      tpu.wait_dma2 semaphore(%run_scoped3A_85 : memref<!tpu.dma_semaphore, #tpu.memory_space<semaphore_mem>>) src(%arg10 : memref<32x128xf32, #tpu.memory_space<vmem>>) dst(%dma_wait3A_93 : memref<32x128xf32, #tpu.memory_space<vmem_shared>>)
      tpu.yield
    }) : () -> ()
    %add3A_19 = arith.constant 160 : i32
    %add3A_20 = arith.addi %mul3A_8, %add3A_19 : i32
    "tpu.region"() ({
      %run_scoped3A_85 = tpu.sem_alloc : memref<!tpu.dma_semaphore, #tpu.memory_space<semaphore_mem>>
      %dma_start3A_86 = arith.constant 0 : i32
      %dma_start3A_87 = tpu.memref_slice %arg5[%add3A_20, %dma_start3A_86] : memref<10112x128xf32, #tpu.memory_space<vmem_shared>> -> memref<32x128xf32, #tpu.memory_space<vmem_shared>>
      %dma_start3A_88 = arith.constant 0 : i32
      %dma_start3A_89 = tpu.memref_slice %arg5[%add3A_20, %dma_start3A_88] : memref<10112x128xf32, #tpu.memory_space<vmem_shared>> -> memref<32x128xf32, #tpu.memory_space<vmem_shared>>
      tpu.enqueue_dma source(%arg10 : memref<32x128xf32, #tpu.memory_space<vmem>>) target(%dma_start3A_89 : memref<32x128xf32, #tpu.memory_space<vmem_shared>>) target_semaphore(%run_scoped3A_85 : memref<!tpu.dma_semaphore, #tpu.memory_space<semaphore_mem>>)
      %dma_wait3A_90 = arith.constant 0 : i32
      %dma_wait3A_91 = tpu.memref_slice %arg5[%add3A_20, %dma_wait3A_90] : memref<10112x128xf32, #tpu.memory_space<vmem_shared>> -> memref<32x128xf32, #tpu.memory_space<vmem_shared>>
      %dma_wait3A_92 = arith.constant 0 : i32
      %dma_wait3A_93 = tpu.memref_slice %arg5[%add3A_20, %dma_wait3A_92] : memref<10112x128xf32, #tpu.memory_space<vmem_shared>> -> memref<32x128xf32, #tpu.memory_space<vmem_shared>>
      tpu.wait_dma2 semaphore(%run_scoped3A_85 : memref<!tpu.dma_semaphore, #tpu.memory_space<semaphore_mem>>) src(%arg10 : memref<32x128xf32, #tpu.memory_space<vmem>>) dst(%dma_wait3A_93 : memref<32x128xf32, #tpu.memory_space<vmem_shared>>)
      tpu.yield
    }) : () -> ()
    %add3A_21 = arith.constant 192 : i32
    %add3A_22 = arith.addi %mul3A_8, %add3A_21 : i32
    "tpu.region"() ({
      %run_scoped3A_85 = tpu.sem_alloc : memref<!tpu.dma_semaphore, #tpu.memory_space<semaphore_mem>>
      %dma_start3A_86 = arith.constant 0 : i32
      %dma_start3A_87 = tpu.memref_slice %arg5[%add3A_22, %dma_start3A_86] : memref<10112x128xf32, #tpu.memory_space<vmem_shared>> -> memref<32x128xf32, #tpu.memory_space<vmem_shared>>
      %dma_start3A_88 = arith.constant 0 : i32
      %dma_start3A_89 = tpu.memref_slice %arg5[%add3A_22, %dma_start3A_88] : memref<10112x128xf32, #tpu.memory_space<vmem_shared>> -> memref<32x128xf32, #tpu.memory_space<vmem_shared>>
      tpu.enqueue_dma source(%arg10 : memref<32x128xf32, #tpu.memory_space<vmem>>) target(%dma_start3A_89 : memref<32x128xf32, #tpu.memory_space<vmem_shared>>) target_semaphore(%run_scoped3A_85 : memref<!tpu.dma_semaphore, #tpu.memory_space<semaphore_mem>>)
      %dma_wait3A_90 = arith.constant 0 : i32
      %dma_wait3A_91 = tpu.memref_slice %arg5[%add3A_22, %dma_wait3A_90] : memref<10112x128xf32, #tpu.memory_space<vmem_shared>> -> memref<32x128xf32, #tpu.memory_space<vmem_shared>>
      %dma_wait3A_92 = arith.constant 0 : i32
      %dma_wait3A_93 = tpu.memref_slice %arg5[%add3A_22, %dma_wait3A_92] : memref<10112x128xf32, #tpu.memory_space<vmem_shared>> -> memref<32x128xf32, #tpu.memory_space<vmem_shared>>
      tpu.wait_dma2 semaphore(%run_scoped3A_85 : memref<!tpu.dma_semaphore, #tpu.memory_space<semaphore_mem>>) src(%arg10 : memref<32x128xf32, #tpu.memory_space<vmem>>) dst(%dma_wait3A_93 : memref<32x128xf32, #tpu.memory_space<vmem_shared>>)
      tpu.yield
    }) : () -> ()
    %add3A_23 = arith.constant 224 : i32
    %add3A_24 = arith.addi %mul3A_8, %add3A_23 : i32
    "tpu.region"() ({
      %run_scoped3A_85 = tpu.sem_alloc : memref<!tpu.dma_semaphore, #tpu.memory_space<semaphore_mem>>
      %dma_start3A_86 = arith.constant 0 : i32
      %dma_start3A_87 = tpu.memref_slice %arg5[%add3A_24, %dma_start3A_86] : memref<10112x128xf32, #tpu.memory_space<vmem_shared>> -> memref<32x128xf32, #tpu.memory_space<vmem_shared>>
      %dma_start3A_88 = arith.constant 0 : i32
      %dma_start3A_89 = tpu.memref_slice %arg5[%add3A_24, %dma_start3A_88] : memref<10112x128xf32, #tpu.memory_space<vmem_shared>> -> memref<32x128xf32, #tpu.memory_space<vmem_shared>>
      tpu.enqueue_dma source(%arg10 : memref<32x128xf32, #tpu.memory_space<vmem>>) target(%dma_start3A_89 : memref<32x128xf32, #tpu.memory_space<vmem_shared>>) target_semaphore(%run_scoped3A_85 : memref<!tpu.dma_semaphore, #tpu.memory_space<semaphore_mem>>)
      %dma_wait3A_90 = arith.constant 0 : i32
      %dma_wait3A_91 = tpu.memref_slice %arg5[%add3A_24, %dma_wait3A_90] : memref<10112x128xf32, #tpu.memory_space<vmem_shared>> -> memref<32x128xf32, #tpu.memory_space<vmem_shared>>
      %dma_wait3A_92 = arith.constant 0 : i32
      %dma_wait3A_93 = tpu.memref_slice %arg5[%add3A_24, %dma_wait3A_92] : memref<10112x128xf32, #tpu.memory_space<vmem_shared>> -> memref<32x128xf32, #tpu.memory_space<vmem_shared>>
      tpu.wait_dma2 semaphore(%run_scoped3A_85 : memref<!tpu.dma_semaphore, #tpu.memory_space<semaphore_mem>>) src(%arg10 : memref<32x128xf32, #tpu.memory_space<vmem>>) dst(%dma_wait3A_93 : memref<32x128xf32, #tpu.memory_space<vmem_shared>>)
      tpu.yield
    }) : () -> ()
    %add3A_25 = arith.constant 256 : i32
    %add3A_26 = arith.addi %mul3A_8, %add3A_25 : i32
    "tpu.region"() ({
      %run_scoped3A_85 = tpu.sem_alloc : memref<!tpu.dma_semaphore, #tpu.memory_space<semaphore_mem>>
      %dma_start3A_86 = arith.constant 0 : i32
      %dma_start3A_87 = tpu.memref_slice %arg5[%add3A_26, %dma_start3A_86] : memref<10112x128xf32, #tpu.memory_space<vmem_shared>> -> memref<32x128xf32, #tpu.memory_space<vmem_shared>>
      %dma_start3A_88 = arith.constant 0 : i32
      %dma_start3A_89 = tpu.memref_slice %arg5[%add3A_26, %dma_start3A_88] : memref<10112x128xf32, #tpu.memory_space<vmem_shared>> -> memref<32x128xf32, #tpu.memory_space<vmem_shared>>
      tpu.enqueue_dma source(%arg10 : memref<32x128xf32, #tpu.memory_space<vmem>>) target(%dma_start3A_89 : memref<32x128xf32, #tpu.memory_space<vmem_shared>>) target_semaphore(%run_scoped3A_85 : memref<!tpu.dma_semaphore, #tpu.memory_space<semaphore_mem>>)
      %dma_wait3A_90 = arith.constant 0 : i32
      %dma_wait3A_91 = tpu.memref_slice %arg5[%add3A_26, %dma_wait3A_90] : memref<10112x128xf32, #tpu.memory_space<vmem_shared>> -> memref<32x128xf32, #tpu.memory_space<vmem_shared>>
      %dma_wait3A_92 = arith.constant 0 : i32
      %dma_wait3A_93 = tpu.memref_slice %arg5[%add3A_26, %dma_wait3A_92] : memref<10112x128xf32, #tpu.memory_space<vmem_shared>> -> memref<32x128xf32, #tpu.memory_space<vmem_shared>>
      tpu.wait_dma2 semaphore(%run_scoped3A_85 : memref<!tpu.dma_semaphore, #tpu.memory_space<semaphore_mem>>) src(%arg10 : memref<32x128xf32, #tpu.memory_space<vmem>>) dst(%dma_wait3A_93 : memref<32x128xf32, #tpu.memory_space<vmem_shared>>)
      tpu.yield
    }) : () -> ()
    %add3A_27 = arith.constant 288 : i32
    %add3A_28 = arith.addi %mul3A_8, %add3A_27 : i32
    "tpu.region"() ({
      %run_scoped3A_85 = tpu.sem_alloc : memref<!tpu.dma_semaphore, #tpu.memory_space<semaphore_mem>>
      %dma_start3A_86 = arith.constant 0 : i32
      %dma_start3A_87 = tpu.memref_slice %arg5[%add3A_28, %dma_start3A_86] : memref<10112x128xf32, #tpu.memory_space<vmem_shared>> -> memref<32x128xf32, #tpu.memory_space<vmem_shared>>
      %dma_start3A_88 = arith.constant 0 : i32
      %dma_start3A_89 = tpu.memref_slice %arg5[%add3A_28, %dma_start3A_88] : memref<10112x128xf32, #tpu.memory_space<vmem_shared>> -> memref<32x128xf32, #tpu.memory_space<vmem_shared>>
      tpu.enqueue_dma source(%arg10 : memref<32x128xf32, #tpu.memory_space<vmem>>) target(%dma_start3A_89 : memref<32x128xf32, #tpu.memory_space<vmem_shared>>) target_semaphore(%run_scoped3A_85 : memref<!tpu.dma_semaphore, #tpu.memory_space<semaphore_mem>>)
      %dma_wait3A_90 = arith.constant 0 : i32
      %dma_wait3A_91 = tpu.memref_slice %arg5[%add3A_28, %dma_wait3A_90] : memref<10112x128xf32, #tpu.memory_space<vmem_shared>> -> memref<32x128xf32, #tpu.memory_space<vmem_shared>>
      %dma_wait3A_92 = arith.constant 0 : i32
      %dma_wait3A_93 = tpu.memref_slice %arg5[%add3A_28, %dma_wait3A_92] : memref<10112x128xf32, #tpu.memory_space<vmem_shared>> -> memref<32x128xf32, #tpu.memory_space<vmem_shared>>
      tpu.wait_dma2 semaphore(%run_scoped3A_85 : memref<!tpu.dma_semaphore, #tpu.memory_space<semaphore_mem>>) src(%arg10 : memref<32x128xf32, #tpu.memory_space<vmem>>) dst(%dma_wait3A_93 : memref<32x128xf32, #tpu.memory_space<vmem_shared>>)
      tpu.yield
    }) : () -> ()
    %add3A_29 = arith.constant 320 : i32
    %add3A_30 = arith.addi %mul3A_8, %add3A_29 : i32
    "tpu.region"() ({
      %run_scoped3A_85 = tpu.sem_alloc : memref<!tpu.dma_semaphore, #tpu.memory_space<semaphore_mem>>
      %dma_start3A_86 = arith.constant 0 : i32
      %dma_start3A_87 = tpu.memref_slice %arg5[%add3A_30, %dma_start3A_86] : memref<10112x128xf32, #tpu.memory_space<vmem_shared>> -> memref<32x128xf32, #tpu.memory_space<vmem_shared>>
      %dma_start3A_88 = arith.constant 0 : i32
      %dma_start3A_89 = tpu.memref_slice %arg5[%add3A_30, %dma_start3A_88] : memref<10112x128xf32, #tpu.memory_space<vmem_shared>> -> memref<32x128xf32, #tpu.memory_space<vmem_shared>>
      tpu.enqueue_dma source(%arg10 : memref<32x128xf32, #tpu.memory_space<vmem>>) target(%dma_start3A_89 : memref<32x128xf32, #tpu.memory_space<vmem_shared>>) target_semaphore(%run_scoped3A_85 : memref<!tpu.dma_semaphore, #tpu.memory_space<semaphore_mem>>)
      %dma_wait3A_90 = arith.constant 0 : i32
      %dma_wait3A_91 = tpu.memref_slice %arg5[%add3A_30, %dma_wait3A_90] : memref<10112x128xf32, #tpu.memory_space<vmem_shared>> -> memref<32x128xf32, #tpu.memory_space<vmem_shared>>
      %dma_wait3A_92 = arith.constant 0 : i32
      %dma_wait3A_93 = tpu.memref_slice %arg5[%add3A_30, %dma_wait3A_92] : memref<10112x128xf32, #tpu.memory_space<vmem_shared>> -> memref<32x128xf32, #tpu.memory_space<vmem_shared>>
      tpu.wait_dma2 semaphore(%run_scoped3A_85 : memref<!tpu.dma_semaphore, #tpu.memory_space<semaphore_mem>>) src(%arg10 : memref<32x128xf32, #tpu.memory_space<vmem>>) dst(%dma_wait3A_93 : memref<32x128xf32, #tpu.memory_space<vmem_shared>>)
      tpu.yield
    }) : () -> ()
    %add3A_31 = arith.constant 352 : i32
    %add3A_32 = arith.addi %mul3A_8, %add3A_31 : i32
    "tpu.region"() ({
      %run_scoped3A_85 = tpu.sem_alloc : memref<!tpu.dma_semaphore, #tpu.memory_space<semaphore_mem>>
      %dma_start3A_86 = arith.constant 0 : i32
      %dma_start3A_87 = tpu.memref_slice %arg5[%add3A_32, %dma_start3A_86] : memref<10112x128xf32, #tpu.memory_space<vmem_shared>> -> memref<32x128xf32, #tpu.memory_space<vmem_shared>>
      %dma_start3A_88 = arith.constant 0 : i32
      %dma_start3A_89 = tpu.memref_slice %arg5[%add3A_32, %dma_start3A_88] : memref<10112x128xf32, #tpu.memory_space<vmem_shared>> -> memref<32x128xf32, #tpu.memory_space<vmem_shared>>
      tpu.enqueue_dma source(%arg10 : memref<32x128xf32, #tpu.memory_space<vmem>>) target(%dma_start3A_89 : memref<32x128xf32, #tpu.memory_space<vmem_shared>>) target_semaphore(%run_scoped3A_85 : memref<!tpu.dma_semaphore, #tpu.memory_space<semaphore_mem>>)
      %dma_wait3A_90 = arith.constant 0 : i32
      %dma_wait3A_91 = tpu.memref_slice %arg5[%add3A_32, %dma_wait3A_90] : memref<10112x128xf32, #tpu.memory_space<vmem_shared>> -> memref<32x128xf32, #tpu.memory_space<vmem_shared>>
      %dma_wait3A_92 = arith.constant 0 : i32
      %dma_wait3A_93 = tpu.memref_slice %arg5[%add3A_32, %dma_wait3A_92] : memref<10112x128xf32, #tpu.memory_space<vmem_shared>> -> memref<32x128xf32, #tpu.memory_space<vmem_shared>>
      tpu.wait_dma2 semaphore(%run_scoped3A_85 : memref<!tpu.dma_semaphore, #tpu.memory_space<semaphore_mem>>) src(%arg10 : memref<32x128xf32, #tpu.memory_space<vmem>>) dst(%dma_wait3A_93 : memref<32x128xf32, #tpu.memory_space<vmem_shared>>)
      tpu.yield
    }) : () -> ()
    %add3A_33 = arith.constant 384 : i32
    %add3A_34 = arith.addi %mul3A_8, %add3A_33 : i32
    "tpu.region"() ({
      %run_scoped3A_85 = tpu.sem_alloc : memref<!tpu.dma_semaphore, #tpu.memory_space<semaphore_mem>>
      %dma_start3A_86 = arith.constant 0 : i32
      %dma_start3A_87 = tpu.memref_slice %arg5[%add3A_34, %dma_start3A_86] : memref<10112x128xf32, #tpu.memory_space<vmem_shared>> -> memref<32x128xf32, #tpu.memory_space<vmem_shared>>
      %dma_start3A_88 = arith.constant 0 : i32
      %dma_start3A_89 = tpu.memref_slice %arg5[%add3A_34, %dma_start3A_88] : memref<10112x128xf32, #tpu.memory_space<vmem_shared>> -> memref<32x128xf32, #tpu.memory_space<vmem_shared>>
      tpu.enqueue_dma source(%arg10 : memref<32x128xf32, #tpu.memory_space<vmem>>) target(%dma_start3A_89 : memref<32x128xf32, #tpu.memory_space<vmem_shared>>) target_semaphore(%run_scoped3A_85 : memref<!tpu.dma_semaphore, #tpu.memory_space<semaphore_mem>>)
      %dma_wait3A_90 = arith.constant 0 : i32
      %dma_wait3A_91 = tpu.memref_slice %arg5[%add3A_34, %dma_wait3A_90] : memref<10112x128xf32, #tpu.memory_space<vmem_shared>> -> memref<32x128xf32, #tpu.memory_space<vmem_shared>>
      %dma_wait3A_92 = arith.constant 0 : i32
      %dma_wait3A_93 = tpu.memref_slice %arg5[%add3A_34, %dma_wait3A_92] : memref<10112x128xf32, #tpu.memory_space<vmem_shared>> -> memref<32x128xf32, #tpu.memory_space<vmem_shared>>
      tpu.wait_dma2 semaphore(%run_scoped3A_85 : memref<!tpu.dma_semaphore, #tpu.memory_space<semaphore_mem>>) src(%arg10 : memref<32x128xf32, #tpu.memory_space<vmem>>) dst(%dma_wait3A_93 : memref<32x128xf32, #tpu.memory_space<vmem_shared>>)
      tpu.yield
    }) : () -> ()
    %add3A_35 = arith.constant 416 : i32
    %add3A_36 = arith.addi %mul3A_8, %add3A_35 : i32
    "tpu.region"() ({
      %run_scoped3A_85 = tpu.sem_alloc : memref<!tpu.dma_semaphore, #tpu.memory_space<semaphore_mem>>
      %dma_start3A_86 = arith.constant 0 : i32
      %dma_start3A_87 = tpu.memref_slice %arg5[%add3A_36, %dma_start3A_86] : memref<10112x128xf32, #tpu.memory_space<vmem_shared>> -> memref<32x128xf32, #tpu.memory_space<vmem_shared>>
      %dma_start3A_88 = arith.constant 0 : i32
      %dma_start3A_89 = tpu.memref_slice %arg5[%add3A_36, %dma_start3A_88] : memref<10112x128xf32, #tpu.memory_space<vmem_shared>> -> memref<32x128xf32, #tpu.memory_space<vmem_shared>>
      tpu.enqueue_dma source(%arg10 : memref<32x128xf32, #tpu.memory_space<vmem>>) target(%dma_start3A_89 : memref<32x128xf32, #tpu.memory_space<vmem_shared>>) target_semaphore(%run_scoped3A_85 : memref<!tpu.dma_semaphore, #tpu.memory_space<semaphore_mem>>)
      %dma_wait3A_90 = arith.constant 0 : i32
      %dma_wait3A_91 = tpu.memref_slice %arg5[%add3A_36, %dma_wait3A_90] : memref<10112x128xf32, #tpu.memory_space<vmem_shared>> -> memref<32x128xf32, #tpu.memory_space<vmem_shared>>
      %dma_wait3A_92 = arith.constant 0 : i32
      %dma_wait3A_93 = tpu.memref_slice %arg5[%add3A_36, %dma_wait3A_92] : memref<10112x128xf32, #tpu.memory_space<vmem_shared>> -> memref<32x128xf32, #tpu.memory_space<vmem_shared>>
      tpu.wait_dma2 semaphore(%run_scoped3A_85 : memref<!tpu.dma_semaphore, #tpu.memory_space<semaphore_mem>>) src(%arg10 : memref<32x128xf32, #tpu.memory_space<vmem>>) dst(%dma_wait3A_93 : memref<32x128xf32, #tpu.memory_space<vmem_shared>>)
      tpu.yield
    }) : () -> ()
    %add3A_37 = arith.constant 448 : i32
    %add3A_38 = arith.addi %mul3A_8, %add3A_37 : i32
    "tpu.region"() ({
      %run_scoped3A_85 = tpu.sem_alloc : memref<!tpu.dma_semaphore, #tpu.memory_space<semaphore_mem>>
      %dma_start3A_86 = arith.constant 0 : i32
      %dma_start3A_87 = tpu.memref_slice %arg5[%add3A_38, %dma_start3A_86] : memref<10112x128xf32, #tpu.memory_space<vmem_shared>> -> memref<32x128xf32, #tpu.memory_space<vmem_shared>>
      %dma_start3A_88 = arith.constant 0 : i32
      %dma_start3A_89 = tpu.memref_slice %arg5[%add3A_38, %dma_start3A_88] : memref<10112x128xf32, #tpu.memory_space<vmem_shared>> -> memref<32x128xf32, #tpu.memory_space<vmem_shared>>
      tpu.enqueue_dma source(%arg10 : memref<32x128xf32, #tpu.memory_space<vmem>>) target(%dma_start3A_89 : memref<32x128xf32, #tpu.memory_space<vmem_shared>>) target_semaphore(%run_scoped3A_85 : memref<!tpu.dma_semaphore, #tpu.memory_space<semaphore_mem>>)
      %dma_wait3A_90 = arith.constant 0 : i32
      %dma_wait3A_91 = tpu.memref_slice %arg5[%add3A_38, %dma_wait3A_90] : memref<10112x128xf32, #tpu.memory_space<vmem_shared>> -> memref<32x128xf32, #tpu.memory_space<vmem_shared>>
      %dma_wait3A_92 = arith.constant 0 : i32
      %dma_wait3A_93 = tpu.memref_slice %arg5[%add3A_38, %dma_wait3A_92] : memref<10112x128xf32, #tpu.memory_space<vmem_shared>> -> memref<32x128xf32, #tpu.memory_space<vmem_shared>>
      tpu.wait_dma2 semaphore(%run_scoped3A_85 : memref<!tpu.dma_semaphore, #tpu.memory_space<semaphore_mem>>) src(%arg10 : memref<32x128xf32, #tpu.memory_space<vmem>>) dst(%dma_wait3A_93 : memref<32x128xf32, #tpu.memory_space<vmem_shared>>)
      tpu.yield
    }) : () -> ()
    %add3A_39 = arith.constant 480 : i32
    %add3A_40 = arith.addi %mul3A_8, %add3A_39 : i32
    "tpu.region"() ({
      %run_scoped3A_85 = tpu.sem_alloc : memref<!tpu.dma_semaphore, #tpu.memory_space<semaphore_mem>>
      %dma_start3A_86 = arith.constant 0 : i32
      %dma_start3A_87 = tpu.memref_slice %arg5[%add3A_40, %dma_start3A_86] : memref<10112x128xf32, #tpu.memory_space<vmem_shared>> -> memref<32x128xf32, #tpu.memory_space<vmem_shared>>
      %dma_start3A_88 = arith.constant 0 : i32
      %dma_start3A_89 = tpu.memref_slice %arg5[%add3A_40, %dma_start3A_88] : memref<10112x128xf32, #tpu.memory_space<vmem_shared>> -> memref<32x128xf32, #tpu.memory_space<vmem_shared>>
      tpu.enqueue_dma source(%arg10 : memref<32x128xf32, #tpu.memory_space<vmem>>) target(%dma_start3A_89 : memref<32x128xf32, #tpu.memory_space<vmem_shared>>) target_semaphore(%run_scoped3A_85 : memref<!tpu.dma_semaphore, #tpu.memory_space<semaphore_mem>>)
      %dma_wait3A_90 = arith.constant 0 : i32
      %dma_wait3A_91 = tpu.memref_slice %arg5[%add3A_40, %dma_wait3A_90] : memref<10112x128xf32, #tpu.memory_space<vmem_shared>> -> memref<32x128xf32, #tpu.memory_space<vmem_shared>>
      %dma_wait3A_92 = arith.constant 0 : i32
      %dma_wait3A_93 = tpu.memref_slice %arg5[%add3A_40, %dma_wait3A_92] : memref<10112x128xf32, #tpu.memory_space<vmem_shared>> -> memref<32x128xf32, #tpu.memory_space<vmem_shared>>
      tpu.wait_dma2 semaphore(%run_scoped3A_85 : memref<!tpu.dma_semaphore, #tpu.memory_space<semaphore_mem>>) src(%arg10 : memref<32x128xf32, #tpu.memory_space<vmem>>) dst(%dma_wait3A_93 : memref<32x128xf32, #tpu.memory_space<vmem_shared>>)
      tpu.yield
    }) : () -> ()
    %add3A_41 = arith.constant 512 : i32
    %add3A_42 = arith.addi %mul3A_8, %add3A_41 : i32
    "tpu.region"() ({
      %run_scoped3A_85 = tpu.sem_alloc : memref<!tpu.dma_semaphore, #tpu.memory_space<semaphore_mem>>
      %dma_start3A_86 = arith.constant 0 : i32
      %dma_start3A_87 = tpu.memref_slice %arg5[%add3A_42, %dma_start3A_86] : memref<10112x128xf32, #tpu.memory_space<vmem_shared>> -> memref<32x128xf32, #tpu.memory_space<vmem_shared>>
      %dma_start3A_88 = arith.constant 0 : i32
      %dma_start3A_89 = tpu.memref_slice %arg5[%add3A_42, %dma_start3A_88] : memref<10112x128xf32, #tpu.memory_space<vmem_shared>> -> memref<32x128xf32, #tpu.memory_space<vmem_shared>>
      tpu.enqueue_dma source(%arg10 : memref<32x128xf32, #tpu.memory_space<vmem>>) target(%dma_start3A_89 : memref<32x128xf32, #tpu.memory_space<vmem_shared>>) target_semaphore(%run_scoped3A_85 : memref<!tpu.dma_semaphore, #tpu.memory_space<semaphore_mem>>)
      %dma_wait3A_90 = arith.constant 0 : i32
      %dma_wait3A_91 = tpu.memref_slice %arg5[%add3A_42, %dma_wait3A_90] : memref<10112x128xf32, #tpu.memory_space<vmem_shared>> -> memref<32x128xf32, #tpu.memory_space<vmem_shared>>
      %dma_wait3A_92 = arith.constant 0 : i32
      %dma_wait3A_93 = tpu.memref_slice %arg5[%add3A_42, %dma_wait3A_92] : memref<10112x128xf32, #tpu.memory_space<vmem_shared>> -> memref<32x128xf32, #tpu.memory_space<vmem_shared>>
      tpu.wait_dma2 semaphore(%run_scoped3A_85 : memref<!tpu.dma_semaphore, #tpu.memory_space<semaphore_mem>>) src(%arg10 : memref<32x128xf32, #tpu.memory_space<vmem>>) dst(%dma_wait3A_93 : memref<32x128xf32, #tpu.memory_space<vmem_shared>>)
      tpu.yield
    }) : () -> ()
    %add3A_43 = arith.constant 544 : i32
    %add3A_44 = arith.addi %mul3A_8, %add3A_43 : i32
    "tpu.region"() ({
      %run_scoped3A_85 = tpu.sem_alloc : memref<!tpu.dma_semaphore, #tpu.memory_space<semaphore_mem>>
      %dma_start3A_86 = arith.constant 0 : i32
      %dma_start3A_87 = tpu.memref_slice %arg5[%add3A_44, %dma_start3A_86] : memref<10112x128xf32, #tpu.memory_space<vmem_shared>> -> memref<32x128xf32, #tpu.memory_space<vmem_shared>>
      %dma_start3A_88 = arith.constant 0 : i32
      %dma_start3A_89 = tpu.memref_slice %arg5[%add3A_44, %dma_start3A_88] : memref<10112x128xf32, #tpu.memory_space<vmem_shared>> -> memref<32x128xf32, #tpu.memory_space<vmem_shared>>
      tpu.enqueue_dma source(%arg10 : memref<32x128xf32, #tpu.memory_space<vmem>>) target(%dma_start3A_89 : memref<32x128xf32, #tpu.memory_space<vmem_shared>>) target_semaphore(%run_scoped3A_85 : memref<!tpu.dma_semaphore, #tpu.memory_space<semaphore_mem>>)
      %dma_wait3A_90 = arith.constant 0 : i32
      %dma_wait3A_91 = tpu.memref_slice %arg5[%add3A_44, %dma_wait3A_90] : memref<10112x128xf32, #tpu.memory_space<vmem_shared>> -> memref<32x128xf32, #tpu.memory_space<vmem_shared>>
      %dma_wait3A_92 = arith.constant 0 : i32
      %dma_wait3A_93 = tpu.memref_slice %arg5[%add3A_44, %dma_wait3A_92] : memref<10112x128xf32, #tpu.memory_space<vmem_shared>> -> memref<32x128xf32, #tpu.memory_space<vmem_shared>>
      tpu.wait_dma2 semaphore(%run_scoped3A_85 : memref<!tpu.dma_semaphore, #tpu.memory_space<semaphore_mem>>) src(%arg10 : memref<32x128xf32, #tpu.memory_space<vmem>>) dst(%dma_wait3A_93 : memref<32x128xf32, #tpu.memory_space<vmem_shared>>)
      tpu.yield
    }) : () -> ()
    %add3A_45 = arith.constant 576 : i32
    %add3A_46 = arith.addi %mul3A_8, %add3A_45 : i32
    "tpu.region"() ({
      %run_scoped3A_85 = tpu.sem_alloc : memref<!tpu.dma_semaphore, #tpu.memory_space<semaphore_mem>>
      %dma_start3A_86 = arith.constant 0 : i32
      %dma_start3A_87 = arith.constant 0 : i32
      %dma_start3A_88 = tpu.memref_slice %arg10[%dma_start3A_86, %dma_start3A_87] : memref<32x128xf32, #tpu.memory_space<vmem>> -> memref<24x128xf32, #tpu.memory_space<vmem>>
      %dma_start3A_89 = arith.constant 0 : i32
      %dma_start3A_90 = tpu.memref_slice %arg5[%add3A_46, %dma_start3A_89] : memref<10112x128xf32, #tpu.memory_space<vmem_shared>> -> memref<24x128xf32, #tpu.memory_space<vmem_shared>>
      %dma_start3A_91 = arith.constant 0 : i32
      %dma_start3A_92 = tpu.memref_slice %arg5[%add3A_46, %dma_start3A_91] : memref<10112x128xf32, #tpu.memory_space<vmem_shared>> -> memref<24x128xf32, #tpu.memory_space<vmem_shared>>
      %dma_start3A_93 = arith.constant 0 : i32
      %dma_start3A_94 = arith.constant 0 : i32
      %dma_start3A_95 = tpu.memref_slice %arg10[%dma_start3A_93, %dma_start3A_94] : memref<32x128xf32, #tpu.memory_space<vmem>> -> memref<24x128xf32, #tpu.memory_space<vmem>>
      tpu.enqueue_dma source(%dma_start3A_95 : memref<24x128xf32, #tpu.memory_space<vmem>>) target(%dma_start3A_92 : memref<24x128xf32, #tpu.memory_space<vmem_shared>>) target_semaphore(%run_scoped3A_85 : memref<!tpu.dma_semaphore, #tpu.memory_space<semaphore_mem>>)
      %dma_wait3A_96 = arith.constant 0 : i32
      %dma_wait3A_97 = arith.constant 0 : i32
      %dma_wait3A_98 = tpu.memref_slice %arg10[%dma_wait3A_96, %dma_wait3A_97] : memref<32x128xf32, #tpu.memory_space<vmem>> -> memref<24x128xf32, #tpu.memory_space<vmem>>
      %dma_wait3A_99 = arith.constant 0 : i32
      %dma_wait3A_100 = tpu.memref_slice %arg5[%add3A_46, %dma_wait3A_99] : memref<10112x128xf32, #tpu.memory_space<vmem_shared>> -> memref<24x128xf32, #tpu.memory_space<vmem_shared>>
      %dma_wait3A_101 = arith.constant 0 : i32
      %dma_wait3A_102 = tpu.memref_slice %arg5[%add3A_46, %dma_wait3A_101] : memref<10112x128xf32, #tpu.memory_space<vmem_shared>> -> memref<24x128xf32, #tpu.memory_space<vmem_shared>>
      %dma_wait3A_103 = arith.constant 0 : i32
      %dma_wait3A_104 = arith.constant 0 : i32
      %dma_wait3A_105 = tpu.memref_slice %arg10[%dma_wait3A_103, %dma_wait3A_104] : memref<32x128xf32, #tpu.memory_space<vmem>> -> memref<24x128xf32, #tpu.memory_space<vmem>>
      tpu.wait_dma2 semaphore(%run_scoped3A_85 : memref<!tpu.dma_semaphore, #tpu.memory_space<semaphore_mem>>) src(%dma_wait3A_105 : memref<24x128xf32, #tpu.memory_space<vmem>>) dst(%dma_wait3A_102 : memref<24x128xf32, #tpu.memory_space<vmem_shared>>)
      tpu.yield
    }) : () -> ()
    %barrier3A = arith.constant 0 : index
    tpu.barrier barrier_id(%barrier3A)
    %run_scoped3A = arith.constant 0 : i32
    "tpu.region"() ({
      %run_scoped3A_85 = tpu.sem_alloc : memref<!tpu.dma_semaphore, #tpu.memory_space<semaphore_mem>>
      %dma_start3A_86 = arith.constant 0 : i32
      %dma_start3A_87 = arith.constant 0 : i32
      %dma_start3A_88 = tpu.memref_slice %arg3[%add3A, %run_scoped3A, %dma_start3A_86, %dma_start3A_87] : memref<32x126x2x80xi32, #tpu.memory_space<hbm>> -> memref<1x1x2x80xi32, #tpu.memory_space<hbm>>
      %dma_start3A_89 = tpu.memref_squeeze %dma_start3A_88 : memref<1x1x2x80xi32, #tpu.memory_space<hbm>> -> memref<2x80xi32, #tpu.memory_space<hbm>>
      %dma_start3A_90 = arith.constant 0 : i32
      %dma_start3A_91 = arith.constant 0 : i32
      %dma_start3A_92 = tpu.memref_slice %arg3[%add3A, %run_scoped3A, %dma_start3A_90, %dma_start3A_91] : memref<32x126x2x80xi32, #tpu.memory_space<hbm>> -> memref<1x1x2x80xi32, #tpu.memory_space<hbm>>
      %dma_start3A_93 = tpu.memref_squeeze %dma_start3A_92 : memref<1x1x2x80xi32, #tpu.memory_space<hbm>> -> memref<2x80xi32, #tpu.memory_space<hbm>>
      tpu.enqueue_dma source(%dma_start3A_93 : memref<2x80xi32, #tpu.memory_space<hbm>>) target(%arg6 : memref<2x80xi32, #tpu.memory_space<vmem>>) target_semaphore(%run_scoped3A_85 : memref<!tpu.dma_semaphore, #tpu.memory_space<semaphore_mem>>)
      %dma_wait3A_94 = arith.constant 0 : i32
      %dma_wait3A_95 = arith.constant 0 : i32
      %dma_wait3A_96 = tpu.memref_slice %arg3[%add3A, %run_scoped3A, %dma_wait3A_94, %dma_wait3A_95] : memref<32x126x2x80xi32, #tpu.memory_space<hbm>> -> memref<1x1x2x80xi32, #tpu.memory_space<hbm>>
      %dma_wait3A_97 = tpu.memref_squeeze %dma_wait3A_96 : memref<1x1x2x80xi32, #tpu.memory_space<hbm>> -> memref<2x80xi32, #tpu.memory_space<hbm>>
      %dma_wait3A_98 = arith.constant 0 : i32
      %dma_wait3A_99 = arith.constant 0 : i32
      %dma_wait3A_100 = tpu.memref_slice %arg3[%add3A, %run_scoped3A, %dma_wait3A_98, %dma_wait3A_99] : memref<32x126x2x80xi32, #tpu.memory_space<hbm>> -> memref<1x1x2x80xi32, #tpu.memory_space<hbm>>
      %dma_wait3A_101 = tpu.memref_squeeze %dma_wait3A_100 : memref<1x1x2x80xi32, #tpu.memory_space<hbm>> -> memref<2x80xi32, #tpu.memory_space<hbm>>
      tpu.wait_dma2 semaphore(%run_scoped3A_85 : memref<!tpu.dma_semaphore, #tpu.memory_space<semaphore_mem>>) src(%dma_wait3A_101 : memref<2x80xi32, #tpu.memory_space<hbm>>) dst(%arg6 : memref<2x80xi32, #tpu.memory_space<vmem>>)
      tpu.yield
    }) : () -> ()
    %dma_start3A = arith.constant 1 : i32
    %dma_start3A_47 = arith.constant 0 : i32
    %dma_start3A_48 = arith.constant 0 : i32
    %dma_start3A_49 = tpu.memref_slice %arg3[%add3A, %dma_start3A, %dma_start3A_47, %dma_start3A_48] : memref<32x126x2x80xi32, #tpu.memory_space<hbm>> -> memref<1x1x2x80xi32, #tpu.memory_space<hbm>>
    %dma_start3A_50 = tpu.memref_squeeze %dma_start3A_49 : memref<1x1x2x80xi32, #tpu.memory_space<hbm>> -> memref<2x80xi32, #tpu.memory_space<hbm>>
    %dma_start3A_51 = arith.constant 0 : i32
    %dma_start3A_52 = arith.constant 0 : i32
    %dma_start3A_53 = tpu.memref_slice %arg3[%add3A, %dma_start3A, %dma_start3A_51, %dma_start3A_52] : memref<32x126x2x80xi32, #tpu.memory_space<hbm>> -> memref<1x1x2x80xi32, #tpu.memory_space<hbm>>
    %dma_start3A_54 = tpu.memref_squeeze %dma_start3A_53 : memref<1x1x2x80xi32, #tpu.memory_space<hbm>> -> memref<2x80xi32, #tpu.memory_space<hbm>>
    tpu.enqueue_dma source(%dma_start3A_54 : memref<2x80xi32, #tpu.memory_space<hbm>>) target(%arg7 : memref<2x80xi32, #tpu.memory_space<vmem>>) target_semaphore(%arg12 : memref<!tpu.dma_semaphore, #tpu.memory_space<semaphore_mem>>)
    %dma_start3A_55 = arith.constant 0 : i32
    %dma_start3A_56 = arith.constant 0 : i32
    %dma_start3A_57 = tpu.memref_slice %arg6[%dma_start3A_55, %dma_start3A_56] : memref<2x80xi32, #tpu.memory_space<vmem>> -> memref<1x80xi32, #tpu.memory_space<vmem>>
    %dma_start3A_58 = tpu.memref_squeeze %dma_start3A_57 : memref<1x80xi32, #tpu.memory_space<vmem>> -> memref<80xi32, #tpu.memory_space<vmem>>
    %dma_start3A_59 = arith.constant 0 : i32
    %dma_start3A_60 = arith.constant 0 : i32
    %dma_start3A_61 = tpu.memref_slice %arg2[%dma_start3A_59, %dma_start3A_60] : memref<10000x128xf32, #tpu.memory_space<hbm>> -> memref<10000x128xf32, #tpu.memory_space<hbm>>
    tpu.enqueue_indirect_dma source(%dma_start3A_61 : memref<10000x128xf32, #tpu.memory_space<hbm>>) target(%arg8 : memref<80x128xf32, #tpu.memory_space<vmem>>) offsets(%dma_start3A_58 : memref<80xi32, #tpu.memory_space<vmem>>) semaphore(%arg13 : memref<!tpu.dma_semaphore, #tpu.memory_space<semaphore_mem>>)
    %scan3A_62 = arith.constant 0 : i32
    %scan3A_63 = arith.constant 0 : i32
    %scan3A_64 = arith.constant 62 : i32
    %scan3A_65 = arith.addi %scan3A_63, %scan3A_64 : i32
    %scan3A_66 = arith.constant 1 : i32
    scf.for %scan3A_85 = %scan3A_63 to %scan3A_65 step %scan3A_66  : i32 {
      %mul3A_86 = arith.constant 2 : i32
      %mul3A_87 = arith.muli %mul3A_86, %scan3A_85 : i32
      %dma_wait3A_88 = arith.constant 0 : i32
      %dma_wait3A_89 = arith.constant 0 : i32
      %dma_wait3A_90 = tpu.memref_slice %arg6[%dma_wait3A_88, %dma_wait3A_89] : memref<2x80xi32, #tpu.memory_space<vmem>> -> memref<1x80xi32, #tpu.memory_space<vmem>>
      %dma_wait3A_91 = tpu.memref_squeeze %dma_wait3A_90 : memref<1x80xi32, #tpu.memory_space<vmem>> -> memref<80xi32, #tpu.memory_space<vmem>>
      %dma_wait3A_92 = arith.constant 0 : i32
      %dma_wait3A_93 = arith.constant 0 : i32
      %dma_wait3A_94 = tpu.memref_slice %arg2[%dma_wait3A_92, %dma_wait3A_93] : memref<10000x128xf32, #tpu.memory_space<hbm>> -> memref<10000x128xf32, #tpu.memory_space<hbm>>
      tpu.wait_indirect_dma semaphore(%arg13 : memref<!tpu.dma_semaphore, #tpu.memory_space<semaphore_mem>>) src(%dma_wait3A_94 : memref<10000x128xf32, #tpu.memory_space<hbm>>) dst(%arg8 : memref<80x128xf32, #tpu.memory_space<vmem>>)
      %add3A_95 = arith.constant 1 : i32
      %add3A_96 = arith.addi %mul3A_87, %add3A_95 : i32
      %dma_wait3A_97 = arith.constant 0 : i32
      %dma_wait3A_98 = arith.constant 0 : i32
      %dma_wait3A_99 = tpu.memref_slice %arg3[%add3A, %add3A_96, %dma_wait3A_97, %dma_wait3A_98] : memref<32x126x2x80xi32, #tpu.memory_space<hbm>> -> memref<1x1x2x80xi32, #tpu.memory_space<hbm>>
      %dma_wait3A_100 = tpu.memref_squeeze %dma_wait3A_99 : memref<1x1x2x80xi32, #tpu.memory_space<hbm>> -> memref<2x80xi32, #tpu.memory_space<hbm>>
      %dma_wait3A_101 = arith.constant 0 : i32
      %dma_wait3A_102 = arith.constant 0 : i32
      %dma_wait3A_103 = tpu.memref_slice %arg3[%add3A, %add3A_96, %dma_wait3A_101, %dma_wait3A_102] : memref<32x126x2x80xi32, #tpu.memory_space<hbm>> -> memref<1x1x2x80xi32, #tpu.memory_space<hbm>>
      %dma_wait3A_104 = tpu.memref_squeeze %dma_wait3A_103 : memref<1x1x2x80xi32, #tpu.memory_space<hbm>> -> memref<2x80xi32, #tpu.memory_space<hbm>>
      tpu.wait_dma2 semaphore(%arg12 : memref<!tpu.dma_semaphore, #tpu.memory_space<semaphore_mem>>) src(%dma_wait3A_104 : memref<2x80xi32, #tpu.memory_space<hbm>>) dst(%arg7 : memref<2x80xi32, #tpu.memory_space<vmem>>)
      %dma_start3A_105 = arith.constant 0 : i32
      %dma_start3A_106 = arith.constant 0 : i32
      %dma_start3A_107 = tpu.memref_slice %arg7[%dma_start3A_105, %dma_start3A_106] : memref<2x80xi32, #tpu.memory_space<vmem>> -> memref<1x80xi32, #tpu.memory_space<vmem>>
      %dma_start3A_108 = tpu.memref_squeeze %dma_start3A_107 : memref<1x80xi32, #tpu.memory_space<vmem>> -> memref<80xi32, #tpu.memory_space<vmem>>
      %dma_start3A_109 = arith.constant 0 : i32
      %dma_start3A_110 = arith.constant 0 : i32
      %dma_start3A_111 = tpu.memref_slice %arg2[%dma_start3A_109, %dma_start3A_110] : memref<10000x128xf32, #tpu.memory_space<hbm>> -> memref<10000x128xf32, #tpu.memory_space<hbm>>
      tpu.enqueue_indirect_dma source(%dma_start3A_111 : memref<10000x128xf32, #tpu.memory_space<hbm>>) target(%arg9 : memref<80x128xf32, #tpu.memory_space<vmem>>) offsets(%dma_start3A_108 : memref<80xi32, #tpu.memory_space<vmem>>) semaphore(%arg14 : memref<!tpu.dma_semaphore, #tpu.memory_space<semaphore_mem>>)
      %run_scoped3A_112 = arith.constant 1 : i32
      "tpu.region"() ({
        %run_scoped3A_158 = tpu.sem_alloc : memref<!tpu.dma_semaphore, #tpu.memory_space<semaphore_mem>>
        %dma_start3A_159 = arith.constant 0 : i32
        %dma_start3A_160 = tpu.memref_slice %arg6[%run_scoped3A_112, %dma_start3A_159] : memref<2x80xi32, #tpu.memory_space<vmem>> -> memref<1x80xi32, #tpu.memory_space<vmem>>
        %dma_start3A_161 = tpu.memref_squeeze %dma_start3A_160 : memref<1x80xi32, #tpu.memory_space<vmem>> -> memref<80xi32, #tpu.memory_space<vmem>>
        %dma_start3A_162 = arith.constant 0 : i32
        %dma_start3A_163 = arith.constant 0 : i32
        %dma_start3A_164 = tpu.memref_slice %arg5[%dma_start3A_162, %dma_start3A_163] : memref<10112x128xf32, #tpu.memory_space<vmem_shared>> -> memref<10112x128xf32, #tpu.memory_space<vmem_shared>>
        tpu.enqueue_indirect_dma source(%arg8 : memref<80x128xf32, #tpu.memory_space<vmem>>) target(%dma_start3A_164 : memref<10112x128xf32, #tpu.memory_space<vmem_shared>>) offsets(%dma_start3A_161 : memref<80xi32, #tpu.memory_space<vmem>>) semaphore(%run_scoped3A_158 : memref<!tpu.dma_semaphore, #tpu.memory_space<semaphore_mem>>) {add = true}
        %dma_wait3A_165 = arith.constant 0 : i32
        %dma_wait3A_166 = tpu.memref_slice %arg6[%run_scoped3A_112, %dma_wait3A_165] : memref<2x80xi32, #tpu.memory_space<vmem>> -> memref<1x80xi32, #tpu.memory_space<vmem>>
        %dma_wait3A_167 = tpu.memref_squeeze %dma_wait3A_166 : memref<1x80xi32, #tpu.memory_space<vmem>> -> memref<80xi32, #tpu.memory_space<vmem>>
        %dma_wait3A_168 = arith.constant 0 : i32
        %dma_wait3A_169 = arith.constant 0 : i32
        %dma_wait3A_170 = tpu.memref_slice %arg5[%dma_wait3A_168, %dma_wait3A_169] : memref<10112x128xf32, #tpu.memory_space<vmem_shared>> -> memref<10112x128xf32, #tpu.memory_space<vmem_shared>>
        tpu.wait_indirect_dma semaphore(%run_scoped3A_158 : memref<!tpu.dma_semaphore, #tpu.memory_space<semaphore_mem>>) src(%arg8 : memref<80x128xf32, #tpu.memory_space<vmem>>) dst(%dma_wait3A_170 : memref<10112x128xf32, #tpu.memory_space<vmem_shared>>)
        tpu.yield
      }) : () -> ()
      %add3A_113 = arith.constant 2 : i32
      %add3A_114 = arith.addi %mul3A_87, %add3A_113 : i32
      %dma_start3A_115 = arith.constant 0 : i32
      %dma_start3A_116 = arith.constant 0 : i32
      %dma_start3A_117 = tpu.memref_slice %arg3[%add3A, %add3A_114, %dma_start3A_115, %dma_start3A_116] : memref<32x126x2x80xi32, #tpu.memory_space<hbm>> -> memref<1x1x2x80xi32, #tpu.memory_space<hbm>>
      %dma_start3A_118 = tpu.memref_squeeze %dma_start3A_117 : memref<1x1x2x80xi32, #tpu.memory_space<hbm>> -> memref<2x80xi32, #tpu.memory_space<hbm>>
      %dma_start3A_119 = arith.constant 0 : i32
      %dma_start3A_120 = arith.constant 0 : i32
      %dma_start3A_121 = tpu.memref_slice %arg3[%add3A, %add3A_114, %dma_start3A_119, %dma_start3A_120] : memref<32x126x2x80xi32, #tpu.memory_space<hbm>> -> memref<1x1x2x80xi32, #tpu.memory_space<hbm>>
      %dma_start3A_122 = tpu.memref_squeeze %dma_start3A_121 : memref<1x1x2x80xi32, #tpu.memory_space<hbm>> -> memref<2x80xi32, #tpu.memory_space<hbm>>
      tpu.enqueue_dma source(%dma_start3A_122 : memref<2x80xi32, #tpu.memory_space<hbm>>) target(%arg6 : memref<2x80xi32, #tpu.memory_space<vmem>>) target_semaphore(%arg11 : memref<!tpu.dma_semaphore, #tpu.memory_space<semaphore_mem>>)
      %dma_wait3A_123 = arith.constant 0 : i32
      %dma_wait3A_124 = arith.constant 0 : i32
      %dma_wait3A_125 = tpu.memref_slice %arg7[%dma_wait3A_123, %dma_wait3A_124] : memref<2x80xi32, #tpu.memory_space<vmem>> -> memref<1x80xi32, #tpu.memory_space<vmem>>
      %dma_wait3A_126 = tpu.memref_squeeze %dma_wait3A_125 : memref<1x80xi32, #tpu.memory_space<vmem>> -> memref<80xi32, #tpu.memory_space<vmem>>
      %dma_wait3A_127 = arith.constant 0 : i32
      %dma_wait3A_128 = arith.constant 0 : i32
      %dma_wait3A_129 = tpu.memref_slice %arg2[%dma_wait3A_127, %dma_wait3A_128] : memref<10000x128xf32, #tpu.memory_space<hbm>> -> memref<10000x128xf32, #tpu.memory_space<hbm>>
      tpu.wait_indirect_dma semaphore(%arg14 : memref<!tpu.dma_semaphore, #tpu.memory_space<semaphore_mem>>) src(%dma_wait3A_129 : memref<10000x128xf32, #tpu.memory_space<hbm>>) dst(%arg9 : memref<80x128xf32, #tpu.memory_space<vmem>>)
      %add3A_130 = arith.constant 2 : i32
      %add3A_131 = arith.addi %mul3A_87, %add3A_130 : i32
      %dma_wait3A_132 = arith.constant 0 : i32
      %dma_wait3A_133 = arith.constant 0 : i32
      %dma_wait3A_134 = tpu.memref_slice %arg3[%add3A, %add3A_131, %dma_wait3A_132, %dma_wait3A_133] : memref<32x126x2x80xi32, #tpu.memory_space<hbm>> -> memref<1x1x2x80xi32, #tpu.memory_space<hbm>>
      %dma_wait3A_135 = tpu.memref_squeeze %dma_wait3A_134 : memref<1x1x2x80xi32, #tpu.memory_space<hbm>> -> memref<2x80xi32, #tpu.memory_space<hbm>>
      %dma_wait3A_136 = arith.constant 0 : i32
      %dma_wait3A_137 = arith.constant 0 : i32
      %dma_wait3A_138 = tpu.memref_slice %arg3[%add3A, %add3A_131, %dma_wait3A_136, %dma_wait3A_137] : memref<32x126x2x80xi32, #tpu.memory_space<hbm>> -> memref<1x1x2x80xi32, #tpu.memory_space<hbm>>
      %dma_wait3A_139 = tpu.memref_squeeze %dma_wait3A_138 : memref<1x1x2x80xi32, #tpu.memory_space<hbm>> -> memref<2x80xi32, #tpu.memory_space<hbm>>
      tpu.wait_dma2 semaphore(%arg11 : memref<!tpu.dma_semaphore, #tpu.memory_space<semaphore_mem>>) src(%dma_wait3A_139 : memref<2x80xi32, #tpu.memory_space<hbm>>) dst(%arg6 : memref<2x80xi32, #tpu.memory_space<vmem>>)
      %dma_start3A_140 = arith.constant 0 : i32
      %dma_start3A_141 = arith.constant 0 : i32
      %dma_start3A_142 = tpu.memref_slice %arg6[%dma_start3A_140, %dma_start3A_141] : memref<2x80xi32, #tpu.memory_space<vmem>> -> memref<1x80xi32, #tpu.memory_space<vmem>>
      %dma_start3A_143 = tpu.memref_squeeze %dma_start3A_142 : memref<1x80xi32, #tpu.memory_space<vmem>> -> memref<80xi32, #tpu.memory_space<vmem>>
      %dma_start3A_144 = arith.constant 0 : i32
      %dma_start3A_145 = arith.constant 0 : i32
      %dma_start3A_146 = tpu.memref_slice %arg2[%dma_start3A_144, %dma_start3A_145] : memref<10000x128xf32, #tpu.memory_space<hbm>> -> memref<10000x128xf32, #tpu.memory_space<hbm>>
      tpu.enqueue_indirect_dma source(%dma_start3A_146 : memref<10000x128xf32, #tpu.memory_space<hbm>>) target(%arg8 : memref<80x128xf32, #tpu.memory_space<vmem>>) offsets(%dma_start3A_143 : memref<80xi32, #tpu.memory_space<vmem>>) semaphore(%arg13 : memref<!tpu.dma_semaphore, #tpu.memory_space<semaphore_mem>>)
      %run_scoped3A_147 = arith.constant 1 : i32
      "tpu.region"() ({
        %run_scoped3A_158 = tpu.sem_alloc : memref<!tpu.dma_semaphore, #tpu.memory_space<semaphore_mem>>
        %dma_start3A_159 = arith.constant 0 : i32
        %dma_start3A_160 = tpu.memref_slice %arg7[%run_scoped3A_147, %dma_start3A_159] : memref<2x80xi32, #tpu.memory_space<vmem>> -> memref<1x80xi32, #tpu.memory_space<vmem>>
        %dma_start3A_161 = tpu.memref_squeeze %dma_start3A_160 : memref<1x80xi32, #tpu.memory_space<vmem>> -> memref<80xi32, #tpu.memory_space<vmem>>
        %dma_start3A_162 = arith.constant 0 : i32
        %dma_start3A_163 = arith.constant 0 : i32
        %dma_start3A_164 = tpu.memref_slice %arg5[%dma_start3A_162, %dma_start3A_163] : memref<10112x128xf32, #tpu.memory_space<vmem_shared>> -> memref<10112x128xf32, #tpu.memory_space<vmem_shared>>
        tpu.enqueue_indirect_dma source(%arg9 : memref<80x128xf32, #tpu.memory_space<vmem>>) target(%dma_start3A_164 : memref<10112x128xf32, #tpu.memory_space<vmem_shared>>) offsets(%dma_start3A_161 : memref<80xi32, #tpu.memory_space<vmem>>) semaphore(%run_scoped3A_158 : memref<!tpu.dma_semaphore, #tpu.memory_space<semaphore_mem>>) {add = true}
        %dma_wait3A_165 = arith.constant 0 : i32
        %dma_wait3A_166 = tpu.memref_slice %arg7[%run_scoped3A_147, %dma_wait3A_165] : memref<2x80xi32, #tpu.memory_space<vmem>> -> memref<1x80xi32, #tpu.memory_space<vmem>>
        %dma_wait3A_167 = tpu.memref_squeeze %dma_wait3A_166 : memref<1x80xi32, #tpu.memory_space<vmem>> -> memref<80xi32, #tpu.memory_space<vmem>>
        %dma_wait3A_168 = arith.constant 0 : i32
        %dma_wait3A_169 = arith.constant 0 : i32
        %dma_wait3A_170 = tpu.memref_slice %arg5[%dma_wait3A_168, %dma_wait3A_169] : memref<10112x128xf32, #tpu.memory_space<vmem_shared>> -> memref<10112x128xf32, #tpu.memory_space<vmem_shared>>
        tpu.wait_indirect_dma semaphore(%run_scoped3A_158 : memref<!tpu.dma_semaphore, #tpu.memory_space<semaphore_mem>>) src(%arg9 : memref<80x128xf32, #tpu.memory_space<vmem>>) dst(%dma_wait3A_170 : memref<10112x128xf32, #tpu.memory_space<vmem_shared>>)
        tpu.yield
      }) : () -> ()
      %add3A_148 = arith.constant 3 : i32
      %add3A_149 = arith.addi %mul3A_87, %add3A_148 : i32
      %dma_start3A_150 = arith.constant 0 : i32
      %dma_start3A_151 = arith.constant 0 : i32
      %dma_start3A_152 = tpu.memref_slice %arg3[%add3A, %add3A_149, %dma_start3A_150, %dma_start3A_151] : memref<32x126x2x80xi32, #tpu.memory_space<hbm>> -> memref<1x1x2x80xi32, #tpu.memory_space<hbm>>
      %dma_start3A_153 = tpu.memref_squeeze %dma_start3A_152 : memref<1x1x2x80xi32, #tpu.memory_space<hbm>> -> memref<2x80xi32, #tpu.memory_space<hbm>>
      %dma_start3A_154 = arith.constant 0 : i32
      %dma_start3A_155 = arith.constant 0 : i32
      %dma_start3A_156 = tpu.memref_slice %arg3[%add3A, %add3A_149, %dma_start3A_154, %dma_start3A_155] : memref<32x126x2x80xi32, #tpu.memory_space<hbm>> -> memref<1x1x2x80xi32, #tpu.memory_space<hbm>>
      %dma_start3A_157 = tpu.memref_squeeze %dma_start3A_156 : memref<1x1x2x80xi32, #tpu.memory_space<hbm>> -> memref<2x80xi32, #tpu.memory_space<hbm>>
      tpu.enqueue_dma source(%dma_start3A_157 : memref<2x80xi32, #tpu.memory_space<hbm>>) target(%arg7 : memref<2x80xi32, #tpu.memory_space<vmem>>) target_semaphore(%arg12 : memref<!tpu.dma_semaphore, #tpu.memory_space<semaphore_mem>>)
    }
    %scan3A_67 = arith.constant 62 : i32
    %dma_wait3A = arith.constant 0 : i32
    %dma_wait3A_68 = arith.constant 0 : i32
    %dma_wait3A_69 = tpu.memref_slice %arg6[%dma_wait3A, %dma_wait3A_68] : memref<2x80xi32, #tpu.memory_space<vmem>> -> memref<1x80xi32, #tpu.memory_space<vmem>>
    %dma_wait3A_70 = tpu.memref_squeeze %dma_wait3A_69 : memref<1x80xi32, #tpu.memory_space<vmem>> -> memref<80xi32, #tpu.memory_space<vmem>>
    %dma_wait3A_71 = arith.constant 0 : i32
    %dma_wait3A_72 = arith.constant 0 : i32
    %dma_wait3A_73 = tpu.memref_slice %arg2[%dma_wait3A_71, %dma_wait3A_72] : memref<10000x128xf32, #tpu.memory_space<hbm>> -> memref<10000x128xf32, #tpu.memory_space<hbm>>
    tpu.wait_indirect_dma semaphore(%arg13 : memref<!tpu.dma_semaphore, #tpu.memory_space<semaphore_mem>>) src(%dma_wait3A_73 : memref<10000x128xf32, #tpu.memory_space<hbm>>) dst(%arg8 : memref<80x128xf32, #tpu.memory_space<vmem>>)
    %dma_wait3A_74 = arith.constant 125 : i32
    %dma_wait3A_75 = arith.constant 0 : i32
    %dma_wait3A_76 = arith.constant 0 : i32
    %dma_wait3A_77 = tpu.memref_slice %arg3[%add3A, %dma_wait3A_74, %dma_wait3A_75, %dma_wait3A_76] : memref<32x126x2x80xi32, #tpu.memory_space<hbm>> -> memref<1x1x2x80xi32, #tpu.memory_space<hbm>>
    %dma_wait3A_78 = tpu.memref_squeeze %dma_wait3A_77 : memref<1x1x2x80xi32, #tpu.memory_space<hbm>> -> memref<2x80xi32, #tpu.memory_space<hbm>>
    %dma_wait3A_79 = arith.constant 0 : i32
    %dma_wait3A_80 = arith.constant 0 : i32
    %dma_wait3A_81 = tpu.memref_slice %arg3[%add3A, %dma_wait3A_74, %dma_wait3A_79, %dma_wait3A_80] : memref<32x126x2x80xi32, #tpu.memory_space<hbm>> -> memref<1x1x2x80xi32, #tpu.memory_space<hbm>>
    %dma_wait3A_82 = tpu.memref_squeeze %dma_wait3A_81 : memref<1x1x2x80xi32, #tpu.memory_space<hbm>> -> memref<2x80xi32, #tpu.memory_space<hbm>>
    tpu.wait_dma2 semaphore(%arg12 : memref<!tpu.dma_semaphore, #tpu.memory_space<semaphore_mem>>) src(%dma_wait3A_82 : memref<2x80xi32, #tpu.memory_space<hbm>>) dst(%arg7 : memref<2x80xi32, #tpu.memory_space<vmem>>)
    %run_scoped3A_83 = arith.constant 1 : i32
    "tpu.region"() ({
      %run_scoped3A_85 = tpu.sem_alloc : memref<!tpu.dma_semaphore, #tpu.memory_space<semaphore_mem>>
      %dma_start3A_86 = arith.constant 0 : i32
      %dma_start3A_87 = tpu.memref_slice %arg6[%run_scoped3A_83, %dma_start3A_86] : memref<2x80xi32, #tpu.memory_space<vmem>> -> memref<1x80xi32, #tpu.memory_space<vmem>>
      %dma_start3A_88 = tpu.memref_squeeze %dma_start3A_87 : memref<1x80xi32, #tpu.memory_space<vmem>> -> memref<80xi32, #tpu.memory_space<vmem>>
      %dma_start3A_89 = arith.constant 0 : i32
      %dma_start3A_90 = arith.constant 0 : i32
      %dma_start3A_91 = tpu.memref_slice %arg5[%dma_start3A_89, %dma_start3A_90] : memref<10112x128xf32, #tpu.memory_space<vmem_shared>> -> memref<10112x128xf32, #tpu.memory_space<vmem_shared>>
      tpu.enqueue_indirect_dma source(%arg8 : memref<80x128xf32, #tpu.memory_space<vmem>>) target(%dma_start3A_91 : memref<10112x128xf32, #tpu.memory_space<vmem_shared>>) offsets(%dma_start3A_88 : memref<80xi32, #tpu.memory_space<vmem>>) semaphore(%run_scoped3A_85 : memref<!tpu.dma_semaphore, #tpu.memory_space<semaphore_mem>>) {add = true}
      %dma_wait3A_92 = arith.constant 0 : i32
      %dma_wait3A_93 = tpu.memref_slice %arg6[%run_scoped3A_83, %dma_wait3A_92] : memref<2x80xi32, #tpu.memory_space<vmem>> -> memref<1x80xi32, #tpu.memory_space<vmem>>
      %dma_wait3A_94 = tpu.memref_squeeze %dma_wait3A_93 : memref<1x80xi32, #tpu.memory_space<vmem>> -> memref<80xi32, #tpu.memory_space<vmem>>
      %dma_wait3A_95 = arith.constant 0 : i32
      %dma_wait3A_96 = arith.constant 0 : i32
      %dma_wait3A_97 = tpu.memref_slice %arg5[%dma_wait3A_95, %dma_wait3A_96] : memref<10112x128xf32, #tpu.memory_space<vmem_shared>> -> memref<10112x128xf32, #tpu.memory_space<vmem_shared>>
      tpu.wait_indirect_dma semaphore(%run_scoped3A_85 : memref<!tpu.dma_semaphore, #tpu.memory_space<semaphore_mem>>) src(%arg8 : memref<80x128xf32, #tpu.memory_space<vmem>>) dst(%dma_wait3A_97 : memref<10112x128xf32, #tpu.memory_space<vmem_shared>>)
      tpu.yield
    }) : () -> ()
    %barrier3A_84 = arith.constant 0 : index
    tpu.barrier barrier_id(%barrier3A_84)
    "tpu.region"() ({
      %run_scoped3A_85 = tpu.sem_alloc : memref<!tpu.dma_semaphore, #tpu.memory_space<semaphore_mem>>
      %dma_start3A_86 = arith.constant 0 : i32
      %dma_start3A_87 = tpu.memref_slice %arg4[%arg0, %mul3A_8, %dma_start3A_86] : memref<2x10112x128xf32, #tpu.memory_space<hbm>> -> memref<1x632x128xf32, #tpu.memory_space<hbm>>
      %dma_start3A_88 = tpu.memref_squeeze %dma_start3A_87 : memref<1x632x128xf32, #tpu.memory_space<hbm>> -> memref<632x128xf32, #tpu.memory_space<hbm>>
      %dma_start3A_89 = arith.constant 0 : i32
      %dma_start3A_90 = tpu.memref_slice %arg5[%mul3A_8, %dma_start3A_89] : memref<10112x128xf32, #tpu.memory_space<vmem_shared>> -> memref<632x128xf32, #tpu.memory_space<vmem_shared>>
      tpu.enqueue_dma source(%dma_start3A_90 : memref<632x128xf32, #tpu.memory_space<vmem_shared>>) target(%dma_start3A_88 : memref<632x128xf32, #tpu.memory_space<hbm>>) target_semaphore(%run_scoped3A_85 : memref<!tpu.dma_semaphore, #tpu.memory_space<semaphore_mem>>)
      %dma_wait3A_91 = arith.constant 0 : i32
      %dma_wait3A_92 = tpu.memref_slice %arg4[%arg0, %mul3A_8, %dma_wait3A_91] : memref<2x10112x128xf32, #tpu.memory_space<hbm>> -> memref<1x632x128xf32, #tpu.memory_space<hbm>>
      %dma_wait3A_93 = tpu.memref_squeeze %dma_wait3A_92 : memref<1x632x128xf32, #tpu.memory_space<hbm>> -> memref<632x128xf32, #tpu.memory_space<hbm>>
      %dma_wait3A_94 = arith.constant 0 : i32
      %dma_wait3A_95 = tpu.memref_slice %arg5[%mul3A_8, %dma_wait3A_94] : memref<10112x128xf32, #tpu.memory_space<vmem_shared>> -> memref<632x128xf32, #tpu.memory_space<vmem_shared>>
      tpu.wait_dma2 semaphore(%run_scoped3A_85 : memref<!tpu.dma_semaphore, #tpu.memory_space<semaphore_mem>>) src(%dma_wait3A_95 : memref<632x128xf32, #tpu.memory_space<vmem_shared>>) dst(%dma_wait3A_93 : memref<632x128xf32, #tpu.memory_space<hbm>>)
      tpu.yield
    }) : () -> ()
    return
  }
}

module attributes {stable_mosaic.version = 14 : i64} {
  func.func @_mlp_body(%arg0: i32, %arg1: memref<1xf32, #tpu.memory_space<smem>>, %arg2: memref<400x128xf32, #tpu.memory_space<vmem>>, %arg3: memref<2x400x128xf32, #tpu.memory_space<vmem>>, %arg4: memref<128x128xf32, #tpu.memory_space<vmem>>, %arg5: memref<1x128xf32, #tpu.memory_space<vmem>>, %arg6: memref<128x128xf32, #tpu.memory_space<vmem>>, %arg7: memref<1x128xf32, #tpu.memory_space<vmem>>, %arg8: memref<400x128xf32, #tpu.memory_space<vmem>>, %arg9: memref<2x128xf32, #tpu.memory_space<vmem>>, %arg10: memref<2x128xf32, #tpu.memory_space<vmem>>) attributes {dimension_semantics = [#tpu.dimension_semantics<arbitrary>], iteration_bounds = array<i64: 25>, scalar_prefetch = 0 : i64, scratch_operands = 1 : i64, tpu.core_type = #tpu.core_type<tc>, window_params = [{transform_indices = @transform_0, window_bounds = array<i64: 1>}, {transform_indices = @transform_1, window_bounds = array<i64: 400, 128>}, {transform_indices = @transform_2, window_bounds = array<i64: 2, 400, 128>}, {pipeline_mode = #tpu.pipeline_mode<synchronous>, transform_indices = @transform_3, window_bounds = array<i64: 128, 128>}, {pipeline_mode = #tpu.pipeline_mode<synchronous>, transform_indices = @transform_4, window_bounds = array<i64: 1, 128>}, {pipeline_mode = #tpu.pipeline_mode<synchronous>, transform_indices = @transform_5, window_bounds = array<i64: 128, 128>}, {pipeline_mode = #tpu.pipeline_mode<synchronous>, transform_indices = @transform_6, window_bounds = array<i64: 1, 128>}, {transform_indices = @transform_7, window_bounds = array<i64: 400, 128>}, {pipeline_mode = #tpu.pipeline_mode<synchronous>, transform_indices = @transform_8, window_bounds = array<i64: 2, 128>}]} {
    %get3A = arith.constant 0 : index
    %get3A_0 = memref.load %arg1[%get3A] : memref<1xf32, #tpu.memory_space<smem>>
    %get3A_1 = arith.constant 0 : index
    %get3A_2 = arith.constant 0 : index
    %get3A_3 = vector.load %arg2[%get3A_1, %get3A_2] : memref<400x128xf32, #tpu.memory_space<vmem>>, vector<400x128xf32>
    %mul3A = vector.broadcast %get3A_0 : f32 to vector<400x128xf32>
    %mul3A_4 = arith.mulf %mul3A, %get3A_3 : vector<400x128xf32>
    %get3A_5 = arith.constant 0 : index
    %get3A_6 = arith.constant 0 : index
    %get3A_7 = arith.constant 0 : index
    %get3A_8 = vector.load %arg3[%get3A_5, %get3A_6, %get3A_7] : memref<2x400x128xf32, #tpu.memory_space<vmem>>, vector<1x400x128xf32>
    %get3A_9 = vector.shape_cast %get3A_8 : vector<1x400x128xf32> to vector<400x128xf32>
    %add3A = arith.addf %mul3A_4, %get3A_9 : vector<400x128xf32>
    %get3A_10 = arith.constant 1 : index
    %get3A_11 = arith.constant 0 : index
    %get3A_12 = arith.constant 0 : index
    %get3A_13 = vector.load %arg3[%get3A_10, %get3A_11, %get3A_12] : memref<2x400x128xf32, #tpu.memory_space<vmem>>, vector<1x400x128xf32>
    %get3A_14 = vector.shape_cast %get3A_13 : vector<1x400x128xf32> to vector<400x128xf32>
    %add3A_15 = arith.addf %add3A, %get3A_14 : vector<400x128xf32>
    %get3A_16 = arith.constant 0 : index
    %get3A_17 = arith.constant 0 : index
    %get3A_18 = vector.load %arg4[%get3A_16, %get3A_17] : memref<128x128xf32, #tpu.memory_space<vmem>>, vector<128x128xf32>
    %dot_general3A = arith.constant dense<0.000000e+00> : vector<400x128xf32>
    %dot_general3A_19 = tpu.matmul %add3A_15, %get3A_18, %dot_general3A {dimension_numbers = #tpu.dot_dimension_numbers<[1], [0], [0], [1], [0, 0, 1, 1], [], []>, precision = #tpu.contract_precision<fp32>, transpose_lhs_hint = false} : vector<400x128xf32>, vector<128x128xf32>, vector<400x128xf32> -> vector<400x128xf32>
    %get3A_20 = arith.constant 0 : index
    %get3A_21 = arith.constant 0 : index
    %get3A_22 = vector.load %arg5[%get3A_20, %get3A_21] : memref<1x128xf32, #tpu.memory_space<vmem>>, vector<1x128xf32>
    %add3A_23 = vector.broadcast %get3A_22 : vector<1x128xf32> to vector<400x128xf32>
    %add3A_24 = arith.addf %dot_general3A_19, %add3A_23 : vector<400x128xf32>
    %max3A = arith.constant 0.000000e+00 : f32
    %max3A_25 = vector.broadcast %max3A : f32 to vector<400x128xf32>
    %max3A_26 = arith.maximumf %add3A_24, %max3A_25 : vector<400x128xf32>
    %get3A_27 = arith.constant 0 : index
    %get3A_28 = arith.constant 0 : index
    %get3A_29 = vector.load %arg6[%get3A_27, %get3A_28] : memref<128x128xf32, #tpu.memory_space<vmem>>, vector<128x128xf32>
    %dot_general3A_30 = arith.constant dense<0.000000e+00> : vector<400x128xf32>
    %dot_general3A_31 = tpu.matmul %max3A_26, %get3A_29, %dot_general3A_30 {dimension_numbers = #tpu.dot_dimension_numbers<[1], [0], [0], [1], [0, 0, 1, 1], [], []>, precision = #tpu.contract_precision<fp32>, transpose_lhs_hint = false} : vector<400x128xf32>, vector<128x128xf32>, vector<400x128xf32> -> vector<400x128xf32>
    %get3A_32 = arith.constant 0 : index
    %get3A_33 = arith.constant 0 : index
    %get3A_34 = vector.load %arg7[%get3A_32, %get3A_33] : memref<1x128xf32, #tpu.memory_space<vmem>>, vector<1x128xf32>
    %add3A_35 = vector.broadcast %get3A_34 : vector<1x128xf32> to vector<400x128xf32>
    %add3A_36 = arith.addf %dot_general3A_31, %add3A_35 : vector<400x128xf32>
    %swap3A = arith.constant 0 : index
    %swap3A_37 = arith.constant 0 : index
    %swap3A_38 = vector.load %arg8[%swap3A, %swap3A_37] : memref<400x128xf32, #tpu.memory_space<vmem>>, vector<400x128xf32>
    tpu.vector_store %arg8[%swap3A, %swap3A_37], %add3A_36 {strides = array<i32>} : memref<400x128xf32, #tpu.memory_space<vmem>>, vector<400x128xf32>,
    %reduce_sum3A = arith.constant dense<0.000000e+00> : vector<128xf32>
    %reduce_sum3A_39 = vector.multi_reduction <add>, %add3A_36, %reduce_sum3A [0] : vector<400x128xf32> to vector<128xf32>
    %broadcast_in_dim3A = vector.shape_cast %reduce_sum3A_39 : vector<128xf32> to vector<1x128xf32>
    %mul3A_40 = arith.mulf %add3A_36, %add3A_36 : vector<400x128xf32>
    %reduce_sum3A_41 = arith.constant dense<0.000000e+00> : vector<128xf32>
    %reduce_sum3A_42 = vector.multi_reduction <add>, %mul3A_40, %reduce_sum3A_41 [0] : vector<400x128xf32> to vector<128xf32>
    %broadcast_in_dim3A_43 = vector.shape_cast %reduce_sum3A_42 : vector<128xf32> to vector<1x128xf32>
    %concatenate3A = tpu.concatenate %broadcast_in_dim3A, %broadcast_in_dim3A_43 in 0 : vector<1x128xf32>, vector<1x128xf32> -> vector<2x128xf32>
    %eq3A = arith.constant 0 : i32
    %eq3A_44 = arith.cmpi eq, %arg0, %eq3A : i32
    %convert_element_type3A = arith.extui %eq3A_44 : i1 to i32
    %cond3A = arith.constant 0 : i32
    %cond3A_45 = arith.cmpi ne, %convert_element_type3A, %cond3A : i32
    scf.if %cond3A_45 {
      %swap3A_55 = arith.constant 0 : index
      %swap3A_56 = arith.constant 0 : index
      %swap3A_57 = vector.load %arg10[%swap3A_55, %swap3A_56] : memref<2x128xf32, #tpu.memory_space<vmem>>, vector<2x128xf32>
      tpu.vector_store %arg10[%swap3A_55, %swap3A_56], %concatenate3A {strides = array<i32>} : memref<2x128xf32, #tpu.memory_space<vmem>>, vector<2x128xf32>,
    } else {
    }
    %gt3A = arith.constant 0 : i32
    %gt3A_46 = arith.cmpi sgt, %arg0, %gt3A : i32
    %convert_element_type3A_47 = arith.extui %gt3A_46 : i1 to i32
    %cond3A_48 = arith.constant 0 : i32
    %cond3A_49 = arith.cmpi ne, %convert_element_type3A_47, %cond3A_48 : i32
    scf.if %cond3A_49 {
      %get3A_55 = arith.constant 0 : index
      %get3A_56 = arith.constant 0 : index
      %get3A_57 = vector.load %arg10[%get3A_55, %get3A_56] : memref<2x128xf32, #tpu.memory_space<vmem>>, vector<2x128xf32>
      %add3A_58 = arith.addf %get3A_57, %concatenate3A : vector<2x128xf32>
      %swap3A_59 = arith.constant 0 : index
      %swap3A_60 = arith.constant 0 : index
      %swap3A_61 = vector.load %arg10[%swap3A_59, %swap3A_60] : memref<2x128xf32, #tpu.memory_space<vmem>>, vector<2x128xf32>
      tpu.vector_store %arg10[%swap3A_59, %swap3A_60], %add3A_58 {strides = array<i32>} : memref<2x128xf32, #tpu.memory_space<vmem>>, vector<2x128xf32>,
    } else {
    }
    %eq3A_50 = arith.constant 24 : i32
    %eq3A_51 = arith.cmpi eq, %arg0, %eq3A_50 : i32
    %convert_element_type3A_52 = arith.extui %eq3A_51 : i1 to i32
    %cond3A_53 = arith.constant 0 : i32
    %cond3A_54 = arith.cmpi ne, %convert_element_type3A_52, %cond3A_53 : i32
    scf.if %cond3A_54 {
      %get3A_55 = arith.constant 0 : index
      %get3A_56 = arith.constant 0 : index
      %get3A_57 = vector.load %arg10[%get3A_55, %get3A_56] : memref<2x128xf32, #tpu.memory_space<vmem>>, vector<2x128xf32>
      %swap3A_58 = arith.constant 0 : index
      %swap3A_59 = arith.constant 0 : index
      %swap3A_60 = vector.load %arg9[%swap3A_58, %swap3A_59] : memref<2x128xf32, #tpu.memory_space<vmem>>, vector<2x128xf32>
      tpu.vector_store %arg9[%swap3A_58, %swap3A_59], %get3A_57 {strides = array<i32>} : memref<2x128xf32, #tpu.memory_space<vmem>>, vector<2x128xf32>,
    } else {
    }
    return
  }
  func.func @transform_0(%arg0: i32) -> i32 {
    %c0_i32 = arith.constant 0 : i32
    %c0_i32_0 = arith.constant 0 : i32
    return %c0_i32 : i32
  }
  func.func @transform_1(%arg0: i32) -> (i32, i32) {
    %c0_i32 = arith.constant 0 : i32
    %c0_i32_0 = arith.constant 0 : i32
    return %arg0, %c0_i32 : i32, i32
  }
  func.func @transform_2(%arg0: i32) -> (i32, i32, i32) {
    %c0_i32 = arith.constant 0 : i32
    %c0_i32_0 = arith.constant 0 : i32
    %c0_i32_1 = arith.constant 0 : i32
    return %c0_i32, %arg0, %c0_i32_0 : i32, i32, i32
  }
  func.func @transform_3(%arg0: i32) -> (i32, i32) {
    %c0_i32 = arith.constant 0 : i32
    %c0_i32_0 = arith.constant 0 : i32
    %c0_i32_1 = arith.constant 0 : i32
    return %c0_i32, %c0_i32_0 : i32, i32
  }
  func.func @transform_4(%arg0: i32) -> (i32, i32) {
    %c0_i32 = arith.constant 0 : i32
    %c0_i32_0 = arith.constant 0 : i32
    %c0_i32_1 = arith.constant 0 : i32
    return %c0_i32, %c0_i32_0 : i32, i32
  }
  func.func @transform_5(%arg0: i32) -> (i32, i32) {
    %c0_i32 = arith.constant 0 : i32
    %c0_i32_0 = arith.constant 0 : i32
    %c0_i32_1 = arith.constant 0 : i32
    return %c0_i32, %c0_i32_0 : i32, i32
  }
  func.func @transform_6(%arg0: i32) -> (i32, i32) {
    %c0_i32 = arith.constant 0 : i32
    %c0_i32_0 = arith.constant 0 : i32
    %c0_i32_1 = arith.constant 0 : i32
    return %c0_i32, %c0_i32_0 : i32, i32
  }
  func.func @transform_7(%arg0: i32) -> (i32, i32) {
    %c0_i32 = arith.constant 0 : i32
    %c0_i32_0 = arith.constant 0 : i32
    return %arg0, %c0_i32 : i32, i32
  }
  func.func @transform_8(%arg0: i32) -> (i32, i32) {
    %c0_i32 = arith.constant 0 : i32
    %c0_i32_0 = arith.constant 0 : i32
    %c0_i32_1 = arith.constant 0 : i32
    return %c0_i32, %c0_i32_0 : i32, i32
  }
}

module attributes {stable_mosaic.version = 14 : i64} {
  func.func @_bn_body(%arg0: i32, %arg1: memref<400x128xf32, #tpu.memory_space<vmem>>, %arg2: memref<400x128xf32, #tpu.memory_space<vmem>>, %arg3: memref<2x128xf32, #tpu.memory_space<vmem>>, %arg4: memref<1x128xf32, #tpu.memory_space<vmem>>, %arg5: memref<1x128xf32, #tpu.memory_space<vmem>>, %arg6: memref<400x128xf32, #tpu.memory_space<vmem>>) attributes {dimension_semantics = [#tpu.dimension_semantics<arbitrary>], iteration_bounds = array<i64: 25>, scalar_prefetch = 0 : i64, scratch_operands = 0 : i64, tpu.core_type = #tpu.core_type<tc>, window_params = [{transform_indices = @transform_0, window_bounds = array<i64: 400, 128>}, {transform_indices = @transform_1, window_bounds = array<i64: 400, 128>}, {pipeline_mode = #tpu.pipeline_mode<synchronous>, transform_indices = @transform_2, window_bounds = array<i64: 2, 128>}, {pipeline_mode = #tpu.pipeline_mode<synchronous>, transform_indices = @transform_3, window_bounds = array<i64: 1, 128>}, {pipeline_mode = #tpu.pipeline_mode<synchronous>, transform_indices = @transform_4, window_bounds = array<i64: 1, 128>}, {transform_indices = @transform_5, window_bounds = array<i64: 400, 128>}]} {
    %get3A = arith.constant 0 : index
    %get3A_0 = arith.constant 0 : index
    %get3A_1 = vector.load %arg3[%get3A, %get3A_0] : memref<2x128xf32, #tpu.memory_space<vmem>>, vector<1x128xf32>
    %mul3A = arith.constant 9.99999974E-5 : f32
    %mul3A_2 = vector.broadcast %mul3A : f32 to vector<1x128xf32>
    %mul3A_3 = arith.mulf %get3A_1, %mul3A_2 : vector<1x128xf32>
    %get3A_4 = arith.constant 1 : index
    %get3A_5 = arith.constant 0 : index
    %get3A_6 = vector.load %arg3[%get3A_4, %get3A_5] : memref<2x128xf32, #tpu.memory_space<vmem>>, vector<1x128xf32>
    %mul3A_7 = arith.constant 9.99999974E-5 : f32
    %mul3A_8 = vector.broadcast %mul3A_7 : f32 to vector<1x128xf32>
    %mul3A_9 = arith.mulf %get3A_6, %mul3A_8 : vector<1x128xf32>
    %mul3A_10 = arith.mulf %mul3A_3, %mul3A_3 : vector<1x128xf32>
    %sub3A = arith.subf %mul3A_9, %mul3A_10 : vector<1x128xf32>
    %add3A = arith.constant 9.99999974E-6 : f32
    %add3A_11 = vector.broadcast %add3A : f32 to vector<1x128xf32>
    %add3A_12 = arith.addf %sub3A, %add3A_11 : vector<1x128xf32>
    %rsqrt3A = math.rsqrt %add3A_12 : vector<1x128xf32>
    %get3A_13 = arith.constant 0 : index
    %get3A_14 = arith.constant 0 : index
    %get3A_15 = vector.load %arg1[%get3A_13, %get3A_14] : memref<400x128xf32, #tpu.memory_space<vmem>>, vector<400x128xf32>
    %sub3A_16 = vector.broadcast %mul3A_3 : vector<1x128xf32> to vector<400x128xf32>
    %sub3A_17 = arith.subf %get3A_15, %sub3A_16 : vector<400x128xf32>
    %get3A_18 = arith.constant 0 : index
    %get3A_19 = arith.constant 0 : index
    %get3A_20 = vector.load %arg4[%get3A_18, %get3A_19] : memref<1x128xf32, #tpu.memory_space<vmem>>, vector<1x128xf32>
    %mul3A_21 = arith.mulf %rsqrt3A, %get3A_20 : vector<1x128xf32>
    %mul3A_22 = vector.broadcast %mul3A_21 : vector<1x128xf32> to vector<400x128xf32>
    %mul3A_23 = arith.mulf %sub3A_17, %mul3A_22 : vector<400x128xf32>
    %get3A_24 = arith.constant 0 : index
    %get3A_25 = arith.constant 0 : index
    %get3A_26 = vector.load %arg5[%get3A_24, %get3A_25] : memref<1x128xf32, #tpu.memory_space<vmem>>, vector<1x128xf32>
    %add3A_27 = vector.broadcast %get3A_26 : vector<1x128xf32> to vector<400x128xf32>
    %add3A_28 = arith.addf %mul3A_23, %add3A_27 : vector<400x128xf32>
    %get3A_29 = arith.constant 0 : index
    %get3A_30 = arith.constant 0 : index
    %get3A_31 = vector.load %arg2[%get3A_29, %get3A_30] : memref<400x128xf32, #tpu.memory_space<vmem>>, vector<400x128xf32>
    %add3A_32 = arith.addf %add3A_28, %get3A_31 : vector<400x128xf32>
    %swap3A = arith.constant 0 : index
    %swap3A_33 = arith.constant 0 : index
    %swap3A_34 = vector.load %arg6[%swap3A, %swap3A_33] : memref<400x128xf32, #tpu.memory_space<vmem>>, vector<400x128xf32>
    tpu.vector_store %arg6[%swap3A, %swap3A_33], %add3A_32 {strides = array<i32>} : memref<400x128xf32, #tpu.memory_space<vmem>>, vector<400x128xf32>,
    return
  }
  func.func @transform_0(%arg0: i32) -> (i32, i32) {
    %c0_i32 = arith.constant 0 : i32
    %c0_i32_0 = arith.constant 0 : i32
    return %arg0, %c0_i32 : i32, i32
  }
  func.func @transform_1(%arg0: i32) -> (i32, i32) {
    %c0_i32 = arith.constant 0 : i32
    %c0_i32_0 = arith.constant 0 : i32
    return %arg0, %c0_i32 : i32, i32
  }
  func.func @transform_2(%arg0: i32) -> (i32, i32) {
    %c0_i32 = arith.constant 0 : i32
    %c0_i32_0 = arith.constant 0 : i32
    %c0_i32_1 = arith.constant 0 : i32
    return %c0_i32, %c0_i32_0 : i32, i32
  }
  func.func @transform_3(%arg0: i32) -> (i32, i32) {
    %c0_i32 = arith.constant 0 : i32
    %c0_i32_0 = arith.constant 0 : i32
    %c0_i32_1 = arith.constant 0 : i32
    return %c0_i32, %c0_i32_0 : i32, i32
  }
  func.func @transform_4(%arg0: i32) -> (i32, i32) {
    %c0_i32 = arith.constant 0 : i32
    %c0_i32_0 = arith.constant 0 : i32
    %c0_i32_1 = arith.constant 0 : i32
    return %c0_i32, %c0_i32_0 : i32, i32
  }
  func.func @transform_5(%arg0: i32) -> (i32, i32) {
    %c0_i32 = arith.constant 0 : i32
    %c0_i32_0 = arith.constant 0 : i32
    return %arg0, %c0_i32 : i32, i32
  }
}

module attributes {stable_mosaic.version = 14 : i64} {
  func.func @_score_body(%arg0: memref<1xf32, #tpu.memory_space<smem>>, %arg1: memref<1280x128xf32, #tpu.memory_space<vmem>>, %arg2: memref<1x64xf32, #tpu.memory_space<vmem>>, %arg3: memref<1x64xf32, #tpu.memory_space<vmem>>, %arg4: memref<1x64xf32, #tpu.memory_space<vmem>>, %arg5: memref<1x64xf32, #tpu.memory_space<vmem>>, %arg6: memref<704x128xf32, #tpu.memory_space<vmem>>, %arg7: memref<1x128xf32, #tpu.memory_space<vmem>>, %arg8: memref<128x1xf32, #tpu.memory_space<vmem>>, %arg9: memref<1x1xf32, #tpu.memory_space<vmem>>, %arg10: memref<704x128xf32, #tpu.memory_space<vmem>>, %arg11: memref<1x128xf32, #tpu.memory_space<vmem>>, %arg12: memref<128x2xf32, #tpu.memory_space<vmem>>, %arg13: memref<1x2xf32, #tpu.memory_space<vmem>>, %arg14: memref<512x1xf32, #tpu.memory_space<vmem>>, %arg15: memref<512x2xf32, #tpu.memory_space<vmem>>) attributes {dimension_semantics = [], scalar_prefetch = 0 : i64, scratch_operands = 0 : i64, tpu.core_type = #tpu.core_type<tc>} {
    %get3A = arith.constant 0 : index
    %get3A_0 = memref.load %arg0[%get3A] : memref<1xf32, #tpu.memory_space<smem>>
    %get3A_1 = arith.constant 0 : index
    %get3A_2 = arith.constant 0 : index
    %get3A_3 = vector.load %arg2[%get3A_1, %get3A_2] : memref<1x64xf32, #tpu.memory_space<vmem>>, vector<1x64xf32>
    %mul3A = vector.broadcast %get3A_0 : f32 to vector<1x64xf32>
    %mul3A_4 = arith.mulf %get3A_3, %mul3A : vector<1x64xf32>
    %get3A_5 = arith.constant 0 : index
    %get3A_6 = arith.constant 0 : index
    %get3A_7 = vector.load %arg3[%get3A_5, %get3A_6] : memref<1x64xf32, #tpu.memory_space<vmem>>, vector<1x64xf32>
    %add3A = arith.addf %mul3A_4, %get3A_7 : vector<1x64xf32>
    %get3A_8 = arith.constant 0 : index
    %get3A_9 = arith.constant 0 : index
    %get3A_10 = vector.load %arg4[%get3A_8, %get3A_9] : memref<1x64xf32, #tpu.memory_space<vmem>>, vector<1x64xf32>
    %mul3A_11 = vector.broadcast %get3A_0 : f32 to vector<1x64xf32>
    %mul3A_12 = arith.mulf %get3A_10, %mul3A_11 : vector<1x64xf32>
    %get3A_13 = arith.constant 0 : index
    %get3A_14 = arith.constant 0 : index
    %get3A_15 = vector.load %arg5[%get3A_13, %get3A_14] : memref<1x64xf32, #tpu.memory_space<vmem>>, vector<1x64xf32>
    %add3A_16 = arith.addf %mul3A_12, %get3A_15 : vector<1x64xf32>
    %sin3A = math.sin %add3A : vector<1x64xf32>
    %cos3A = math.cos %add3A : vector<1x64xf32>
    %concatenate3A = tpu.concatenate %sin3A, %cos3A, %add3A_16 in 1 : vector<1x64xf32>, vector<1x64xf32>, vector<1x64xf32> -> vector<1x192xf32>
    %get3A_17 = arith.constant 0 : index
    %get3A_18 = arith.constant 0 : index
    %get3A_19 = vector.load %arg1[%get3A_17, %get3A_18] : memref<1280x128xf32, #tpu.memory_space<vmem>>, vector<1x128xf32>
    %get3A_20 = arith.constant 1 : index
    %get3A_21 = arith.constant 0 : index
    %get3A_22 = vector.load %arg1[%get3A_20, %get3A_21] : memref<1280x128xf32, #tpu.memory_space<vmem>>, vector<1x128xf32>
    %add3A_23 = arith.addf %get3A_19, %get3A_22 : vector<1x128xf32>
    %sub3A = arith.subf %get3A_19, %get3A_22 : vector<1x128xf32>
    %abs3A = math.absf %sub3A : vector<1x128xf32>
    %concatenate3A_24 = tpu.concatenate %add3A_23, %abs3A in 1 : vector<1x128xf32>, vector<1x128xf32> -> vector<1x256xf32>
    %get3A_25 = arith.constant 8 : index
    %get3A_26 = arith.constant 0 : index
    %get3A_27 = vector.load %arg1[%get3A_25, %get3A_26] : memref<1280x128xf32, #tpu.memory_space<vmem>>, vector<512x128xf32>
    %get3A_28 = arith.constant 520 : index
    %get3A_29 = arith.constant 0 : index
    %get3A_30 = vector.load %arg1[%get3A_28, %get3A_29] : memref<1280x128xf32, #tpu.memory_space<vmem>>, vector<512x128xf32>
    %add3A_31 = arith.addf %get3A_27, %get3A_30 : vector<512x128xf32>
    %sub3A_32 = arith.subf %get3A_27, %get3A_30 : vector<512x128xf32>
    %abs3A_33 = math.absf %sub3A_32 : vector<512x128xf32>
    %get3A_34 = arith.constant 0 : index
    %get3A_35 = arith.constant 0 : index
    %get3A_36 = vector.load %arg6[%get3A_34, %get3A_35] : memref<704x128xf32, #tpu.memory_space<vmem>>, vector<256x128xf32>
    %dot_general3A = arith.constant dense<0.000000e+00> : vector<1x128xf32>
    %dot_general3A_37 = tpu.matmul %concatenate3A_24, %get3A_36, %dot_general3A {dimension_numbers = #tpu.dot_dimension_numbers<[1], [0], [0], [1], [0, 0, 1, 1], [], []>, precision = #tpu.contract_precision<fp32>, transpose_lhs_hint = false} : vector<1x256xf32>, vector<256x128xf32>, vector<1x128xf32> -> vector<1x128xf32>
    %get3A_38 = arith.constant 512 : index
    %get3A_39 = arith.constant 0 : index
    %get3A_40 = vector.load %arg6[%get3A_38, %get3A_39] : memref<704x128xf32, #tpu.memory_space<vmem>>, vector<192x128xf32>
    %dot_general3A_41 = arith.constant dense<0.000000e+00> : vector<1x128xf32>
    %dot_general3A_42 = tpu.matmul %concatenate3A, %get3A_40, %dot_general3A_41 {dimension_numbers = #tpu.dot_dimension_numbers<[1], [0], [0], [1], [0, 0, 1, 1], [], []>, precision = #tpu.contract_precision<fp32>, transpose_lhs_hint = false} : vector<1x192xf32>, vector<192x128xf32>, vector<1x128xf32> -> vector<1x128xf32>
    %add3A_43 = arith.addf %dot_general3A_37, %dot_general3A_42 : vector<1x128xf32>
    %get3A_44 = arith.constant 0 : index
    %get3A_45 = arith.constant 0 : index
    %get3A_46 = vector.load %arg7[%get3A_44, %get3A_45] : memref<1x128xf32, #tpu.memory_space<vmem>>, vector<1x128xf32>
    %add3A_47 = arith.addf %add3A_43, %get3A_46 : vector<1x128xf32>
    %get3A_48 = arith.constant 256 : index
    %get3A_49 = arith.constant 0 : index
    %get3A_50 = vector.load %arg6[%get3A_48, %get3A_49] : memref<704x128xf32, #tpu.memory_space<vmem>>, vector<128x128xf32>
    %dot_general3A_51 = arith.constant dense<0.000000e+00> : vector<512x128xf32>
    %dot_general3A_52 = tpu.matmul %add3A_31, %get3A_50, %dot_general3A_51 {dimension_numbers = #tpu.dot_dimension_numbers<[1], [0], [0], [1], [0, 0, 1, 1], [], []>, precision = #tpu.contract_precision<fp32>, transpose_lhs_hint = false} : vector<512x128xf32>, vector<128x128xf32>, vector<512x128xf32> -> vector<512x128xf32>
    %get3A_53 = arith.constant 384 : index
    %get3A_54 = arith.constant 0 : index
    %get3A_55 = vector.load %arg6[%get3A_53, %get3A_54] : memref<704x128xf32, #tpu.memory_space<vmem>>, vector<128x128xf32>
    %dot_general3A_56 = arith.constant dense<0.000000e+00> : vector<512x128xf32>
    %dot_general3A_57 = tpu.matmul %abs3A_33, %get3A_55, %dot_general3A_56 {dimension_numbers = #tpu.dot_dimension_numbers<[1], [0], [0], [1], [0, 0, 1, 1], [], []>, precision = #tpu.contract_precision<fp32>, transpose_lhs_hint = false} : vector<512x128xf32>, vector<128x128xf32>, vector<512x128xf32> -> vector<512x128xf32>
    %add3A_58 = arith.addf %dot_general3A_52, %dot_general3A_57 : vector<512x128xf32>
    %add3A_59 = vector.broadcast %add3A_47 : vector<1x128xf32> to vector<512x128xf32>
    %add3A_60 = arith.addf %add3A_58, %add3A_59 : vector<512x128xf32>
    %max3A = arith.constant 0.000000e+00 : f32
    %max3A_61 = vector.broadcast %max3A : f32 to vector<512x128xf32>
    %max3A_62 = arith.maximumf %add3A_60, %max3A_61 : vector<512x128xf32>
    %get3A_63 = arith.constant 0 : index
    %get3A_64 = arith.constant 0 : index
    %get3A_65 = vector.load %arg8[%get3A_63, %get3A_64] : memref<128x1xf32, #tpu.memory_space<vmem>>, vector<128x1xf32>
    %dot_general3A_66 = arith.constant dense<0.000000e+00> : vector<512x1xf32>
    %dot_general3A_67 = tpu.matmul %max3A_62, %get3A_65, %dot_general3A_66 {dimension_numbers = #tpu.dot_dimension_numbers<[1], [0], [0], [1], [0, 0, 1, 1], [], []>, precision = #tpu.contract_precision<fp32>, transpose_lhs_hint = false} : vector<512x128xf32>, vector<128x1xf32>, vector<512x1xf32> -> vector<512x1xf32>
    %get3A_68 = arith.constant 0 : index
    %get3A_69 = arith.constant 0 : index
    %get3A_70 = vector.load %arg9[%get3A_68, %get3A_69] : memref<1x1xf32, #tpu.memory_space<vmem>>, vector<1x1xf32>
    %add3A_71 = vector.broadcast %get3A_70 : vector<1x1xf32> to vector<512x1xf32>
    %add3A_72 = arith.addf %dot_general3A_67, %add3A_71 : vector<512x1xf32>
    %swap3A = arith.constant 0 : index
    %swap3A_73 = arith.constant 0 : index
    %swap3A_74 = vector.load %arg14[%swap3A, %swap3A_73] : memref<512x1xf32, #tpu.memory_space<vmem>>, vector<512x1xf32>
    tpu.vector_store %arg14[%swap3A, %swap3A_73], %add3A_72 {strides = array<i32>} : memref<512x1xf32, #tpu.memory_space<vmem>>, vector<512x1xf32>,
    %get3A_75 = arith.constant 0 : index
    %get3A_76 = arith.constant 0 : index
    %get3A_77 = vector.load %arg10[%get3A_75, %get3A_76] : memref<704x128xf32, #tpu.memory_space<vmem>>, vector<256x128xf32>
    %dot_general3A_78 = arith.constant dense<0.000000e+00> : vector<1x128xf32>
    %dot_general3A_79 = tpu.matmul %concatenate3A_24, %get3A_77, %dot_general3A_78 {dimension_numbers = #tpu.dot_dimension_numbers<[1], [0], [0], [1], [0, 0, 1, 1], [], []>, precision = #tpu.contract_precision<fp32>, transpose_lhs_hint = false} : vector<1x256xf32>, vector<256x128xf32>, vector<1x128xf32> -> vector<1x128xf32>
    %get3A_80 = arith.constant 512 : index
    %get3A_81 = arith.constant 0 : index
    %get3A_82 = vector.load %arg10[%get3A_80, %get3A_81] : memref<704x128xf32, #tpu.memory_space<vmem>>, vector<192x128xf32>
    %dot_general3A_83 = arith.constant dense<0.000000e+00> : vector<1x128xf32>
    %dot_general3A_84 = tpu.matmul %concatenate3A, %get3A_82, %dot_general3A_83 {dimension_numbers = #tpu.dot_dimension_numbers<[1], [0], [0], [1], [0, 0, 1, 1], [], []>, precision = #tpu.contract_precision<fp32>, transpose_lhs_hint = false} : vector<1x192xf32>, vector<192x128xf32>, vector<1x128xf32> -> vector<1x128xf32>
    %add3A_85 = arith.addf %dot_general3A_79, %dot_general3A_84 : vector<1x128xf32>
    %get3A_86 = arith.constant 0 : index
    %get3A_87 = arith.constant 0 : index
    %get3A_88 = vector.load %arg11[%get3A_86, %get3A_87] : memref<1x128xf32, #tpu.memory_space<vmem>>, vector<1x128xf32>
    %add3A_89 = arith.addf %add3A_85, %get3A_88 : vector<1x128xf32>
    %get3A_90 = arith.constant 256 : index
    %get3A_91 = arith.constant 0 : index
    %get3A_92 = vector.load %arg10[%get3A_90, %get3A_91] : memref<704x128xf32, #tpu.memory_space<vmem>>, vector<128x128xf32>
    %dot_general3A_93 = arith.constant dense<0.000000e+00> : vector<512x128xf32>
    %dot_general3A_94 = tpu.matmul %add3A_31, %get3A_92, %dot_general3A_93 {dimension_numbers = #tpu.dot_dimension_numbers<[1], [0], [0], [1], [0, 0, 1, 1], [], []>, precision = #tpu.contract_precision<fp32>, transpose_lhs_hint = false} : vector<512x128xf32>, vector<128x128xf32>, vector<512x128xf32> -> vector<512x128xf32>
    %get3A_95 = arith.constant 384 : index
    %get3A_96 = arith.constant 0 : index
    %get3A_97 = vector.load %arg10[%get3A_95, %get3A_96] : memref<704x128xf32, #tpu.memory_space<vmem>>, vector<128x128xf32>
    %dot_general3A_98 = arith.constant dense<0.000000e+00> : vector<512x128xf32>
    %dot_general3A_99 = tpu.matmul %abs3A_33, %get3A_97, %dot_general3A_98 {dimension_numbers = #tpu.dot_dimension_numbers<[1], [0], [0], [1], [0, 0, 1, 1], [], []>, precision = #tpu.contract_precision<fp32>, transpose_lhs_hint = false} : vector<512x128xf32>, vector<128x128xf32>, vector<512x128xf32> -> vector<512x128xf32>
    %add3A_100 = arith.addf %dot_general3A_94, %dot_general3A_99 : vector<512x128xf32>
    %add3A_101 = vector.broadcast %add3A_89 : vector<1x128xf32> to vector<512x128xf32>
    %add3A_102 = arith.addf %add3A_100, %add3A_101 : vector<512x128xf32>
    %max3A_103 = arith.constant 0.000000e+00 : f32
    %max3A_104 = vector.broadcast %max3A_103 : f32 to vector<512x128xf32>
    %max3A_105 = arith.maximumf %add3A_102, %max3A_104 : vector<512x128xf32>
    %get3A_106 = arith.constant 0 : index
    %get3A_107 = arith.constant 0 : index
    %get3A_108 = vector.load %arg12[%get3A_106, %get3A_107] : memref<128x2xf32, #tpu.memory_space<vmem>>, vector<128x2xf32>
    %dot_general3A_109 = arith.constant dense<0.000000e+00> : vector<512x2xf32>
    %dot_general3A_110 = tpu.matmul %max3A_105, %get3A_108, %dot_general3A_109 {dimension_numbers = #tpu.dot_dimension_numbers<[1], [0], [0], [1], [0, 0, 1, 1], [], []>, precision = #tpu.contract_precision<fp32>, transpose_lhs_hint = false} : vector<512x128xf32>, vector<128x2xf32>, vector<512x2xf32> -> vector<512x2xf32>
    %get3A_111 = arith.constant 0 : index
    %get3A_112 = arith.constant 0 : index
    %get3A_113 = vector.load %arg13[%get3A_111, %get3A_112] : memref<1x2xf32, #tpu.memory_space<vmem>>, vector<1x2xf32>
    %add3A_114 = vector.broadcast %get3A_113 : vector<1x2xf32> to vector<512x2xf32>
    %add3A_115 = arith.addf %dot_general3A_110, %add3A_114 : vector<512x2xf32>
    %swap3A_116 = arith.constant 0 : index
    %swap3A_117 = arith.constant 0 : index
    %swap3A_118 = vector.load %arg15[%swap3A_116, %swap3A_117] : memref<512x2xf32, #tpu.memory_space<vmem>>, vector<512x2xf32>
    tpu.vector_store %arg15[%swap3A_116, %swap3A_117], %add3A_115 {strides = array<i32>} : memref<512x2xf32, #tpu.memory_space<vmem>>, vector<512x2xf32>,
    return
  }
}

</mosaic_0001>

<sc_bundles>
// kernel: kernel.13.cloned.1.call-start
scs
__scs_entry_jumppad:
0x0: {  	(pc) =	sbr.rel $0x88, $3  }
0x1: {  	(tag) =	ssettag $0x0;
	lr =	simm.s32 $0x1  }
0x2: {  	[smem:$0x3F89] =	sst lr;
	_ =	strace $0xD0000000  }
0x3: {  	_ = 	snop  }
0x4: {  	_ = 	snop  }
0x5: {  	_ = 	snop  }
0x6: {  	_ = 	snop  }
0x7: {  	_ = 	snop  }
__scs_overlays_trampoline_lowered:
0x8: {  	[smem:$0x3F98] =	sst s0  }
0x9: {  	[smem:$0x3F99] =	sst s1  }
0xa: {  	[smem:$0x3F9A] =	sst s2  }
0xb: {  	[smem:$0x3F9B] =	sst s3  }
0xc: {  	[smem:$0x3F9C] =	sst s4  }
0xd: {  	[smem:$0x3F9D] =	sst s5  }
0xe: {  	[smem:$0x3F9E] =	sst s6  }
0xf: {  	[smem:$0x3F9F] =	sst s7  }
0x10: {  	[smem:$0x3FA0] =	sst s8  }
0x11: {  	[smem:$0x3FA1] =	sst s9;
	s0 =	simm.s32 @!p0 $0x0  }
0x12: {  	s1 =	sld [smem:$0x3F87];
	s0 =	simm.s32 @p0 $0x1  }
0x13: {  	[smem:$0x3FA2] =	sst s0;
	s0 =	simm.s32 @!p1 $0x0  }
0x14: {  	s2 =	sld [smem:$0x3F86];
	s0 =	simm.s32 @p1 $0x1  }
0x15: {  	[smem:$0x3FA3] =	sst s0;
	s0 =	simm.s32 @!p2 $0x0  }
0x16: {  	s3 =	sld [smem:$0x3FDB];
	s0 =	simm.s32 @p2 $0x1  }
0x17: {  	s4 =	simm.s32 $0x1BF5;
	[smem:$0x3FA5] =	sst s0  }
0x18: {  	s0 =	sld [smem:$0x3F88];
	_ =	swait.ge [sflag:s4], $0x0  }
0x19: {  	s7 =	sld [smem:$0x3F89]  }
0x1a: {  	s8 =	sadd.s32 $0xFFFFE003, lr  }
0x1b: {  	s9 =	sadd.s32 $0xFFFFFEF7, lr;
	s5 =	simm.s32 $0xFFFFFFFF;
	p2 =	slt.u32 s8, $0xFFFFF086  }
0x1c: {  	p1 =	slt.u32 s9, $0xF7A;
	s5 =	simm.s32 @!p2 $0x0  }
0x1d: {  	s5 =	simm.s32 @p1 $0x1;
	p0 =	seq.s32 s7, s2  }
0x1e: {  	s7 =	smul.u32 @!p0 $0xF7A, s2;
	p2 =	seq.s32 @!p0 s5, $0x0  }
0x1f: {  	s9 =	smul.u32 $0xF7A, s1;
	s8 =	simm.s32 @!p0 $0x1BF5;
	p2 =	por !p2, p0  }
0x20: {  	[sflag:s8] =	ssyncset.s32 @!p0 $0xFFFFF086;
	s6 =	sadd.s32 @!p0 s3, s7;
	s7 =	simm.s32 @!p0 $0x108  }
0x21: {  	s3 =	sadd.s32 s3, s9;
	s6 =	sadd.s32 @!p0 $0x88, s6;
	s7 =	simm.s32 @p2 $0x1082  }
0x22: {  	[simem:s7], [sflag:s8] =	dma.local @!p0 [hbm:s6], $0xF7A  }
0x23: {  	s9 =	sor.u32 $0xD0000000, s2;
	s6 =	simm.s32 $0x108;
	_ =	swait.ge @!p0 [sflag:s8], $0x0  }
0x24: {  	s3 =	sadd.s32 $0x88, s3;
	s6 =	simm.s32 @!p1 $0x1082;
	[sflag:s4] =	ssyncset.s32 $0xFFFFF086  }
0x25: {  	[simem:s6], [sflag:s4] =	dma.local [hbm:s3], $0xF7A  }
0x26: {  	[smem:$0x3F89] =	sst s1;
	(tag) =	ssettag s2;
	_ =	strace s9  }
0x27: {  	s1 =	sld [smem:$0x3F99]  }
0x28: {  	s2 =	sld [smem:$0x3F9A]  }
0x29: {  	s4 =	sld [smem:$0x3F9C]  }
0x2a: {  	p0 =	seq.s32 s5, $0x0;
	s5 =	sld [smem:$0x3F9D]  }
0x2b: {  	s6 =	sld [smem:$0x3F9E]  }
0x2c: {  	s7 =	sld [smem:$0x3F9F]  }
0x2d: {  	s3 =	simm.s32 $0x108;
	s8 =	sld [smem:$0x3FA0]  }
0x2e: {  	s3 =	simm.s32 @!p0 $0x1082;
	s9 =	sld [smem:$0x3FA1]  }
0x2f: {  	lr =	sadd.s32 s0, s3;
	s0 =	sld [smem:$0x3F98]  }
0x30: {  	s3 =	sld [smem:$0x3F9B]  }
0x31: {  	[smem:$0x3FA4] =	sst s10  }
0x32: {  	s10 =	sld [smem:$0x3FA2];
	_ =	sdelay $0x3  }
0x33: {  	p0 =	seq.s32 s10, $0x1;
	s10 =	sld [smem:$0x3FA4];
	_ =	sdelay $0x3  }
0x34: {  	[smem:$0x3FA4] =	sst s10  }
0x35: {  	s10 =	sld [smem:$0x3FA3];
	_ =	sdelay $0x3  }
0x36: {  	p1 =	seq.s32 s10, $0x1;
	s10 =	sld [smem:$0x3FA4];
	_ =	sdelay $0x3  }
0x37: {  	[smem:$0x3FA4] =	sst s10  }
0x38: {  	s10 =	sld [smem:$0x3FA5]  }
0x39: {  	_ = 	snop;
	(pc) =	sbr.ind lr, $3  }
0x3a: {  	_ = 	snop  }
0x3b: {  	_ = 	snop  }
0x3c: {  	p2 =	seq.s32 s10, $0x1;
	s10 =	sld [smem:$0x3FA4]  }
0x3d: {  	_ =	shalt  }
0x3e: {  	_ =	shalt  }
0x3f: {  	_ =	shalt  }
0x40: {  	_ =	shalt  }
0x41: {  	_ =	shalt  }
0x42: {  	_ =	shalt  }
0x43: {  	_ =	shalt  }
0x44: {  	_ =	shalt  }
0x45: {  	_ =	shalt  }
0x46: {  	_ =	shalt  }
0x47: {  	_ =	shalt  }
0x48: {  	_ =	shalt  }
0x49: {  	_ =	shalt  }
0x4a: {  	_ =	shalt  }
0x4b: {  	_ =	shalt  }
0x4c: {  	_ =	shalt  }
0x4d: {  	_ =	shalt  }
0x4e: {  	_ =	shalt  }
0x4f: {  	_ =	shalt  }
0x50: {  	_ =	shalt  }
0x51: {  	_ =	shalt  }
0x52: {  	_ =	shalt  }
0x53: {  	_ =	shalt  }
0x54: {  	_ =	shalt  }
0x55: {  	_ =	shalt  }
0x56: {  	_ =	shalt  }
0x57: {  	_ =	shalt  }
0x58: {  	_ =	shalt  }
0x59: {  	_ =	shalt  }
0x5a: {  	_ =	shalt  }
0x5b: {  	_ =	shalt  }
0x5c: {  	_ =	shalt  }
0x5d: {  	_ =	shalt  }
0x5e: {  	_ =	shalt  }
0x5f: {  	_ =	shalt  }
0x60: {  	_ =	shalt  }
0x61: {  	_ =	shalt  }
0x62: {  	_ =	shalt  }
0x63: {  	_ =	shalt  }
0x64: {  	_ =	shalt  }
0x65: {  	_ =	shalt  }
0x66: {  	_ =	shalt  }
0x67: {  	_ =	shalt  }
0x68: {  	_ =	shalt  }
0x69: {  	_ =	shalt  }
0x6a: {  	_ =	shalt  }
0x6b: {  	_ =	shalt  }
0x6c: {  	_ =	shalt  }
0x6d: {  	_ =	shalt  }
0x6e: {  	_ =	shalt  }
0x6f: {  	_ =	shalt  }
0x70: {  	_ =	shalt  }
0x71: {  	_ =	shalt  }
0x72: {  	_ =	shalt  }
0x73: {  	_ =	shalt  }
0x74: {  	_ =	shalt  }
0x75: {  	_ =	shalt  }
0x76: {  	_ =	shalt  }
0x77: {  	_ =	shalt  }
0x78: {  	_ =	shalt  }
0x79: {  	_ =	shalt  }
0x7a: {  	_ =	shalt  }
0x7b: {  	_ =	shalt  }
0x7c: {  	_ =	shalt  }
0x7d: {  	_ =	shalt  }
0x7e: {  	_ =	shalt  }
0x7f: {  	_ =	shalt  }
0x80: {  	_ =	shalt  }
0x81: {  	_ =	shalt  }
0x82: {  	_ =	shalt  }
0x83: {  	_ =	shalt  }
0x84: {  	_ =	shalt  }
0x85: {  	_ =	shalt  }
0x86: {  	_ =	shalt  }
0x87: {  	_ =	shalt  }
.Lfunc_end0:
.L_simem_size_0:
called_computation_lowered:
.L_overlay_start_0:
0x88: {  	s2 =	sld [smem:$0x3FD9]  }
0x89: {  	s3 =	sld [smem:$0x3FFE];
	_ =	sdelay $0x1  }
0x8a: {  	s1 =	srdreg.scid  }
0x8b: {  	s0 =	sand.u32 $0x1, s1  }
0x8c: {  	s17 =	sshll.u32 s0, $0xA;
	s2 =	sadd.s32 s3, s2  }
0x8d: {  	s2 =	sadd.s32 s2, s17  }
0x8e: {  	[smem:$0x3FB0] =	sst s2  }
0x8f: {  	_ = 	snop  }
0x90: {  	s2 =	sld [smem:$0x3FC9];
	(tm) =	ssettm $0x1  }
0x91: {  	s18 =	sld [smem:$0x3FFB];
	_ =	sdelay $0x3  }
0x92: {  	_ =	strace s18  }
0x93: {  	s3 =	sld [smem:$0x3FFC];
	_ =	sdelay $0x3  }
0x94: {  	_ =	strace s3  }
0x95: {  	s3 =	sld [smem:$0x3FFD];
	_ =	sdelay $0x3  }
0x96: {  	_ =	strace s3  }
0x97: {  	_ =	strace $0x8FFFFFFF  }
0x98: {  	s19 =	sld [smem:$0x3FDB];
	_ =	sdelay $0x1  }
0x99: {  	s4 =	simm.s32 $_scs_section_size  }
0x9a: {  	s5 =	simm.s32 $_size__tile_overlayer_lowered;
	s6 =	simm.s32 $_tile_overlayer_lowered  }
0x9b: {  	s22 =	simm.s32 $0x1BFF;
	s21 =	sshll.u32 s6, $0x1;
	s3 =	sadd.s32 s4, s19  }
0x9c: {  	s7 =	simm.s32 $0x0;
	s20 =	sshll.u32 s5, $0x1;
	s5 =	sadd.s32 s21, s3  }
0x9d: {  	[timem:s7], [sflag:s22] =	dma.local [hbm:s5], s20  }
0x9e: {  	_ =	swait.ge [sflag:s22], s20  }
0x9f: {  	s4 =	ssub.s32 $0x0, s20;
	[sflag:s22] =	ssyncset.done $0x0  }
0xa0: {  	[sflag:s22] =	ssyncadd.s32 s4;
	_ =	sdelay $0x1  }
0xa1: {  	s23 =	simm.s32 $0x1B8B  }
0xa2: {  	_ =	swait.ge [sflag:s23], $0x1  }
0xa3: {  	[sflag:s23] =	ssyncset.done $0x0  }
0xa4: {  	s25 =	simm.s32 $0x1B8E;
	s24 =	sld [smem:$0x3FFE];
	[sflag:s23] =	ssyncadd.s32 $0xFFFFFFFF  }
0xa5: {  	s26 =	simm.s32 $execute0_lowered;
	[smem:$0x3FD2] =	sst s25  }
0xa6: {  	s5 =	sshll.u32 s26, $0x1;
	_ =	strace $0x80000046;
	[dreg:$0x1] =	wrdreg $0xFFFFFFFF  }
0xa7: {  	s28 =	simm.s32 $_size_execute0_lowered;
	s3 =	sadd.s32 s3, s5;
	[dreg:$0x0] =	wrdreg $0x0  }
0xa8: {  	s5 =	sshll.u32 s28, $0x1;
	[dreg:$0x2] =	wrdreg s3  }
0xa9: {  	[dreg:$0x3] =	wrdreg s5  }
0xaa: {  	[dreg:$0x4] =	wrdreg $0xC0  }
0xab: {  	_ =	task [dreg:s7], $0x5FFFF  }
0xac: {  	[dreg:$0x1] =	wrdreg $0xFFFFFFFF  }
0xad: {  	[dreg:$0x0] =	wrdreg $0x60  }
0xae: {  	[dreg:$0x2] =	wrdreg s2  }
0xaf: {  	[dreg:$0x3] =	wrdreg s24  }
0xb0: {  	[dreg:$0x4] =	wrdreg $0x0  }
0xb1: {  	[dreg:$0x5] =	wrdreg $0x9  }
0xb2: {  	_ =	task.clear_ibuf [dreg:s7], $0x6FFFF;
	_ =	strace $0x90000046  }
0xb3: {  	s29 =	simm.s32 $0x9;
	_ =	strace $0x80000048  }
0xb4: {  	_ =	swait.ge [sflag:s29], $0x1  }
0xb5: {  	[sflag:s29] =	ssyncadd.s32 $0xFFFFFFFF  }
0xb6: {  	_ =	strace $0x90000048  }
0xb7: {  	_ =	sfence  }
0xb8: {  	s30 =	sld [smem:$0x0];
	_ =	sdelay $0x2  }
0xb9: {  	s31 =	sshll.u32 s1, $0xD;
	s1 =	sshrl.u32 s1, $0x2  }
0xba: {  	s3 =	sand.u32 $0x4000, s31;
	s1 =	sadd.s32 s1, s30  }
0xbb: {  	s0 =	sor.u32 s3, s0;
	s1 =	sshll.u32 s1, $0x11  }
0xbc: {  	s0 =	sor.u32 s1, s0  }
0xbd: {  	s0 =	sadd.s32 $0x8F2B, s0  }
0xbe: {  	[sflag:s0] =	ssyncadd.remote.s32 $0x1  }
0xbf: {  	_ =	sfence.sel $0xFFFF  }
0xc0: {  	[dreg:$0x0] =	wrdreg $0xFFFFFFFF;
	(pc) =	sbr.abs _section_cstart, $3  }
0xc1: {  	[dreg:$0x1] =	wrdreg $0xFFFFFFFF  }
0xc2: {  	_ =	task.clear_ibuf [dreg:s7], $0x2FFFF;
	_ =	strace $0x9FFFFFFF  }
0xc3: {  	(tm) =	ssettm $0x7FFFFFFF  }
tec
execute0_lowered:
.L_overlay_start_1:
0x0: {  	(tag) =	ssettag $0x1  }
0x1: {  	s0 =	srdreg.scid;
	s10 =	stileid.u32  }
0x2: {  	s1 =	rddreg [dreg:$0x0];
	s0 =	sand.u32 $0x1, s0;
	s6 =	smul.u32 $0x13C00, s10  }
0x3: {  	s2 =	rddreg [dreg:$0x1];
	s5 =	smul.u32 $0x13C000, s0  }
0x4: {  	s3 =	rddreg [dreg:$0x2];
	s4 =	simm.s32 $0x0;
	s7 =	smul.u32 $0x4F000, s10  }
0x5: {  	[smem:$0x7FF] =	sst s4;
	s5 =	sadd.s32 s6, s5  }
0x6: {  	s9 =	sshll.u32 s10, $0x1;
	s7 =	sshrl.u32 s7, $0x2;
	s6 =	sshrl.u32 s5, $0x3  }
0x7: {  	s5 =	sadd.s32 $0x5600, s2;
	s2 =	sadd.s32 s6, s2;
	s6 =	sadd.s32 s7, s3  }
0x8: {  	s16 =	smul.u32 $0xFC00, s10;
	s10 =	simm.s32 $0x13E00;
	s7 =	sadd.s32 $0x1000, s6  }
0x9: {  	_ =	strace $0x80000047;
	s25 =	sadd.s32 $0x2000, s6;
	[dreg:$0x4] =	wrdreg s7  }
0xa: {  	s24 =	ssub.s32 $0x2, s0;
	s26 =	sadd.s32 $0x3000, s6;
	[dreg:$0x5] =	wrdreg s25  }
0xb: {  	s9 =	sor.u32 s0, s9;
	s11 =	sadd.s32 $0x4000, s6;
	[dreg:$0x6] =	wrdreg s26  }
0xc: {  	s0 =	smul.u32 $0x7E00, s0;
	s12 =	sadd.s32 $0x5000, s6;
	[dreg:$0x7] =	wrdreg s11  }
0xd: {  	s8 =	sshrl.u32 s24, $0x1;
	s14 =	sadd.s32 $0x6000, s6;
	[dreg:$0x8] =	wrdreg s12  }
0xe: {  	s13 =	smul.u32 $0x7E00, s9;
	s15 =	sadd.s32 $0x7000, s6;
	[dreg:$0x9] =	wrdreg s14  }
0xf: {  	s9 =	simm.s32 $0x50;
	s17 =	sadd.s32 $0x8000, s6;
	[dreg:$0xa] =	wrdreg s15  }
0x10: {  	s8 =	ssub.s32 s24, s8;
	s18 =	sadd.s32 $0x9000, s6;
	[dreg:$0xb] =	wrdreg s17  }
0x11: {  	s0 =	sadd.s32 s0, s16;
	s19 =	sadd.s32 $0xA000, s6;
	[dreg:$0xc] =	wrdreg s18  }
0x12: {  	s16 =	simm.s32 $0x1;
	s20 =	sadd.s32 $0xB000, s6;
	[dreg:$0xd] =	wrdreg s19  }
0x13: {  	s24 =	sadd.s32 $0x300, s0;
	s21 =	sadd.s32 $0xC000, s6;
	[dreg:$0xe] =	wrdreg s20  }
0x14: {  	s22 =	sadd.s32 $0xD000, s6;
	s23 =	sadd.s32 $0xE000, s6;
	[dreg:$0xf] =	wrdreg s21  }
0x15: {  	s2 =	sadd.s32 $0x24E00, s2;
	s28 =	sadd.s32 $0x10000, s6;
	[dreg:$0x10] =	wrdreg s22  }
0x16: {  	s29 =	sadd.s32 $0x11000, s6;
	s30 =	sadd.s32 $0x12000, s6;
	[dreg:$0x11] =	wrdreg s23  }
0x17: {  	s7 =	sshrl.u32 s13, $0x3;
	[dreg:$0x12] =	wrdreg s2;
	s25 =	smax.u32 s8, $0x1  }
0x18: {  	s26 =	sshrl.u32 s24, $0x3;
	s2 =	simm.s32 $0x18E00;
	s8 =	simm.s32 $0x13D00  }
0x19: {  	s11 =	simm.s32 $0x3;
	s12 =	simm.s32 $0x2;
	s13 =	simm.s32 $0x16600  }
0x1a: {  	s14 =	simm.s32 $0x13C80;
	s15 =	simm.s32 $0x4;
	s17 =	simm.s32 $0x13D80  }
0x1b: {  	s18 =	simm.s32 $0x0;
	s21 =	sadd.s32 s5, s7;
	[dreg:$0x13] =	wrdreg s25  }
0x1c: {  	s24 =	sadd.s32 s26, s5;
	s25 =	sadd.s32 $0x200, s0;
	s26 =	sadd.s32 $0xF000, s6  }
0x1d: {  	v0 =	vimm.f32 $0.0e+00;
	s0 =	simm.s32 $0x5;
	s7 =	simm.s32 $0x13C00;
	s31 =	sadd.s32 $0x20, s21  }
.LBB2_1:
0x1e: {  	s19 =	sand.u32 $0x3E00, s4  }
0x1f: {  	s20 =	sand.u32 $0x70, s4;
	s22 =	sshrl.u32 s19, $0x2  }
0x20: {  	s19 =	simm.s32 $0x40;
	s22 =	sor.u32 s20, s22;
	s20 =	simm.s32 $0x0  }
.LBB2_2:
0x21: {  	p0 =	sne.s32 s19, $0x3FC0  }
0x22: {  	[tilespmem:s22+$0x18E00] =	vst v0;
	s20 =	sadd.s32 $0x10, s20;
	s22 =	smov.u32 s19;
	s19 =	sadd.s32 $0x40, s19  }
.Ltmp0:
0x23: {  	(pc) =	sbr.rel @p0 .LBB2_2-.Ltmp0, $4  }
0x24: {  	_ = 	snop  }
0x25: {  	s22 =	sand.u32 $0x3E00, s22  }
0x26: {  	s23 =	sand.u32 $0x70, s20;
	s22 =	sshrl.u32 s22, $0x2  }
0x27: {  	s22 =	sor.u32 s23, s22  }
0x28: {  	[tilespmem:s22+$0x18E00] =	vst v0  }
0x29: {  	[spmem:s6] =	stream.linear.scatter [tilespmem:s2], [sflag:$0x5], $0x1000, $0x38;
	[tilespmem:$0x19E00] =	vst v63  }
0x2a: {  	_ =	swait.ge [sflag:s0], $0x1000  }
0x2b: {  	[sflag:s0] =	ssyncset.done $0x0  }
0x2c: {  	s19 =	rddreg [dreg:$0x4];
	[sflag:s0] =	ssyncadd.s32 $0xFFFFF000  }
0x2d: {  	[spmem:s19] =	stream.linear.scatter [tilespmem:s2], [sflag:$0x5], $0x1000, $0x38;
	[tilespmem:$0x19E00] =	vst v63  }
0x2e: {  	_ =	swait.ge [sflag:s0], $0x1000  }
0x2f: {  	[sflag:s0] =	ssyncset.done $0x0  }
0x30: {  	s20 =	rddreg [dreg:$0x5];
	[sflag:s0] =	ssyncadd.s32 $0xFFFFF000  }
0x31: {  	[spmem:s20] =	stream.linear.scatter [tilespmem:s2], [sflag:$0x5], $0x1000, $0x38;
	[tilespmem:$0x19E00] =	vst v63  }
0x32: {  	_ =	swait.ge [sflag:s0], $0x1000  }
0x33: {  	[sflag:s0] =	ssyncset.done $0x0  }
0x34: {  	s22 =	rddreg [dreg:$0x6];
	[sflag:s0] =	ssyncadd.s32 $0xFFFFF000  }
0x35: {  	[spmem:s22] =	stream.linear.scatter [tilespmem:s2], [sflag:$0x5], $0x1000, $0x38;
	[tilespmem:$0x19E00] =	vst v63  }
0x36: {  	_ =	swait.ge [sflag:s0], $0x1000  }
0x37: {  	[sflag:s0] =	ssyncset.done $0x0  }
0x38: {  	s23 =	rddreg [dreg:$0x7];
	[sflag:s0] =	ssyncadd.s32 $0xFFFFF000  }
0x39: {  	[spmem:s23] =	stream.linear.scatter [tilespmem:s2], [sflag:$0x5], $0x1000, $0x38;
	[tilespmem:$0x19E00] =	vst v63  }
0x3a: {  	_ =	swait.ge [sflag:s0], $0x1000  }
0x3b: {  	[sflag:s0] =	ssyncset.done $0x0  }
0x3c: {  	s20 =	rddreg [dreg:$0x8];
	[sflag:s0] =	ssyncadd.s32 $0xFFFFF000  }
0x3d: {  	[spmem:s20] =	stream.linear.scatter [tilespmem:s2], [sflag:$0x5], $0x1000, $0x38;
	[tilespmem:$0x19E00] =	vst v63  }
0x3e: {  	_ =	swait.ge [sflag:s0], $0x1000  }
0x3f: {  	[sflag:s0] =	ssyncset.done $0x0  }
0x40: {  	s22 =	rddreg [dreg:$0x9];
	[sflag:s0] =	ssyncadd.s32 $0xFFFFF000  }
0x41: {  	[spmem:s22] =	stream.linear.scatter [tilespmem:s2], [sflag:$0x5], $0x1000, $0x38;
	[tilespmem:$0x19E00] =	vst v63  }
0x42: {  	_ =	swait.ge [sflag:s0], $0x1000  }
0x43: {  	[sflag:s0] =	ssyncset.done $0x0  }
0x44: {  	s23 =	rddreg [dreg:$0xa];
	[sflag:s0] =	ssyncadd.s32 $0xFFFFF000  }
0x45: {  	[spmem:s23] =	stream.linear.scatter [tilespmem:s2], [sflag:$0x5], $0x1000, $0x38;
	[tilespmem:$0x19E00] =	vst v63  }
0x46: {  	_ =	swait.ge [sflag:s0], $0x1000  }
0x47: {  	[sflag:s0] =	ssyncset.done $0x0  }
0x48: {  	s20 =	rddreg [dreg:$0xb];
	[sflag:s0] =	ssyncadd.s32 $0xFFFFF000  }
0x49: {  	[spmem:s20] =	stream.linear.scatter [tilespmem:s2], [sflag:$0x5], $0x1000, $0x38;
	[tilespmem:$0x19E00] =	vst v63  }
0x4a: {  	_ =	swait.ge [sflag:s0], $0x1000  }
0x4b: {  	[sflag:s0] =	ssyncset.done $0x0  }
0x4c: {  	s22 =	rddreg [dreg:$0xc];
	[sflag:s0] =	ssyncadd.s32 $0xFFFFF000  }
0x4d: {  	[spmem:s22] =	stream.linear.scatter [tilespmem:s2], [sflag:$0x5], $0x1000, $0x38;
	[tilespmem:$0x19E00] =	vst v63  }
0x4e: {  	_ =	swait.ge [sflag:s0], $0x1000  }
0x4f: {  	[sflag:s0] =	ssyncset.done $0x0  }
0x50: {  	s23 =	rddreg [dreg:$0xd];
	[sflag:s0] =	ssyncadd.s32 $0xFFFFF000  }
0x51: {  	[spmem:s23] =	stream.linear.scatter [tilespmem:s2], [sflag:$0x5], $0x1000, $0x38;
	[tilespmem:$0x19E00] =	vst v63  }
0x52: {  	_ =	swait.ge [sflag:s0], $0x1000  }
0x53: {  	[sflag:s0] =	ssyncset.done $0x0  }
0x54: {  	s20 =	rddreg [dreg:$0xe];
	[sflag:s0] =	ssyncadd.s32 $0xFFFFF000  }
0x55: {  	[spmem:s20] =	stream.linear.scatter [tilespmem:s2], [sflag:$0x5], $0x1000, $0x38;
	[tilespmem:$0x19E00] =	vst v63  }
0x56: {  	_ =	swait.ge [sflag:s0], $0x1000  }
0x57: {  	[sflag:s0] =	ssyncset.done $0x0  }
0x58: {  	s22 =	rddreg [dreg:$0xf];
	[sflag:s0] =	ssyncadd.s32 $0xFFFFF000  }
0x59: {  	[spmem:s22] =	stream.linear.scatter [tilespmem:s2], [sflag:$0x5], $0x1000, $0x38;
	[tilespmem:$0x19E00] =	vst v63  }
0x5a: {  	_ =	swait.ge [sflag:s0], $0x1000  }
0x5b: {  	[sflag:s0] =	ssyncset.done $0x0  }
0x5c: {  	s23 =	rddreg [dreg:$0x10];
	[sflag:s0] =	ssyncadd.s32 $0xFFFFF000  }
0x5d: {  	[spmem:s23] =	stream.linear.scatter [tilespmem:s2], [sflag:$0x5], $0x1000, $0x38;
	[tilespmem:$0x19E00] =	vst v63  }
0x5e: {  	_ =	swait.ge [sflag:s0], $0x1000  }
0x5f: {  	[sflag:s0] =	ssyncset.done $0x0  }
0x60: {  	s20 =	rddreg [dreg:$0x11];
	[sflag:s0] =	ssyncadd.s32 $0xFFFFF000  }
0x61: {  	[spmem:s20] =	stream.linear.scatter [tilespmem:s2], [sflag:$0x5], $0x1000, $0x38;
	[tilespmem:$0x19E00] =	vst v63  }
0x62: {  	_ =	swait.ge [sflag:s0], $0x1000  }
0x63: {  	[sflag:s0] =	ssyncset.done $0x0  }
0x64: {  	[sflag:s0] =	ssyncadd.s32 $0xFFFFF000  }
0x65: {  	[spmem:s26] =	stream.linear.scatter [tilespmem:s2], [sflag:$0x5], $0x1000, $0x38;
	[tilespmem:$0x19E00] =	vst v63  }
0x66: {  	_ =	swait.ge [sflag:s0], $0x1000  }
0x67: {  	[sflag:s0] =	ssyncset.done $0x0  }
0x68: {  	[sflag:s0] =	ssyncadd.s32 $0xFFFFF000  }
0x69: {  	[spmem:s28] =	stream.linear.scatter [tilespmem:s2], [sflag:$0x5], $0x1000, $0x38;
	[tilespmem:$0x19E00] =	vst v63  }
0x6a: {  	_ =	swait.ge [sflag:s0], $0x1000  }
0x6b: {  	[sflag:s0] =	ssyncset.done $0x0  }
0x6c: {  	[sflag:s0] =	ssyncadd.s32 $0xFFFFF000  }
0x6d: {  	[spmem:s29] =	stream.linear.scatter [tilespmem:s2], [sflag:$0x5], $0x1000, $0x38;
	[tilespmem:$0x19E00] =	vst v63  }
0x6e: {  	_ =	swait.ge [sflag:s0], $0x1000  }
0x6f: {  	[sflag:s0] =	ssyncset.done $0x0  }
0x70: {  	[sflag:s0] =	ssyncadd.s32 $0xFFFFF000  }
0x71: {  	[spmem:s30] =	stream.linear.scatter [tilespmem:s2], [sflag:$0x5], $0xC00, $0x38;
	[tilespmem:$0x19E00] =	vst v63  }
0x72: {  	_ =	swait.ge [sflag:s0], $0xC00  }
0x73: {  	[sflag:s0] =	ssyncset.done $0x0  }
0x74: {  	[sflag:s0] =	ssyncadd.s32 $0xFFFFF400  }
0x75: {  	s22 =	simm.s32 $0x0;
	[bflag:$0x0] =	sbarrier.arrive $0xFFFF  }
0x76: {  	[tilespmem:s7], [sflag:$0x5] =	stream.linear.gather [hbm4b:s21+s22], $0x100, $0x38;
	[tilespmem:$0x19E00] =	vst v63  }
0x77: {  	_ =	swait.ge [sflag:s0], $0x100  }
0x78: {  	[sflag:s0] =	ssyncset.done $0x0  }
0x79: {  	[sflag:s0] =	ssyncadd.s32 $0xFFFFFF00  }
0x7a: {  	[tilespmem:s8], [sflag:$0x2] =	stream.linear.gather [hbm4b:s31+s22], $0x100, $0x38;
	[tilespmem:$0x19E00] =	vst v63  }
0x7b: {  	_ = 	snop  }
0x7c: {  	[tilespmem:s10], [sflag:$0x3] =	stream.indirect.gather [hbm4b:s1+s9], $0x80, s7, s9, $0xb8;
	[tilespmem:$0x19E00] =	vst v63  }
0x7d: {  	_ =	swait.ge [sflag:s11], $0x2800  }
0x7e: {  	[sflag:s11] =	ssyncset.done $0x0  }
0x7f: {  	[sflag:s11] =	ssyncadd.s32 $0xFFFFD800  }
0x80: {  	_ =	swait.ge [sflag:s12], $0x100  }
0x81: {  	[sflag:s12] =	ssyncset.done $0x0  }
0x82: {  	[sflag:s12] =	ssyncadd.s32 $0xFFFFFF00  }
0x83: {  	[tilespmem:s13], [sflag:$0x4] =	stream.indirect.gather [hbm4b:s1+s9], $0x80, s8, s9, $0xb8;
	[tilespmem:$0x19E00] =	vst v63  }
0x84: {  	_ = 	snop  }
0x85: {  	[spmem:s3] =	stream.indirect.scatter.add.f32 [tilespmem:s10], [sflag:$0x5], $0x80, s14, s9, $0xb8;
	[tilespmem:$0x19E00] =	vst v63  }
0x86: {  	_ =	swait.ge [sflag:s0], $0x2800  }
0x87: {  	s23 =	sshrl.u32 s25, $0x3;
	[sflag:s0] =	ssyncset.done $0x0  }
0x88: {  	s19 =	sadd.s32 s5, s23;
	[sflag:s0] =	ssyncadd.s32 $0xFFFFD800  }
0x89: {  	[tilespmem:s7], [sflag:$0x1] =	stream.linear.gather [hbm4b:s19+s4], $0x100, $0x38;
	[tilespmem:$0x19E00] =	vst v63  }
0x8a: {  	_ =	swait.ge [sflag:s15], $0x2800  }
0x8b: {  	[sflag:s15] =	ssyncset.done $0x0  }
0x8c: {  	[sflag:s15] =	ssyncadd.s32 $0xFFFFD800  }
0x8d: {  	_ =	swait.ge [sflag:s16], $0x100  }
0x8e: {  	[sflag:s16] =	ssyncset.done $0x0  }
0x8f: {  	[sflag:s16] =	ssyncadd.s32 $0xFFFFFF00  }
0x90: {  	[tilespmem:s10], [sflag:$0x3] =	stream.indirect.gather [hbm4b:s1+s9], $0x80, s7, s9, $0xb8;
	[tilespmem:$0x19E00] =	vst v63  }
0x91: {  	_ = 	snop  }
0x92: {  	[spmem:s3] =	stream.indirect.scatter.add.f32 [tilespmem:s13], [sflag:$0x5], $0x80, s17, s9, $0xb8;
	[tilespmem:$0x19E00] =	vst v63  }
0x93: {  	_ =	swait.ge [sflag:s0], $0x2800  }
0x94: {  	s20 =	sadd.s32 $0x200, s25;
	[sflag:s0] =	ssyncset.done $0x0  }
0x95: {  	s22 =	sadd.s32 $0x0, s24;
	s19 =	simm.s32 $0x40;
	[sflag:s0] =	ssyncadd.s32 $0xFFFFD800  }
.LBB2_4:
0x96: {  	[tilespmem:s8], [sflag:$0x2] =	stream.linear.gather [hbm4b:s22+s4], $0x100, $0x38;
	[tilespmem:$0x19E00] =	vst v63  }
0x97: {  	s22 =	smov.u32 s19  }
0x98: {  	p0 =	sne.s32 s19, $0xF40;
	s19 =	sadd.s32 $0x40, s19;
	_ =	swait.ge [sflag:s11], $0x2800  }
0x99: {  	[sflag:s11] =	ssyncset.done $0x0  }
0x9a: {  	[sflag:s11] =	ssyncadd.s32 $0xFFFFD800  }
0x9b: {  	_ =	swait.ge [sflag:s12], $0x100  }
0x9c: {  	[sflag:s12] =	ssyncset.done $0x0  }
0x9d: {  	[sflag:s12] =	ssyncadd.s32 $0xFFFFFF00  }
0x9e: {  	[tilespmem:s13], [sflag:$0x4] =	stream.indirect.gather [hbm4b:s1+s9], $0x80, s8, s9, $0xb8;
	[tilespmem:$0x19E00] =	vst v63  }
0x9f: {  	_ = 	snop  }
0xa0: {  	[spmem:s3] =	stream.indirect.scatter.add.f32 [tilespmem:s10], [sflag:$0x5], $0x80, s14, s9, $0xb8;
	[tilespmem:$0x19E00] =	vst v63  }
0xa1: {  	_ =	swait.ge [sflag:s0], $0x2800  }
0xa2: {  	s23 =	sshrl.u32 s20, $0x3;
	[sflag:s0] =	ssyncset.done $0x0  }
0xa3: {  	s23 =	sadd.s32 s5, s23;
	[sflag:s0] =	ssyncadd.s32 $0xFFFFD800  }
0xa4: {  	[tilespmem:s7], [sflag:$0x1] =	stream.linear.gather [hbm4b:s23+s4], $0x100, $0x38;
	[tilespmem:$0x19E00] =	vst v63  }
0xa5: {  	_ =	swait.ge [sflag:s15], $0x2800  }
0xa6: {  	[sflag:s15] =	ssyncset.done $0x0  }
0xa7: {  	[sflag:s15] =	ssyncadd.s32 $0xFFFFD800  }
0xa8: {  	_ =	swait.ge [sflag:s16], $0x100  }
0xa9: {  	[sflag:s16] =	ssyncset.done $0x0  }
0xaa: {  	[sflag:s16] =	ssyncadd.s32 $0xFFFFFF00  }
0xab: {  	[tilespmem:s10], [sflag:$0x3] =	stream.indirect.gather [hbm4b:s1+s9], $0x80, s7, s9, $0xb8;
	[tilespmem:$0x19E00] =	vst v63  }
.Ltmp1:
0xac: {  	(pc) =	sbr.rel @p0 .LBB2_4-.Ltmp1, $4  }
0xad: {  	[spmem:s3] =	stream.indirect.scatter.add.f32 [tilespmem:s13], [sflag:$0x5], $0x80, s17, s9, $0xb8;
	[tilespmem:$0x19E00] =	vst v63  }
0xae: {  	_ =	swait.ge [sflag:s0], $0x2800  }
0xaf: {  	[sflag:s0] =	ssyncset.done $0x0  }
0xb0: {  	s20 =	sadd.s32 $0x200, s20;
	s22 =	sadd.s32 s22, s24;
	[sflag:s0] =	ssyncadd.s32 $0xFFFFD800  }
0xb1: {  	[tilespmem:s8], [sflag:$0x2] =	stream.linear.gather [hbm4b:s22+s4], $0x100, $0x38;
	[tilespmem:$0x19E00] =	vst v63  }
0xb2: {  	_ =	swait.ge [sflag:s11], $0x2800  }
0xb3: {  	[sflag:s11] =	ssyncset.done $0x0  }
0xb4: {  	[sflag:s11] =	ssyncadd.s32 $0xFFFFD800  }
0xb5: {  	_ =	swait.ge [sflag:s12], $0x100  }
0xb6: {  	[sflag:s12] =	ssyncset.done $0x0  }
0xb7: {  	[sflag:s12] =	ssyncadd.s32 $0xFFFFFF00  }
0xb8: {  	[spmem:s3] =	stream.indirect.scatter.add.f32 [tilespmem:s10], [sflag:$0x5], $0x80, s14, s9, $0xb8;
	[tilespmem:$0x19E00] =	vst v63  }
0xb9: {  	_ =	swait.ge [sflag:s0], $0x2800  }
0xba: {  	[sflag:s0] =	ssyncset.done $0x0  }
0xbb: {  	s19 =	stileid.u32;
	[sflag:s0] =	ssyncadd.s32 $0xFFFFD800  }
0xbc: {  	s19 =	sshll.u32 s19, $0x6;
	[bflag:$0x0] =	sbarrier.arrive $0xFFFF  }
0xbd: {  	s20 =	sshrl.u32 s6, $0x3;
	s19 =	sor.u32 $0x1C05, s19;
	s23 =	rddreg [dreg:$0x12]  }
0xbe: {  	[hbm:s23], [sflag:s19] =	dma.local [spmem:s20], $0x2780  }
0xbf: {  	_ =	swait.ge [sflag:s0], $0x2780  }
0xc0: {  	s18 =	sadd.s32 $0x1, s18;
	s23 =	rddreg [dreg:$0x13]  }
0xc1: {  	p0 =	sne.s32 s18, s23  }
.Ltmp2:
0xc2: {  	_ = 	snop;
	(pc) =	sbr.rel @p0 .LBB2_1-.Ltmp2, $3  }
0xc3: {  	_ =	sdelay $0x1  }
0xc4: {  	[sflag:s0] =	ssyncset.done $0x0  }
0xc5: {  	[sflag:s0] =	ssyncadd.s32 $0xFFFFD880  }
0xc6: {  	_ =	sfence.sel $0x180000  }
0xc7: {  	[bflag:$0x0] =	sbarrier.arrive $0xFFFF  }
0xc8: {  	_ =	strace $0x90000047  }
0xc9: {  	s0 =	stileid.u32;
	[bflag:$0x2] =	sbarrier.arrive $0xFFFF  }
0xca: {  	p0 =	sne.s32 s0, $0x0;
	s0 =	rddreg [dreg:$0x3]  }
0xcb: {  	s0 =	sadd.s32 @!p0 $0x100000, s0  }
0xcc: {  	[sflag:s0] =	ssyncadd.tile.s32 @!p0 $0x1;
	_ =	shalt  }
.Lfunc_end2:
_tile_overlayer_lowered:
.L_overlay_start_2:
0xcd: {  	(tag) =	ssettag $0x2  }
0xce: {  	s0 =	rddreg [dreg:$0x0];
	s2 =	stileid.u32  }
0xcf: {  	s1 =	rddreg [dreg:$0x1];
	p0 =	sne.s32 s2, $0x0  }
0xd0: {  	s3 =	rddreg [dreg:$0x2];
	[bflag:$0x3] =	sbarrier.arrive $0xFFFF;
	s2 =	simm.s32 @!p0 $0x1C05  }
0xd1: {  	[timem:s3], [sflag:s2] =	dma.local @!p0 [hbm:s0], s1  }
0xd2: {  	s0 =	simm.s32 @!p0 $0x5  }
0xd3: {  	_ =	swait.ge @!p0 [sflag:s0], s1  }
0xd4: {  	s1 =	ssub.s32 @!p0 $0x0, s1;
	[sflag:s0] =	ssyncset.done @!p0 $0x0  }
0xd5: {  	[sflag:s0] =	ssyncadd.s32 @!p0 s1  }
0xd6: {  	[bflag:$0x3] =	sbarrier.arrive $0xFFFF  }
0xd7: {  	_ =	shalt  }

// kernel: kernel.16.cloned.1.call-start
scs
__scs_entry_jumppad:
0x0: {  	(pc) =	sbr.rel $0x88, $3  }
0x1: {  	(tag) =	ssettag $0x0;
	lr =	simm.s32 $0x1  }
0x2: {  	[smem:$0x3F89] =	sst lr;
	_ =	strace $0xD0000000  }
0x3: {  	_ = 	snop  }
0x4: {  	_ = 	snop  }
0x5: {  	_ = 	snop  }
0x6: {  	_ = 	snop  }
0x7: {  	_ = 	snop  }
__scs_overlays_trampoline_lowered:
0x8: {  	[smem:$0x3F98] =	sst s0  }
0x9: {  	[smem:$0x3F99] =	sst s1  }
0xa: {  	[smem:$0x3F9A] =	sst s2  }
0xb: {  	[smem:$0x3F9B] =	sst s3  }
0xc: {  	[smem:$0x3F9C] =	sst s4  }
0xd: {  	[smem:$0x3F9D] =	sst s5  }
0xe: {  	[smem:$0x3F9E] =	sst s6  }
0xf: {  	[smem:$0x3F9F] =	sst s7  }
0x10: {  	[smem:$0x3FA0] =	sst s8  }
0x11: {  	[smem:$0x3FA1] =	sst s9;
	s0 =	simm.s32 @!p0 $0x0  }
0x12: {  	s1 =	sld [smem:$0x3F87];
	s0 =	simm.s32 @p0 $0x1  }
0x13: {  	[smem:$0x3FA2] =	sst s0;
	s0 =	simm.s32 @!p1 $0x0  }
0x14: {  	s2 =	sld [smem:$0x3F86];
	s0 =	simm.s32 @p1 $0x1  }
0x15: {  	[smem:$0x3FA3] =	sst s0;
	s0 =	simm.s32 @!p2 $0x0  }
0x16: {  	s3 =	sld [smem:$0x3FDB];
	s0 =	simm.s32 @p2 $0x1  }
0x17: {  	s4 =	simm.s32 $0x1BF5;
	[smem:$0x3FA5] =	sst s0  }
0x18: {  	s0 =	sld [smem:$0x3F88];
	_ =	swait.ge [sflag:s4], $0x0  }
0x19: {  	s7 =	sld [smem:$0x3F89]  }
0x1a: {  	s8 =	sadd.s32 $0xFFFFE003, lr  }
0x1b: {  	s9 =	sadd.s32 $0xFFFFFEF7, lr;
	s5 =	simm.s32 $0xFFFFFFFF;
	p2 =	slt.u32 s8, $0xFFFFF086  }
0x1c: {  	p1 =	slt.u32 s9, $0xF7A;
	s5 =	simm.s32 @!p2 $0x0  }
0x1d: {  	s5 =	simm.s32 @p1 $0x1;
	p0 =	seq.s32 s7, s2  }
0x1e: {  	s7 =	smul.u32 @!p0 $0xF7A, s2;
	p2 =	seq.s32 @!p0 s5, $0x0  }
0x1f: {  	s9 =	smul.u32 $0xF7A, s1;
	s8 =	simm.s32 @!p0 $0x1BF5;
	p2 =	por !p2, p0  }
0x20: {  	[sflag:s8] =	ssyncset.s32 @!p0 $0xFFFFF086;
	s6 =	sadd.s32 @!p0 s3, s7;
	s7 =	simm.s32 @!p0 $0x108  }
0x21: {  	s3 =	sadd.s32 s3, s9;
	s6 =	sadd.s32 @!p0 $0x88, s6;
	s7 =	simm.s32 @p2 $0x1082  }
0x22: {  	[simem:s7], [sflag:s8] =	dma.local @!p0 [hbm:s6], $0xF7A  }
0x23: {  	s9 =	sor.u32 $0xD0000000, s2;
	s6 =	simm.s32 $0x108;
	_ =	swait.ge @!p0 [sflag:s8], $0x0  }
0x24: {  	s3 =	sadd.s32 $0x88, s3;
	s6 =	simm.s32 @!p1 $0x1082;
	[sflag:s4] =	ssyncset.s32 $0xFFFFF086  }
0x25: {  	[simem:s6], [sflag:s4] =	dma.local [hbm:s3], $0xF7A  }
0x26: {  	[smem:$0x3F89] =	sst s1;
	(tag) =	ssettag s2;
	_ =	strace s9  }
0x27: {  	s1 =	sld [smem:$0x3F99]  }
0x28: {  	s2 =	sld [smem:$0x3F9A]  }
0x29: {  	s4 =	sld [smem:$0x3F9C]  }
0x2a: {  	p0 =	seq.s32 s5, $0x0;
	s5 =	sld [smem:$0x3F9D]  }
0x2b: {  	s6 =	sld [smem:$0x3F9E]  }
0x2c: {  	s7 =	sld [smem:$0x3F9F]  }
0x2d: {  	s3 =	simm.s32 $0x108;
	s8 =	sld [smem:$0x3FA0]  }
0x2e: {  	s3 =	simm.s32 @!p0 $0x1082;
	s9 =	sld [smem:$0x3FA1]  }
0x2f: {  	lr =	sadd.s32 s0, s3;
	s0 =	sld [smem:$0x3F98]  }
0x30: {  	s3 =	sld [smem:$0x3F9B]  }
0x31: {  	[smem:$0x3FA4] =	sst s10  }
0x32: {  	s10 =	sld [smem:$0x3FA2];
	_ =	sdelay $0x3  }
0x33: {  	p0 =	seq.s32 s10, $0x1;
	s10 =	sld [smem:$0x3FA4];
	_ =	sdelay $0x3  }
0x34: {  	[smem:$0x3FA4] =	sst s10  }
0x35: {  	s10 =	sld [smem:$0x3FA3];
	_ =	sdelay $0x3  }
0x36: {  	p1 =	seq.s32 s10, $0x1;
	s10 =	sld [smem:$0x3FA4];
	_ =	sdelay $0x3  }
0x37: {  	[smem:$0x3FA4] =	sst s10  }
0x38: {  	s10 =	sld [smem:$0x3FA5]  }
0x39: {  	_ = 	snop;
	(pc) =	sbr.ind lr, $3  }
0x3a: {  	_ = 	snop  }
0x3b: {  	_ = 	snop  }
0x3c: {  	p2 =	seq.s32 s10, $0x1;
	s10 =	sld [smem:$0x3FA4]  }
0x3d: {  	_ =	shalt  }
0x3e: {  	_ =	shalt  }
0x3f: {  	_ =	shalt  }
0x40: {  	_ =	shalt  }
0x41: {  	_ =	shalt  }
0x42: {  	_ =	shalt  }
0x43: {  	_ =	shalt  }
0x44: {  	_ =	shalt  }
0x45: {  	_ =	shalt  }
0x46: {  	_ =	shalt  }
0x47: {  	_ =	shalt  }
0x48: {  	_ =	shalt  }
0x49: {  	_ =	shalt  }
0x4a: {  	_ =	shalt  }
0x4b: {  	_ =	shalt  }
0x4c: {  	_ =	shalt  }
0x4d: {  	_ =	shalt  }
0x4e: {  	_ =	shalt  }
0x4f: {  	_ =	shalt  }
0x50: {  	_ =	shalt  }
0x51: {  	_ =	shalt  }
0x52: {  	_ =	shalt  }
0x53: {  	_ =	shalt  }
0x54: {  	_ =	shalt  }
0x55: {  	_ =	shalt  }
0x56: {  	_ =	shalt  }
0x57: {  	_ =	shalt  }
0x58: {  	_ =	shalt  }
0x59: {  	_ =	shalt  }
0x5a: {  	_ =	shalt  }
0x5b: {  	_ =	shalt  }
0x5c: {  	_ =	shalt  }
0x5d: {  	_ =	shalt  }
0x5e: {  	_ =	shalt  }
0x5f: {  	_ =	shalt  }
0x60: {  	_ =	shalt  }
0x61: {  	_ =	shalt  }
0x62: {  	_ =	shalt  }
0x63: {  	_ =	shalt  }
0x64: {  	_ =	shalt  }
0x65: {  	_ =	shalt  }
0x66: {  	_ =	shalt  }
0x67: {  	_ =	shalt  }
0x68: {  	_ =	shalt  }
0x69: {  	_ =	shalt  }
0x6a: {  	_ =	shalt  }
0x6b: {  	_ =	shalt  }
0x6c: {  	_ =	shalt  }
0x6d: {  	_ =	shalt  }
0x6e: {  	_ =	shalt  }
0x6f: {  	_ =	shalt  }
0x70: {  	_ =	shalt  }
0x71: {  	_ =	shalt  }
0x72: {  	_ =	shalt  }
0x73: {  	_ =	shalt  }
0x74: {  	_ =	shalt  }
0x75: {  	_ =	shalt  }
0x76: {  	_ =	shalt  }
0x77: {  	_ =	shalt  }
0x78: {  	_ =	shalt  }
0x79: {  	_ =	shalt  }
0x7a: {  	_ =	shalt  }
0x7b: {  	_ =	shalt  }
0x7c: {  	_ =	shalt  }
0x7d: {  	_ =	shalt  }
0x7e: {  	_ =	shalt  }
0x7f: {  	_ =	shalt  }
0x80: {  	_ =	shalt  }
0x81: {  	_ =	shalt  }
0x82: {  	_ =	shalt  }
0x83: {  	_ =	shalt  }
0x84: {  	_ =	shalt  }
0x85: {  	_ =	shalt  }
0x86: {  	_ =	shalt  }
0x87: {  	_ =	shalt  }
.Lfunc_end0:
.L_simem_size_0:
called_computation.1_lowered:
.L_overlay_start_0:
0x88: {  	s2 =	sld [smem:$0x3FD9]  }
0x89: {  	s3 =	sld [smem:$0x3FFE];
	_ =	sdelay $0x1  }
0x8a: {  	s1 =	srdreg.scid  }
0x8b: {  	s0 =	sand.u32 $0x1, s1  }
0x8c: {  	s16 =	sshll.u32 s0, $0xA;
	s2 =	sadd.s32 s3, s2  }
0x8d: {  	s2 =	sadd.s32 s2, s16  }
0x8e: {  	[smem:$0x3FB0] =	sst s2  }
0x8f: {  	_ = 	snop  }
0x90: {  	(tm) =	ssettm $0x1  }
0x91: {  	s17 =	sld [smem:$0x3FFB];
	_ =	sdelay $0x3  }
0x92: {  	_ =	strace s17  }
0x93: {  	s2 =	sld [smem:$0x3FFC];
	_ =	sdelay $0x3  }
0x94: {  	_ =	strace s2  }
0x95: {  	s2 =	sld [smem:$0x3FFD];
	_ =	sdelay $0x3  }
0x96: {  	_ =	strace s2  }
0x97: {  	_ =	strace $0x8FFFFFFF  }
0x98: {  	s18 =	sld [smem:$0x3FDB];
	_ =	sdelay $0x1  }
0x99: {  	s19 =	simm.s32 $_scs_section_size  }
0x9a: {  	s4 =	simm.s32 $_size__tile_overlayer_lowered;
	s5 =	simm.s32 $_tile_overlayer_lowered  }
0x9b: {  	s22 =	simm.s32 $0x1BFF;
	s21 =	sshll.u32 s5, $0x1;
	s2 =	sadd.s32 s19, s18  }
0x9c: {  	s6 =	simm.s32 $0x0;
	s20 =	sshll.u32 s4, $0x1;
	s4 =	sadd.s32 s21, s2  }
0x9d: {  	[timem:s6], [sflag:s22] =	dma.local [hbm:s4], s20  }
0x9e: {  	_ =	swait.ge [sflag:s22], s20  }
0x9f: {  	s3 =	ssub.s32 $0x0, s20;
	[sflag:s22] =	ssyncset.done $0x0  }
0xa0: {  	[sflag:s22] =	ssyncadd.s32 s3;
	_ =	sdelay $0x1  }
0xa1: {  	s23 =	simm.s32 $0x1B8B  }
0xa2: {  	_ =	swait.ge [sflag:s23], $0x1  }
0xa3: {  	[sflag:s23] =	ssyncset.done $0x0  }
0xa4: {  	s25 =	simm.s32 $0x1B8E;
	s24 =	sld [smem:$0x3FFE];
	[sflag:s23] =	ssyncadd.s32 $0xFFFFFFFF  }
0xa5: {  	s26 =	simm.s32 $execute0_lowered;
	[smem:$0x3FD2] =	sst s25  }
0xa6: {  	s4 =	sshll.u32 s26, $0x1;
	_ =	strace $0x80000049;
	[dreg:$0x1] =	wrdreg $0xFFFFFFFF  }
0xa7: {  	s28 =	simm.s32 $_size_execute0_lowered;
	s2 =	sadd.s32 s2, s4;
	[dreg:$0x0] =	wrdreg $0x0  }
0xa8: {  	s4 =	sshll.u32 s28, $0x1;
	[dreg:$0x2] =	wrdreg s2  }
0xa9: {  	[dreg:$0x3] =	wrdreg s4  }
0xaa: {  	[dreg:$0x4] =	wrdreg $0xC0  }
0xab: {  	_ =	task [dreg:s6], $0x5FFFF  }
0xac: {  	[dreg:$0x1] =	wrdreg $0xFFFFFFFF  }
0xad: {  	[dreg:$0x0] =	wrdreg $0x60  }
0xae: {  	[dreg:$0x2] =	wrdreg s24  }
0xaf: {  	[dreg:$0x3] =	wrdreg $0x0  }
0xb0: {  	[dreg:$0x4] =	wrdreg $0x9  }
0xb1: {  	_ =	task.clear_ibuf [dreg:s6], $0x5FFFF;
	_ =	strace $0x90000049  }
0xb2: {  	s29 =	simm.s32 $0x9;
	_ =	strace $0x8000004B  }
0xb3: {  	_ =	swait.ge [sflag:s29], $0x1  }
0xb4: {  	[sflag:s29] =	ssyncadd.s32 $0xFFFFFFFF  }
0xb5: {  	_ =	strace $0x9000004B  }
0xb6: {  	_ =	sfence  }
0xb7: {  	s30 =	sld [smem:$0x0];
	_ =	sdelay $0x2  }
0xb8: {  	s31 =	sshll.u32 s1, $0xD;
	s1 =	sshrl.u32 s1, $0x2  }
0xb9: {  	s3 =	sand.u32 $0x4000, s31;
	s1 =	sadd.s32 s1, s30  }
0xba: {  	s0 =	sor.u32 s3, s0;
	s1 =	sshll.u32 s1, $0x11  }
0xbb: {  	s0 =	sor.u32 s1, s0  }
0xbc: {  	s0 =	sadd.s32 $0x8F2B, s0  }
0xbd: {  	[sflag:s0] =	ssyncadd.remote.s32 $0x1  }
0xbe: {  	_ =	sfence.sel $0xFFFF  }
0xbf: {  	[dreg:$0x0] =	wrdreg $0xFFFFFFFF;
	(pc) =	sbr.abs _section_cstart, $3  }
0xc0: {  	[dreg:$0x1] =	wrdreg $0xFFFFFFFF  }
0xc1: {  	_ =	task.clear_ibuf [dreg:s6], $0x2FFFF;
	_ =	strace $0x9FFFFFFF  }
0xc2: {  	(tm) =	ssettm $0x7FFFFFFF  }
0xc3: {  	_ =	shalt  }
tec
execute0_lowered:
.L_overlay_start_1:
0x0: {  	(tag) =	ssettag $0x1  }
0x1: {  	s1 =	srdreg.scid;
	s10 =	stileid.u32  }
0x2: {  	s1 =	sand.u32 $0x1, s1;
	s5 =	smul.u32 $0x13C00, s10  }
0x3: {  	s0 =	rddreg [dreg:$0x0];
	s4 =	smul.u32 $0x13C000, s1  }
0x4: {  	s2 =	rddreg [dreg:$0x1];
	s3 =	simm.s32 $0x0;
	s7 =	smul.u32 $0x4F000, s10  }
0x5: {  	[smem:$0x7FF] =	sst s3;
	s9 =	sshll.u32 s10, $0x1;
	s5 =	sadd.s32 s5, s4  }
0x6: {  	s7 =	sshrl.u32 s7, $0x2;
	s4 =	sadd.s32 $0x24E00, s0;
	s6 =	sshrl.u32 s5, $0x3  }
0x7: {  	s5 =	sadd.s32 $0x5600, s0;
	s0 =	sadd.s32 s6, s0;
	s6 =	sadd.s32 s7, s2  }
0x8: {  	s16 =	smul.u32 $0xFC00, s10;
	s10 =	simm.s32 $0x13E00;
	s7 =	sadd.s32 $0x1000, s6  }
0x9: {  	_ =	strace $0x8000004A;
	s25 =	sadd.s32 $0x2000, s6;
	[dreg:$0x3] =	wrdreg s7  }
0xa: {  	s24 =	ssub.s32 $0x2, s1;
	s26 =	sadd.s32 $0x3000, s6;
	[dreg:$0x4] =	wrdreg s25  }
0xb: {  	s9 =	sor.u32 s1, s9;
	s11 =	sadd.s32 $0x4000, s6;
	[dreg:$0x5] =	wrdreg s26  }
0xc: {  	s1 =	smul.u32 $0x7E00, s1;
	s12 =	sadd.s32 $0x5000, s6;
	[dreg:$0x6] =	wrdreg s11  }
0xd: {  	s8 =	sshrl.u32 s24, $0x1;
	s14 =	sadd.s32 $0x6000, s6;
	[dreg:$0x7] =	wrdreg s12  }
0xe: {  	s13 =	smul.u32 $0x7E00, s9;
	s15 =	sadd.s32 $0x7000, s6;
	[dreg:$0x8] =	wrdreg s14  }
0xf: {  	s9 =	simm.s32 $0x50;
	s17 =	sadd.s32 $0x8000, s6;
	[dreg:$0x9] =	wrdreg s15  }
0x10: {  	s8 =	ssub.s32 s24, s8;
	s18 =	sadd.s32 $0x9000, s6;
	[dreg:$0xa] =	wrdreg s17  }
0x11: {  	s1 =	sadd.s32 s1, s16;
	s19 =	sadd.s32 $0xA000, s6;
	[dreg:$0xb] =	wrdreg s18  }
0x12: {  	s16 =	simm.s32 $0x1;
	s20 =	sadd.s32 $0xB000, s6;
	[dreg:$0xc] =	wrdreg s19  }
0x13: {  	s24 =	sadd.s32 $0x300, s1;
	s21 =	sadd.s32 $0xC000, s6;
	[dreg:$0xd] =	wrdreg s20  }
0x14: {  	s22 =	sadd.s32 $0xD000, s6;
	s23 =	sadd.s32 $0xE000, s6;
	[dreg:$0xe] =	wrdreg s21  }
0x15: {  	s0 =	sadd.s32 $0x74000, s0;
	s28 =	sadd.s32 $0x10000, s6;
	[dreg:$0xf] =	wrdreg s22  }
0x16: {  	s29 =	sadd.s32 $0x11000, s6;
	s30 =	sadd.s32 $0x12000, s6;
	[dreg:$0x10] =	wrdreg s23  }
0x17: {  	s7 =	sshrl.u32 s13, $0x3;
	[dreg:$0x11] =	wrdreg s0;
	s25 =	smax.u32 s8, $0x1  }
0x18: {  	s26 =	sshrl.u32 s24, $0x3;
	s0 =	simm.s32 $0x18E00;
	s8 =	simm.s32 $0x13D00  }
0x19: {  	s11 =	simm.s32 $0x3;
	s12 =	simm.s32 $0x2;
	s13 =	simm.s32 $0x16600  }
0x1a: {  	s14 =	simm.s32 $0x13C80;
	s15 =	simm.s32 $0x4;
	s17 =	simm.s32 $0x13D80  }
0x1b: {  	s18 =	simm.s32 $0x0;
	s21 =	sadd.s32 s5, s7;
	[dreg:$0x12] =	wrdreg s25  }
0x1c: {  	s24 =	sadd.s32 s26, s5;
	s25 =	sadd.s32 $0x200, s1;
	s26 =	sadd.s32 $0xF000, s6  }
0x1d: {  	v0 =	vimm.f32 $0.0e+00;
	s1 =	simm.s32 $0x5;
	s7 =	simm.s32 $0x13C00;
	s31 =	sadd.s32 $0x20, s21  }
.LBB2_1:
0x1e: {  	s19 =	sand.u32 $0x3E00, s3  }
0x1f: {  	s20 =	sand.u32 $0x70, s3;
	s22 =	sshrl.u32 s19, $0x2  }
0x20: {  	s19 =	simm.s32 $0x40;
	s22 =	sor.u32 s20, s22;
	s20 =	simm.s32 $0x0  }
.LBB2_2:
0x21: {  	p0 =	sne.s32 s19, $0x3FC0  }
0x22: {  	[tilespmem:s22+$0x18E00] =	vst v0;
	s20 =	sadd.s32 $0x10, s20;
	s22 =	smov.u32 s19;
	s19 =	sadd.s32 $0x40, s19  }
.Ltmp0:
0x23: {  	(pc) =	sbr.rel @p0 .LBB2_2-.Ltmp0, $4  }
0x24: {  	_ = 	snop  }
0x25: {  	s22 =	sand.u32 $0x3E00, s22  }
0x26: {  	s23 =	sand.u32 $0x70, s20;
	s22 =	sshrl.u32 s22, $0x2  }
0x27: {  	s22 =	sor.u32 s23, s22  }
0x28: {  	[tilespmem:s22+$0x18E00] =	vst v0  }
0x29: {  	[spmem:s6] =	stream.linear.scatter [tilespmem:s0], [sflag:$0x5], $0x1000, $0x38;
	[tilespmem:$0x19E00] =	vst v63  }
0x2a: {  	_ =	swait.ge [sflag:s1], $0x1000  }
0x2b: {  	[sflag:s1] =	ssyncset.done $0x0  }
0x2c: {  	s19 =	rddreg [dreg:$0x3];
	[sflag:s1] =	ssyncadd.s32 $0xFFFFF000  }
0x2d: {  	[spmem:s19] =	stream.linear.scatter [tilespmem:s0], [sflag:$0x5], $0x1000, $0x38;
	[tilespmem:$0x19E00] =	vst v63  }
0x2e: {  	_ =	swait.ge [sflag:s1], $0x1000  }
0x2f: {  	[sflag:s1] =	ssyncset.done $0x0  }
0x30: {  	s20 =	rddreg [dreg:$0x4];
	[sflag:s1] =	ssyncadd.s32 $0xFFFFF000  }
0x31: {  	[spmem:s20] =	stream.linear.scatter [tilespmem:s0], [sflag:$0x5], $0x1000, $0x38;
	[tilespmem:$0x19E00] =	vst v63  }
0x32: {  	_ =	swait.ge [sflag:s1], $0x1000  }
0x33: {  	[sflag:s1] =	ssyncset.done $0x0  }
0x34: {  	s22 =	rddreg [dreg:$0x5];
	[sflag:s1] =	ssyncadd.s32 $0xFFFFF000  }
0x35: {  	[spmem:s22] =	stream.linear.scatter [tilespmem:s0], [sflag:$0x5], $0x1000, $0x38;
	[tilespmem:$0x19E00] =	vst v63  }
0x36: {  	_ =	swait.ge [sflag:s1], $0x1000  }
0x37: {  	[sflag:s1] =	ssyncset.done $0x0  }
0x38: {  	s23 =	rddreg [dreg:$0x6];
	[sflag:s1] =	ssyncadd.s32 $0xFFFFF000  }
0x39: {  	[spmem:s23] =	stream.linear.scatter [tilespmem:s0], [sflag:$0x5], $0x1000, $0x38;
	[tilespmem:$0x19E00] =	vst v63  }
0x3a: {  	_ =	swait.ge [sflag:s1], $0x1000  }
0x3b: {  	[sflag:s1] =	ssyncset.done $0x0  }
0x3c: {  	s20 =	rddreg [dreg:$0x7];
	[sflag:s1] =	ssyncadd.s32 $0xFFFFF000  }
0x3d: {  	[spmem:s20] =	stream.linear.scatter [tilespmem:s0], [sflag:$0x5], $0x1000, $0x38;
	[tilespmem:$0x19E00] =	vst v63  }
0x3e: {  	_ =	swait.ge [sflag:s1], $0x1000  }
0x3f: {  	[sflag:s1] =	ssyncset.done $0x0  }
0x40: {  	s22 =	rddreg [dreg:$0x8];
	[sflag:s1] =	ssyncadd.s32 $0xFFFFF000  }
0x41: {  	[spmem:s22] =	stream.linear.scatter [tilespmem:s0], [sflag:$0x5], $0x1000, $0x38;
	[tilespmem:$0x19E00] =	vst v63  }
0x42: {  	_ =	swait.ge [sflag:s1], $0x1000  }
0x43: {  	[sflag:s1] =	ssyncset.done $0x0  }
0x44: {  	s23 =	rddreg [dreg:$0x9];
	[sflag:s1] =	ssyncadd.s32 $0xFFFFF000  }
0x45: {  	[spmem:s23] =	stream.linear.scatter [tilespmem:s0], [sflag:$0x5], $0x1000, $0x38;
	[tilespmem:$0x19E00] =	vst v63  }
0x46: {  	_ =	swait.ge [sflag:s1], $0x1000  }
0x47: {  	[sflag:s1] =	ssyncset.done $0x0  }
0x48: {  	s20 =	rddreg [dreg:$0xa];
	[sflag:s1] =	ssyncadd.s32 $0xFFFFF000  }
0x49: {  	[spmem:s20] =	stream.linear.scatter [tilespmem:s0], [sflag:$0x5], $0x1000, $0x38;
	[tilespmem:$0x19E00] =	vst v63  }
0x4a: {  	_ =	swait.ge [sflag:s1], $0x1000  }
0x4b: {  	[sflag:s1] =	ssyncset.done $0x0  }
0x4c: {  	s22 =	rddreg [dreg:$0xb];
	[sflag:s1] =	ssyncadd.s32 $0xFFFFF000  }
0x4d: {  	[spmem:s22] =	stream.linear.scatter [tilespmem:s0], [sflag:$0x5], $0x1000, $0x38;
	[tilespmem:$0x19E00] =	vst v63  }
0x4e: {  	_ =	swait.ge [sflag:s1], $0x1000  }
0x4f: {  	[sflag:s1] =	ssyncset.done $0x0  }
0x50: {  	s23 =	rddreg [dreg:$0xc];
	[sflag:s1] =	ssyncadd.s32 $0xFFFFF000  }
0x51: {  	[spmem:s23] =	stream.linear.scatter [tilespmem:s0], [sflag:$0x5], $0x1000, $0x38;
	[tilespmem:$0x19E00] =	vst v63  }
0x52: {  	_ =	swait.ge [sflag:s1], $0x1000  }
0x53: {  	[sflag:s1] =	ssyncset.done $0x0  }
0x54: {  	s20 =	rddreg [dreg:$0xd];
	[sflag:s1] =	ssyncadd.s32 $0xFFFFF000  }
0x55: {  	[spmem:s20] =	stream.linear.scatter [tilespmem:s0], [sflag:$0x5], $0x1000, $0x38;
	[tilespmem:$0x19E00] =	vst v63  }
0x56: {  	_ =	swait.ge [sflag:s1], $0x1000  }
0x57: {  	[sflag:s1] =	ssyncset.done $0x0  }
0x58: {  	s22 =	rddreg [dreg:$0xe];
	[sflag:s1] =	ssyncadd.s32 $0xFFFFF000  }
0x59: {  	[spmem:s22] =	stream.linear.scatter [tilespmem:s0], [sflag:$0x5], $0x1000, $0x38;
	[tilespmem:$0x19E00] =	vst v63  }
0x5a: {  	_ =	swait.ge [sflag:s1], $0x1000  }
0x5b: {  	[sflag:s1] =	ssyncset.done $0x0  }
0x5c: {  	s23 =	rddreg [dreg:$0xf];
	[sflag:s1] =	ssyncadd.s32 $0xFFFFF000  }
0x5d: {  	[spmem:s23] =	stream.linear.scatter [tilespmem:s0], [sflag:$0x5], $0x1000, $0x38;
	[tilespmem:$0x19E00] =	vst v63  }
0x5e: {  	_ =	swait.ge [sflag:s1], $0x1000  }
0x5f: {  	[sflag:s1] =	ssyncset.done $0x0  }
0x60: {  	s20 =	rddreg [dreg:$0x10];
	[sflag:s1] =	ssyncadd.s32 $0xFFFFF000  }
0x61: {  	[spmem:s20] =	stream.linear.scatter [tilespmem:s0], [sflag:$0x5], $0x1000, $0x38;
	[tilespmem:$0x19E00] =	vst v63  }
0x62: {  	_ =	swait.ge [sflag:s1], $0x1000  }
0x63: {  	[sflag:s1] =	ssyncset.done $0x0  }
0x64: {  	[sflag:s1] =	ssyncadd.s32 $0xFFFFF000  }
0x65: {  	[spmem:s26] =	stream.linear.scatter [tilespmem:s0], [sflag:$0x5], $0x1000, $0x38;
	[tilespmem:$0x19E00] =	vst v63  }
0x66: {  	_ =	swait.ge [sflag:s1], $0x1000  }
0x67: {  	[sflag:s1] =	ssyncset.done $0x0  }
0x68: {  	[sflag:s1] =	ssyncadd.s32 $0xFFFFF000  }
0x69: {  	[spmem:s28] =	stream.linear.scatter [tilespmem:s0], [sflag:$0x5], $0x1000, $0x38;
	[tilespmem:$0x19E00] =	vst v63  }
0x6a: {  	_ =	swait.ge [sflag:s1], $0x1000  }
0x6b: {  	[sflag:s1] =	ssyncset.done $0x0  }
0x6c: {  	[sflag:s1] =	ssyncadd.s32 $0xFFFFF000  }
0x6d: {  	[spmem:s29] =	stream.linear.scatter [tilespmem:s0], [sflag:$0x5], $0x1000, $0x38;
	[tilespmem:$0x19E00] =	vst v63  }
0x6e: {  	_ =	swait.ge [sflag:s1], $0x1000  }
0x6f: {  	[sflag:s1] =	ssyncset.done $0x0  }
0x70: {  	[sflag:s1] =	ssyncadd.s32 $0xFFFFF000  }
0x71: {  	[spmem:s30] =	stream.linear.scatter [tilespmem:s0], [sflag:$0x5], $0xC00, $0x38;
	[tilespmem:$0x19E00] =	vst v63  }
0x72: {  	_ =	swait.ge [sflag:s1], $0xC00  }
0x73: {  	[sflag:s1] =	ssyncset.done $0x0  }
0x74: {  	[sflag:s1] =	ssyncadd.s32 $0xFFFFF400  }
0x75: {  	s22 =	simm.s32 $0x0;
	[bflag:$0x0] =	sbarrier.arrive $0xFFFF  }
0x76: {  	[tilespmem:s7], [sflag:$0x5] =	stream.linear.gather [hbm4b:s21+s22], $0x100, $0x38;
	[tilespmem:$0x19E00] =	vst v63  }
0x77: {  	_ =	swait.ge [sflag:s1], $0x100  }
0x78: {  	[sflag:s1] =	ssyncset.done $0x0  }
0x79: {  	[sflag:s1] =	ssyncadd.s32 $0xFFFFFF00  }
0x7a: {  	[tilespmem:s8], [sflag:$0x2] =	stream.linear.gather [hbm4b:s31+s22], $0x100, $0x38;
	[tilespmem:$0x19E00] =	vst v63  }
0x7b: {  	_ = 	snop  }
0x7c: {  	[tilespmem:s10], [sflag:$0x3] =	stream.indirect.gather [hbm4b:s4+s9], $0x80, s7, s9, $0xb8;
	[tilespmem:$0x19E00] =	vst v63  }
0x7d: {  	_ =	swait.ge [sflag:s11], $0x2800  }
0x7e: {  	[sflag:s11] =	ssyncset.done $0x0  }
0x7f: {  	[sflag:s11] =	ssyncadd.s32 $0xFFFFD800  }
0x80: {  	_ =	swait.ge [sflag:s12], $0x100  }
0x81: {  	[sflag:s12] =	ssyncset.done $0x0  }
0x82: {  	[sflag:s12] =	ssyncadd.s32 $0xFFFFFF00  }
0x83: {  	[tilespmem:s13], [sflag:$0x4] =	stream.indirect.gather [hbm4b:s4+s9], $0x80, s8, s9, $0xb8;
	[tilespmem:$0x19E00] =	vst v63  }
0x84: {  	_ = 	snop  }
0x85: {  	[spmem:s2] =	stream.indirect.scatter.add.f32 [tilespmem:s10], [sflag:$0x5], $0x80, s14, s9, $0xb8;
	[tilespmem:$0x19E00] =	vst v63  }
0x86: {  	_ =	swait.ge [sflag:s1], $0x2800  }
0x87: {  	s23 =	sshrl.u32 s25, $0x3;
	[sflag:s1] =	ssyncset.done $0x0  }
0x88: {  	s19 =	sadd.s32 s5, s23;
	[sflag:s1] =	ssyncadd.s32 $0xFFFFD800  }
0x89: {  	[tilespmem:s7], [sflag:$0x1] =	stream.linear.gather [hbm4b:s19+s3], $0x100, $0x38;
	[tilespmem:$0x19E00] =	vst v63  }
0x8a: {  	_ =	swait.ge [sflag:s15], $0x2800  }
0x8b: {  	[sflag:s15] =	ssyncset.done $0x0  }
0x8c: {  	[sflag:s15] =	ssyncadd.s32 $0xFFFFD800  }
0x8d: {  	_ =	swait.ge [sflag:s16], $0x100  }
0x8e: {  	[sflag:s16] =	ssyncset.done $0x0  }
0x8f: {  	[sflag:s16] =	ssyncadd.s32 $0xFFFFFF00  }
0x90: {  	[tilespmem:s10], [sflag:$0x3] =	stream.indirect.gather [hbm4b:s4+s9], $0x80, s7, s9, $0xb8;
	[tilespmem:$0x19E00] =	vst v63  }
0x91: {  	_ = 	snop  }
0x92: {  	[spmem:s2] =	stream.indirect.scatter.add.f32 [tilespmem:s13], [sflag:$0x5], $0x80, s17, s9, $0xb8;
	[tilespmem:$0x19E00] =	vst v63  }
0x93: {  	_ =	swait.ge [sflag:s1], $0x2800  }
0x94: {  	s20 =	sadd.s32 $0x200, s25;
	[sflag:s1] =	ssyncset.done $0x0  }
0x95: {  	s22 =	sadd.s32 $0x0, s24;
	s19 =	simm.s32 $0x40;
	[sflag:s1] =	ssyncadd.s32 $0xFFFFD800  }
.LBB2_4:
0x96: {  	[tilespmem:s8], [sflag:$0x2] =	stream.linear.gather [hbm4b:s22+s3], $0x100, $0x38;
	[tilespmem:$0x19E00] =	vst v63  }
0x97: {  	s22 =	smov.u32 s19  }
0x98: {  	p0 =	sne.s32 s19, $0xF40;
	s19 =	sadd.s32 $0x40, s19;
	_ =	swait.ge [sflag:s11], $0x2800  }
0x99: {  	[sflag:s11] =	ssyncset.done $0x0  }
0x9a: {  	[sflag:s11] =	ssyncadd.s32 $0xFFFFD800  }
0x9b: {  	_ =	swait.ge [sflag:s12], $0x100  }
0x9c: {  	[sflag:s12] =	ssyncset.done $0x0  }
0x9d: {  	[sflag:s12] =	ssyncadd.s32 $0xFFFFFF00  }
0x9e: {  	[tilespmem:s13], [sflag:$0x4] =	stream.indirect.gather [hbm4b:s4+s9], $0x80, s8, s9, $0xb8;
	[tilespmem:$0x19E00] =	vst v63  }
0x9f: {  	_ = 	snop  }
0xa0: {  	[spmem:s2] =	stream.indirect.scatter.add.f32 [tilespmem:s10], [sflag:$0x5], $0x80, s14, s9, $0xb8;
	[tilespmem:$0x19E00] =	vst v63  }
0xa1: {  	_ =	swait.ge [sflag:s1], $0x2800  }
0xa2: {  	s23 =	sshrl.u32 s20, $0x3;
	[sflag:s1] =	ssyncset.done $0x0  }
0xa3: {  	s23 =	sadd.s32 s5, s23;
	[sflag:s1] =	ssyncadd.s32 $0xFFFFD800  }
0xa4: {  	[tilespmem:s7], [sflag:$0x1] =	stream.linear.gather [hbm4b:s23+s3], $0x100, $0x38;
	[tilespmem:$0x19E00] =	vst v63  }
0xa5: {  	_ =	swait.ge [sflag:s15], $0x2800  }
0xa6: {  	[sflag:s15] =	ssyncset.done $0x0  }
0xa7: {  	[sflag:s15] =	ssyncadd.s32 $0xFFFFD800  }
0xa8: {  	_ =	swait.ge [sflag:s16], $0x100  }
0xa9: {  	[sflag:s16] =	ssyncset.done $0x0  }
0xaa: {  	[sflag:s16] =	ssyncadd.s32 $0xFFFFFF00  }
0xab: {  	[tilespmem:s10], [sflag:$0x3] =	stream.indirect.gather [hbm4b:s4+s9], $0x80, s7, s9, $0xb8;
	[tilespmem:$0x19E00] =	vst v63  }
.Ltmp1:
0xac: {  	(pc) =	sbr.rel @p0 .LBB2_4-.Ltmp1, $4  }
0xad: {  	[spmem:s2] =	stream.indirect.scatter.add.f32 [tilespmem:s13], [sflag:$0x5], $0x80, s17, s9, $0xb8;
	[tilespmem:$0x19E00] =	vst v63  }
0xae: {  	_ =	swait.ge [sflag:s1], $0x2800  }
0xaf: {  	[sflag:s1] =	ssyncset.done $0x0  }
0xb0: {  	s20 =	sadd.s32 $0x200, s20;
	s22 =	sadd.s32 s22, s24;
	[sflag:s1] =	ssyncadd.s32 $0xFFFFD800  }
0xb1: {  	[tilespmem:s8], [sflag:$0x2] =	stream.linear.gather [hbm4b:s22+s3], $0x100, $0x38;
	[tilespmem:$0x19E00] =	vst v63  }
0xb2: {  	_ =	swait.ge [sflag:s11], $0x2800  }
0xb3: {  	[sflag:s11] =	ssyncset.done $0x0  }
0xb4: {  	[sflag:s11] =	ssyncadd.s32 $0xFFFFD800  }
0xb5: {  	_ =	swait.ge [sflag:s12], $0x100  }
0xb6: {  	[sflag:s12] =	ssyncset.done $0x0  }
0xb7: {  	[sflag:s12] =	ssyncadd.s32 $0xFFFFFF00  }
0xb8: {  	[spmem:s2] =	stream.indirect.scatter.add.f32 [tilespmem:s10], [sflag:$0x5], $0x80, s14, s9, $0xb8;
	[tilespmem:$0x19E00] =	vst v63  }
0xb9: {  	_ =	swait.ge [sflag:s1], $0x2800  }
0xba: {  	[sflag:s1] =	ssyncset.done $0x0  }
0xbb: {  	s19 =	stileid.u32;
	[sflag:s1] =	ssyncadd.s32 $0xFFFFD800  }
0xbc: {  	s19 =	sshll.u32 s19, $0x6;
	[bflag:$0x0] =	sbarrier.arrive $0xFFFF  }
0xbd: {  	s20 =	sshrl.u32 s6, $0x3;
	s19 =	sor.u32 $0x1C05, s19;
	s23 =	rddreg [dreg:$0x11]  }
0xbe: {  	[hbm:s23], [sflag:s19] =	dma.local [spmem:s20], $0x2780  }
0xbf: {  	_ =	swait.ge [sflag:s1], $0x2780  }
0xc0: {  	s18 =	sadd.s32 $0x1, s18;
	s23 =	rddreg [dreg:$0x12]  }
0xc1: {  	p0 =	sne.s32 s18, s23  }
.Ltmp2:
0xc2: {  	_ = 	snop;
	(pc) =	sbr.rel @p0 .LBB2_1-.Ltmp2, $3  }
0xc3: {  	_ =	sdelay $0x1  }
0xc4: {  	[sflag:s1] =	ssyncset.done $0x0  }
0xc5: {  	[sflag:s1] =	ssyncadd.s32 $0xFFFFD880  }
0xc6: {  	_ =	sfence.sel $0x180000  }
0xc7: {  	[bflag:$0x0] =	sbarrier.arrive $0xFFFF  }
0xc8: {  	_ =	strace $0x9000004A  }
0xc9: {  	s0 =	stileid.u32;
	[bflag:$0x2] =	sbarrier.arrive $0xFFFF  }
0xca: {  	p0 =	sne.s32 s0, $0x0;
	s0 =	rddreg [dreg:$0x2]  }
0xcb: {  	s0 =	sadd.s32 @!p0 $0x100000, s0  }
0xcc: {  	[sflag:s0] =	ssyncadd.tile.s32 @!p0 $0x1;
	_ =	shalt  }
.Lfunc_end2:
_tile_overlayer_lowered:
.L_overlay_start_2:
0xcd: {  	(tag) =	ssettag $0x2  }
0xce: {  	s0 =	rddreg [dreg:$0x0];
	s2 =	stileid.u32  }
0xcf: {  	s1 =	rddreg [dreg:$0x1];
	p0 =	sne.s32 s2, $0x0  }
0xd0: {  	s3 =	rddreg [dreg:$0x2];
	[bflag:$0x3] =	sbarrier.arrive $0xFFFF;
	s2 =	simm.s32 @!p0 $0x1C05  }
0xd1: {  	[timem:s3], [sflag:s2] =	dma.local @!p0 [hbm:s0], s1  }
0xd2: {  	s0 =	simm.s32 @!p0 $0x5  }
0xd3: {  	_ =	swait.ge @!p0 [sflag:s0], s1  }
0xd4: {  	s1 =	ssub.s32 @!p0 $0x0, s1;
	[sflag:s0] =	ssyncset.done @!p0 $0x0  }
0xd5: {  	[sflag:s0] =	ssyncadd.s32 @!p0 s1  }
0xd6: {  	[bflag:$0x3] =	sbarrier.arrive $0xFFFF  }
0xd7: {  	_ =	shalt  }

// kernel: kernel.19.cloned.1.call-start
scs
__scs_entry_jumppad:
0x0: {  	(pc) =	sbr.rel $0x88, $3  }
0x1: {  	(tag) =	ssettag $0x0;
	lr =	simm.s32 $0x1  }
0x2: {  	[smem:$0x3F89] =	sst lr;
	_ =	strace $0xD0000000  }
0x3: {  	_ = 	snop  }
0x4: {  	_ = 	snop  }
0x5: {  	_ = 	snop  }
0x6: {  	_ = 	snop  }
0x7: {  	_ = 	snop  }
__scs_overlays_trampoline_lowered:
0x8: {  	[smem:$0x3F98] =	sst s0  }
0x9: {  	[smem:$0x3F99] =	sst s1  }
0xa: {  	[smem:$0x3F9A] =	sst s2  }
0xb: {  	[smem:$0x3F9B] =	sst s3  }
0xc: {  	[smem:$0x3F9C] =	sst s4  }
0xd: {  	[smem:$0x3F9D] =	sst s5  }
0xe: {  	[smem:$0x3F9E] =	sst s6  }
0xf: {  	[smem:$0x3F9F] =	sst s7  }
0x10: {  	[smem:$0x3FA0] =	sst s8  }
0x11: {  	[smem:$0x3FA1] =	sst s9;
	s0 =	simm.s32 @!p0 $0x0  }
0x12: {  	s1 =	sld [smem:$0x3F87];
	s0 =	simm.s32 @p0 $0x1  }
0x13: {  	[smem:$0x3FA2] =	sst s0;
	s0 =	simm.s32 @!p1 $0x0  }
0x14: {  	s2 =	sld [smem:$0x3F86];
	s0 =	simm.s32 @p1 $0x1  }
0x15: {  	[smem:$0x3FA3] =	sst s0;
	s0 =	simm.s32 @!p2 $0x0  }
0x16: {  	s3 =	sld [smem:$0x3FDB];
	s0 =	simm.s32 @p2 $0x1  }
0x17: {  	s4 =	simm.s32 $0x1BF5;
	[smem:$0x3FA5] =	sst s0  }
0x18: {  	s0 =	sld [smem:$0x3F88];
	_ =	swait.ge [sflag:s4], $0x0  }
0x19: {  	s7 =	sld [smem:$0x3F89]  }
0x1a: {  	s8 =	sadd.s32 $0xFFFFE003, lr  }
0x1b: {  	s9 =	sadd.s32 $0xFFFFFEF7, lr;
	s5 =	simm.s32 $0xFFFFFFFF;
	p2 =	slt.u32 s8, $0xFFFFF086  }
0x1c: {  	p1 =	slt.u32 s9, $0xF7A;
	s5 =	simm.s32 @!p2 $0x0  }
0x1d: {  	s5 =	simm.s32 @p1 $0x1;
	p0 =	seq.s32 s7, s2  }
0x1e: {  	s7 =	smul.u32 @!p0 $0xF7A, s2;
	p2 =	seq.s32 @!p0 s5, $0x0  }
0x1f: {  	s9 =	smul.u32 $0xF7A, s1;
	s8 =	simm.s32 @!p0 $0x1BF5;
	p2 =	por !p2, p0  }
0x20: {  	[sflag:s8] =	ssyncset.s32 @!p0 $0xFFFFF086;
	s6 =	sadd.s32 @!p0 s3, s7;
	s7 =	simm.s32 @!p0 $0x108  }
0x21: {  	s3 =	sadd.s32 s3, s9;
	s6 =	sadd.s32 @!p0 $0x88, s6;
	s7 =	simm.s32 @p2 $0x1082  }
0x22: {  	[simem:s7], [sflag:s8] =	dma.local @!p0 [hbm:s6], $0xF7A  }
0x23: {  	s9 =	sor.u32 $0xD0000000, s2;
	s6 =	simm.s32 $0x108;
	_ =	swait.ge @!p0 [sflag:s8], $0x0  }
0x24: {  	s3 =	sadd.s32 $0x88, s3;
	s6 =	simm.s32 @!p1 $0x1082;
	[sflag:s4] =	ssyncset.s32 $0xFFFFF086  }
0x25: {  	[simem:s6], [sflag:s4] =	dma.local [hbm:s3], $0xF7A  }
0x26: {  	[smem:$0x3F89] =	sst s1;
	(tag) =	ssettag s2;
	_ =	strace s9  }
0x27: {  	s1 =	sld [smem:$0x3F99]  }
0x28: {  	s2 =	sld [smem:$0x3F9A]  }
0x29: {  	s4 =	sld [smem:$0x3F9C]  }
0x2a: {  	p0 =	seq.s32 s5, $0x0;
	s5 =	sld [smem:$0x3F9D]  }
0x2b: {  	s6 =	sld [smem:$0x3F9E]  }
0x2c: {  	s7 =	sld [smem:$0x3F9F]  }
0x2d: {  	s3 =	simm.s32 $0x108;
	s8 =	sld [smem:$0x3FA0]  }
0x2e: {  	s3 =	simm.s32 @!p0 $0x1082;
	s9 =	sld [smem:$0x3FA1]  }
0x2f: {  	lr =	sadd.s32 s0, s3;
	s0 =	sld [smem:$0x3F98]  }
0x30: {  	s3 =	sld [smem:$0x3F9B]  }
0x31: {  	[smem:$0x3FA4] =	sst s10  }
0x32: {  	s10 =	sld [smem:$0x3FA2];
	_ =	sdelay $0x3  }
0x33: {  	p0 =	seq.s32 s10, $0x1;
	s10 =	sld [smem:$0x3FA4];
	_ =	sdelay $0x3  }
0x34: {  	[smem:$0x3FA4] =	sst s10  }
0x35: {  	s10 =	sld [smem:$0x3FA3];
	_ =	sdelay $0x3  }
0x36: {  	p1 =	seq.s32 s10, $0x1;
	s10 =	sld [smem:$0x3FA4];
	_ =	sdelay $0x3  }
0x37: {  	[smem:$0x3FA4] =	sst s10  }
0x38: {  	s10 =	sld [smem:$0x3FA5]  }
0x39: {  	_ = 	snop;
	(pc) =	sbr.ind lr, $3  }
0x3a: {  	_ = 	snop  }
0x3b: {  	_ = 	snop  }
0x3c: {  	p2 =	seq.s32 s10, $0x1;
	s10 =	sld [smem:$0x3FA4]  }
0x3d: {  	_ =	shalt  }
0x3e: {  	_ =	shalt  }
0x3f: {  	_ =	shalt  }
0x40: {  	_ =	shalt  }
0x41: {  	_ =	shalt  }
0x42: {  	_ =	shalt  }
0x43: {  	_ =	shalt  }
0x44: {  	_ =	shalt  }
0x45: {  	_ =	shalt  }
0x46: {  	_ =	shalt  }
0x47: {  	_ =	shalt  }
0x48: {  	_ =	shalt  }
0x49: {  	_ =	shalt  }
0x4a: {  	_ =	shalt  }
0x4b: {  	_ =	shalt  }
0x4c: {  	_ =	shalt  }
0x4d: {  	_ =	shalt  }
0x4e: {  	_ =	shalt  }
0x4f: {  	_ =	shalt  }
0x50: {  	_ =	shalt  }
0x51: {  	_ =	shalt  }
0x52: {  	_ =	shalt  }
0x53: {  	_ =	shalt  }
0x54: {  	_ =	shalt  }
0x55: {  	_ =	shalt  }
0x56: {  	_ =	shalt  }
0x57: {  	_ =	shalt  }
0x58: {  	_ =	shalt  }
0x59: {  	_ =	shalt  }
0x5a: {  	_ =	shalt  }
0x5b: {  	_ =	shalt  }
0x5c: {  	_ =	shalt  }
0x5d: {  	_ =	shalt  }
0x5e: {  	_ =	shalt  }
0x5f: {  	_ =	shalt  }
0x60: {  	_ =	shalt  }
0x61: {  	_ =	shalt  }
0x62: {  	_ =	shalt  }
0x63: {  	_ =	shalt  }
0x64: {  	_ =	shalt  }
0x65: {  	_ =	shalt  }
0x66: {  	_ =	shalt  }
0x67: {  	_ =	shalt  }
0x68: {  	_ =	shalt  }
0x69: {  	_ =	shalt  }
0x6a: {  	_ =	shalt  }
0x6b: {  	_ =	shalt  }
0x6c: {  	_ =	shalt  }
0x6d: {  	_ =	shalt  }
0x6e: {  	_ =	shalt  }
0x6f: {  	_ =	shalt  }
0x70: {  	_ =	shalt  }
0x71: {  	_ =	shalt  }
0x72: {  	_ =	shalt  }
0x73: {  	_ =	shalt  }
0x74: {  	_ =	shalt  }
0x75: {  	_ =	shalt  }
0x76: {  	_ =	shalt  }
0x77: {  	_ =	shalt  }
0x78: {  	_ =	shalt  }
0x79: {  	_ =	shalt  }
0x7a: {  	_ =	shalt  }
0x7b: {  	_ =	shalt  }
0x7c: {  	_ =	shalt  }
0x7d: {  	_ =	shalt  }
0x7e: {  	_ =	shalt  }
0x7f: {  	_ =	shalt  }
0x80: {  	_ =	shalt  }
0x81: {  	_ =	shalt  }
0x82: {  	_ =	shalt  }
0x83: {  	_ =	shalt  }
0x84: {  	_ =	shalt  }
0x85: {  	_ =	shalt  }
0x86: {  	_ =	shalt  }
0x87: {  	_ =	shalt  }
.Lfunc_end0:
.L_simem_size_0:
called_computation.2_lowered:
.L_overlay_start_0:
0x88: {  	s2 =	sld [smem:$0x3FD9]  }
0x89: {  	s3 =	sld [smem:$0x3FFE];
	_ =	sdelay $0x1  }
0x8a: {  	s1 =	srdreg.scid  }
0x8b: {  	s0 =	sand.u32 $0x1, s1  }
0x8c: {  	s16 =	sshll.u32 s0, $0xA;
	s2 =	sadd.s32 s3, s2  }
0x8d: {  	s2 =	sadd.s32 s2, s16  }
0x8e: {  	[smem:$0x3FB0] =	sst s2  }
0x8f: {  	_ = 	snop  }
0x90: {  	(tm) =	ssettm $0x1  }
0x91: {  	s17 =	sld [smem:$0x3FFB];
	_ =	sdelay $0x3  }
0x92: {  	_ =	strace s17  }
0x93: {  	s2 =	sld [smem:$0x3FFC];
	_ =	sdelay $0x3  }
0x94: {  	_ =	strace s2  }
0x95: {  	s2 =	sld [smem:$0x3FFD];
	_ =	sdelay $0x3  }
0x96: {  	_ =	strace s2  }
0x97: {  	_ =	strace $0x8FFFFFFF  }
0x98: {  	s18 =	sld [smem:$0x3FDB];
	_ =	sdelay $0x1  }
0x99: {  	s19 =	simm.s32 $_scs_section_size  }
0x9a: {  	s4 =	simm.s32 $_size__tile_overlayer_lowered;
	s5 =	simm.s32 $_tile_overlayer_lowered  }
0x9b: {  	s22 =	simm.s32 $0x1BFF;
	s21 =	sshll.u32 s5, $0x1;
	s2 =	sadd.s32 s19, s18  }
0x9c: {  	s6 =	simm.s32 $0x0;
	s20 =	sshll.u32 s4, $0x1;
	s4 =	sadd.s32 s21, s2  }
0x9d: {  	[timem:s6], [sflag:s22] =	dma.local [hbm:s4], s20  }
0x9e: {  	_ =	swait.ge [sflag:s22], s20  }
0x9f: {  	s3 =	ssub.s32 $0x0, s20;
	[sflag:s22] =	ssyncset.done $0x0  }
0xa0: {  	[sflag:s22] =	ssyncadd.s32 s3;
	_ =	sdelay $0x1  }
0xa1: {  	s23 =	simm.s32 $0x1B8B  }
0xa2: {  	_ =	swait.ge [sflag:s23], $0x1  }
0xa3: {  	[sflag:s23] =	ssyncset.done $0x0  }
0xa4: {  	s25 =	simm.s32 $0x1B8E;
	s24 =	sld [smem:$0x3FFE];
	[sflag:s23] =	ssyncadd.s32 $0xFFFFFFFF  }
0xa5: {  	s26 =	simm.s32 $execute0_lowered;
	[smem:$0x3FD2] =	sst s25  }
0xa6: {  	s4 =	sshll.u32 s26, $0x1;
	_ =	strace $0x8000004C;
	[dreg:$0x1] =	wrdreg $0xFFFFFFFF  }
0xa7: {  	s28 =	simm.s32 $_size_execute0_lowered;
	s2 =	sadd.s32 s2, s4;
	[dreg:$0x0] =	wrdreg $0x0  }
0xa8: {  	s4 =	sshll.u32 s28, $0x1;
	[dreg:$0x2] =	wrdreg s2  }
0xa9: {  	[dreg:$0x3] =	wrdreg s4  }
0xaa: {  	[dreg:$0x4] =	wrdreg $0xC0  }
0xab: {  	_ =	task [dreg:s6], $0x5FFFF  }
0xac: {  	[dreg:$0x1] =	wrdreg $0xFFFFFFFF  }
0xad: {  	[dreg:$0x0] =	wrdreg $0x60  }
0xae: {  	[dreg:$0x2] =	wrdreg s24  }
0xaf: {  	[dreg:$0x3] =	wrdreg $0x0  }
0xb0: {  	[dreg:$0x4] =	wrdreg $0x9  }
0xb1: {  	_ =	task.clear_ibuf [dreg:s6], $0x5FFFF;
	_ =	strace $0x9000004C  }
0xb2: {  	s29 =	simm.s32 $0x9;
	_ =	strace $0x8000004E  }
0xb3: {  	_ =	swait.ge [sflag:s29], $0x1  }
0xb4: {  	[sflag:s29] =	ssyncadd.s32 $0xFFFFFFFF  }
0xb5: {  	_ =	strace $0x9000004E  }
0xb6: {  	_ =	sfence  }
0xb7: {  	s30 =	sld [smem:$0x0];
	_ =	sdelay $0x2  }
0xb8: {  	s31 =	sshll.u32 s1, $0xD;
	s1 =	sshrl.u32 s1, $0x2  }
0xb9: {  	s3 =	sand.u32 $0x4000, s31;
	s1 =	sadd.s32 s1, s30  }
0xba: {  	s0 =	sor.u32 s3, s0;
	s1 =	sshll.u32 s1, $0x11  }
0xbb: {  	s0 =	sor.u32 s1, s0  }
0xbc: {  	s0 =	sadd.s32 $0x8F2B, s0  }
0xbd: {  	[sflag:s0] =	ssyncadd.remote.s32 $0x1  }
0xbe: {  	_ =	sfence.sel $0xFFFF  }
0xbf: {  	[dreg:$0x0] =	wrdreg $0xFFFFFFFF;
	(pc) =	sbr.abs _section_cstart, $3  }
0xc0: {  	[dreg:$0x1] =	wrdreg $0xFFFFFFFF  }
0xc1: {  	_ =	task.clear_ibuf [dreg:s6], $0x2FFFF;
	_ =	strace $0x9FFFFFFF  }
0xc2: {  	(tm) =	ssettm $0x7FFFFFFF  }
0xc3: {  	_ =	shalt  }
tec
execute0_lowered:
.L_overlay_start_1:
0x0: {  	(tag) =	ssettag $0x1  }
0x1: {  	s1 =	srdreg.scid;
	s10 =	stileid.u32  }
0x2: {  	s1 =	sand.u32 $0x1, s1;
	s5 =	smul.u32 $0x13C00, s10  }
0x3: {  	s0 =	rddreg [dreg:$0x0];
	s4 =	smul.u32 $0x13C000, s1  }
0x4: {  	s2 =	rddreg [dreg:$0x1];
	s3 =	simm.s32 $0x0;
	s7 =	smul.u32 $0x4F000, s10  }
0x5: {  	[smem:$0x7FF] =	sst s3;
	s9 =	sshll.u32 s10, $0x1;
	s5 =	sadd.s32 s5, s4  }
0x6: {  	s7 =	sshrl.u32 s7, $0x2;
	s4 =	sadd.s32 $0x24E00, s0;
	s6 =	sshrl.u32 s5, $0x3  }
0x7: {  	s5 =	sadd.s32 $0x5600, s0;
	s0 =	sadd.s32 s6, s0;
	s6 =	sadd.s32 s7, s2  }
0x8: {  	s16 =	smul.u32 $0xFC00, s10;
	s10 =	simm.s32 $0x13E00;
	s7 =	sadd.s32 $0x1000, s6  }
0x9: {  	_ =	strace $0x8000004D;
	s25 =	sadd.s32 $0x2000, s6;
	[dreg:$0x3] =	wrdreg s7  }
0xa: {  	s24 =	ssub.s32 $0x2, s1;
	s26 =	sadd.s32 $0x3000, s6;
	[dreg:$0x4] =	wrdreg s25  }
0xb: {  	s9 =	sor.u32 s1, s9;
	s11 =	sadd.s32 $0x4000, s6;
	[dreg:$0x5] =	wrdreg s26  }
0xc: {  	s1 =	smul.u32 $0x7E00, s1;
	s12 =	sadd.s32 $0x5000, s6;
	[dreg:$0x6] =	wrdreg s11  }
0xd: {  	s8 =	sshrl.u32 s24, $0x1;
	s14 =	sadd.s32 $0x6000, s6;
	[dreg:$0x7] =	wrdreg s12  }
0xe: {  	s13 =	smul.u32 $0x7E00, s9;
	s15 =	sadd.s32 $0x7000, s6;
	[dreg:$0x8] =	wrdreg s14  }
0xf: {  	s9 =	simm.s32 $0x50;
	s17 =	sadd.s32 $0x8000, s6;
	[dreg:$0x9] =	wrdreg s15  }
0x10: {  	s8 =	ssub.s32 s24, s8;
	s18 =	sadd.s32 $0x9000, s6;
	[dreg:$0xa] =	wrdreg s17  }
0x11: {  	s1 =	sadd.s32 s1, s16;
	s19 =	sadd.s32 $0xA000, s6;
	[dreg:$0xb] =	wrdreg s18  }
0x12: {  	s16 =	simm.s32 $0x1;
	s20 =	sadd.s32 $0xB000, s6;
	[dreg:$0xc] =	wrdreg s19  }
0x13: {  	s24 =	sadd.s32 $0x300, s1;
	s21 =	sadd.s32 $0xC000, s6;
	[dreg:$0xd] =	wrdreg s20  }
0x14: {  	s22 =	sadd.s32 $0xD000, s6;
	s23 =	sadd.s32 $0xE000, s6;
	[dreg:$0xe] =	wrdreg s21  }
0x15: {  	s0 =	sadd.s32 $0x74000, s0;
	s28 =	sadd.s32 $0x10000, s6;
	[dreg:$0xf] =	wrdreg s22  }
0x16: {  	s29 =	sadd.s32 $0x11000, s6;
	s30 =	sadd.s32 $0x12000, s6;
	[dreg:$0x10] =	wrdreg s23  }
0x17: {  	s7 =	sshrl.u32 s13, $0x3;
	[dreg:$0x11] =	wrdreg s0;
	s25 =	smax.u32 s8, $0x1  }
0x18: {  	s26 =	sshrl.u32 s24, $0x3;
	s0 =	simm.s32 $0x18E00;
	s8 =	simm.s32 $0x13D00  }
0x19: {  	s11 =	simm.s32 $0x3;
	s12 =	simm.s32 $0x2;
	s13 =	simm.s32 $0x16600  }
0x1a: {  	s14 =	simm.s32 $0x13C80;
	s15 =	simm.s32 $0x4;
	s17 =	simm.s32 $0x13D80  }
0x1b: {  	s18 =	simm.s32 $0x0;
	s21 =	sadd.s32 s5, s7;
	[dreg:$0x12] =	wrdreg s25  }
0x1c: {  	s24 =	sadd.s32 s26, s5;
	s25 =	sadd.s32 $0x200, s1;
	s26 =	sadd.s32 $0xF000, s6  }
0x1d: {  	v0 =	vimm.f32 $0.0e+00;
	s1 =	simm.s32 $0x5;
	s7 =	simm.s32 $0x13C00;
	s31 =	sadd.s32 $0x20, s21  }
.LBB2_1:
0x1e: {  	s19 =	sand.u32 $0x3E00, s3  }
0x1f: {  	s20 =	sand.u32 $0x70, s3;
	s22 =	sshrl.u32 s19, $0x2  }
0x20: {  	s19 =	simm.s32 $0x40;
	s22 =	sor.u32 s20, s22;
	s20 =	simm.s32 $0x0  }
.LBB2_2:
0x21: {  	p0 =	sne.s32 s19, $0x3FC0  }
0x22: {  	[tilespmem:s22+$0x18E00] =	vst v0;
	s20 =	sadd.s32 $0x10, s20;
	s22 =	smov.u32 s19;
	s19 =	sadd.s32 $0x40, s19  }
.Ltmp0:
0x23: {  	(pc) =	sbr.rel @p0 .LBB2_2-.Ltmp0, $4  }
0x24: {  	_ = 	snop  }
0x25: {  	s22 =	sand.u32 $0x3E00, s22  }
0x26: {  	s23 =	sand.u32 $0x70, s20;
	s22 =	sshrl.u32 s22, $0x2  }
0x27: {  	s22 =	sor.u32 s23, s22  }
0x28: {  	[tilespmem:s22+$0x18E00] =	vst v0  }
0x29: {  	[spmem:s6] =	stream.linear.scatter [tilespmem:s0], [sflag:$0x5], $0x1000, $0x38;
	[tilespmem:$0x19E00] =	vst v63  }
0x2a: {  	_ =	swait.ge [sflag:s1], $0x1000  }
0x2b: {  	[sflag:s1] =	ssyncset.done $0x0  }
0x2c: {  	s19 =	rddreg [dreg:$0x3];
	[sflag:s1] =	ssyncadd.s32 $0xFFFFF000  }
0x2d: {  	[spmem:s19] =	stream.linear.scatter [tilespmem:s0], [sflag:$0x5], $0x1000, $0x38;
	[tilespmem:$0x19E00] =	vst v63  }
0x2e: {  	_ =	swait.ge [sflag:s1], $0x1000  }
0x2f: {  	[sflag:s1] =	ssyncset.done $0x0  }
0x30: {  	s20 =	rddreg [dreg:$0x4];
	[sflag:s1] =	ssyncadd.s32 $0xFFFFF000  }
0x31: {  	[spmem:s20] =	stream.linear.scatter [tilespmem:s0], [sflag:$0x5], $0x1000, $0x38;
	[tilespmem:$0x19E00] =	vst v63  }
0x32: {  	_ =	swait.ge [sflag:s1], $0x1000  }
0x33: {  	[sflag:s1] =	ssyncset.done $0x0  }
0x34: {  	s22 =	rddreg [dreg:$0x5];
	[sflag:s1] =	ssyncadd.s32 $0xFFFFF000  }
0x35: {  	[spmem:s22] =	stream.linear.scatter [tilespmem:s0], [sflag:$0x5], $0x1000, $0x38;
	[tilespmem:$0x19E00] =	vst v63  }
0x36: {  	_ =	swait.ge [sflag:s1], $0x1000  }
0x37: {  	[sflag:s1] =	ssyncset.done $0x0  }
0x38: {  	s23 =	rddreg [dreg:$0x6];
	[sflag:s1] =	ssyncadd.s32 $0xFFFFF000  }
0x39: {  	[spmem:s23] =	stream.linear.scatter [tilespmem:s0], [sflag:$0x5], $0x1000, $0x38;
	[tilespmem:$0x19E00] =	vst v63  }
0x3a: {  	_ =	swait.ge [sflag:s1], $0x1000  }
0x3b: {  	[sflag:s1] =	ssyncset.done $0x0  }
0x3c: {  	s20 =	rddreg [dreg:$0x7];
	[sflag:s1] =	ssyncadd.s32 $0xFFFFF000  }
0x3d: {  	[spmem:s20] =	stream.linear.scatter [tilespmem:s0], [sflag:$0x5], $0x1000, $0x38;
	[tilespmem:$0x19E00] =	vst v63  }
0x3e: {  	_ =	swait.ge [sflag:s1], $0x1000  }
0x3f: {  	[sflag:s1] =	ssyncset.done $0x0  }
0x40: {  	s22 =	rddreg [dreg:$0x8];
	[sflag:s1] =	ssyncadd.s32 $0xFFFFF000  }
0x41: {  	[spmem:s22] =	stream.linear.scatter [tilespmem:s0], [sflag:$0x5], $0x1000, $0x38;
	[tilespmem:$0x19E00] =	vst v63  }
0x42: {  	_ =	swait.ge [sflag:s1], $0x1000  }
0x43: {  	[sflag:s1] =	ssyncset.done $0x0  }
0x44: {  	s23 =	rddreg [dreg:$0x9];
	[sflag:s1] =	ssyncadd.s32 $0xFFFFF000  }
0x45: {  	[spmem:s23] =	stream.linear.scatter [tilespmem:s0], [sflag:$0x5], $0x1000, $0x38;
	[tilespmem:$0x19E00] =	vst v63  }
0x46: {  	_ =	swait.ge [sflag:s1], $0x1000  }
0x47: {  	[sflag:s1] =	ssyncset.done $0x0  }
0x48: {  	s20 =	rddreg [dreg:$0xa];
	[sflag:s1] =	ssyncadd.s32 $0xFFFFF000  }
0x49: {  	[spmem:s20] =	stream.linear.scatter [tilespmem:s0], [sflag:$0x5], $0x1000, $0x38;
	[tilespmem:$0x19E00] =	vst v63  }
0x4a: {  	_ =	swait.ge [sflag:s1], $0x1000  }
0x4b: {  	[sflag:s1] =	ssyncset.done $0x0  }
0x4c: {  	s22 =	rddreg [dreg:$0xb];
	[sflag:s1] =	ssyncadd.s32 $0xFFFFF000  }
0x4d: {  	[spmem:s22] =	stream.linear.scatter [tilespmem:s0], [sflag:$0x5], $0x1000, $0x38;
	[tilespmem:$0x19E00] =	vst v63  }
0x4e: {  	_ =	swait.ge [sflag:s1], $0x1000  }
0x4f: {  	[sflag:s1] =	ssyncset.done $0x0  }
0x50: {  	s23 =	rddreg [dreg:$0xc];
	[sflag:s1] =	ssyncadd.s32 $0xFFFFF000  }
0x51: {  	[spmem:s23] =	stream.linear.scatter [tilespmem:s0], [sflag:$0x5], $0x1000, $0x38;
	[tilespmem:$0x19E00] =	vst v63  }
0x52: {  	_ =	swait.ge [sflag:s1], $0x1000  }
0x53: {  	[sflag:s1] =	ssyncset.done $0x0  }
0x54: {  	s20 =	rddreg [dreg:$0xd];
	[sflag:s1] =	ssyncadd.s32 $0xFFFFF000  }
0x55: {  	[spmem:s20] =	stream.linear.scatter [tilespmem:s0], [sflag:$0x5], $0x1000, $0x38;
	[tilespmem:$0x19E00] =	vst v63  }
0x56: {  	_ =	swait.ge [sflag:s1], $0x1000  }
0x57: {  	[sflag:s1] =	ssyncset.done $0x0  }
0x58: {  	s22 =	rddreg [dreg:$0xe];
	[sflag:s1] =	ssyncadd.s32 $0xFFFFF000  }
0x59: {  	[spmem:s22] =	stream.linear.scatter [tilespmem:s0], [sflag:$0x5], $0x1000, $0x38;
	[tilespmem:$0x19E00] =	vst v63  }
0x5a: {  	_ =	swait.ge [sflag:s1], $0x1000  }
0x5b: {  	[sflag:s1] =	ssyncset.done $0x0  }
0x5c: {  	s23 =	rddreg [dreg:$0xf];
	[sflag:s1] =	ssyncadd.s32 $0xFFFFF000  }
0x5d: {  	[spmem:s23] =	stream.linear.scatter [tilespmem:s0], [sflag:$0x5], $0x1000, $0x38;
	[tilespmem:$0x19E00] =	vst v63  }
0x5e: {  	_ =	swait.ge [sflag:s1], $0x1000  }
0x5f: {  	[sflag:s1] =	ssyncset.done $0x0  }
0x60: {  	s20 =	rddreg [dreg:$0x10];
	[sflag:s1] =	ssyncadd.s32 $0xFFFFF000  }
0x61: {  	[spmem:s20] =	stream.linear.scatter [tilespmem:s0], [sflag:$0x5], $0x1000, $0x38;
	[tilespmem:$0x19E00] =	vst v63  }
0x62: {  	_ =	swait.ge [sflag:s1], $0x1000  }
0x63: {  	[sflag:s1] =	ssyncset.done $0x0  }
0x64: {  	[sflag:s1] =	ssyncadd.s32 $0xFFFFF000  }
0x65: {  	[spmem:s26] =	stream.linear.scatter [tilespmem:s0], [sflag:$0x5], $0x1000, $0x38;
	[tilespmem:$0x19E00] =	vst v63  }
0x66: {  	_ =	swait.ge [sflag:s1], $0x1000  }
0x67: {  	[sflag:s1] =	ssyncset.done $0x0  }
0x68: {  	[sflag:s1] =	ssyncadd.s32 $0xFFFFF000  }
0x69: {  	[spmem:s28] =	stream.linear.scatter [tilespmem:s0], [sflag:$0x5], $0x1000, $0x38;
	[tilespmem:$0x19E00] =	vst v63  }
0x6a: {  	_ =	swait.ge [sflag:s1], $0x1000  }
0x6b: {  	[sflag:s1] =	ssyncset.done $0x0  }
0x6c: {  	[sflag:s1] =	ssyncadd.s32 $0xFFFFF000  }
0x6d: {  	[spmem:s29] =	stream.linear.scatter [tilespmem:s0], [sflag:$0x5], $0x1000, $0x38;
	[tilespmem:$0x19E00] =	vst v63  }
0x6e: {  	_ =	swait.ge [sflag:s1], $0x1000  }
0x6f: {  	[sflag:s1] =	ssyncset.done $0x0  }
0x70: {  	[sflag:s1] =	ssyncadd.s32 $0xFFFFF000  }
0x71: {  	[spmem:s30] =	stream.linear.scatter [tilespmem:s0], [sflag:$0x5], $0xC00, $0x38;
	[tilespmem:$0x19E00] =	vst v63  }
0x72: {  	_ =	swait.ge [sflag:s1], $0xC00  }
0x73: {  	[sflag:s1] =	ssyncset.done $0x0  }
0x74: {  	[sflag:s1] =	ssyncadd.s32 $0xFFFFF400  }
0x75: {  	s22 =	simm.s32 $0x0;
	[bflag:$0x0] =	sbarrier.arrive $0xFFFF  }
0x76: {  	[tilespmem:s7], [sflag:$0x5] =	stream.linear.gather [hbm4b:s21+s22], $0x100, $0x38;
	[tilespmem:$0x19E00] =	vst v63  }
0x77: {  	_ =	swait.ge [sflag:s1], $0x100  }
0x78: {  	[sflag:s1] =	ssyncset.done $0x0  }
0x79: {  	[sflag:s1] =	ssyncadd.s32 $0xFFFFFF00  }
0x7a: {  	[tilespmem:s8], [sflag:$0x2] =	stream.linear.gather [hbm4b:s31+s22], $0x100, $0x38;
	[tilespmem:$0x19E00] =	vst v63  }
0x7b: {  	_ = 	snop  }
0x7c: {  	[tilespmem:s10], [sflag:$0x3] =	stream.indirect.gather [hbm4b:s4+s9], $0x80, s7, s9, $0xb8;
	[tilespmem:$0x19E00] =	vst v63  }
0x7d: {  	_ =	swait.ge [sflag:s11], $0x2800  }
0x7e: {  	[sflag:s11] =	ssyncset.done $0x0  }
0x7f: {  	[sflag:s11] =	ssyncadd.s32 $0xFFFFD800  }
0x80: {  	_ =	swait.ge [sflag:s12], $0x100  }
0x81: {  	[sflag:s12] =	ssyncset.done $0x0  }
0x82: {  	[sflag:s12] =	ssyncadd.s32 $0xFFFFFF00  }
0x83: {  	[tilespmem:s13], [sflag:$0x4] =	stream.indirect.gather [hbm4b:s4+s9], $0x80, s8, s9, $0xb8;
	[tilespmem:$0x19E00] =	vst v63  }
0x84: {  	_ = 	snop  }
0x85: {  	[spmem:s2] =	stream.indirect.scatter.add.f32 [tilespmem:s10], [sflag:$0x5], $0x80, s14, s9, $0xb8;
	[tilespmem:$0x19E00] =	vst v63  }
0x86: {  	_ =	swait.ge [sflag:s1], $0x2800  }
0x87: {  	s23 =	sshrl.u32 s25, $0x3;
	[sflag:s1] =	ssyncset.done $0x0  }
0x88: {  	s19 =	sadd.s32 s5, s23;
	[sflag:s1] =	ssyncadd.s32 $0xFFFFD800  }
0x89: {  	[tilespmem:s7], [sflag:$0x1] =	stream.linear.gather [hbm4b:s19+s3], $0x100, $0x38;
	[tilespmem:$0x19E00] =	vst v63  }
0x8a: {  	_ =	swait.ge [sflag:s15], $0x2800  }
0x8b: {  	[sflag:s15] =	ssyncset.done $0x0  }
0x8c: {  	[sflag:s15] =	ssyncadd.s32 $0xFFFFD800  }
0x8d: {  	_ =	swait.ge [sflag:s16], $0x100  }
0x8e: {  	[sflag:s16] =	ssyncset.done $0x0  }
0x8f: {  	[sflag:s16] =	ssyncadd.s32 $0xFFFFFF00  }
0x90: {  	[tilespmem:s10], [sflag:$0x3] =	stream.indirect.gather [hbm4b:s4+s9], $0x80, s7, s9, $0xb8;
	[tilespmem:$0x19E00] =	vst v63  }
0x91: {  	_ = 	snop  }
0x92: {  	[spmem:s2] =	stream.indirect.scatter.add.f32 [tilespmem:s13], [sflag:$0x5], $0x80, s17, s9, $0xb8;
	[tilespmem:$0x19E00] =	vst v63  }
0x93: {  	_ =	swait.ge [sflag:s1], $0x2800  }
0x94: {  	s20 =	sadd.s32 $0x200, s25;
	[sflag:s1] =	ssyncset.done $0x0  }
0x95: {  	s22 =	sadd.s32 $0x0, s24;
	s19 =	simm.s32 $0x40;
	[sflag:s1] =	ssyncadd.s32 $0xFFFFD800  }
.LBB2_4:
0x96: {  	[tilespmem:s8], [sflag:$0x2] =	stream.linear.gather [hbm4b:s22+s3], $0x100, $0x38;
	[tilespmem:$0x19E00] =	vst v63  }
0x97: {  	s22 =	smov.u32 s19  }
0x98: {  	p0 =	sne.s32 s19, $0xF40;
	s19 =	sadd.s32 $0x40, s19;
	_ =	swait.ge [sflag:s11], $0x2800  }
0x99: {  	[sflag:s11] =	ssyncset.done $0x0  }
0x9a: {  	[sflag:s11] =	ssyncadd.s32 $0xFFFFD800  }
0x9b: {  	_ =	swait.ge [sflag:s12], $0x100  }
0x9c: {  	[sflag:s12] =	ssyncset.done $0x0  }
0x9d: {  	[sflag:s12] =	ssyncadd.s32 $0xFFFFFF00  }
0x9e: {  	[tilespmem:s13], [sflag:$0x4] =	stream.indirect.gather [hbm4b:s4+s9], $0x80, s8, s9, $0xb8;
	[tilespmem:$0x19E00] =	vst v63  }
0x9f: {  	_ = 	snop  }
0xa0: {  	[spmem:s2] =	stream.indirect.scatter.add.f32 [tilespmem:s10], [sflag:$0x5], $0x80, s14, s9, $0xb8;
	[tilespmem:$0x19E00] =	vst v63  }
0xa1: {  	_ =	swait.ge [sflag:s1], $0x2800  }
0xa2: {  	s23 =	sshrl.u32 s20, $0x3;
	[sflag:s1] =	ssyncset.done $0x0  }
0xa3: {  	s23 =	sadd.s32 s5, s23;
	[sflag:s1] =	ssyncadd.s32 $0xFFFFD800  }
0xa4: {  	[tilespmem:s7], [sflag:$0x1] =	stream.linear.gather [hbm4b:s23+s3], $0x100, $0x38;
	[tilespmem:$0x19E00] =	vst v63  }
0xa5: {  	_ =	swait.ge [sflag:s15], $0x2800  }
0xa6: {  	[sflag:s15] =	ssyncset.done $0x0  }
0xa7: {  	[sflag:s15] =	ssyncadd.s32 $0xFFFFD800  }
0xa8: {  	_ =	swait.ge [sflag:s16], $0x100  }
0xa9: {  	[sflag:s16] =	ssyncset.done $0x0  }
0xaa: {  	[sflag:s16] =	ssyncadd.s32 $0xFFFFFF00  }
0xab: {  	[tilespmem:s10], [sflag:$0x3] =	stream.indirect.gather [hbm4b:s4+s9], $0x80, s7, s9, $0xb8;
	[tilespmem:$0x19E00] =	vst v63  }
.Ltmp1:
0xac: {  	(pc) =	sbr.rel @p0 .LBB2_4-.Ltmp1, $4  }
0xad: {  	[spmem:s2] =	stream.indirect.scatter.add.f32 [tilespmem:s13], [sflag:$0x5], $0x80, s17, s9, $0xb8;
	[tilespmem:$0x19E00] =	vst v63  }
0xae: {  	_ =	swait.ge [sflag:s1], $0x2800  }
0xaf: {  	[sflag:s1] =	ssyncset.done $0x0  }
0xb0: {  	s20 =	sadd.s32 $0x200, s20;
	s22 =	sadd.s32 s22, s24;
	[sflag:s1] =	ssyncadd.s32 $0xFFFFD800  }
0xb1: {  	[tilespmem:s8], [sflag:$0x2] =	stream.linear.gather [hbm4b:s22+s3], $0x100, $0x38;
	[tilespmem:$0x19E00] =	vst v63  }
0xb2: {  	_ =	swait.ge [sflag:s11], $0x2800  }
0xb3: {  	[sflag:s11] =	ssyncset.done $0x0  }
0xb4: {  	[sflag:s11] =	ssyncadd.s32 $0xFFFFD800  }
0xb5: {  	_ =	swait.ge [sflag:s12], $0x100  }
0xb6: {  	[sflag:s12] =	ssyncset.done $0x0  }
0xb7: {  	[sflag:s12] =	ssyncadd.s32 $0xFFFFFF00  }
0xb8: {  	[spmem:s2] =	stream.indirect.scatter.add.f32 [tilespmem:s10], [sflag:$0x5], $0x80, s14, s9, $0xb8;
	[tilespmem:$0x19E00] =	vst v63  }
0xb9: {  	_ =	swait.ge [sflag:s1], $0x2800  }
0xba: {  	[sflag:s1] =	ssyncset.done $0x0  }
0xbb: {  	s19 =	stileid.u32;
	[sflag:s1] =	ssyncadd.s32 $0xFFFFD800  }
0xbc: {  	s19 =	sshll.u32 s19, $0x6;
	[bflag:$0x0] =	sbarrier.arrive $0xFFFF  }
0xbd: {  	s20 =	sshrl.u32 s6, $0x3;
	s19 =	sor.u32 $0x1C05, s19;
	s23 =	rddreg [dreg:$0x11]  }
0xbe: {  	[hbm:s23], [sflag:s19] =	dma.local [spmem:s20], $0x2780  }
0xbf: {  	_ =	swait.ge [sflag:s1], $0x2780  }
0xc0: {  	s18 =	sadd.s32 $0x1, s18;
	s23 =	rddreg [dreg:$0x12]  }
0xc1: {  	p0 =	sne.s32 s18, s23  }
.Ltmp2:
0xc2: {  	_ = 	snop;
	(pc) =	sbr.rel @p0 .LBB2_1-.Ltmp2, $3  }
0xc3: {  	_ =	sdelay $0x1  }
0xc4: {  	[sflag:s1] =	ssyncset.done $0x0  }
0xc5: {  	[sflag:s1] =	ssyncadd.s32 $0xFFFFD880  }
0xc6: {  	_ =	sfence.sel $0x180000  }
0xc7: {  	[bflag:$0x0] =	sbarrier.arrive $0xFFFF  }
0xc8: {  	_ =	strace $0x9000004D  }
0xc9: {  	s0 =	stileid.u32;
	[bflag:$0x2] =	sbarrier.arrive $0xFFFF  }
0xca: {  	p0 =	sne.s32 s0, $0x0;
	s0 =	rddreg [dreg:$0x2]  }
0xcb: {  	s0 =	sadd.s32 @!p0 $0x100000, s0  }
0xcc: {  	[sflag:s0] =	ssyncadd.tile.s32 @!p0 $0x1;
	_ =	shalt  }
.Lfunc_end2:
_tile_overlayer_lowered:
.L_overlay_start_2:
0xcd: {  	(tag) =	ssettag $0x2  }
0xce: {  	s0 =	rddreg [dreg:$0x0];
	s2 =	stileid.u32  }
0xcf: {  	s1 =	rddreg [dreg:$0x1];
	p0 =	sne.s32 s2, $0x0  }
0xd0: {  	s3 =	rddreg [dreg:$0x2];
	[bflag:$0x3] =	sbarrier.arrive $0xFFFF;
	s2 =	simm.s32 @!p0 $0x1C05  }
0xd1: {  	[timem:s3], [sflag:s2] =	dma.local @!p0 [hbm:s0], s1  }
0xd2: {  	s0 =	simm.s32 @!p0 $0x5  }
0xd3: {  	_ =	swait.ge @!p0 [sflag:s0], s1  }
0xd4: {  	s1 =	ssub.s32 @!p0 $0x0, s1;
	[sflag:s0] =	ssyncset.done @!p0 $0x0  }
0xd5: {  	[sflag:s0] =	ssyncadd.s32 @!p0 s1  }
0xd6: {  	[bflag:$0x3] =	sbarrier.arrive $0xFFFF  }
0xd7: {  	_ =	shalt  }

// kernel: kernel.22.cloned.1.call-start
scs
__scs_entry_jumppad:
0x0: {  	(pc) =	sbr.rel $0x88, $3  }
0x1: {  	(tag) =	ssettag $0x0;
	lr =	simm.s32 $0x1  }
0x2: {  	[smem:$0x3F89] =	sst lr;
	_ =	strace $0xD0000000  }
0x3: {  	_ = 	snop  }
0x4: {  	_ = 	snop  }
0x5: {  	_ = 	snop  }
0x6: {  	_ = 	snop  }
0x7: {  	_ = 	snop  }
__scs_overlays_trampoline_lowered:
0x8: {  	[smem:$0x3F98] =	sst s0  }
0x9: {  	[smem:$0x3F99] =	sst s1  }
0xa: {  	[smem:$0x3F9A] =	sst s2  }
0xb: {  	[smem:$0x3F9B] =	sst s3  }
0xc: {  	[smem:$0x3F9C] =	sst s4  }
0xd: {  	[smem:$0x3F9D] =	sst s5  }
0xe: {  	[smem:$0x3F9E] =	sst s6  }
0xf: {  	[smem:$0x3F9F] =	sst s7  }
0x10: {  	[smem:$0x3FA0] =	sst s8  }
0x11: {  	[smem:$0x3FA1] =	sst s9;
	s0 =	simm.s32 @!p0 $0x0  }
0x12: {  	s1 =	sld [smem:$0x3F87];
	s0 =	simm.s32 @p0 $0x1  }
0x13: {  	[smem:$0x3FA2] =	sst s0;
	s0 =	simm.s32 @!p1 $0x0  }
0x14: {  	s2 =	sld [smem:$0x3F86];
	s0 =	simm.s32 @p1 $0x1  }
0x15: {  	[smem:$0x3FA3] =	sst s0;
	s0 =	simm.s32 @!p2 $0x0  }
0x16: {  	s3 =	sld [smem:$0x3FDB];
	s0 =	simm.s32 @p2 $0x1  }
0x17: {  	s4 =	simm.s32 $0x1BF5;
	[smem:$0x3FA5] =	sst s0  }
0x18: {  	s0 =	sld [smem:$0x3F88];
	_ =	swait.ge [sflag:s4], $0x0  }
0x19: {  	s7 =	sld [smem:$0x3F89]  }
0x1a: {  	s8 =	sadd.s32 $0xFFFFE003, lr  }
0x1b: {  	s9 =	sadd.s32 $0xFFFFFEF7, lr;
	s5 =	simm.s32 $0xFFFFFFFF;
	p2 =	slt.u32 s8, $0xFFFFF086  }
0x1c: {  	p1 =	slt.u32 s9, $0xF7A;
	s5 =	simm.s32 @!p2 $0x0  }
0x1d: {  	s5 =	simm.s32 @p1 $0x1;
	p0 =	seq.s32 s7, s2  }
0x1e: {  	s7 =	smul.u32 @!p0 $0xF7A, s2;
	p2 =	seq.s32 @!p0 s5, $0x0  }
0x1f: {  	s9 =	smul.u32 $0xF7A, s1;
	s8 =	simm.s32 @!p0 $0x1BF5;
	p2 =	por !p2, p0  }
0x20: {  	[sflag:s8] =	ssyncset.s32 @!p0 $0xFFFFF086;
	s6 =	sadd.s32 @!p0 s3, s7;
	s7 =	simm.s32 @!p0 $0x108  }
0x21: {  	s3 =	sadd.s32 s3, s9;
	s6 =	sadd.s32 @!p0 $0x88, s6;
	s7 =	simm.s32 @p2 $0x1082  }
0x22: {  	[simem:s7], [sflag:s8] =	dma.local @!p0 [hbm:s6], $0xF7A  }
0x23: {  	s9 =	sor.u32 $0xD0000000, s2;
	s6 =	simm.s32 $0x108;
	_ =	swait.ge @!p0 [sflag:s8], $0x0  }
0x24: {  	s3 =	sadd.s32 $0x88, s3;
	s6 =	simm.s32 @!p1 $0x1082;
	[sflag:s4] =	ssyncset.s32 $0xFFFFF086  }
0x25: {  	[simem:s6], [sflag:s4] =	dma.local [hbm:s3], $0xF7A  }
0x26: {  	[smem:$0x3F89] =	sst s1;
	(tag) =	ssettag s2;
	_ =	strace s9  }
0x27: {  	s1 =	sld [smem:$0x3F99]  }
0x28: {  	s2 =	sld [smem:$0x3F9A]  }
0x29: {  	s4 =	sld [smem:$0x3F9C]  }
0x2a: {  	p0 =	seq.s32 s5, $0x0;
	s5 =	sld [smem:$0x3F9D]  }
0x2b: {  	s6 =	sld [smem:$0x3F9E]  }
0x2c: {  	s7 =	sld [smem:$0x3F9F]  }
0x2d: {  	s3 =	simm.s32 $0x108;
	s8 =	sld [smem:$0x3FA0]  }
0x2e: {  	s3 =	simm.s32 @!p0 $0x1082;
	s9 =	sld [smem:$0x3FA1]  }
0x2f: {  	lr =	sadd.s32 s0, s3;
	s0 =	sld [smem:$0x3F98]  }
0x30: {  	s3 =	sld [smem:$0x3F9B]  }
0x31: {  	[smem:$0x3FA4] =	sst s10  }
0x32: {  	s10 =	sld [smem:$0x3FA2];
	_ =	sdelay $0x3  }
0x33: {  	p0 =	seq.s32 s10, $0x1;
	s10 =	sld [smem:$0x3FA4];
	_ =	sdelay $0x3  }
0x34: {  	[smem:$0x3FA4] =	sst s10  }
0x35: {  	s10 =	sld [smem:$0x3FA3];
	_ =	sdelay $0x3  }
0x36: {  	p1 =	seq.s32 s10, $0x1;
	s10 =	sld [smem:$0x3FA4];
	_ =	sdelay $0x3  }
0x37: {  	[smem:$0x3FA4] =	sst s10  }
0x38: {  	s10 =	sld [smem:$0x3FA5]  }
0x39: {  	_ = 	snop;
	(pc) =	sbr.ind lr, $3  }
0x3a: {  	_ = 	snop  }
0x3b: {  	_ = 	snop  }
0x3c: {  	p2 =	seq.s32 s10, $0x1;
	s10 =	sld [smem:$0x3FA4]  }
0x3d: {  	_ =	shalt  }
0x3e: {  	_ =	shalt  }
0x3f: {  	_ =	shalt  }
0x40: {  	_ =	shalt  }
0x41: {  	_ =	shalt  }
0x42: {  	_ =	shalt  }
0x43: {  	_ =	shalt  }
0x44: {  	_ =	shalt  }
0x45: {  	_ =	shalt  }
0x46: {  	_ =	shalt  }
0x47: {  	_ =	shalt  }
0x48: {  	_ =	shalt  }
0x49: {  	_ =	shalt  }
0x4a: {  	_ =	shalt  }
0x4b: {  	_ =	shalt  }
0x4c: {  	_ =	shalt  }
0x4d: {  	_ =	shalt  }
0x4e: {  	_ =	shalt  }
0x4f: {  	_ =	shalt  }
0x50: {  	_ =	shalt  }
0x51: {  	_ =	shalt  }
0x52: {  	_ =	shalt  }
0x53: {  	_ =	shalt  }
0x54: {  	_ =	shalt  }
0x55: {  	_ =	shalt  }
0x56: {  	_ =	shalt  }
0x57: {  	_ =	shalt  }
0x58: {  	_ =	shalt  }
0x59: {  	_ =	shalt  }
0x5a: {  	_ =	shalt  }
0x5b: {  	_ =	shalt  }
0x5c: {  	_ =	shalt  }
0x5d: {  	_ =	shalt  }
0x5e: {  	_ =	shalt  }
0x5f: {  	_ =	shalt  }
0x60: {  	_ =	shalt  }
0x61: {  	_ =	shalt  }
0x62: {  	_ =	shalt  }
0x63: {  	_ =	shalt  }
0x64: {  	_ =	shalt  }
0x65: {  	_ =	shalt  }
0x66: {  	_ =	shalt  }
0x67: {  	_ =	shalt  }
0x68: {  	_ =	shalt  }
0x69: {  	_ =	shalt  }
0x6a: {  	_ =	shalt  }
0x6b: {  	_ =	shalt  }
0x6c: {  	_ =	shalt  }
0x6d: {  	_ =	shalt  }
0x6e: {  	_ =	shalt  }
0x6f: {  	_ =	shalt  }
0x70: {  	_ =	shalt  }
0x71: {  	_ =	shalt  }
0x72: {  	_ =	shalt  }
0x73: {  	_ =	shalt  }
0x74: {  	_ =	shalt  }
0x75: {  	_ =	shalt  }
0x76: {  	_ =	shalt  }
0x77: {  	_ =	shalt  }
0x78: {  	_ =	shalt  }
0x79: {  	_ =	shalt  }
0x7a: {  	_ =	shalt  }
0x7b: {  	_ =	shalt  }
0x7c: {  	_ =	shalt  }
0x7d: {  	_ =	shalt  }
0x7e: {  	_ =	shalt  }
0x7f: {  	_ =	shalt  }
0x80: {  	_ =	shalt  }
0x81: {  	_ =	shalt  }
0x82: {  	_ =	shalt  }
0x83: {  	_ =	shalt  }
0x84: {  	_ =	shalt  }
0x85: {  	_ =	shalt  }
0x86: {  	_ =	shalt  }
0x87: {  	_ =	shalt  }
.Lfunc_end0:
.L_simem_size_0:
called_computation.3_lowered:
.L_overlay_start_0:
0x88: {  	s2 =	sld [smem:$0x3FD9]  }
0x89: {  	s3 =	sld [smem:$0x3FFE];
	_ =	sdelay $0x1  }
0x8a: {  	s1 =	srdreg.scid  }
0x8b: {  	s0 =	sand.u32 $0x1, s1  }
0x8c: {  	s16 =	sshll.u32 s0, $0xA;
	s2 =	sadd.s32 s3, s2  }
0x8d: {  	s2 =	sadd.s32 s2, s16  }
0x8e: {  	[smem:$0x3FB0] =	sst s2  }
0x8f: {  	_ = 	snop  }
0x90: {  	(tm) =	ssettm $0x1  }
0x91: {  	s17 =	sld [smem:$0x3FFB];
	_ =	sdelay $0x3  }
0x92: {  	_ =	strace s17  }
0x93: {  	s2 =	sld [smem:$0x3FFC];
	_ =	sdelay $0x3  }
0x94: {  	_ =	strace s2  }
0x95: {  	s2 =	sld [smem:$0x3FFD];
	_ =	sdelay $0x3  }
0x96: {  	_ =	strace s2  }
0x97: {  	_ =	strace $0x8FFFFFFF  }
0x98: {  	s18 =	sld [smem:$0x3FDB];
	_ =	sdelay $0x1  }
0x99: {  	s19 =	simm.s32 $_scs_section_size  }
0x9a: {  	s4 =	simm.s32 $_size__tile_overlayer_lowered;
	s5 =	simm.s32 $_tile_overlayer_lowered  }
0x9b: {  	s22 =	simm.s32 $0x1BFF;
	s21 =	sshll.u32 s5, $0x1;
	s2 =	sadd.s32 s19, s18  }
0x9c: {  	s6 =	simm.s32 $0x0;
	s20 =	sshll.u32 s4, $0x1;
	s4 =	sadd.s32 s21, s2  }
0x9d: {  	[timem:s6], [sflag:s22] =	dma.local [hbm:s4], s20  }
0x9e: {  	_ =	swait.ge [sflag:s22], s20  }
0x9f: {  	s3 =	ssub.s32 $0x0, s20;
	[sflag:s22] =	ssyncset.done $0x0  }
0xa0: {  	[sflag:s22] =	ssyncadd.s32 s3;
	_ =	sdelay $0x1  }
0xa1: {  	s23 =	simm.s32 $0x1B8B  }
0xa2: {  	_ =	swait.ge [sflag:s23], $0x1  }
0xa3: {  	[sflag:s23] =	ssyncset.done $0x0  }
0xa4: {  	s25 =	simm.s32 $0x1B8E;
	s24 =	sld [smem:$0x3FFE];
	[sflag:s23] =	ssyncadd.s32 $0xFFFFFFFF  }
0xa5: {  	s26 =	simm.s32 $execute0_lowered;
	[smem:$0x3FD2] =	sst s25  }
0xa6: {  	s4 =	sshll.u32 s26, $0x1;
	_ =	strace $0x8000004F;
	[dreg:$0x1] =	wrdreg $0xFFFFFFFF  }
0xa7: {  	s28 =	simm.s32 $_size_execute0_lowered;
	s2 =	sadd.s32 s2, s4;
	[dreg:$0x0] =	wrdreg $0x0  }
0xa8: {  	s4 =	sshll.u32 s28, $0x1;
	[dreg:$0x2] =	wrdreg s2  }
0xa9: {  	[dreg:$0x3] =	wrdreg s4  }
0xaa: {  	[dreg:$0x4] =	wrdreg $0xC0  }
0xab: {  	_ =	task [dreg:s6], $0x5FFFF  }
0xac: {  	[dreg:$0x1] =	wrdreg $0xFFFFFFFF  }
0xad: {  	[dreg:$0x0] =	wrdreg $0x60  }
0xae: {  	[dreg:$0x2] =	wrdreg s24  }
0xaf: {  	[dreg:$0x3] =	wrdreg $0x9  }
0xb0: {  	_ =	task.clear_ibuf [dreg:s6], $0x4FFFF;
	_ =	strace $0x9000004F  }
0xb1: {  	s29 =	simm.s32 $0x9;
	_ =	strace $0x80000051  }
0xb2: {  	_ =	swait.ge [sflag:s29], $0x1  }
0xb3: {  	[sflag:s29] =	ssyncadd.s32 $0xFFFFFFFF  }
0xb4: {  	_ =	strace $0x90000051  }
0xb5: {  	_ =	sfence  }
0xb6: {  	s30 =	sld [smem:$0x0];
	_ =	sdelay $0x2  }
0xb7: {  	s31 =	sshll.u32 s1, $0xD;
	s1 =	sshrl.u32 s1, $0x2  }
0xb8: {  	s3 =	sand.u32 $0x4000, s31;
	s1 =	sadd.s32 s1, s30  }
0xb9: {  	s0 =	sor.u32 s3, s0;
	s1 =	sshll.u32 s1, $0x11  }
0xba: {  	s0 =	sor.u32 s1, s0  }
0xbb: {  	s0 =	sadd.s32 $0x8F2B, s0  }
0xbc: {  	[sflag:s0] =	ssyncadd.remote.s32 $0x1  }
0xbd: {  	_ =	sfence.sel $0xFFFF  }
0xbe: {  	[dreg:$0x0] =	wrdreg $0xFFFFFFFF;
	(pc) =	sbr.abs _section_cstart, $3  }
0xbf: {  	[dreg:$0x1] =	wrdreg $0xFFFFFFFF  }
0xc0: {  	_ =	task.clear_ibuf [dreg:s6], $0x2FFFF;
	_ =	strace $0x9FFFFFFF  }
0xc1: {  	(tm) =	ssettm $0x7FFFFFFF  }
tec
execute0_lowered:
.L_overlay_start_1:
0x0: {  	(tag) =	ssettag $0x1  }
0x1: {  	s1 =	srdreg.scid;
	s0 =	stileid.u32  }
0x2: {  	s6 =	sand.u32 $0x1, s1;
	s30 =	sshll.u32 s0, $0x1  }
0x3: {  	s9 =	rddreg [dreg:$0x0];
	s7 =	sor.u32 s6, s30  }
0x4: {  	s2 =	simm.s32 $0x0;
	s1 =	rddreg [dreg:$0x1];
	s3 =	smul.u32 $0x5, s7  }
0x5: {  	s8 =	simm.s32 $0x1;
	[smem:$0x7FF] =	sst s2;
	s5 =	sadd.s32 $0x5600, s9  }
0x6: {  	_ =	strace $0x80000050;
	s11 =	ssub.s32 $0x2, s6;
	s3 =	sadd.s32 s3, s9  }
0x7: {  	s6 =	simm.s32 $0x28;
	s4 =	sadd.s32 $0x4C000, s3;
	s3 =	simm.s32 $0x2  }
0x8: {  	[tilespmem:s2], [sflag:$0x2] =	stream.linear.gather [hbm4b:s4+s2], $0x28, $0x38;
	[tilespmem:$0x1480] =	vst v63  }
0x9: {  	s10 =	smul.u32 $0x280, s7;
	s12 =	sshrl.u32 s11, $0x1;
	_ =	swait.ge [sflag:s3], $0x28  }
0xa: {  	s7 =	simm.s32 $0x80;
	s31 =	ssub.s32 s11, s12;
	[sflag:s3] =	ssyncset.done $0x0  }
0xb: {  	s9 =	sadd.s32 s10, s9;
	s10 =	smax.u32 s31, $0x1;
	[sflag:s3] =	ssyncadd.s32 $0xFFFFFFD8  }
0xc: {  	[tilespmem:s7], [sflag:$0x1] =	stream.indirect.gather [hbm4b:s5+s6], $0x80, s2, s6, $0xb8;
	[tilespmem:$0x1480] =	vst v63  }
0xd: {  	p0 =	sne.s32 s10, $0x1;
	_ =	swait.ge [sflag:s8], $0x1400  }
.Ltmp0:
0xe: {  	[sflag:s8] =	ssyncset.done $0x0;
	(pc) =	sbr.rel @!p0 .LBB2_2-.Ltmp0, $4  }
0xf: {  	s9 =	sadd.s32 $0x2C800, s9;
	[sflag:s8] =	ssyncadd.s32 $0xFFFFEC00  }
0x10: {  	[hbm4b:s9+s2] =	stream.linear.scatter [tilespmem:s7], [sflag:$0x2], $0x1400, $0x38;
	[tilespmem:$0x1480] =	vst v63  }
0x11: {  	_ =	swait.ge [sflag:s3], $0x1400  }
0x12: {  	s10 =	sadd.s32 $0xFFFFFFFF, s10;
	[sflag:s3] =	ssyncset.done $0x0  }
.LBB2_1:
0x13: {  	p0 =	sne.s32 s10, $0x1;
	s10 =	sadd.s32 $0xFFFFFFFF, s10;
	[sflag:s3] =	ssyncadd.s32 $0xFFFFEC00  }
0x14: {  	[tilespmem:s2], [sflag:$0x2] =	stream.linear.gather [hbm4b:s4+s2], $0x28, $0x38;
	[tilespmem:$0x1480] =	vst v63  }
0x15: {  	_ =	swait.ge [sflag:s3], $0x28  }
0x16: {  	[sflag:s3] =	ssyncset.done $0x0  }
0x17: {  	[sflag:s3] =	ssyncadd.s32 $0xFFFFFFD8  }
0x18: {  	[tilespmem:s7], [sflag:$0x1] =	stream.indirect.gather [hbm4b:s5+s6], $0x80, s2, s6, $0xb8;
	[tilespmem:$0x1480] =	vst v63  }
0x19: {  	_ =	swait.ge [sflag:s8], $0x1400  }
.Ltmp1:
0x1a: {  	[sflag:s8] =	ssyncset.done $0x0;
	(pc) =	sbr.rel @p0 .LBB2_1-.Ltmp1, $4  }
0x1b: {  	[sflag:s8] =	ssyncadd.s32 $0xFFFFEC00  }
0x1c: {  	[hbm4b:s9+s2] =	stream.linear.scatter [tilespmem:s7], [sflag:$0x2], $0x1400, $0x38;
	[tilespmem:$0x1480] =	vst v63  }
0x1d: {  	_ =	swait.ge [sflag:s3], $0x1400  }
0x1e: {  	[sflag:s3] =	ssyncset.done $0x0  }
.LBB2_2:
0x1f: {  	[sflag:s3] =	ssyncadd.s32 $0xFFFFEC00  }
0x20: {  	_ =	sfence.sel $0x180000  }
0x21: {  	[bflag:$0x0] =	sbarrier.arrive $0xFFFF  }
0x22: {  	p0 =	sne.s32 s0, $0x0;
	_ =	strace $0x90000050  }
0x23: {  	s0 =	sadd.s32 @!p0 $0x100000, s1;
	[bflag:$0x2] =	sbarrier.arrive $0xFFFF  }
0x24: {  	[sflag:s0] =	ssyncadd.tile.s32 @!p0 $0x1;
	_ =	shalt  }
.Lfunc_end2:
_tile_overlayer_lowered:
.L_overlay_start_2:
0x25: {  	(tag) =	ssettag $0x2  }
0x26: {  	s0 =	rddreg [dreg:$0x0];
	s2 =	stileid.u32  }
0x27: {  	s1 =	rddreg [dreg:$0x1];
	p0 =	sne.s32 s2, $0x0  }
0x28: {  	s3 =	rddreg [dreg:$0x2];
	[bflag:$0x3] =	sbarrier.arrive $0xFFFF;
	s2 =	simm.s32 @!p0 $0x1C02  }
0x29: {  	[timem:s3], [sflag:s2] =	dma.local @!p0 [hbm:s0], s1  }
0x2a: {  	s0 =	simm.s32 @!p0 $0x2  }
0x2b: {  	_ =	swait.ge @!p0 [sflag:s0], s1  }
0x2c: {  	s1 =	ssub.s32 @!p0 $0x0, s1;
	[sflag:s0] =	ssyncset.done @!p0 $0x0  }
0x2d: {  	[sflag:s0] =	ssyncadd.s32 @!p0 s1  }
0x2e: {  	[bflag:$0x3] =	sbarrier.arrive $0xFFFF  }
0x2f: {  	_ =	shalt  }

</sc_bundles>
